<compile_context>
chip_gen: v7x
topology: tpu7x:2x2x1
jax: 0.10.2.dev20260603
libtpu: 0.0.44.dev20260713+nightly
codegen_flags: <defaults>
</compile_context>

<pallas_src>
import functools

import jax
import jax.numpy as jnp
from jax import lax
from jax.experimental import pallas as pl
from jax.experimental.pallas import tpu as pltpu
from jax.experimental.pallas import tpu_sc as plsc

B = 16384
B0 = 12288
B1 = B - B0
G = 50
D = 64
C_PAD = 128
T_COL = 100
T_ROWS = 1024
NW = 32
N_CHUNK = 4


def _sc_body(start, nrows, t_hbm, genres_hbm, counts_hbm,
             t_v, gen_v, counts_v, gsem, csem):
    rb = nrows // NW
    n_grp = rb // 16
    wid = lax.axis_index("s") * 2 + lax.axis_index("c")
    base = wid * rb
    gbase = start + base

    gen_cp = pltpu.async_copy(genres_hbm.at[:, pl.ds(gbase, rb)], gen_v, gsem)
    pltpu.sync_copy(t_hbm.at[pl.ds(gbase, rb)], t_v)

    iota16 = lax.broadcasted_iota(jnp.int32, (16,), 0)
    ones16 = jnp.ones((16,), jnp.float32)
    zeros16 = jnp.zeros((16,), jnp.float32)
    tcol16 = jnp.full((16,), T_COL, jnp.int32)

    def zrow(r4, carry):
        for rr in range(4):
            for c in range(C_PAD // 16):
                counts_v[r4 * 4 + rr, pl.ds(c * 16, 16)] = zeros16
        return carry

    lax.fori_loop(0, rb // 4, zrow, 0)
    gen_cp.wait()

    grp_per_chunk = n_grp // N_CHUNK
    rows_per_chunk = rb // N_CHUNK

    def grp(i, carry):
        rows16 = i * 16 + iota16
        for s in range(G):
            g16 = gen_v[s, pl.ds(i * 16, 16)]
            plsc.addupdate_scatter(counts_v, [rows16, g16], ones16)
        t16 = t_v[pl.ds(i * 16, 16)].astype(jnp.float32)
        plsc.store_scatter(counts_v, [rows16, tcol16], t16)
        return carry

    ccopies = []
    for ch in range(N_CHUNK):
        lax.fori_loop(ch * grp_per_chunk, (ch + 1) * grp_per_chunk, grp, 0)
        r0 = ch * rows_per_chunk
        ccopies.append(pltpu.async_copy(
            counts_v.at[pl.ds(r0, rows_per_chunk)],
            counts_hbm.at[pl.ds(base + r0, rows_per_chunk)], csem))

    for cp in ccopies:
        cp.wait()


def _tc_body(counts_ref, ttab_ref, stab_ref, out_ref):
    rt = counts_ref.shape[0]
    counts = counts_ref[...]
    tcol = counts[:, T_COL:T_COL + 1].astype(jnp.int32)
    oh_t = (tcol == lax.broadcasted_iota(jnp.int32, (rt, T_ROWS), 1)
            ).astype(jnp.bfloat16)
    tpart = jnp.dot(oh_t, ttab_ref[...], preferred_element_type=jnp.float32)
    styles = jnp.dot(counts.astype(jnp.bfloat16), stab_ref[...],
                     preferred_element_type=jnp.float32)
    out_ref[...] = jnp.concatenate([tpart, styles], axis=1)


def _tc_body2(counts_ref, ttab_ref, stab_ref, prev_ref, out_ref):
    _tc_body(counts_ref, ttab_ref, stab_ref, out_ref)


def _sc_params(nrows):
    rb = nrows // NW
    return dict(
        compiler_params=pltpu.CompilerParams(
            needs_layout_passes=False, use_tc_tiling_on_sc=True),
        out_type=jax.ShapeDtypeStruct((nrows, C_PAD), jnp.float32),
        scratch_types=[
            pltpu.VMEM((rb,), jnp.int32),
            pltpu.VMEM((G, rb), jnp.int32),
            pltpu.VMEM((rb, C_PAD), jnp.float32),
            pltpu.SemaphoreType.DMA,
            pltpu.SemaphoreType.DMA,
        ],
    )


RT = 2048


@jax.jit
def kernel(t, genres, t_table, style_table):
    t1 = t.astype(jnp.int32)
    genres_t = genres.astype(jnp.int32).T
    ttab = jnp.zeros((T_ROWS, D), jnp.bfloat16).at[: t_table.shape[0]].set(
        t_table.astype(jnp.bfloat16))
    stab = jnp.zeros((C_PAD, D), jnp.bfloat16).at[: style_table.shape[0]].set(
        style_table.astype(jnp.bfloat16))

    mesh = plsc.VectorSubcoreMesh(core_axis_name="c", subcore_axis_name="s")
    counts0 = pl.kernel(functools.partial(_sc_body, 0, B0), mesh=mesh,
                        **_sc_params(B0))(t1, genres_t)
    counts1 = pl.kernel(functools.partial(_sc_body, B0, B1), mesh=mesh,
                        **_sc_params(B1))(t1, genres_t)

    g0 = B0 // RT
    g1 = B1 // RT
    out0 = pl.pallas_call(
        _tc_body,
        grid=(g0,),
        in_specs=[
            pl.BlockSpec((RT, C_PAD), lambda i: (i, 0)),
            pl.BlockSpec((T_ROWS, D), lambda i: (0, 0)),
            pl.BlockSpec((C_PAD, D), lambda i: (0, 0)),
        ],
        out_specs=pl.BlockSpec((RT, 128), lambda i: (i, 0)),
        out_shape=jax.ShapeDtypeStruct((B, 128), jnp.float32),
    )(counts0, ttab, stab)
    out = pl.pallas_call(
        _tc_body2,
        grid=(g1,),
        in_specs=[
            pl.BlockSpec((RT, C_PAD), lambda i: (i, 0)),
            pl.BlockSpec((T_ROWS, D), lambda i: (0, 0)),
            pl.BlockSpec((C_PAD, D), lambda i: (0, 0)),
            pl.BlockSpec((8, 128), lambda i: (0, 0)),
        ],
        out_specs=pl.BlockSpec((RT, 128), lambda i, g=g0: (i + g, 0)),
        out_shape=jax.ShapeDtypeStruct((B, 128), jnp.float32),
        input_output_aliases={3: 0},
    )(counts1, ttab, stab, out0)
    return out[:, :, None]

# --- scband reference (transcript-rebuilt; emitter-appended) ---
"""Pipeline reference for scband-diffusion-conditioning-42296837931796 (READ-ONLY COPY).

The authoritative reference and input builder live on the scoring server;
editing this copy changes nothing except your own understanding.
"""

import jax, jax.numpy as jnp
import numpy as np

B = 16384        # batch of diffusion samples
G = 50           # genres per context (hist_len)
NOISE_STEPS = 1000
N_GENRES = 100
T_COND = 64
STYLE_COND = 64


def setup_inputs(seed: int = 0) -> dict:
    key = jax.random.key(seed)
    k1, k2, k3, k4 = jax.random.split(key, 4)
    # diffusion timestep per batch element, indexes t_encoding table of noise_steps+1 rows
    t = jax.random.randint(k1, (B,), 0, NOISE_STEPS + 1)
    # genre ids per context (context.genres stacked into a dense [B, G] tensor)
    genres = jax.random.randint(k2, (B, G), 0, N_GENRES)
    # learned parameters: t_encoding positional/embedding table and style nn.Embedding table
    t_table = jax.random.normal(k3, (NOISE_STEPS + 1, T_COND), dtype=jnp.float32)
    style_table = jax.random.normal(k4, (N_GENRES, STYLE_COND), dtype=jnp.float32)
    return {"t": t, "genres": genres, "t_table": t_table, "style_table": style_table}


def reference(t, genres, t_table, style_table):
    # cond = self.t_encoding.forward(length=1, offset=t).unsqueeze(-1)
    cond = jnp.take(t_table, t, axis=0)[:, :, None]            # [B, T_COND, 1]
    # styles = [style_enc(stack(context.genres)).sum(dim=0) for context in context_cond]
    # -> gather per-genre embeddings and sum over the genre axis, then move channel dim to dim=1
    styles = jnp.take(style_table, genres, axis=0).sum(axis=1)[:, :, None]  # [B, STYLE_COND, 1]
    # cond = torch.cat([cond, styles], dim=1)
    cond = jnp.concatenate([cond, styles], axis=1)             # [B, T_COND+STYLE_COND, 1]
    return cond

if __name__ == "__main__":
    import jax
    _d = setup_inputs()
    print(jax.jit(kernel)(*tuple(_d.values())))

</pallas_src>

<mosaic_0001>
#map = affine_map<(d0, d1) -> (0)>
#map1 = affine_map<(d0, d1) -> (0, 0)>
module attributes {stable_mosaic.version = 14 : i64} {
  func.func @_sc_body(%arg0: i32, %arg1: i32, %arg2: memref<16384xi32, #tpu.memory_space<hbm>>, %arg3: memref<50x16384xi32, #tpu.memory_space<hbm>>, %arg4: memref<12288x128xf32, #tpu.memory_space<hbm>>, %arg5: memref<384xi32, #tpu.memory_space<vmem>>, %arg6: memref<50x384xi32, #tpu.memory_space<vmem>>, %arg7: memref<384x128xf32, #tpu.memory_space<vmem>>, %arg8: memref<!tpu.dma_semaphore, #tpu.memory_space<semaphore_mem>>, %arg9: memref<!tpu.dma_semaphore, #tpu.memory_space<semaphore_mem>>) attributes {dimension_semantics = [#tpu.dimension_semantics<core_parallel>, #tpu.dimension_semantics<subcore_parallel>], iteration_bounds = array<i64: 2, 16>, scalar_prefetch = 0 : i64, scratch_operands = 5 : i64, tpu.core_type = #tpu.core_type<sc_vector_subcore>, window_params = [{transform_indices = #map}, {transform_indices = #map1}, {transform_indices = #map1}]} {
    %mul3A = arith.constant 2 : i32
    %mul3A_0 = arith.muli %arg1, %mul3A : i32
    %add3A = arith.addi %mul3A_0, %arg0 : i32
    %mul3A_1 = arith.constant 384 : i32
    %mul3A_2 = arith.muli %add3A, %mul3A_1 : i32
    %add3A_3 = arith.constant 0 : i32
    %add3A_4 = arith.addi %add3A_3, %mul3A_2 : i32
    %dma_start3A = arith.constant 0 : i32
    %dma_start3A_5 = tpu.memref_slice %arg3[%dma_start3A, %add3A_4] : memref<50x16384xi32, #tpu.memory_space<hbm>> -> memref<50x384xi32, #tpu.memory_space<hbm>>
    %dma_start3A_6 = arith.constant 0 : i32
    %dma_start3A_7 = tpu.memref_slice %arg3[%dma_start3A_6, %add3A_4] : memref<50x16384xi32, #tpu.memory_space<hbm>> -> memref<50x384xi32, #tpu.memory_space<hbm>>
    tpu.enqueue_dma source(%dma_start3A_7 : memref<50x384xi32, #tpu.memory_space<hbm>>) target(%arg6 : memref<50x384xi32, #tpu.memory_space<vmem>>) target_semaphore(%arg8 : memref<!tpu.dma_semaphore, #tpu.memory_space<semaphore_mem>>)
    "tpu.region"() ({
      %run_scoped3A = tpu.sem_alloc : memref<!tpu.dma_semaphore, #tpu.memory_space<semaphore_mem>>
      %dma_start3A_133 = tpu.memref_slice %arg2[%add3A_4] : memref<16384xi32, #tpu.memory_space<hbm>> -> memref<384xi32, #tpu.memory_space<hbm>>
      %dma_start3A_134 = tpu.memref_slice %arg2[%add3A_4] : memref<16384xi32, #tpu.memory_space<hbm>> -> memref<384xi32, #tpu.memory_space<hbm>>
      tpu.enqueue_dma source(%dma_start3A_134 : memref<384xi32, #tpu.memory_space<hbm>>) target(%arg5 : memref<384xi32, #tpu.memory_space<vmem>>) target_semaphore(%run_scoped3A : memref<!tpu.dma_semaphore, #tpu.memory_space<semaphore_mem>>)
      %dma_wait3A_135 = tpu.memref_slice %arg2[%add3A_4] : memref<16384xi32, #tpu.memory_space<hbm>> -> memref<384xi32, #tpu.memory_space<hbm>>
      %dma_wait3A_136 = tpu.memref_slice %arg2[%add3A_4] : memref<16384xi32, #tpu.memory_space<hbm>> -> memref<384xi32, #tpu.memory_space<hbm>>
      tpu.wait_dma2 semaphore(%run_scoped3A : memref<!tpu.dma_semaphore, #tpu.memory_space<semaphore_mem>>) src(%dma_wait3A_136 : memref<384xi32, #tpu.memory_space<hbm>>) dst(%arg5 : memref<384xi32, #tpu.memory_space<vmem>>)
      tpu.yield
    }) : () -> ()
    %iota3A = tpu.iota {dimensions = array<i32: 0>} : vector<16xi32>
    %broadcast_in_dim3A = arith.constant 1.000000e+00 : f32
    %broadcast_in_dim3A_8 = vector.broadcast %broadcast_in_dim3A : f32 to vector<16xf32>
    %broadcast_in_dim3A_9 = arith.constant 0.000000e+00 : f32
    %broadcast_in_dim3A_10 = vector.broadcast %broadcast_in_dim3A_9 : f32 to vector<16xf32>
    %broadcast_in_dim3A_11 = arith.constant 100 : i32
    %broadcast_in_dim3A_12 = vector.broadcast %broadcast_in_dim3A_11 : i32 to vector<16xi32>
    %scan3A = arith.constant 0 : i32
    %scan3A_13 = arith.constant 0 : i32
    %scan3A_14 = arith.constant 96 : i32
    %scan3A_15 = arith.addi %scan3A_13, %scan3A_14 : i32
    %scan3A_16 = arith.constant 1 : i32
    scf.for %scan3A_133 = %scan3A_13 to %scan3A_15 step %scan3A_16  : i32 {
      %mul3A_134 = arith.constant 4 : i32
      %mul3A_135 = arith.muli %scan3A_133, %mul3A_134 : i32
      %add3A_136 = arith.constant 0 : i32
      %add3A_137 = arith.addi %mul3A_135, %add3A_136 : i32
      %swap3A = arith.index_cast %add3A_137 : i32 to index
      %swap3A_138 = arith.constant 0 : index
      %swap3A_139 = tpu.vector_load %arg7[%swap3A, %swap3A_138] {strides = array<i32>} : memref<384x128xf32, #tpu.memory_space<vmem>>, vector<16xf32>,
      tpu.vector_store %arg7[%swap3A, %swap3A_138], %broadcast_in_dim3A_10 {strides = array<i32>} : memref<384x128xf32, #tpu.memory_space<vmem>>, vector<16xf32>,
      %mul3A_140 = arith.constant 4 : i32
      %mul3A_141 = arith.muli %scan3A_133, %mul3A_140 : i32
      %add3A_142 = arith.constant 0 : i32
      %add3A_143 = arith.addi %mul3A_141, %add3A_142 : i32
      %swap3A_144 = arith.index_cast %add3A_143 : i32 to index
      %swap3A_145 = arith.constant 16 : index
      %swap3A_146 = tpu.vector_load %arg7[%swap3A_144, %swap3A_145] {strides = array<i32>} : memref<384x128xf32, #tpu.memory_space<vmem>>, vector<16xf32>,
      tpu.vector_store %arg7[%swap3A_144, %swap3A_145], %broadcast_in_dim3A_10 {strides = array<i32>} : memref<384x128xf32, #tpu.memory_space<vmem>>, vector<16xf32>,
      %mul3A_147 = arith.constant 4 : i32
      %mul3A_148 = arith.muli %scan3A_133, %mul3A_147 : i32
      %add3A_149 = arith.constant 0 : i32
      %add3A_150 = arith.addi %mul3A_148, %add3A_149 : i32
      %swap3A_151 = arith.index_cast %add3A_150 : i32 to index
      %swap3A_152 = arith.constant 32 : index
      %swap3A_153 = tpu.vector_load %arg7[%swap3A_151, %swap3A_152] {strides = array<i32>} : memref<384x128xf32, #tpu.memory_space<vmem>>, vector<16xf32>,
      tpu.vector_store %arg7[%swap3A_151, %swap3A_152], %broadcast_in_dim3A_10 {strides = array<i32>} : memref<384x128xf32, #tpu.memory_space<vmem>>, vector<16xf32>,
      %mul3A_154 = arith.constant 4 : i32
      %mul3A_155 = arith.muli %scan3A_133, %mul3A_154 : i32
      %add3A_156 = arith.constant 0 : i32
      %add3A_157 = arith.addi %mul3A_155, %add3A_156 : i32
      %swap3A_158 = arith.index_cast %add3A_157 : i32 to index
      %swap3A_159 = arith.constant 48 : index
      %swap3A_160 = tpu.vector_load %arg7[%swap3A_158, %swap3A_159] {strides = array<i32>} : memref<384x128xf32, #tpu.memory_space<vmem>>, vector<16xf32>,
      tpu.vector_store %arg7[%swap3A_158, %swap3A_159], %broadcast_in_dim3A_10 {strides = array<i32>} : memref<384x128xf32, #tpu.memory_space<vmem>>, vector<16xf32>,
      %mul3A_161 = arith.constant 4 : i32
      %mul3A_162 = arith.muli %scan3A_133, %mul3A_161 : i32
      %add3A_163 = arith.constant 0 : i32
      %add3A_164 = arith.addi %mul3A_162, %add3A_163 : i32
      %swap3A_165 = arith.index_cast %add3A_164 : i32 to index
      %swap3A_166 = arith.constant 64 : index
      %swap3A_167 = tpu.vector_load %arg7[%swap3A_165, %swap3A_166] {strides = array<i32>} : memref<384x128xf32, #tpu.memory_space<vmem>>, vector<16xf32>,
      tpu.vector_store %arg7[%swap3A_165, %swap3A_166], %broadcast_in_dim3A_10 {strides = array<i32>} : memref<384x128xf32, #tpu.memory_space<vmem>>, vector<16xf32>,
      %mul3A_168 = arith.constant 4 : i32
      %mul3A_169 = arith.muli %scan3A_133, %mul3A_168 : i32
      %add3A_170 = arith.constant 0 : i32
      %add3A_171 = arith.addi %mul3A_169, %add3A_170 : i32
      %swap3A_172 = arith.index_cast %add3A_171 : i32 to index
      %swap3A_173 = arith.constant 80 : index
      %swap3A_174 = tpu.vector_load %arg7[%swap3A_172, %swap3A_173] {strides = array<i32>} : memref<384x128xf32, #tpu.memory_space<vmem>>, vector<16xf32>,
      tpu.vector_store %arg7[%swap3A_172, %swap3A_173], %broadcast_in_dim3A_10 {strides = array<i32>} : memref<384x128xf32, #tpu.memory_space<vmem>>, vector<16xf32>,
      %mul3A_175 = arith.constant 4 : i32
      %mul3A_176 = arith.muli %scan3A_133, %mul3A_175 : i32
      %add3A_177 = arith.constant 0 : i32
      %add3A_178 = arith.addi %mul3A_176, %add3A_177 : i32
      %swap3A_179 = arith.index_cast %add3A_178 : i32 to index
      %swap3A_180 = arith.constant 96 : index
      %swap3A_181 = tpu.vector_load %arg7[%swap3A_179, %swap3A_180] {strides = array<i32>} : memref<384x128xf32, #tpu.memory_space<vmem>>, vector<16xf32>,
      tpu.vector_store %arg7[%swap3A_179, %swap3A_180], %broadcast_in_dim3A_10 {strides = array<i32>} : memref<384x128xf32, #tpu.memory_space<vmem>>, vector<16xf32>,
      %mul3A_182 = arith.constant 4 : i32
      %mul3A_183 = arith.muli %scan3A_133, %mul3A_182 : i32
      %add3A_184 = arith.constant 0 : i32
      %add3A_185 = arith.addi %mul3A_183, %add3A_184 : i32
      %swap3A_186 = arith.index_cast %add3A_185 : i32 to index
      %swap3A_187 = arith.constant 112 : index
      %swap3A_188 = tpu.vector_load %arg7[%swap3A_186, %swap3A_187] {strides = array<i32>} : memref<384x128xf32, #tpu.memory_space<vmem>>, vector<16xf32>,
      tpu.vector_store %arg7[%swap3A_186, %swap3A_187], %broadcast_in_dim3A_10 {strides = array<i32>} : memref<384x128xf32, #tpu.memory_space<vmem>>, vector<16xf32>,
      %mul3A_189 = arith.constant 4 : i32
      %mul3A_190 = arith.muli %scan3A_133, %mul3A_189 : i32
      %add3A_191 = arith.constant 1 : i32
      %add3A_192 = arith.addi %mul3A_190, %add3A_191 : i32
      %swap3A_193 = arith.index_cast %add3A_192 : i32 to index
      %swap3A_194 = arith.constant 0 : index
      %swap3A_195 = tpu.vector_load %arg7[%swap3A_193, %swap3A_194] {strides = array<i32>} : memref<384x128xf32, #tpu.memory_space<vmem>>, vector<16xf32>,
      tpu.vector_store %arg7[%swap3A_193, %swap3A_194], %broadcast_in_dim3A_10 {strides = array<i32>} : memref<384x128xf32, #tpu.memory_space<vmem>>, vector<16xf32>,
      %mul3A_196 = arith.constant 4 : i32
      %mul3A_197 = arith.muli %scan3A_133, %mul3A_196 : i32
      %add3A_198 = arith.constant 1 : i32
      %add3A_199 = arith.addi %mul3A_197, %add3A_198 : i32
      %swap3A_200 = arith.index_cast %add3A_199 : i32 to index
      %swap3A_201 = arith.constant 16 : index
      %swap3A_202 = tpu.vector_load %arg7[%swap3A_200, %swap3A_201] {strides = array<i32>} : memref<384x128xf32, #tpu.memory_space<vmem>>, vector<16xf32>,
      tpu.vector_store %arg7[%swap3A_200, %swap3A_201], %broadcast_in_dim3A_10 {strides = array<i32>} : memref<384x128xf32, #tpu.memory_space<vmem>>, vector<16xf32>,
      %mul3A_203 = arith.constant 4 : i32
      %mul3A_204 = arith.muli %scan3A_133, %mul3A_203 : i32
      %add3A_205 = arith.constant 1 : i32
      %add3A_206 = arith.addi %mul3A_204, %add3A_205 : i32
      %swap3A_207 = arith.index_cast %add3A_206 : i32 to index
      %swap3A_208 = arith.constant 32 : index
      %swap3A_209 = tpu.vector_load %arg7[%swap3A_207, %swap3A_208] {strides = array<i32>} : memref<384x128xf32, #tpu.memory_space<vmem>>, vector<16xf32>,
      tpu.vector_store %arg7[%swap3A_207, %swap3A_208], %broadcast_in_dim3A_10 {strides = array<i32>} : memref<384x128xf32, #tpu.memory_space<vmem>>, vector<16xf32>,
      %mul3A_210 = arith.constant 4 : i32
      %mul3A_211 = arith.muli %scan3A_133, %mul3A_210 : i32
      %add3A_212 = arith.constant 1 : i32
      %add3A_213 = arith.addi %mul3A_211, %add3A_212 : i32
      %swap3A_214 = arith.index_cast %add3A_213 : i32 to index
      %swap3A_215 = arith.constant 48 : index
      %swap3A_216 = tpu.vector_load %arg7[%swap3A_214, %swap3A_215] {strides = array<i32>} : memref<384x128xf32, #tpu.memory_space<vmem>>, vector<16xf32>,
      tpu.vector_store %arg7[%swap3A_214, %swap3A_215], %broadcast_in_dim3A_10 {strides = array<i32>} : memref<384x128xf32, #tpu.memory_space<vmem>>, vector<16xf32>,
      %mul3A_217 = arith.constant 4 : i32
      %mul3A_218 = arith.muli %scan3A_133, %mul3A_217 : i32
      %add3A_219 = arith.constant 1 : i32
      %add3A_220 = arith.addi %mul3A_218, %add3A_219 : i32
      %swap3A_221 = arith.index_cast %add3A_220 : i32 to index
      %swap3A_222 = arith.constant 64 : index
      %swap3A_223 = tpu.vector_load %arg7[%swap3A_221, %swap3A_222] {strides = array<i32>} : memref<384x128xf32, #tpu.memory_space<vmem>>, vector<16xf32>,
      tpu.vector_store %arg7[%swap3A_221, %swap3A_222], %broadcast_in_dim3A_10 {strides = array<i32>} : memref<384x128xf32, #tpu.memory_space<vmem>>, vector<16xf32>,
      %mul3A_224 = arith.constant 4 : i32
      %mul3A_225 = arith.muli %scan3A_133, %mul3A_224 : i32
      %add3A_226 = arith.constant 1 : i32
      %add3A_227 = arith.addi %mul3A_225, %add3A_226 : i32
      %swap3A_228 = arith.index_cast %add3A_227 : i32 to index
      %swap3A_229 = arith.constant 80 : index
      %swap3A_230 = tpu.vector_load %arg7[%swap3A_228, %swap3A_229] {strides = array<i32>} : memref<384x128xf32, #tpu.memory_space<vmem>>, vector<16xf32>,
      tpu.vector_store %arg7[%swap3A_228, %swap3A_229], %broadcast_in_dim3A_10 {strides = array<i32>} : memref<384x128xf32, #tpu.memory_space<vmem>>, vector<16xf32>,
      %mul3A_231 = arith.constant 4 : i32
      %mul3A_232 = arith.muli %scan3A_133, %mul3A_231 : i32
      %add3A_233 = arith.constant 1 : i32
      %add3A_234 = arith.addi %mul3A_232, %add3A_233 : i32
      %swap3A_235 = arith.index_cast %add3A_234 : i32 to index
      %swap3A_236 = arith.constant 96 : index
      %swap3A_237 = tpu.vector_load %arg7[%swap3A_235, %swap3A_236] {strides = array<i32>} : memref<384x128xf32, #tpu.memory_space<vmem>>, vector<16xf32>,
      tpu.vector_store %arg7[%swap3A_235, %swap3A_236], %broadcast_in_dim3A_10 {strides = array<i32>} : memref<384x128xf32, #tpu.memory_space<vmem>>, vector<16xf32>,
      %mul3A_238 = arith.constant 4 : i32
      %mul3A_239 = arith.muli %scan3A_133, %mul3A_238 : i32
      %add3A_240 = arith.constant 1 : i32
      %add3A_241 = arith.addi %mul3A_239, %add3A_240 : i32
      %swap3A_242 = arith.index_cast %add3A_241 : i32 to index
      %swap3A_243 = arith.constant 112 : index
      %swap3A_244 = tpu.vector_load %arg7[%swap3A_242, %swap3A_243] {strides = array<i32>} : memref<384x128xf32, #tpu.memory_space<vmem>>, vector<16xf32>,
      tpu.vector_store %arg7[%swap3A_242, %swap3A_243], %broadcast_in_dim3A_10 {strides = array<i32>} : memref<384x128xf32, #tpu.memory_space<vmem>>, vector<16xf32>,
      %mul3A_245 = arith.constant 4 : i32
      %mul3A_246 = arith.muli %scan3A_133, %mul3A_245 : i32
      %add3A_247 = arith.constant 2 : i32
      %add3A_248 = arith.addi %mul3A_246, %add3A_247 : i32
      %swap3A_249 = arith.index_cast %add3A_248 : i32 to index
      %swap3A_250 = arith.constant 0 : index
      %swap3A_251 = tpu.vector_load %arg7[%swap3A_249, %swap3A_250] {strides = array<i32>} : memref<384x128xf32, #tpu.memory_space<vmem>>, vector<16xf32>,
      tpu.vector_store %arg7[%swap3A_249, %swap3A_250], %broadcast_in_dim3A_10 {strides = array<i32>} : memref<384x128xf32, #tpu.memory_space<vmem>>, vector<16xf32>,
      %mul3A_252 = arith.constant 4 : i32
      %mul3A_253 = arith.muli %scan3A_133, %mul3A_252 : i32
      %add3A_254 = arith.constant 2 : i32
      %add3A_255 = arith.addi %mul3A_253, %add3A_254 : i32
      %swap3A_256 = arith.index_cast %add3A_255 : i32 to index
      %swap3A_257 = arith.constant 16 : index
      %swap3A_258 = tpu.vector_load %arg7[%swap3A_256, %swap3A_257] {strides = array<i32>} : memref<384x128xf32, #tpu.memory_space<vmem>>, vector<16xf32>,
      tpu.vector_store %arg7[%swap3A_256, %swap3A_257], %broadcast_in_dim3A_10 {strides = array<i32>} : memref<384x128xf32, #tpu.memory_space<vmem>>, vector<16xf32>,
      %mul3A_259 = arith.constant 4 : i32
      %mul3A_260 = arith.muli %scan3A_133, %mul3A_259 : i32
      %add3A_261 = arith.constant 2 : i32
      %add3A_262 = arith.addi %mul3A_260, %add3A_261 : i32
      %swap3A_263 = arith.index_cast %add3A_262 : i32 to index
      %swap3A_264 = arith.constant 32 : index
      %swap3A_265 = tpu.vector_load %arg7[%swap3A_263, %swap3A_264] {strides = array<i32>} : memref<384x128xf32, #tpu.memory_space<vmem>>, vector<16xf32>,
      tpu.vector_store %arg7[%swap3A_263, %swap3A_264], %broadcast_in_dim3A_10 {strides = array<i32>} : memref<384x128xf32, #tpu.memory_space<vmem>>, vector<16xf32>,
      %mul3A_266 = arith.constant 4 : i32
      %mul3A_267 = arith.muli %scan3A_133, %mul3A_266 : i32
      %add3A_268 = arith.constant 2 : i32
      %add3A_269 = arith.addi %mul3A_267, %add3A_268 : i32
      %swap3A_270 = arith.index_cast %add3A_269 : i32 to index
      %swap3A_271 = arith.constant 48 : index
      %swap3A_272 = tpu.vector_load %arg7[%swap3A_270, %swap3A_271] {strides = array<i32>} : memref<384x128xf32, #tpu.memory_space<vmem>>, vector<16xf32>,
      tpu.vector_store %arg7[%swap3A_270, %swap3A_271], %broadcast_in_dim3A_10 {strides = array<i32>} : memref<384x128xf32, #tpu.memory_space<vmem>>, vector<16xf32>,
      %mul3A_273 = arith.constant 4 : i32
      %mul3A_274 = arith.muli %scan3A_133, %mul3A_273 : i32
      %add3A_275 = arith.constant 2 : i32
      %add3A_276 = arith.addi %mul3A_274, %add3A_275 : i32
      %swap3A_277 = arith.index_cast %add3A_276 : i32 to index
      %swap3A_278 = arith.constant 64 : index
      %swap3A_279 = tpu.vector_load %arg7[%swap3A_277, %swap3A_278] {strides = array<i32>} : memref<384x128xf32, #tpu.memory_space<vmem>>, vector<16xf32>,
      tpu.vector_store %arg7[%swap3A_277, %swap3A_278], %broadcast_in_dim3A_10 {strides = array<i32>} : memref<384x128xf32, #tpu.memory_space<vmem>>, vector<16xf32>,
      %mul3A_280 = arith.constant 4 : i32
      %mul3A_281 = arith.muli %scan3A_133, %mul3A_280 : i32
      %add3A_282 = arith.constant 2 : i32
      %add3A_283 = arith.addi %mul3A_281, %add3A_282 : i32
      %swap3A_284 = arith.index_cast %add3A_283 : i32 to index
      %swap3A_285 = arith.constant 80 : index
      %swap3A_286 = tpu.vector_load %arg7[%swap3A_284, %swap3A_285] {strides = array<i32>} : memref<384x128xf32, #tpu.memory_space<vmem>>, vector<16xf32>,
      tpu.vector_store %arg7[%swap3A_284, %swap3A_285], %broadcast_in_dim3A_10 {strides = array<i32>} : memref<384x128xf32, #tpu.memory_space<vmem>>, vector<16xf32>,
      %mul3A_287 = arith.constant 4 : i32
      %mul3A_288 = arith.muli %scan3A_133, %mul3A_287 : i32
      %add3A_289 = arith.constant 2 : i32
      %add3A_290 = arith.addi %mul3A_288, %add3A_289 : i32
      %swap3A_291 = arith.index_cast %add3A_290 : i32 to index
      %swap3A_292 = arith.constant 96 : index
      %swap3A_293 = tpu.vector_load %arg7[%swap3A_291, %swap3A_292] {strides = array<i32>} : memref<384x128xf32, #tpu.memory_space<vmem>>, vector<16xf32>,
      tpu.vector_store %arg7[%swap3A_291, %swap3A_292], %broadcast_in_dim3A_10 {strides = array<i32>} : memref<384x128xf32, #tpu.memory_space<vmem>>, vector<16xf32>,
      %mul3A_294 = arith.constant 4 : i32
      %mul3A_295 = arith.muli %scan3A_133, %mul3A_294 : i32
      %add3A_296 = arith.constant 2 : i32
      %add3A_297 = arith.addi %mul3A_295, %add3A_296 : i32
      %swap3A_298 = arith.index_cast %add3A_297 : i32 to index
      %swap3A_299 = arith.constant 112 : index
      %swap3A_300 = tpu.vector_load %arg7[%swap3A_298, %swap3A_299] {strides = array<i32>} : memref<384x128xf32, #tpu.memory_space<vmem>>, vector<16xf32>,
      tpu.vector_store %arg7[%swap3A_298, %swap3A_299], %broadcast_in_dim3A_10 {strides = array<i32>} : memref<384x128xf32, #tpu.memory_space<vmem>>, vector<16xf32>,
      %mul3A_301 = arith.constant 4 : i32
      %mul3A_302 = arith.muli %scan3A_133, %mul3A_301 : i32
      %add3A_303 = arith.constant 3 : i32
      %add3A_304 = arith.addi %mul3A_302, %add3A_303 : i32
      %swap3A_305 = arith.index_cast %add3A_304 : i32 to index
      %swap3A_306 = arith.constant 0 : index
      %swap3A_307 = tpu.vector_load %arg7[%swap3A_305, %swap3A_306] {strides = array<i32>} : memref<384x128xf32, #tpu.memory_space<vmem>>, vector<16xf32>,
      tpu.vector_store %arg7[%swap3A_305, %swap3A_306], %broadcast_in_dim3A_10 {strides = array<i32>} : memref<384x128xf32, #tpu.memory_space<vmem>>, vector<16xf32>,
      %mul3A_308 = arith.constant 4 : i32
      %mul3A_309 = arith.muli %scan3A_133, %mul3A_308 : i32
      %add3A_310 = arith.constant 3 : i32
      %add3A_311 = arith.addi %mul3A_309, %add3A_310 : i32
      %swap3A_312 = arith.index_cast %add3A_311 : i32 to index
      %swap3A_313 = arith.constant 16 : index
      %swap3A_314 = tpu.vector_load %arg7[%swap3A_312, %swap3A_313] {strides = array<i32>} : memref<384x128xf32, #tpu.memory_space<vmem>>, vector<16xf32>,
      tpu.vector_store %arg7[%swap3A_312, %swap3A_313], %broadcast_in_dim3A_10 {strides = array<i32>} : memref<384x128xf32, #tpu.memory_space<vmem>>, vector<16xf32>,
      %mul3A_315 = arith.constant 4 : i32
      %mul3A_316 = arith.muli %scan3A_133, %mul3A_315 : i32
      %add3A_317 = arith.constant 3 : i32
      %add3A_318 = arith.addi %mul3A_316, %add3A_317 : i32
      %swap3A_319 = arith.index_cast %add3A_318 : i32 to index
      %swap3A_320 = arith.constant 32 : index
      %swap3A_321 = tpu.vector_load %arg7[%swap3A_319, %swap3A_320] {strides = array<i32>} : memref<384x128xf32, #tpu.memory_space<vmem>>, vector<16xf32>,
      tpu.vector_store %arg7[%swap3A_319, %swap3A_320], %broadcast_in_dim3A_10 {strides = array<i32>} : memref<384x128xf32, #tpu.memory_space<vmem>>, vector<16xf32>,
      %mul3A_322 = arith.constant 4 : i32
      %mul3A_323 = arith.muli %scan3A_133, %mul3A_322 : i32
      %add3A_324 = arith.constant 3 : i32
      %add3A_325 = arith.addi %mul3A_323, %add3A_324 : i32
      %swap3A_326 = arith.index_cast %add3A_325 : i32 to index
      %swap3A_327 = arith.constant 48 : index
      %swap3A_328 = tpu.vector_load %arg7[%swap3A_326, %swap3A_327] {strides = array<i32>} : memref<384x128xf32, #tpu.memory_space<vmem>>, vector<16xf32>,
      tpu.vector_store %arg7[%swap3A_326, %swap3A_327], %broadcast_in_dim3A_10 {strides = array<i32>} : memref<384x128xf32, #tpu.memory_space<vmem>>, vector<16xf32>,
      %mul3A_329 = arith.constant 4 : i32
      %mul3A_330 = arith.muli %scan3A_133, %mul3A_329 : i32
      %add3A_331 = arith.constant 3 : i32
      %add3A_332 = arith.addi %mul3A_330, %add3A_331 : i32
      %swap3A_333 = arith.index_cast %add3A_332 : i32 to index
      %swap3A_334 = arith.constant 64 : index
      %swap3A_335 = tpu.vector_load %arg7[%swap3A_333, %swap3A_334] {strides = array<i32>} : memref<384x128xf32, #tpu.memory_space<vmem>>, vector<16xf32>,
      tpu.vector_store %arg7[%swap3A_333, %swap3A_334], %broadcast_in_dim3A_10 {strides = array<i32>} : memref<384x128xf32, #tpu.memory_space<vmem>>, vector<16xf32>,
      %mul3A_336 = arith.constant 4 : i32
      %mul3A_337 = arith.muli %scan3A_133, %mul3A_336 : i32
      %add3A_338 = arith.constant 3 : i32
      %add3A_339 = arith.addi %mul3A_337, %add3A_338 : i32
      %swap3A_340 = arith.index_cast %add3A_339 : i32 to index
      %swap3A_341 = arith.constant 80 : index
      %swap3A_342 = tpu.vector_load %arg7[%swap3A_340, %swap3A_341] {strides = array<i32>} : memref<384x128xf32, #tpu.memory_space<vmem>>, vector<16xf32>,
      tpu.vector_store %arg7[%swap3A_340, %swap3A_341], %broadcast_in_dim3A_10 {strides = array<i32>} : memref<384x128xf32, #tpu.memory_space<vmem>>, vector<16xf32>,
      %mul3A_343 = arith.constant 4 : i32
      %mul3A_344 = arith.muli %scan3A_133, %mul3A_343 : i32
      %add3A_345 = arith.constant 3 : i32
      %add3A_346 = arith.addi %mul3A_344, %add3A_345 : i32
      %swap3A_347 = arith.index_cast %add3A_346 : i32 to index
      %swap3A_348 = arith.constant 96 : index
      %swap3A_349 = tpu.vector_load %arg7[%swap3A_347, %swap3A_348] {strides = array<i32>} : memref<384x128xf32, #tpu.memory_space<vmem>>, vector<16xf32>,
      tpu.vector_store %arg7[%swap3A_347, %swap3A_348], %broadcast_in_dim3A_10 {strides = array<i32>} : memref<384x128xf32, #tpu.memory_space<vmem>>, vector<16xf32>,
      %mul3A_350 = arith.constant 4 : i32
      %mul3A_351 = arith.muli %scan3A_133, %mul3A_350 : i32
      %add3A_352 = arith.constant 3 : i32
      %add3A_353 = arith.addi %mul3A_351, %add3A_352 : i32
      %swap3A_354 = arith.index_cast %add3A_353 : i32 to index
      %swap3A_355 = arith.constant 112 : index
      %swap3A_356 = tpu.vector_load %arg7[%swap3A_354, %swap3A_355] {strides = array<i32>} : memref<384x128xf32, #tpu.memory_space<vmem>>, vector<16xf32>,
      tpu.vector_store %arg7[%swap3A_354, %swap3A_355], %broadcast_in_dim3A_10 {strides = array<i32>} : memref<384x128xf32, #tpu.memory_space<vmem>>, vector<16xf32>,
    }
    %scan3A_17 = arith.constant 96 : i32
    %dma_wait3A = arith.constant 0 : i32
    %dma_wait3A_18 = tpu.memref_slice %arg3[%dma_wait3A, %add3A_4] : memref<50x16384xi32, #tpu.memory_space<hbm>> -> memref<50x384xi32, #tpu.memory_space<hbm>>
    %dma_wait3A_19 = arith.constant 0 : i32
    %dma_wait3A_20 = tpu.memref_slice %arg3[%dma_wait3A_19, %add3A_4] : memref<50x16384xi32, #tpu.memory_space<hbm>> -> memref<50x384xi32, #tpu.memory_space<hbm>>
    tpu.wait_dma2 semaphore(%arg8 : memref<!tpu.dma_semaphore, #tpu.memory_space<semaphore_mem>>) src(%dma_wait3A_20 : memref<50x384xi32, #tpu.memory_space<hbm>>) dst(%arg6 : memref<50x384xi32, #tpu.memory_space<vmem>>)
    %scan3A_21 = arith.constant 0 : i32
    %scan3A_22 = arith.constant 0 : i32
    %scan3A_23 = arith.constant 6 : i32
    %scan3A_24 = arith.addi %scan3A_22, %scan3A_23 : i32
    %scan3A_25 = arith.constant 1 : i32
    scf.for %scan3A_133 = %scan3A_22 to %scan3A_24 step %scan3A_25  : i32 {
      %mul3A_134 = arith.constant 16 : i32
      %mul3A_135 = arith.muli %scan3A_133, %mul3A_134 : i32
      %add3A_136 = vector.broadcast %mul3A_135 : i32 to vector<16xi32>
      %add3A_137 = arith.addi %add3A_136, %iota3A : vector<16xi32>
      %mul3A_138 = arith.constant 16 : i32
      %mul3A_139 = arith.muli %scan3A_133, %mul3A_138 : i32
      %get3A = arith.constant 0 : i32
      %get3A_140 = arith.index_cast %get3A : i32 to index
      %get3A_141 = arith.index_cast %mul3A_139 : i32 to index
      %get3A_142 = tpu.vector_load %arg6[%get3A_140, %get3A_141] {strides = array<i32>} : memref<50x384xi32, #tpu.memory_space<vmem>>, vector<16xi32>,
      tpu.vector_store_idx %arg7[%add3A_137, %get3A_142], %broadcast_in_dim3A_8 {add = true} : memref<384x128xf32, #tpu.memory_space<vmem>>[vector<16xi32>, vector<16xi32>], vector<16xf32>,
      %mul3A_143 = arith.constant 16 : i32
      %mul3A_144 = arith.muli %scan3A_133, %mul3A_143 : i32
      %get3A_145 = arith.constant 1 : i32
      %get3A_146 = arith.index_cast %get3A_145 : i32 to index
      %get3A_147 = arith.index_cast %mul3A_144 : i32 to index
      %get3A_148 = tpu.vector_load %arg6[%get3A_146, %get3A_147] {strides = array<i32>} : memref<50x384xi32, #tpu.memory_space<vmem>>, vector<16xi32>,
      tpu.vector_store_idx %arg7[%add3A_137, %get3A_148], %broadcast_in_dim3A_8 {add = true} : memref<384x128xf32, #tpu.memory_space<vmem>>[vector<16xi32>, vector<16xi32>], vector<16xf32>,
      %mul3A_149 = arith.constant 16 : i32
      %mul3A_150 = arith.muli %scan3A_133, %mul3A_149 : i32
      %get3A_151 = arith.constant 2 : i32
      %get3A_152 = arith.index_cast %get3A_151 : i32 to index
      %get3A_153 = arith.index_cast %mul3A_150 : i32 to index
      %get3A_154 = tpu.vector_load %arg6[%get3A_152, %get3A_153] {strides = array<i32>} : memref<50x384xi32, #tpu.memory_space<vmem>>, vector<16xi32>,
      tpu.vector_store_idx %arg7[%add3A_137, %get3A_154], %broadcast_in_dim3A_8 {add = true} : memref<384x128xf32, #tpu.memory_space<vmem>>[vector<16xi32>, vector<16xi32>], vector<16xf32>,
      %mul3A_155 = arith.constant 16 : i32
      %mul3A_156 = arith.muli %scan3A_133, %mul3A_155 : i32
      %get3A_157 = arith.constant 3 : i32
      %get3A_158 = arith.index_cast %get3A_157 : i32 to index
      %get3A_159 = arith.index_cast %mul3A_156 : i32 to index
      %get3A_160 = tpu.vector_load %arg6[%get3A_158, %get3A_159] {strides = array<i32>} : memref<50x384xi32, #tpu.memory_space<vmem>>, vector<16xi32>,
      tpu.vector_store_idx %arg7[%add3A_137, %get3A_160], %broadcast_in_dim3A_8 {add = true} : memref<384x128xf32, #tpu.memory_space<vmem>>[vector<16xi32>, vector<16xi32>], vector<16xf32>,
      %mul3A_161 = arith.constant 16 : i32
      %mul3A_162 = arith.muli %scan3A_133, %mul3A_161 : i32
      %get3A_163 = arith.constant 4 : i32
      %get3A_164 = arith.index_cast %get3A_163 : i32 to index
      %get3A_165 = arith.index_cast %mul3A_162 : i32 to index
      %get3A_166 = tpu.vector_load %arg6[%get3A_164, %get3A_165] {strides = array<i32>} : memref<50x384xi32, #tpu.memory_space<vmem>>, vector<16xi32>,
      tpu.vector_store_idx %arg7[%add3A_137, %get3A_166], %broadcast_in_dim3A_8 {add = true} : memref<384x128xf32, #tpu.memory_space<vmem>>[vector<16xi32>, vector<16xi32>], vector<16xf32>,
      %mul3A_167 = arith.constant 16 : i32
      %mul3A_168 = arith.muli %scan3A_133, %mul3A_167 : i32
      %get3A_169 = arith.constant 5 : i32
      %get3A_170 = arith.index_cast %get3A_169 : i32 to index
      %get3A_171 = arith.index_cast %mul3A_168 : i32 to index
      %get3A_172 = tpu.vector_load %arg6[%get3A_170, %get3A_171] {strides = array<i32>} : memref<50x384xi32, #tpu.memory_space<vmem>>, vector<16xi32>,
      tpu.vector_store_idx %arg7[%add3A_137, %get3A_172], %broadcast_in_dim3A_8 {add = true} : memref<384x128xf32, #tpu.memory_space<vmem>>[vector<16xi32>, vector<16xi32>], vector<16xf32>,
      %mul3A_173 = arith.constant 16 : i32
      %mul3A_174 = arith.muli %scan3A_133, %mul3A_173 : i32
      %get3A_175 = arith.constant 6 : i32
      %get3A_176 = arith.index_cast %get3A_175 : i32 to index
      %get3A_177 = arith.index_cast %mul3A_174 : i32 to index
      %get3A_178 = tpu.vector_load %arg6[%get3A_176, %get3A_177] {strides = array<i32>} : memref<50x384xi32, #tpu.memory_space<vmem>>, vector<16xi32>,
      tpu.vector_store_idx %arg7[%add3A_137, %get3A_178], %broadcast_in_dim3A_8 {add = true} : memref<384x128xf32, #tpu.memory_space<vmem>>[vector<16xi32>, vector<16xi32>], vector<16xf32>,
      %mul3A_179 = arith.constant 16 : i32
      %mul3A_180 = arith.muli %scan3A_133, %mul3A_179 : i32
      %get3A_181 = arith.constant 7 : i32
      %get3A_182 = arith.index_cast %get3A_181 : i32 to index
      %get3A_183 = arith.index_cast %mul3A_180 : i32 to index
      %get3A_184 = tpu.vector_load %arg6[%get3A_182, %get3A_183] {strides = array<i32>} : memref<50x384xi32, #tpu.memory_space<vmem>>, vector<16xi32>,
      tpu.vector_store_idx %arg7[%add3A_137, %get3A_184], %broadcast_in_dim3A_8 {add = true} : memref<384x128xf32, #tpu.memory_space<vmem>>[vector<16xi32>, vector<16xi32>], vector<16xf32>,
      %mul3A_185 = arith.constant 16 : i32
      %mul3A_186 = arith.muli %scan3A_133, %mul3A_185 : i32
      %get3A_187 = arith.constant 8 : i32
      %get3A_188 = arith.index_cast %get3A_187 : i32 to index
      %get3A_189 = arith.index_cast %mul3A_186 : i32 to index
      %get3A_190 = tpu.vector_load %arg6[%get3A_188, %get3A_189] {strides = array<i32>} : memref<50x384xi32, #tpu.memory_space<vmem>>, vector<16xi32>,
      tpu.vector_store_idx %arg7[%add3A_137, %get3A_190], %broadcast_in_dim3A_8 {add = true} : memref<384x128xf32, #tpu.memory_space<vmem>>[vector<16xi32>, vector<16xi32>], vector<16xf32>,
      %mul3A_191 = arith.constant 16 : i32
      %mul3A_192 = arith.muli %scan3A_133, %mul3A_191 : i32
      %get3A_193 = arith.constant 9 : i32
      %get3A_194 = arith.index_cast %get3A_193 : i32 to index
      %get3A_195 = arith.index_cast %mul3A_192 : i32 to index
      %get3A_196 = tpu.vector_load %arg6[%get3A_194, %get3A_195] {strides = array<i32>} : memref<50x384xi32, #tpu.memory_space<vmem>>, vector<16xi32>,
      tpu.vector_store_idx %arg7[%add3A_137, %get3A_196], %broadcast_in_dim3A_8 {add = true} : memref<384x128xf32, #tpu.memory_space<vmem>>[vector<16xi32>, vector<16xi32>], vector<16xf32>,
      %mul3A_197 = arith.constant 16 : i32
      %mul3A_198 = arith.muli %scan3A_133, %mul3A_197 : i32
      %get3A_199 = arith.constant 10 : i32
      %get3A_200 = arith.index_cast %get3A_199 : i32 to index
      %get3A_201 = arith.index_cast %mul3A_198 : i32 to index
      %get3A_202 = tpu.vector_load %arg6[%get3A_200, %get3A_201] {strides = array<i32>} : memref<50x384xi32, #tpu.memory_space<vmem>>, vector<16xi32>,
      tpu.vector_store_idx %arg7[%add3A_137, %get3A_202], %broadcast_in_dim3A_8 {add = true} : memref<384x128xf32, #tpu.memory_space<vmem>>[vector<16xi32>, vector<16xi32>], vector<16xf32>,
      %mul3A_203 = arith.constant 16 : i32
      %mul3A_204 = arith.muli %scan3A_133, %mul3A_203 : i32
      %get3A_205 = arith.constant 11 : i32
      %get3A_206 = arith.index_cast %get3A_205 : i32 to index
      %get3A_207 = arith.index_cast %mul3A_204 : i32 to index
      %get3A_208 = tpu.vector_load %arg6[%get3A_206, %get3A_207] {strides = array<i32>} : memref<50x384xi32, #tpu.memory_space<vmem>>, vector<16xi32>,
      tpu.vector_store_idx %arg7[%add3A_137, %get3A_208], %broadcast_in_dim3A_8 {add = true} : memref<384x128xf32, #tpu.memory_space<vmem>>[vector<16xi32>, vector<16xi32>], vector<16xf32>,
      %mul3A_209 = arith.constant 16 : i32
      %mul3A_210 = arith.muli %scan3A_133, %mul3A_209 : i32
      %get3A_211 = arith.constant 12 : i32
      %get3A_212 = arith.index_cast %get3A_211 : i32 to index
      %get3A_213 = arith.index_cast %mul3A_210 : i32 to index
      %get3A_214 = tpu.vector_load %arg6[%get3A_212, %get3A_213] {strides = array<i32>} : memref<50x384xi32, #tpu.memory_space<vmem>>, vector<16xi32>,
      tpu.vector_store_idx %arg7[%add3A_137, %get3A_214], %broadcast_in_dim3A_8 {add = true} : memref<384x128xf32, #tpu.memory_space<vmem>>[vector<16xi32>, vector<16xi32>], vector<16xf32>,
      %mul3A_215 = arith.constant 16 : i32
      %mul3A_216 = arith.muli %scan3A_133, %mul3A_215 : i32
      %get3A_217 = arith.constant 13 : i32
      %get3A_218 = arith.index_cast %get3A_217 : i32 to index
      %get3A_219 = arith.index_cast %mul3A_216 : i32 to index
      %get3A_220 = tpu.vector_load %arg6[%get3A_218, %get3A_219] {strides = array<i32>} : memref<50x384xi32, #tpu.memory_space<vmem>>, vector<16xi32>,
      tpu.vector_store_idx %arg7[%add3A_137, %get3A_220], %broadcast_in_dim3A_8 {add = true} : memref<384x128xf32, #tpu.memory_space<vmem>>[vector<16xi32>, vector<16xi32>], vector<16xf32>,
      %mul3A_221 = arith.constant 16 : i32
      %mul3A_222 = arith.muli %scan3A_133, %mul3A_221 : i32
      %get3A_223 = arith.constant 14 : i32
      %get3A_224 = arith.index_cast %get3A_223 : i32 to index
      %get3A_225 = arith.index_cast %mul3A_222 : i32 to index
      %get3A_226 = tpu.vector_load %arg6[%get3A_224, %get3A_225] {strides = array<i32>} : memref<50x384xi32, #tpu.memory_space<vmem>>, vector<16xi32>,
      tpu.vector_store_idx %arg7[%add3A_137, %get3A_226], %broadcast_in_dim3A_8 {add = true} : memref<384x128xf32, #tpu.memory_space<vmem>>[vector<16xi32>, vector<16xi32>], vector<16xf32>,
      %mul3A_227 = arith.constant 16 : i32
      %mul3A_228 = arith.muli %scan3A_133, %mul3A_227 : i32
      %get3A_229 = arith.constant 15 : i32
      %get3A_230 = arith.index_cast %get3A_229 : i32 to index
      %get3A_231 = arith.index_cast %mul3A_228 : i32 to index
      %get3A_232 = tpu.vector_load %arg6[%get3A_230, %get3A_231] {strides = array<i32>} : memref<50x384xi32, #tpu.memory_space<vmem>>, vector<16xi32>,
      tpu.vector_store_idx %arg7[%add3A_137, %get3A_232], %broadcast_in_dim3A_8 {add = true} : memref<384x128xf32, #tpu.memory_space<vmem>>[vector<16xi32>, vector<16xi32>], vector<16xf32>,
      %mul3A_233 = arith.constant 16 : i32
      %mul3A_234 = arith.muli %scan3A_133, %mul3A_233 : i32
      %get3A_235 = arith.constant 16 : i32
      %get3A_236 = arith.index_cast %get3A_235 : i32 to index
      %get3A_237 = arith.index_cast %mul3A_234 : i32 to index
      %get3A_238 = tpu.vector_load %arg6[%get3A_236, %get3A_237] {strides = array<i32>} : memref<50x384xi32, #tpu.memory_space<vmem>>, vector<16xi32>,
      tpu.vector_store_idx %arg7[%add3A_137, %get3A_238], %broadcast_in_dim3A_8 {add = true} : memref<384x128xf32, #tpu.memory_space<vmem>>[vector<16xi32>, vector<16xi32>], vector<16xf32>,
      %mul3A_239 = arith.constant 16 : i32
      %mul3A_240 = arith.muli %scan3A_133, %mul3A_239 : i32
      %get3A_241 = arith.constant 17 : i32
      %get3A_242 = arith.index_cast %get3A_241 : i32 to index
      %get3A_243 = arith.index_cast %mul3A_240 : i32 to index
      %get3A_244 = tpu.vector_load %arg6[%get3A_242, %get3A_243] {strides = array<i32>} : memref<50x384xi32, #tpu.memory_space<vmem>>, vector<16xi32>,
      tpu.vector_store_idx %arg7[%add3A_137, %get3A_244], %broadcast_in_dim3A_8 {add = true} : memref<384x128xf32, #tpu.memory_space<vmem>>[vector<16xi32>, vector<16xi32>], vector<16xf32>,
      %mul3A_245 = arith.constant 16 : i32
      %mul3A_246 = arith.muli %scan3A_133, %mul3A_245 : i32
      %get3A_247 = arith.constant 18 : i32
      %get3A_248 = arith.index_cast %get3A_247 : i32 to index
      %get3A_249 = arith.index_cast %mul3A_246 : i32 to index
      %get3A_250 = tpu.vector_load %arg6[%get3A_248, %get3A_249] {strides = array<i32>} : memref<50x384xi32, #tpu.memory_space<vmem>>, vector<16xi32>,
      tpu.vector_store_idx %arg7[%add3A_137, %get3A_250], %broadcast_in_dim3A_8 {add = true} : memref<384x128xf32, #tpu.memory_space<vmem>>[vector<16xi32>, vector<16xi32>], vector<16xf32>,
      %mul3A_251 = arith.constant 16 : i32
      %mul3A_252 = arith.muli %scan3A_133, %mul3A_251 : i32
      %get3A_253 = arith.constant 19 : i32
      %get3A_254 = arith.index_cast %get3A_253 : i32 to index
      %get3A_255 = arith.index_cast %mul3A_252 : i32 to index
      %get3A_256 = tpu.vector_load %arg6[%get3A_254, %get3A_255] {strides = array<i32>} : memref<50x384xi32, #tpu.memory_space<vmem>>, vector<16xi32>,
      tpu.vector_store_idx %arg7[%add3A_137, %get3A_256], %broadcast_in_dim3A_8 {add = true} : memref<384x128xf32, #tpu.memory_space<vmem>>[vector<16xi32>, vector<16xi32>], vector<16xf32>,
      %mul3A_257 = arith.constant 16 : i32
      %mul3A_258 = arith.muli %scan3A_133, %mul3A_257 : i32
      %get3A_259 = arith.constant 20 : i32
      %get3A_260 = arith.index_cast %get3A_259 : i32 to index
      %get3A_261 = arith.index_cast %mul3A_258 : i32 to index
      %get3A_262 = tpu.vector_load %arg6[%get3A_260, %get3A_261] {strides = array<i32>} : memref<50x384xi32, #tpu.memory_space<vmem>>, vector<16xi32>,
      tpu.vector_store_idx %arg7[%add3A_137, %get3A_262], %broadcast_in_dim3A_8 {add = true} : memref<384x128xf32, #tpu.memory_space<vmem>>[vector<16xi32>, vector<16xi32>], vector<16xf32>,
      %mul3A_263 = arith.constant 16 : i32
      %mul3A_264 = arith.muli %scan3A_133, %mul3A_263 : i32
      %get3A_265 = arith.constant 21 : i32
      %get3A_266 = arith.index_cast %get3A_265 : i32 to index
      %get3A_267 = arith.index_cast %mul3A_264 : i32 to index
      %get3A_268 = tpu.vector_load %arg6[%get3A_266, %get3A_267] {strides = array<i32>} : memref<50x384xi32, #tpu.memory_space<vmem>>, vector<16xi32>,
      tpu.vector_store_idx %arg7[%add3A_137, %get3A_268], %broadcast_in_dim3A_8 {add = true} : memref<384x128xf32, #tpu.memory_space<vmem>>[vector<16xi32>, vector<16xi32>], vector<16xf32>,
      %mul3A_269 = arith.constant 16 : i32
      %mul3A_270 = arith.muli %scan3A_133, %mul3A_269 : i32
      %get3A_271 = arith.constant 22 : i32
      %get3A_272 = arith.index_cast %get3A_271 : i32 to index
      %get3A_273 = arith.index_cast %mul3A_270 : i32 to index
      %get3A_274 = tpu.vector_load %arg6[%get3A_272, %get3A_273] {strides = array<i32>} : memref<50x384xi32, #tpu.memory_space<vmem>>, vector<16xi32>,
      tpu.vector_store_idx %arg7[%add3A_137, %get3A_274], %broadcast_in_dim3A_8 {add = true} : memref<384x128xf32, #tpu.memory_space<vmem>>[vector<16xi32>, vector<16xi32>], vector<16xf32>,
      %mul3A_275 = arith.constant 16 : i32
      %mul3A_276 = arith.muli %scan3A_133, %mul3A_275 : i32
      %get3A_277 = arith.constant 23 : i32
      %get3A_278 = arith.index_cast %get3A_277 : i32 to index
      %get3A_279 = arith.index_cast %mul3A_276 : i32 to index
      %get3A_280 = tpu.vector_load %arg6[%get3A_278, %get3A_279] {strides = array<i32>} : memref<50x384xi32, #tpu.memory_space<vmem>>, vector<16xi32>,
      tpu.vector_store_idx %arg7[%add3A_137, %get3A_280], %broadcast_in_dim3A_8 {add = true} : memref<384x128xf32, #tpu.memory_space<vmem>>[vector<16xi32>, vector<16xi32>], vector<16xf32>,
      %mul3A_281 = arith.constant 16 : i32
      %mul3A_282 = arith.muli %scan3A_133, %mul3A_281 : i32
      %get3A_283 = arith.constant 24 : i32
      %get3A_284 = arith.index_cast %get3A_283 : i32 to index
      %get3A_285 = arith.index_cast %mul3A_282 : i32 to index
      %get3A_286 = tpu.vector_load %arg6[%get3A_284, %get3A_285] {strides = array<i32>} : memref<50x384xi32, #tpu.memory_space<vmem>>, vector<16xi32>,
      tpu.vector_store_idx %arg7[%add3A_137, %get3A_286], %broadcast_in_dim3A_8 {add = true} : memref<384x128xf32, #tpu.memory_space<vmem>>[vector<16xi32>, vector<16xi32>], vector<16xf32>,
      %mul3A_287 = arith.constant 16 : i32
      %mul3A_288 = arith.muli %scan3A_133, %mul3A_287 : i32
      %get3A_289 = arith.constant 25 : i32
      %get3A_290 = arith.index_cast %get3A_289 : i32 to index
      %get3A_291 = arith.index_cast %mul3A_288 : i32 to index
      %get3A_292 = tpu.vector_load %arg6[%get3A_290, %get3A_291] {strides = array<i32>} : memref<50x384xi32, #tpu.memory_space<vmem>>, vector<16xi32>,
      tpu.vector_store_idx %arg7[%add3A_137, %get3A_292], %broadcast_in_dim3A_8 {add = true} : memref<384x128xf32, #tpu.memory_space<vmem>>[vector<16xi32>, vector<16xi32>], vector<16xf32>,
      %mul3A_293 = arith.constant 16 : i32
      %mul3A_294 = arith.muli %scan3A_133, %mul3A_293 : i32
      %get3A_295 = arith.constant 26 : i32
      %get3A_296 = arith.index_cast %get3A_295 : i32 to index
      %get3A_297 = arith.index_cast %mul3A_294 : i32 to index
      %get3A_298 = tpu.vector_load %arg6[%get3A_296, %get3A_297] {strides = array<i32>} : memref<50x384xi32, #tpu.memory_space<vmem>>, vector<16xi32>,
      tpu.vector_store_idx %arg7[%add3A_137, %get3A_298], %broadcast_in_dim3A_8 {add = true} : memref<384x128xf32, #tpu.memory_space<vmem>>[vector<16xi32>, vector<16xi32>], vector<16xf32>,
      %mul3A_299 = arith.constant 16 : i32
      %mul3A_300 = arith.muli %scan3A_133, %mul3A_299 : i32
      %get3A_301 = arith.constant 27 : i32
      %get3A_302 = arith.index_cast %get3A_301 : i32 to index
      %get3A_303 = arith.index_cast %mul3A_300 : i32 to index
      %get3A_304 = tpu.vector_load %arg6[%get3A_302, %get3A_303] {strides = array<i32>} : memref<50x384xi32, #tpu.memory_space<vmem>>, vector<16xi32>,
      tpu.vector_store_idx %arg7[%add3A_137, %get3A_304], %broadcast_in_dim3A_8 {add = true} : memref<384x128xf32, #tpu.memory_space<vmem>>[vector<16xi32>, vector<16xi32>], vector<16xf32>,
      %mul3A_305 = arith.constant 16 : i32
      %mul3A_306 = arith.muli %scan3A_133, %mul3A_305 : i32
      %get3A_307 = arith.constant 28 : i32
      %get3A_308 = arith.index_cast %get3A_307 : i32 to index
      %get3A_309 = arith.index_cast %mul3A_306 : i32 to index
      %get3A_310 = tpu.vector_load %arg6[%get3A_308, %get3A_309] {strides = array<i32>} : memref<50x384xi32, #tpu.memory_space<vmem>>, vector<16xi32>,
      tpu.vector_store_idx %arg7[%add3A_137, %get3A_310], %broadcast_in_dim3A_8 {add = true} : memref<384x128xf32, #tpu.memory_space<vmem>>[vector<16xi32>, vector<16xi32>], vector<16xf32>,
      %mul3A_311 = arith.constant 16 : i32
      %mul3A_312 = arith.muli %scan3A_133, %mul3A_311 : i32
      %get3A_313 = arith.constant 29 : i32
      %get3A_314 = arith.index_cast %get3A_313 : i32 to index
      %get3A_315 = arith.index_cast %mul3A_312 : i32 to index
      %get3A_316 = tpu.vector_load %arg6[%get3A_314, %get3A_315] {strides = array<i32>} : memref<50x384xi32, #tpu.memory_space<vmem>>, vector<16xi32>,
      tpu.vector_store_idx %arg7[%add3A_137, %get3A_316], %broadcast_in_dim3A_8 {add = true} : memref<384x128xf32, #tpu.memory_space<vmem>>[vector<16xi32>, vector<16xi32>], vector<16xf32>,
      %mul3A_317 = arith.constant 16 : i32
      %mul3A_318 = arith.muli %scan3A_133, %mul3A_317 : i32
      %get3A_319 = arith.constant 30 : i32
      %get3A_320 = arith.index_cast %get3A_319 : i32 to index
      %get3A_321 = arith.index_cast %mul3A_318 : i32 to index
      %get3A_322 = tpu.vector_load %arg6[%get3A_320, %get3A_321] {strides = array<i32>} : memref<50x384xi32, #tpu.memory_space<vmem>>, vector<16xi32>,
      tpu.vector_store_idx %arg7[%add3A_137, %get3A_322], %broadcast_in_dim3A_8 {add = true} : memref<384x128xf32, #tpu.memory_space<vmem>>[vector<16xi32>, vector<16xi32>], vector<16xf32>,
      %mul3A_323 = arith.constant 16 : i32
      %mul3A_324 = arith.muli %scan3A_133, %mul3A_323 : i32
      %get3A_325 = arith.constant 31 : i32
      %get3A_326 = arith.index_cast %get3A_325 : i32 to index
      %get3A_327 = arith.index_cast %mul3A_324 : i32 to index
      %get3A_328 = tpu.vector_load %arg6[%get3A_326, %get3A_327] {strides = array<i32>} : memref<50x384xi32, #tpu.memory_space<vmem>>, vector<16xi32>,
      tpu.vector_store_idx %arg7[%add3A_137, %get3A_328], %broadcast_in_dim3A_8 {add = true} : memref<384x128xf32, #tpu.memory_space<vmem>>[vector<16xi32>, vector<16xi32>], vector<16xf32>,
      %mul3A_329 = arith.constant 16 : i32
      %mul3A_330 = arith.muli %scan3A_133, %mul3A_329 : i32
      %get3A_331 = arith.constant 32 : i32
      %get3A_332 = arith.index_cast %get3A_331 : i32 to index
      %get3A_333 = arith.index_cast %mul3A_330 : i32 to index
      %get3A_334 = tpu.vector_load %arg6[%get3A_332, %get3A_333] {strides = array<i32>} : memref<50x384xi32, #tpu.memory_space<vmem>>, vector<16xi32>,
      tpu.vector_store_idx %arg7[%add3A_137, %get3A_334], %broadcast_in_dim3A_8 {add = true} : memref<384x128xf32, #tpu.memory_space<vmem>>[vector<16xi32>, vector<16xi32>], vector<16xf32>,
      %mul3A_335 = arith.constant 16 : i32
      %mul3A_336 = arith.muli %scan3A_133, %mul3A_335 : i32
      %get3A_337 = arith.constant 33 : i32
      %get3A_338 = arith.index_cast %get3A_337 : i32 to index
      %get3A_339 = arith.index_cast %mul3A_336 : i32 to index
      %get3A_340 = tpu.vector_load %arg6[%get3A_338, %get3A_339] {strides = array<i32>} : memref<50x384xi32, #tpu.memory_space<vmem>>, vector<16xi32>,
      tpu.vector_store_idx %arg7[%add3A_137, %get3A_340], %broadcast_in_dim3A_8 {add = true} : memref<384x128xf32, #tpu.memory_space<vmem>>[vector<16xi32>, vector<16xi32>], vector<16xf32>,
      %mul3A_341 = arith.constant 16 : i32
      %mul3A_342 = arith.muli %scan3A_133, %mul3A_341 : i32
      %get3A_343 = arith.constant 34 : i32
      %get3A_344 = arith.index_cast %get3A_343 : i32 to index
      %get3A_345 = arith.index_cast %mul3A_342 : i32 to index
      %get3A_346 = tpu.vector_load %arg6[%get3A_344, %get3A_345] {strides = array<i32>} : memref<50x384xi32, #tpu.memory_space<vmem>>, vector<16xi32>,
      tpu.vector_store_idx %arg7[%add3A_137, %get3A_346], %broadcast_in_dim3A_8 {add = true} : memref<384x128xf32, #tpu.memory_space<vmem>>[vector<16xi32>, vector<16xi32>], vector<16xf32>,
      %mul3A_347 = arith.constant 16 : i32
      %mul3A_348 = arith.muli %scan3A_133, %mul3A_347 : i32
      %get3A_349 = arith.constant 35 : i32
      %get3A_350 = arith.index_cast %get3A_349 : i32 to index
      %get3A_351 = arith.index_cast %mul3A_348 : i32 to index
      %get3A_352 = tpu.vector_load %arg6[%get3A_350, %get3A_351] {strides = array<i32>} : memref<50x384xi32, #tpu.memory_space<vmem>>, vector<16xi32>,
      tpu.vector_store_idx %arg7[%add3A_137, %get3A_352], %broadcast_in_dim3A_8 {add = true} : memref<384x128xf32, #tpu.memory_space<vmem>>[vector<16xi32>, vector<16xi32>], vector<16xf32>,
      %mul3A_353 = arith.constant 16 : i32
      %mul3A_354 = arith.muli %scan3A_133, %mul3A_353 : i32
      %get3A_355 = arith.constant 36 : i32
      %get3A_356 = arith.index_cast %get3A_355 : i32 to index
      %get3A_357 = arith.index_cast %mul3A_354 : i32 to index
      %get3A_358 = tpu.vector_load %arg6[%get3A_356, %get3A_357] {strides = array<i32>} : memref<50x384xi32, #tpu.memory_space<vmem>>, vector<16xi32>,
      tpu.vector_store_idx %arg7[%add3A_137, %get3A_358], %broadcast_in_dim3A_8 {add = true} : memref<384x128xf32, #tpu.memory_space<vmem>>[vector<16xi32>, vector<16xi32>], vector<16xf32>,
      %mul3A_359 = arith.constant 16 : i32
      %mul3A_360 = arith.muli %scan3A_133, %mul3A_359 : i32
      %get3A_361 = arith.constant 37 : i32
      %get3A_362 = arith.index_cast %get3A_361 : i32 to index
      %get3A_363 = arith.index_cast %mul3A_360 : i32 to index
      %get3A_364 = tpu.vector_load %arg6[%get3A_362, %get3A_363] {strides = array<i32>} : memref<50x384xi32, #tpu.memory_space<vmem>>, vector<16xi32>,
      tpu.vector_store_idx %arg7[%add3A_137, %get3A_364], %broadcast_in_dim3A_8 {add = true} : memref<384x128xf32, #tpu.memory_space<vmem>>[vector<16xi32>, vector<16xi32>], vector<16xf32>,
      %mul3A_365 = arith.constant 16 : i32
      %mul3A_366 = arith.muli %scan3A_133, %mul3A_365 : i32
      %get3A_367 = arith.constant 38 : i32
      %get3A_368 = arith.index_cast %get3A_367 : i32 to index
      %get3A_369 = arith.index_cast %mul3A_366 : i32 to index
      %get3A_370 = tpu.vector_load %arg6[%get3A_368, %get3A_369] {strides = array<i32>} : memref<50x384xi32, #tpu.memory_space<vmem>>, vector<16xi32>,
      tpu.vector_store_idx %arg7[%add3A_137, %get3A_370], %broadcast_in_dim3A_8 {add = true} : memref<384x128xf32, #tpu.memory_space<vmem>>[vector<16xi32>, vector<16xi32>], vector<16xf32>,
      %mul3A_371 = arith.constant 16 : i32
      %mul3A_372 = arith.muli %scan3A_133, %mul3A_371 : i32
      %get3A_373 = arith.constant 39 : i32
      %get3A_374 = arith.index_cast %get3A_373 : i32 to index
      %get3A_375 = arith.index_cast %mul3A_372 : i32 to index
      %get3A_376 = tpu.vector_load %arg6[%get3A_374, %get3A_375] {strides = array<i32>} : memref<50x384xi32, #tpu.memory_space<vmem>>, vector<16xi32>,
      tpu.vector_store_idx %arg7[%add3A_137, %get3A_376], %broadcast_in_dim3A_8 {add = true} : memref<384x128xf32, #tpu.memory_space<vmem>>[vector<16xi32>, vector<16xi32>], vector<16xf32>,
      %mul3A_377 = arith.constant 16 : i32
      %mul3A_378 = arith.muli %scan3A_133, %mul3A_377 : i32
      %get3A_379 = arith.constant 40 : i32
      %get3A_380 = arith.index_cast %get3A_379 : i32 to index
      %get3A_381 = arith.index_cast %mul3A_378 : i32 to index
      %get3A_382 = tpu.vector_load %arg6[%get3A_380, %get3A_381] {strides = array<i32>} : memref<50x384xi32, #tpu.memory_space<vmem>>, vector<16xi32>,
      tpu.vector_store_idx %arg7[%add3A_137, %get3A_382], %broadcast_in_dim3A_8 {add = true} : memref<384x128xf32, #tpu.memory_space<vmem>>[vector<16xi32>, vector<16xi32>], vector<16xf32>,
      %mul3A_383 = arith.constant 16 : i32
      %mul3A_384 = arith.muli %scan3A_133, %mul3A_383 : i32
      %get3A_385 = arith.constant 41 : i32
      %get3A_386 = arith.index_cast %get3A_385 : i32 to index
      %get3A_387 = arith.index_cast %mul3A_384 : i32 to index
      %get3A_388 = tpu.vector_load %arg6[%get3A_386, %get3A_387] {strides = array<i32>} : memref<50x384xi32, #tpu.memory_space<vmem>>, vector<16xi32>,
      tpu.vector_store_idx %arg7[%add3A_137, %get3A_388], %broadcast_in_dim3A_8 {add = true} : memref<384x128xf32, #tpu.memory_space<vmem>>[vector<16xi32>, vector<16xi32>], vector<16xf32>,
      %mul3A_389 = arith.constant 16 : i32
      %mul3A_390 = arith.muli %scan3A_133, %mul3A_389 : i32
      %get3A_391 = arith.constant 42 : i32
      %get3A_392 = arith.index_cast %get3A_391 : i32 to index
      %get3A_393 = arith.index_cast %mul3A_390 : i32 to index
      %get3A_394 = tpu.vector_load %arg6[%get3A_392, %get3A_393] {strides = array<i32>} : memref<50x384xi32, #tpu.memory_space<vmem>>, vector<16xi32>,
      tpu.vector_store_idx %arg7[%add3A_137, %get3A_394], %broadcast_in_dim3A_8 {add = true} : memref<384x128xf32, #tpu.memory_space<vmem>>[vector<16xi32>, vector<16xi32>], vector<16xf32>,
      %mul3A_395 = arith.constant 16 : i32
      %mul3A_396 = arith.muli %scan3A_133, %mul3A_395 : i32
      %get3A_397 = arith.constant 43 : i32
      %get3A_398 = arith.index_cast %get3A_397 : i32 to index
      %get3A_399 = arith.index_cast %mul3A_396 : i32 to index
      %get3A_400 = tpu.vector_load %arg6[%get3A_398, %get3A_399] {strides = array<i32>} : memref<50x384xi32, #tpu.memory_space<vmem>>, vector<16xi32>,
      tpu.vector_store_idx %arg7[%add3A_137, %get3A_400], %broadcast_in_dim3A_8 {add = true} : memref<384x128xf32, #tpu.memory_space<vmem>>[vector<16xi32>, vector<16xi32>], vector<16xf32>,
      %mul3A_401 = arith.constant 16 : i32
      %mul3A_402 = arith.muli %scan3A_133, %mul3A_401 : i32
      %get3A_403 = arith.constant 44 : i32
      %get3A_404 = arith.index_cast %get3A_403 : i32 to index
      %get3A_405 = arith.index_cast %mul3A_402 : i32 to index
      %get3A_406 = tpu.vector_load %arg6[%get3A_404, %get3A_405] {strides = array<i32>} : memref<50x384xi32, #tpu.memory_space<vmem>>, vector<16xi32>,
      tpu.vector_store_idx %arg7[%add3A_137, %get3A_406], %broadcast_in_dim3A_8 {add = true} : memref<384x128xf32, #tpu.memory_space<vmem>>[vector<16xi32>, vector<16xi32>], vector<16xf32>,
      %mul3A_407 = arith.constant 16 : i32
      %mul3A_408 = arith.muli %scan3A_133, %mul3A_407 : i32
      %get3A_409 = arith.constant 45 : i32
      %get3A_410 = arith.index_cast %get3A_409 : i32 to index
      %get3A_411 = arith.index_cast %mul3A_408 : i32 to index
      %get3A_412 = tpu.vector_load %arg6[%get3A_410, %get3A_411] {strides = array<i32>} : memref<50x384xi32, #tpu.memory_space<vmem>>, vector<16xi32>,
      tpu.vector_store_idx %arg7[%add3A_137, %get3A_412], %broadcast_in_dim3A_8 {add = true} : memref<384x128xf32, #tpu.memory_space<vmem>>[vector<16xi32>, vector<16xi32>], vector<16xf32>,
      %mul3A_413 = arith.constant 16 : i32
      %mul3A_414 = arith.muli %scan3A_133, %mul3A_413 : i32
      %get3A_415 = arith.constant 46 : i32
      %get3A_416 = arith.index_cast %get3A_415 : i32 to index
      %get3A_417 = arith.index_cast %mul3A_414 : i32 to index
      %get3A_418 = tpu.vector_load %arg6[%get3A_416, %get3A_417] {strides = array<i32>} : memref<50x384xi32, #tpu.memory_space<vmem>>, vector<16xi32>,
      tpu.vector_store_idx %arg7[%add3A_137, %get3A_418], %broadcast_in_dim3A_8 {add = true} : memref<384x128xf32, #tpu.memory_space<vmem>>[vector<16xi32>, vector<16xi32>], vector<16xf32>,
      %mul3A_419 = arith.constant 16 : i32
      %mul3A_420 = arith.muli %scan3A_133, %mul3A_419 : i32
      %get3A_421 = arith.constant 47 : i32
      %get3A_422 = arith.index_cast %get3A_421 : i32 to index
      %get3A_423 = arith.index_cast %mul3A_420 : i32 to index
      %get3A_424 = tpu.vector_load %arg6[%get3A_422, %get3A_423] {strides = array<i32>} : memref<50x384xi32, #tpu.memory_space<vmem>>, vector<16xi32>,
      tpu.vector_store_idx %arg7[%add3A_137, %get3A_424], %broadcast_in_dim3A_8 {add = true} : memref<384x128xf32, #tpu.memory_space<vmem>>[vector<16xi32>, vector<16xi32>], vector<16xf32>,
      %mul3A_425 = arith.constant 16 : i32
      %mul3A_426 = arith.muli %scan3A_133, %mul3A_425 : i32
      %get3A_427 = arith.constant 48 : i32
      %get3A_428 = arith.index_cast %get3A_427 : i32 to index
      %get3A_429 = arith.index_cast %mul3A_426 : i32 to index
      %get3A_430 = tpu.vector_load %arg6[%get3A_428, %get3A_429] {strides = array<i32>} : memref<50x384xi32, #tpu.memory_space<vmem>>, vector<16xi32>,
      tpu.vector_store_idx %arg7[%add3A_137, %get3A_430], %broadcast_in_dim3A_8 {add = true} : memref<384x128xf32, #tpu.memory_space<vmem>>[vector<16xi32>, vector<16xi32>], vector<16xf32>,
      %mul3A_431 = arith.constant 16 : i32
      %mul3A_432 = arith.muli %scan3A_133, %mul3A_431 : i32
      %get3A_433 = arith.constant 49 : i32
      %get3A_434 = arith.index_cast %get3A_433 : i32 to index
      %get3A_435 = arith.index_cast %mul3A_432 : i32 to index
      %get3A_436 = tpu.vector_load %arg6[%get3A_434, %get3A_435] {strides = array<i32>} : memref<50x384xi32, #tpu.memory_space<vmem>>, vector<16xi32>,
      tpu.vector_store_idx %arg7[%add3A_137, %get3A_436], %broadcast_in_dim3A_8 {add = true} : memref<384x128xf32, #tpu.memory_space<vmem>>[vector<16xi32>, vector<16xi32>], vector<16xf32>,
      %mul3A_437 = arith.constant 16 : i32
      %mul3A_438 = arith.muli %scan3A_133, %mul3A_437 : i32
      %get3A_439 = arith.index_cast %mul3A_438 : i32 to index
      %get3A_440 = tpu.vector_load %arg5[%get3A_439] {strides = array<i32>} : memref<384xi32, #tpu.memory_space<vmem>>, vector<16xi32>,
      %convert_element_type3A = arith.sitofp %get3A_440 : vector<16xi32> to vector<16xf32>
      tpu.vector_store_idx %arg7[%add3A_137, %broadcast_in_dim3A_12], %convert_element_type3A : memref<384x128xf32, #tpu.memory_space<vmem>>[vector<16xi32>, vector<16xi32>], vector<16xf32>,
    }
    %scan3A_26 = arith.constant 6 : i32
    %add3A_27 = arith.constant 0 : i32
    %add3A_28 = arith.addi %mul3A_2, %add3A_27 : i32
    %dma_start3A_29 = arith.constant 0 : i32
    %dma_start3A_30 = arith.constant 0 : i32
    %dma_start3A_31 = tpu.memref_slice %arg7[%dma_start3A_29, %dma_start3A_30] : memref<384x128xf32, #tpu.memory_space<vmem>> -> memref<96x128xf32, #tpu.memory_space<vmem>>
    %dma_start3A_32 = arith.constant 0 : i32
    %dma_start3A_33 = tpu.memref_slice %arg4[%add3A_28, %dma_start3A_32] : memref<12288x128xf32, #tpu.memory_space<hbm>> -> memref<96x128xf32, #tpu.memory_space<hbm>>
    %dma_start3A_34 = arith.constant 0 : i32
    %dma_start3A_35 = tpu.memref_slice %arg4[%add3A_28, %dma_start3A_34] : memref<12288x128xf32, #tpu.memory_space<hbm>> -> memref<96x128xf32, #tpu.memory_space<hbm>>
    %dma_start3A_36 = arith.constant 0 : i32
    %dma_start3A_37 = arith.constant 0 : i32
    %dma_start3A_38 = tpu.memref_slice %arg7[%dma_start3A_36, %dma_start3A_37] : memref<384x128xf32, #tpu.memory_space<vmem>> -> memref<96x128xf32, #tpu.memory_space<vmem>>
    tpu.enqueue_dma source(%dma_start3A_38 : memref<96x128xf32, #tpu.memory_space<vmem>>) target(%dma_start3A_35 : memref<96x128xf32, #tpu.memory_space<hbm>>) target_semaphore(%arg9 : memref<!tpu.dma_semaphore, #tpu.memory_space<semaphore_mem>>)
    %scan3A_39 = arith.constant 0 : i32
    %scan3A_40 = arith.constant 6 : i32
    %scan3A_41 = arith.constant 6 : i32
    %scan3A_42 = arith.addi %scan3A_40, %scan3A_41 : i32
    %scan3A_43 = arith.constant 1 : i32
    scf.for %scan3A_133 = %scan3A_40 to %scan3A_42 step %scan3A_43  : i32 {
      %mul3A_134 = arith.constant 16 : i32
      %mul3A_135 = arith.muli %scan3A_133, %mul3A_134 : i32
      %add3A_136 = vector.broadcast %mul3A_135 : i32 to vector<16xi32>
      %add3A_137 = arith.addi %add3A_136, %iota3A : vector<16xi32>
      %mul3A_138 = arith.constant 16 : i32
      %mul3A_139 = arith.muli %scan3A_133, %mul3A_138 : i32
      %get3A = arith.constant 0 : i32
      %get3A_140 = arith.index_cast %get3A : i32 to index
      %get3A_141 = arith.index_cast %mul3A_139 : i32 to index
      %get3A_142 = tpu.vector_load %arg6[%get3A_140, %get3A_141] {strides = array<i32>} : memref<50x384xi32, #tpu.memory_space<vmem>>, vector<16xi32>,
      tpu.vector_store_idx %arg7[%add3A_137, %get3A_142], %broadcast_in_dim3A_8 {add = true} : memref<384x128xf32, #tpu.memory_space<vmem>>[vector<16xi32>, vector<16xi32>], vector<16xf32>,
      %mul3A_143 = arith.constant 16 : i32
      %mul3A_144 = arith.muli %scan3A_133, %mul3A_143 : i32
      %get3A_145 = arith.constant 1 : i32
      %get3A_146 = arith.index_cast %get3A_145 : i32 to index
      %get3A_147 = arith.index_cast %mul3A_144 : i32 to index
      %get3A_148 = tpu.vector_load %arg6[%get3A_146, %get3A_147] {strides = array<i32>} : memref<50x384xi32, #tpu.memory_space<vmem>>, vector<16xi32>,
      tpu.vector_store_idx %arg7[%add3A_137, %get3A_148], %broadcast_in_dim3A_8 {add = true} : memref<384x128xf32, #tpu.memory_space<vmem>>[vector<16xi32>, vector<16xi32>], vector<16xf32>,
      %mul3A_149 = arith.constant 16 : i32
      %mul3A_150 = arith.muli %scan3A_133, %mul3A_149 : i32
      %get3A_151 = arith.constant 2 : i32
      %get3A_152 = arith.index_cast %get3A_151 : i32 to index
      %get3A_153 = arith.index_cast %mul3A_150 : i32 to index
      %get3A_154 = tpu.vector_load %arg6[%get3A_152, %get3A_153] {strides = array<i32>} : memref<50x384xi32, #tpu.memory_space<vmem>>, vector<16xi32>,
      tpu.vector_store_idx %arg7[%add3A_137, %get3A_154], %broadcast_in_dim3A_8 {add = true} : memref<384x128xf32, #tpu.memory_space<vmem>>[vector<16xi32>, vector<16xi32>], vector<16xf32>,
      %mul3A_155 = arith.constant 16 : i32
      %mul3A_156 = arith.muli %scan3A_133, %mul3A_155 : i32
      %get3A_157 = arith.constant 3 : i32
      %get3A_158 = arith.index_cast %get3A_157 : i32 to index
      %get3A_159 = arith.index_cast %mul3A_156 : i32 to index
      %get3A_160 = tpu.vector_load %arg6[%get3A_158, %get3A_159] {strides = array<i32>} : memref<50x384xi32, #tpu.memory_space<vmem>>, vector<16xi32>,
      tpu.vector_store_idx %arg7[%add3A_137, %get3A_160], %broadcast_in_dim3A_8 {add = true} : memref<384x128xf32, #tpu.memory_space<vmem>>[vector<16xi32>, vector<16xi32>], vector<16xf32>,
      %mul3A_161 = arith.constant 16 : i32
      %mul3A_162 = arith.muli %scan3A_133, %mul3A_161 : i32
      %get3A_163 = arith.constant 4 : i32
      %get3A_164 = arith.index_cast %get3A_163 : i32 to index
      %get3A_165 = arith.index_cast %mul3A_162 : i32 to index
      %get3A_166 = tpu.vector_load %arg6[%get3A_164, %get3A_165] {strides = array<i32>} : memref<50x384xi32, #tpu.memory_space<vmem>>, vector<16xi32>,
      tpu.vector_store_idx %arg7[%add3A_137, %get3A_166], %broadcast_in_dim3A_8 {add = true} : memref<384x128xf32, #tpu.memory_space<vmem>>[vector<16xi32>, vector<16xi32>], vector<16xf32>,
      %mul3A_167 = arith.constant 16 : i32
      %mul3A_168 = arith.muli %scan3A_133, %mul3A_167 : i32
      %get3A_169 = arith.constant 5 : i32
      %get3A_170 = arith.index_cast %get3A_169 : i32 to index
      %get3A_171 = arith.index_cast %mul3A_168 : i32 to index
      %get3A_172 = tpu.vector_load %arg6[%get3A_170, %get3A_171] {strides = array<i32>} : memref<50x384xi32, #tpu.memory_space<vmem>>, vector<16xi32>,
      tpu.vector_store_idx %arg7[%add3A_137, %get3A_172], %broadcast_in_dim3A_8 {add = true} : memref<384x128xf32, #tpu.memory_space<vmem>>[vector<16xi32>, vector<16xi32>], vector<16xf32>,
      %mul3A_173 = arith.constant 16 : i32
      %mul3A_174 = arith.muli %scan3A_133, %mul3A_173 : i32
      %get3A_175 = arith.constant 6 : i32
      %get3A_176 = arith.index_cast %get3A_175 : i32 to index
      %get3A_177 = arith.index_cast %mul3A_174 : i32 to index
      %get3A_178 = tpu.vector_load %arg6[%get3A_176, %get3A_177] {strides = array<i32>} : memref<50x384xi32, #tpu.memory_space<vmem>>, vector<16xi32>,
      tpu.vector_store_idx %arg7[%add3A_137, %get3A_178], %broadcast_in_dim3A_8 {add = true} : memref<384x128xf32, #tpu.memory_space<vmem>>[vector<16xi32>, vector<16xi32>], vector<16xf32>,
      %mul3A_179 = arith.constant 16 : i32
      %mul3A_180 = arith.muli %scan3A_133, %mul3A_179 : i32
      %get3A_181 = arith.constant 7 : i32
      %get3A_182 = arith.index_cast %get3A_181 : i32 to index
      %get3A_183 = arith.index_cast %mul3A_180 : i32 to index
      %get3A_184 = tpu.vector_load %arg6[%get3A_182, %get3A_183] {strides = array<i32>} : memref<50x384xi32, #tpu.memory_space<vmem>>, vector<16xi32>,
      tpu.vector_store_idx %arg7[%add3A_137, %get3A_184], %broadcast_in_dim3A_8 {add = true} : memref<384x128xf32, #tpu.memory_space<vmem>>[vector<16xi32>, vector<16xi32>], vector<16xf32>,
      %mul3A_185 = arith.constant 16 : i32
      %mul3A_186 = arith.muli %scan3A_133, %mul3A_185 : i32
      %get3A_187 = arith.constant 8 : i32
      %get3A_188 = arith.index_cast %get3A_187 : i32 to index
      %get3A_189 = arith.index_cast %mul3A_186 : i32 to index
      %get3A_190 = tpu.vector_load %arg6[%get3A_188, %get3A_189] {strides = array<i32>} : memref<50x384xi32, #tpu.memory_space<vmem>>, vector<16xi32>,
      tpu.vector_store_idx %arg7[%add3A_137, %get3A_190], %broadcast_in_dim3A_8 {add = true} : memref<384x128xf32, #tpu.memory_space<vmem>>[vector<16xi32>, vector<16xi32>], vector<16xf32>,
      %mul3A_191 = arith.constant 16 : i32
      %mul3A_192 = arith.muli %scan3A_133, %mul3A_191 : i32
      %get3A_193 = arith.constant 9 : i32
      %get3A_194 = arith.index_cast %get3A_193 : i32 to index
      %get3A_195 = arith.index_cast %mul3A_192 : i32 to index
      %get3A_196 = tpu.vector_load %arg6[%get3A_194, %get3A_195] {strides = array<i32>} : memref<50x384xi32, #tpu.memory_space<vmem>>, vector<16xi32>,
      tpu.vector_store_idx %arg7[%add3A_137, %get3A_196], %broadcast_in_dim3A_8 {add = true} : memref<384x128xf32, #tpu.memory_space<vmem>>[vector<16xi32>, vector<16xi32>], vector<16xf32>,
      %mul3A_197 = arith.constant 16 : i32
      %mul3A_198 = arith.muli %scan3A_133, %mul3A_197 : i32
      %get3A_199 = arith.constant 10 : i32
      %get3A_200 = arith.index_cast %get3A_199 : i32 to index
      %get3A_201 = arith.index_cast %mul3A_198 : i32 to index
      %get3A_202 = tpu.vector_load %arg6[%get3A_200, %get3A_201] {strides = array<i32>} : memref<50x384xi32, #tpu.memory_space<vmem>>, vector<16xi32>,
      tpu.vector_store_idx %arg7[%add3A_137, %get3A_202], %broadcast_in_dim3A_8 {add = true} : memref<384x128xf32, #tpu.memory_space<vmem>>[vector<16xi32>, vector<16xi32>], vector<16xf32>,
      %mul3A_203 = arith.constant 16 : i32
      %mul3A_204 = arith.muli %scan3A_133, %mul3A_203 : i32
      %get3A_205 = arith.constant 11 : i32
      %get3A_206 = arith.index_cast %get3A_205 : i32 to index
      %get3A_207 = arith.index_cast %mul3A_204 : i32 to index
      %get3A_208 = tpu.vector_load %arg6[%get3A_206, %get3A_207] {strides = array<i32>} : memref<50x384xi32, #tpu.memory_space<vmem>>, vector<16xi32>,
      tpu.vector_store_idx %arg7[%add3A_137, %get3A_208], %broadcast_in_dim3A_8 {add = true} : memref<384x128xf32, #tpu.memory_space<vmem>>[vector<16xi32>, vector<16xi32>], vector<16xf32>,
      %mul3A_209 = arith.constant 16 : i32
      %mul3A_210 = arith.muli %scan3A_133, %mul3A_209 : i32
      %get3A_211 = arith.constant 12 : i32
      %get3A_212 = arith.index_cast %get3A_211 : i32 to index
      %get3A_213 = arith.index_cast %mul3A_210 : i32 to index
      %get3A_214 = tpu.vector_load %arg6[%get3A_212, %get3A_213] {strides = array<i32>} : memref<50x384xi32, #tpu.memory_space<vmem>>, vector<16xi32>,
      tpu.vector_store_idx %arg7[%add3A_137, %get3A_214], %broadcast_in_dim3A_8 {add = true} : memref<384x128xf32, #tpu.memory_space<vmem>>[vector<16xi32>, vector<16xi32>], vector<16xf32>,
      %mul3A_215 = arith.constant 16 : i32
      %mul3A_216 = arith.muli %scan3A_133, %mul3A_215 : i32
      %get3A_217 = arith.constant 13 : i32
      %get3A_218 = arith.index_cast %get3A_217 : i32 to index
      %get3A_219 = arith.index_cast %mul3A_216 : i32 to index
      %get3A_220 = tpu.vector_load %arg6[%get3A_218, %get3A_219] {strides = array<i32>} : memref<50x384xi32, #tpu.memory_space<vmem>>, vector<16xi32>,
      tpu.vector_store_idx %arg7[%add3A_137, %get3A_220], %broadcast_in_dim3A_8 {add = true} : memref<384x128xf32, #tpu.memory_space<vmem>>[vector<16xi32>, vector<16xi32>], vector<16xf32>,
      %mul3A_221 = arith.constant 16 : i32
      %mul3A_222 = arith.muli %scan3A_133, %mul3A_221 : i32
      %get3A_223 = arith.constant 14 : i32
      %get3A_224 = arith.index_cast %get3A_223 : i32 to index
      %get3A_225 = arith.index_cast %mul3A_222 : i32 to index
      %get3A_226 = tpu.vector_load %arg6[%get3A_224, %get3A_225] {strides = array<i32>} : memref<50x384xi32, #tpu.memory_space<vmem>>, vector<16xi32>,
      tpu.vector_store_idx %arg7[%add3A_137, %get3A_226], %broadcast_in_dim3A_8 {add = true} : memref<384x128xf32, #tpu.memory_space<vmem>>[vector<16xi32>, vector<16xi32>], vector<16xf32>,
      %mul3A_227 = arith.constant 16 : i32
      %mul3A_228 = arith.muli %scan3A_133, %mul3A_227 : i32
      %get3A_229 = arith.constant 15 : i32
      %get3A_230 = arith.index_cast %get3A_229 : i32 to index
      %get3A_231 = arith.index_cast %mul3A_228 : i32 to index
      %get3A_232 = tpu.vector_load %arg6[%get3A_230, %get3A_231] {strides = array<i32>} : memref<50x384xi32, #tpu.memory_space<vmem>>, vector<16xi32>,
      tpu.vector_store_idx %arg7[%add3A_137, %get3A_232], %broadcast_in_dim3A_8 {add = true} : memref<384x128xf32, #tpu.memory_space<vmem>>[vector<16xi32>, vector<16xi32>], vector<16xf32>,
      %mul3A_233 = arith.constant 16 : i32
      %mul3A_234 = arith.muli %scan3A_133, %mul3A_233 : i32
      %get3A_235 = arith.constant 16 : i32
      %get3A_236 = arith.index_cast %get3A_235 : i32 to index
      %get3A_237 = arith.index_cast %mul3A_234 : i32 to index
      %get3A_238 = tpu.vector_load %arg6[%get3A_236, %get3A_237] {strides = array<i32>} : memref<50x384xi32, #tpu.memory_space<vmem>>, vector<16xi32>,
      tpu.vector_store_idx %arg7[%add3A_137, %get3A_238], %broadcast_in_dim3A_8 {add = true} : memref<384x128xf32, #tpu.memory_space<vmem>>[vector<16xi32>, vector<16xi32>], vector<16xf32>,
      %mul3A_239 = arith.constant 16 : i32
      %mul3A_240 = arith.muli %scan3A_133, %mul3A_239 : i32
      %get3A_241 = arith.constant 17 : i32
      %get3A_242 = arith.index_cast %get3A_241 : i32 to index
      %get3A_243 = arith.index_cast %mul3A_240 : i32 to index
      %get3A_244 = tpu.vector_load %arg6[%get3A_242, %get3A_243] {strides = array<i32>} : memref<50x384xi32, #tpu.memory_space<vmem>>, vector<16xi32>,
      tpu.vector_store_idx %arg7[%add3A_137, %get3A_244], %broadcast_in_dim3A_8 {add = true} : memref<384x128xf32, #tpu.memory_space<vmem>>[vector<16xi32>, vector<16xi32>], vector<16xf32>,
      %mul3A_245 = arith.constant 16 : i32
      %mul3A_246 = arith.muli %scan3A_133, %mul3A_245 : i32
      %get3A_247 = arith.constant 18 : i32
      %get3A_248 = arith.index_cast %get3A_247 : i32 to index
      %get3A_249 = arith.index_cast %mul3A_246 : i32 to index
      %get3A_250 = tpu.vector_load %arg6[%get3A_248, %get3A_249] {strides = array<i32>} : memref<50x384xi32, #tpu.memory_space<vmem>>, vector<16xi32>,
      tpu.vector_store_idx %arg7[%add3A_137, %get3A_250], %broadcast_in_dim3A_8 {add = true} : memref<384x128xf32, #tpu.memory_space<vmem>>[vector<16xi32>, vector<16xi32>], vector<16xf32>,
      %mul3A_251 = arith.constant 16 : i32
      %mul3A_252 = arith.muli %scan3A_133, %mul3A_251 : i32
      %get3A_253 = arith.constant 19 : i32
      %get3A_254 = arith.index_cast %get3A_253 : i32 to index
      %get3A_255 = arith.index_cast %mul3A_252 : i32 to index
      %get3A_256 = tpu.vector_load %arg6[%get3A_254, %get3A_255] {strides = array<i32>} : memref<50x384xi32, #tpu.memory_space<vmem>>, vector<16xi32>,
      tpu.vector_store_idx %arg7[%add3A_137, %get3A_256], %broadcast_in_dim3A_8 {add = true} : memref<384x128xf32, #tpu.memory_space<vmem>>[vector<16xi32>, vector<16xi32>], vector<16xf32>,
      %mul3A_257 = arith.constant 16 : i32
      %mul3A_258 = arith.muli %scan3A_133, %mul3A_257 : i32
      %get3A_259 = arith.constant 20 : i32
      %get3A_260 = arith.index_cast %get3A_259 : i32 to index
      %get3A_261 = arith.index_cast %mul3A_258 : i32 to index
      %get3A_262 = tpu.vector_load %arg6[%get3A_260, %get3A_261] {strides = array<i32>} : memref<50x384xi32, #tpu.memory_space<vmem>>, vector<16xi32>,
      tpu.vector_store_idx %arg7[%add3A_137, %get3A_262], %broadcast_in_dim3A_8 {add = true} : memref<384x128xf32, #tpu.memory_space<vmem>>[vector<16xi32>, vector<16xi32>], vector<16xf32>,
      %mul3A_263 = arith.constant 16 : i32
      %mul3A_264 = arith.muli %scan3A_133, %mul3A_263 : i32
      %get3A_265 = arith.constant 21 : i32
      %get3A_266 = arith.index_cast %get3A_265 : i32 to index
      %get3A_267 = arith.index_cast %mul3A_264 : i32 to index
      %get3A_268 = tpu.vector_load %arg6[%get3A_266, %get3A_267] {strides = array<i32>} : memref<50x384xi32, #tpu.memory_space<vmem>>, vector<16xi32>,
      tpu.vector_store_idx %arg7[%add3A_137, %get3A_268], %broadcast_in_dim3A_8 {add = true} : memref<384x128xf32, #tpu.memory_space<vmem>>[vector<16xi32>, vector<16xi32>], vector<16xf32>,
      %mul3A_269 = arith.constant 16 : i32
      %mul3A_270 = arith.muli %scan3A_133, %mul3A_269 : i32
      %get3A_271 = arith.constant 22 : i32
      %get3A_272 = arith.index_cast %get3A_271 : i32 to index
      %get3A_273 = arith.index_cast %mul3A_270 : i32 to index
      %get3A_274 = tpu.vector_load %arg6[%get3A_272, %get3A_273] {strides = array<i32>} : memref<50x384xi32, #tpu.memory_space<vmem>>, vector<16xi32>,
      tpu.vector_store_idx %arg7[%add3A_137, %get3A_274], %broadcast_in_dim3A_8 {add = true} : memref<384x128xf32, #tpu.memory_space<vmem>>[vector<16xi32>, vector<16xi32>], vector<16xf32>,
      %mul3A_275 = arith.constant 16 : i32
      %mul3A_276 = arith.muli %scan3A_133, %mul3A_275 : i32
      %get3A_277 = arith.constant 23 : i32
      %get3A_278 = arith.index_cast %get3A_277 : i32 to index
      %get3A_279 = arith.index_cast %mul3A_276 : i32 to index
      %get3A_280 = tpu.vector_load %arg6[%get3A_278, %get3A_279] {strides = array<i32>} : memref<50x384xi32, #tpu.memory_space<vmem>>, vector<16xi32>,
      tpu.vector_store_idx %arg7[%add3A_137, %get3A_280], %broadcast_in_dim3A_8 {add = true} : memref<384x128xf32, #tpu.memory_space<vmem>>[vector<16xi32>, vector<16xi32>], vector<16xf32>,
      %mul3A_281 = arith.constant 16 : i32
      %mul3A_282 = arith.muli %scan3A_133, %mul3A_281 : i32
      %get3A_283 = arith.constant 24 : i32
      %get3A_284 = arith.index_cast %get3A_283 : i32 to index
      %get3A_285 = arith.index_cast %mul3A_282 : i32 to index
      %get3A_286 = tpu.vector_load %arg6[%get3A_284, %get3A_285] {strides = array<i32>} : memref<50x384xi32, #tpu.memory_space<vmem>>, vector<16xi32>,
      tpu.vector_store_idx %arg7[%add3A_137, %get3A_286], %broadcast_in_dim3A_8 {add = true} : memref<384x128xf32, #tpu.memory_space<vmem>>[vector<16xi32>, vector<16xi32>], vector<16xf32>,
      %mul3A_287 = arith.constant 16 : i32
      %mul3A_288 = arith.muli %scan3A_133, %mul3A_287 : i32
      %get3A_289 = arith.constant 25 : i32
      %get3A_290 = arith.index_cast %get3A_289 : i32 to index
      %get3A_291 = arith.index_cast %mul3A_288 : i32 to index
      %get3A_292 = tpu.vector_load %arg6[%get3A_290, %get3A_291] {strides = array<i32>} : memref<50x384xi32, #tpu.memory_space<vmem>>, vector<16xi32>,
      tpu.vector_store_idx %arg7[%add3A_137, %get3A_292], %broadcast_in_dim3A_8 {add = true} : memref<384x128xf32, #tpu.memory_space<vmem>>[vector<16xi32>, vector<16xi32>], vector<16xf32>,
      %mul3A_293 = arith.constant 16 : i32
      %mul3A_294 = arith.muli %scan3A_133, %mul3A_293 : i32
      %get3A_295 = arith.constant 26 : i32
      %get3A_296 = arith.index_cast %get3A_295 : i32 to index
      %get3A_297 = arith.index_cast %mul3A_294 : i32 to index
      %get3A_298 = tpu.vector_load %arg6[%get3A_296, %get3A_297] {strides = array<i32>} : memref<50x384xi32, #tpu.memory_space<vmem>>, vector<16xi32>,
      tpu.vector_store_idx %arg7[%add3A_137, %get3A_298], %broadcast_in_dim3A_8 {add = true} : memref<384x128xf32, #tpu.memory_space<vmem>>[vector<16xi32>, vector<16xi32>], vector<16xf32>,
      %mul3A_299 = arith.constant 16 : i32
      %mul3A_300 = arith.muli %scan3A_133, %mul3A_299 : i32
      %get3A_301 = arith.constant 27 : i32
      %get3A_302 = arith.index_cast %get3A_301 : i32 to index
      %get3A_303 = arith.index_cast %mul3A_300 : i32 to index
      %get3A_304 = tpu.vector_load %arg6[%get3A_302, %get3A_303] {strides = array<i32>} : memref<50x384xi32, #tpu.memory_space<vmem>>, vector<16xi32>,
      tpu.vector_store_idx %arg7[%add3A_137, %get3A_304], %broadcast_in_dim3A_8 {add = true} : memref<384x128xf32, #tpu.memory_space<vmem>>[vector<16xi32>, vector<16xi32>], vector<16xf32>,
      %mul3A_305 = arith.constant 16 : i32
      %mul3A_306 = arith.muli %scan3A_133, %mul3A_305 : i32
      %get3A_307 = arith.constant 28 : i32
      %get3A_308 = arith.index_cast %get3A_307 : i32 to index
      %get3A_309 = arith.index_cast %mul3A_306 : i32 to index
      %get3A_310 = tpu.vector_load %arg6[%get3A_308, %get3A_309] {strides = array<i32>} : memref<50x384xi32, #tpu.memory_space<vmem>>, vector<16xi32>,
      tpu.vector_store_idx %arg7[%add3A_137, %get3A_310], %broadcast_in_dim3A_8 {add = true} : memref<384x128xf32, #tpu.memory_space<vmem>>[vector<16xi32>, vector<16xi32>], vector<16xf32>,
      %mul3A_311 = arith.constant 16 : i32
      %mul3A_312 = arith.muli %scan3A_133, %mul3A_311 : i32
      %get3A_313 = arith.constant 29 : i32
      %get3A_314 = arith.index_cast %get3A_313 : i32 to index
      %get3A_315 = arith.index_cast %mul3A_312 : i32 to index
      %get3A_316 = tpu.vector_load %arg6[%get3A_314, %get3A_315] {strides = array<i32>} : memref<50x384xi32, #tpu.memory_space<vmem>>, vector<16xi32>,
      tpu.vector_store_idx %arg7[%add3A_137, %get3A_316], %broadcast_in_dim3A_8 {add = true} : memref<384x128xf32, #tpu.memory_space<vmem>>[vector<16xi32>, vector<16xi32>], vector<16xf32>,
      %mul3A_317 = arith.constant 16 : i32
      %mul3A_318 = arith.muli %scan3A_133, %mul3A_317 : i32
      %get3A_319 = arith.constant 30 : i32
      %get3A_320 = arith.index_cast %get3A_319 : i32 to index
      %get3A_321 = arith.index_cast %mul3A_318 : i32 to index
      %get3A_322 = tpu.vector_load %arg6[%get3A_320, %get3A_321] {strides = array<i32>} : memref<50x384xi32, #tpu.memory_space<vmem>>, vector<16xi32>,
      tpu.vector_store_idx %arg7[%add3A_137, %get3A_322], %broadcast_in_dim3A_8 {add = true} : memref<384x128xf32, #tpu.memory_space<vmem>>[vector<16xi32>, vector<16xi32>], vector<16xf32>,
      %mul3A_323 = arith.constant 16 : i32
      %mul3A_324 = arith.muli %scan3A_133, %mul3A_323 : i32
      %get3A_325 = arith.constant 31 : i32
      %get3A_326 = arith.index_cast %get3A_325 : i32 to index
      %get3A_327 = arith.index_cast %mul3A_324 : i32 to index
      %get3A_328 = tpu.vector_load %arg6[%get3A_326, %get3A_327] {strides = array<i32>} : memref<50x384xi32, #tpu.memory_space<vmem>>, vector<16xi32>,
      tpu.vector_store_idx %arg7[%add3A_137, %get3A_328], %broadcast_in_dim3A_8 {add = true} : memref<384x128xf32, #tpu.memory_space<vmem>>[vector<16xi32>, vector<16xi32>], vector<16xf32>,
      %mul3A_329 = arith.constant 16 : i32
      %mul3A_330 = arith.muli %scan3A_133, %mul3A_329 : i32
      %get3A_331 = arith.constant 32 : i32
      %get3A_332 = arith.index_cast %get3A_331 : i32 to index
      %get3A_333 = arith.index_cast %mul3A_330 : i32 to index
      %get3A_334 = tpu.vector_load %arg6[%get3A_332, %get3A_333] {strides = array<i32>} : memref<50x384xi32, #tpu.memory_space<vmem>>, vector<16xi32>,
      tpu.vector_store_idx %arg7[%add3A_137, %get3A_334], %broadcast_in_dim3A_8 {add = true} : memref<384x128xf32, #tpu.memory_space<vmem>>[vector<16xi32>, vector<16xi32>], vector<16xf32>,
      %mul3A_335 = arith.constant 16 : i32
      %mul3A_336 = arith.muli %scan3A_133, %mul3A_335 : i32
      %get3A_337 = arith.constant 33 : i32
      %get3A_338 = arith.index_cast %get3A_337 : i32 to index
      %get3A_339 = arith.index_cast %mul3A_336 : i32 to index
      %get3A_340 = tpu.vector_load %arg6[%get3A_338, %get3A_339] {strides = array<i32>} : memref<50x384xi32, #tpu.memory_space<vmem>>, vector<16xi32>,
      tpu.vector_store_idx %arg7[%add3A_137, %get3A_340], %broadcast_in_dim3A_8 {add = true} : memref<384x128xf32, #tpu.memory_space<vmem>>[vector<16xi32>, vector<16xi32>], vector<16xf32>,
      %mul3A_341 = arith.constant 16 : i32
      %mul3A_342 = arith.muli %scan3A_133, %mul3A_341 : i32
      %get3A_343 = arith.constant 34 : i32
      %get3A_344 = arith.index_cast %get3A_343 : i32 to index
      %get3A_345 = arith.index_cast %mul3A_342 : i32 to index
      %get3A_346 = tpu.vector_load %arg6[%get3A_344, %get3A_345] {strides = array<i32>} : memref<50x384xi32, #tpu.memory_space<vmem>>, vector<16xi32>,
      tpu.vector_store_idx %arg7[%add3A_137, %get3A_346], %broadcast_in_dim3A_8 {add = true} : memref<384x128xf32, #tpu.memory_space<vmem>>[vector<16xi32>, vector<16xi32>], vector<16xf32>,
      %mul3A_347 = arith.constant 16 : i32
      %mul3A_348 = arith.muli %scan3A_133, %mul3A_347 : i32
      %get3A_349 = arith.constant 35 : i32
      %get3A_350 = arith.index_cast %get3A_349 : i32 to index
      %get3A_351 = arith.index_cast %mul3A_348 : i32 to index
      %get3A_352 = tpu.vector_load %arg6[%get3A_350, %get3A_351] {strides = array<i32>} : memref<50x384xi32, #tpu.memory_space<vmem>>, vector<16xi32>,
      tpu.vector_store_idx %arg7[%add3A_137, %get3A_352], %broadcast_in_dim3A_8 {add = true} : memref<384x128xf32, #tpu.memory_space<vmem>>[vector<16xi32>, vector<16xi32>], vector<16xf32>,
      %mul3A_353 = arith.constant 16 : i32
      %mul3A_354 = arith.muli %scan3A_133, %mul3A_353 : i32
      %get3A_355 = arith.constant 36 : i32
      %get3A_356 = arith.index_cast %get3A_355 : i32 to index
      %get3A_357 = arith.index_cast %mul3A_354 : i32 to index
      %get3A_358 = tpu.vector_load %arg6[%get3A_356, %get3A_357] {strides = array<i32>} : memref<50x384xi32, #tpu.memory_space<vmem>>, vector<16xi32>,
      tpu.vector_store_idx %arg7[%add3A_137, %get3A_358], %broadcast_in_dim3A_8 {add = true} : memref<384x128xf32, #tpu.memory_space<vmem>>[vector<16xi32>, vector<16xi32>], vector<16xf32>,
      %mul3A_359 = arith.constant 16 : i32
      %mul3A_360 = arith.muli %scan3A_133, %mul3A_359 : i32
      %get3A_361 = arith.constant 37 : i32
      %get3A_362 = arith.index_cast %get3A_361 : i32 to index
      %get3A_363 = arith.index_cast %mul3A_360 : i32 to index
      %get3A_364 = tpu.vector_load %arg6[%get3A_362, %get3A_363] {strides = array<i32>} : memref<50x384xi32, #tpu.memory_space<vmem>>, vector<16xi32>,
      tpu.vector_store_idx %arg7[%add3A_137, %get3A_364], %broadcast_in_dim3A_8 {add = true} : memref<384x128xf32, #tpu.memory_space<vmem>>[vector<16xi32>, vector<16xi32>], vector<16xf32>,
      %mul3A_365 = arith.constant 16 : i32
      %mul3A_366 = arith.muli %scan3A_133, %mul3A_365 : i32
      %get3A_367 = arith.constant 38 : i32
      %get3A_368 = arith.index_cast %get3A_367 : i32 to index
      %get3A_369 = arith.index_cast %mul3A_366 : i32 to index
      %get3A_370 = tpu.vector_load %arg6[%get3A_368, %get3A_369] {strides = array<i32>} : memref<50x384xi32, #tpu.memory_space<vmem>>, vector<16xi32>,
      tpu.vector_store_idx %arg7[%add3A_137, %get3A_370], %broadcast_in_dim3A_8 {add = true} : memref<384x128xf32, #tpu.memory_space<vmem>>[vector<16xi32>, vector<16xi32>], vector<16xf32>,
      %mul3A_371 = arith.constant 16 : i32
      %mul3A_372 = arith.muli %scan3A_133, %mul3A_371 : i32
      %get3A_373 = arith.constant 39 : i32
      %get3A_374 = arith.index_cast %get3A_373 : i32 to index
      %get3A_375 = arith.index_cast %mul3A_372 : i32 to index
      %get3A_376 = tpu.vector_load %arg6[%get3A_374, %get3A_375] {strides = array<i32>} : memref<50x384xi32, #tpu.memory_space<vmem>>, vector<16xi32>,
      tpu.vector_store_idx %arg7[%add3A_137, %get3A_376], %broadcast_in_dim3A_8 {add = true} : memref<384x128xf32, #tpu.memory_space<vmem>>[vector<16xi32>, vector<16xi32>], vector<16xf32>,
      %mul3A_377 = arith.constant 16 : i32
      %mul3A_378 = arith.muli %scan3A_133, %mul3A_377 : i32
      %get3A_379 = arith.constant 40 : i32
      %get3A_380 = arith.index_cast %get3A_379 : i32 to index
      %get3A_381 = arith.index_cast %mul3A_378 : i32 to index
      %get3A_382 = tpu.vector_load %arg6[%get3A_380, %get3A_381] {strides = array<i32>} : memref<50x384xi32, #tpu.memory_space<vmem>>, vector<16xi32>,
      tpu.vector_store_idx %arg7[%add3A_137, %get3A_382], %broadcast_in_dim3A_8 {add = true} : memref<384x128xf32, #tpu.memory_space<vmem>>[vector<16xi32>, vector<16xi32>], vector<16xf32>,
      %mul3A_383 = arith.constant 16 : i32
      %mul3A_384 = arith.muli %scan3A_133, %mul3A_383 : i32
      %get3A_385 = arith.constant 41 : i32
      %get3A_386 = arith.index_cast %get3A_385 : i32 to index
      %get3A_387 = arith.index_cast %mul3A_384 : i32 to index
      %get3A_388 = tpu.vector_load %arg6[%get3A_386, %get3A_387] {strides = array<i32>} : memref<50x384xi32, #tpu.memory_space<vmem>>, vector<16xi32>,
      tpu.vector_store_idx %arg7[%add3A_137, %get3A_388], %broadcast_in_dim3A_8 {add = true} : memref<384x128xf32, #tpu.memory_space<vmem>>[vector<16xi32>, vector<16xi32>], vector<16xf32>,
      %mul3A_389 = arith.constant 16 : i32
      %mul3A_390 = arith.muli %scan3A_133, %mul3A_389 : i32
      %get3A_391 = arith.constant 42 : i32
      %get3A_392 = arith.index_cast %get3A_391 : i32 to index
      %get3A_393 = arith.index_cast %mul3A_390 : i32 to index
      %get3A_394 = tpu.vector_load %arg6[%get3A_392, %get3A_393] {strides = array<i32>} : memref<50x384xi32, #tpu.memory_space<vmem>>, vector<16xi32>,
      tpu.vector_store_idx %arg7[%add3A_137, %get3A_394], %broadcast_in_dim3A_8 {add = true} : memref<384x128xf32, #tpu.memory_space<vmem>>[vector<16xi32>, vector<16xi32>], vector<16xf32>,
      %mul3A_395 = arith.constant 16 : i32
      %mul3A_396 = arith.muli %scan3A_133, %mul3A_395 : i32
      %get3A_397 = arith.constant 43 : i32
      %get3A_398 = arith.index_cast %get3A_397 : i32 to index
      %get3A_399 = arith.index_cast %mul3A_396 : i32 to index
      %get3A_400 = tpu.vector_load %arg6[%get3A_398, %get3A_399] {strides = array<i32>} : memref<50x384xi32, #tpu.memory_space<vmem>>, vector<16xi32>,
      tpu.vector_store_idx %arg7[%add3A_137, %get3A_400], %broadcast_in_dim3A_8 {add = true} : memref<384x128xf32, #tpu.memory_space<vmem>>[vector<16xi32>, vector<16xi32>], vector<16xf32>,
      %mul3A_401 = arith.constant 16 : i32
      %mul3A_402 = arith.muli %scan3A_133, %mul3A_401 : i32
      %get3A_403 = arith.constant 44 : i32
      %get3A_404 = arith.index_cast %get3A_403 : i32 to index
      %get3A_405 = arith.index_cast %mul3A_402 : i32 to index
      %get3A_406 = tpu.vector_load %arg6[%get3A_404, %get3A_405] {strides = array<i32>} : memref<50x384xi32, #tpu.memory_space<vmem>>, vector<16xi32>,
      tpu.vector_store_idx %arg7[%add3A_137, %get3A_406], %broadcast_in_dim3A_8 {add = true} : memref<384x128xf32, #tpu.memory_space<vmem>>[vector<16xi32>, vector<16xi32>], vector<16xf32>,
      %mul3A_407 = arith.constant 16 : i32
      %mul3A_408 = arith.muli %scan3A_133, %mul3A_407 : i32
      %get3A_409 = arith.constant 45 : i32
      %get3A_410 = arith.index_cast %get3A_409 : i32 to index
      %get3A_411 = arith.index_cast %mul3A_408 : i32 to index
      %get3A_412 = tpu.vector_load %arg6[%get3A_410, %get3A_411] {strides = array<i32>} : memref<50x384xi32, #tpu.memory_space<vmem>>, vector<16xi32>,
      tpu.vector_store_idx %arg7[%add3A_137, %get3A_412], %broadcast_in_dim3A_8 {add = true} : memref<384x128xf32, #tpu.memory_space<vmem>>[vector<16xi32>, vector<16xi32>], vector<16xf32>,
      %mul3A_413 = arith.constant 16 : i32
      %mul3A_414 = arith.muli %scan3A_133, %mul3A_413 : i32
      %get3A_415 = arith.constant 46 : i32
      %get3A_416 = arith.index_cast %get3A_415 : i32 to index
      %get3A_417 = arith.index_cast %mul3A_414 : i32 to index
      %get3A_418 = tpu.vector_load %arg6[%get3A_416, %get3A_417] {strides = array<i32>} : memref<50x384xi32, #tpu.memory_space<vmem>>, vector<16xi32>,
      tpu.vector_store_idx %arg7[%add3A_137, %get3A_418], %broadcast_in_dim3A_8 {add = true} : memref<384x128xf32, #tpu.memory_space<vmem>>[vector<16xi32>, vector<16xi32>], vector<16xf32>,
      %mul3A_419 = arith.constant 16 : i32
      %mul3A_420 = arith.muli %scan3A_133, %mul3A_419 : i32
      %get3A_421 = arith.constant 47 : i32
      %get3A_422 = arith.index_cast %get3A_421 : i32 to index
      %get3A_423 = arith.index_cast %mul3A_420 : i32 to index
      %get3A_424 = tpu.vector_load %arg6[%get3A_422, %get3A_423] {strides = array<i32>} : memref<50x384xi32, #tpu.memory_space<vmem>>, vector<16xi32>,
      tpu.vector_store_idx %arg7[%add3A_137, %get3A_424], %broadcast_in_dim3A_8 {add = true} : memref<384x128xf32, #tpu.memory_space<vmem>>[vector<16xi32>, vector<16xi32>], vector<16xf32>,
      %mul3A_425 = arith.constant 16 : i32
      %mul3A_426 = arith.muli %scan3A_133, %mul3A_425 : i32
      %get3A_427 = arith.constant 48 : i32
      %get3A_428 = arith.index_cast %get3A_427 : i32 to index
      %get3A_429 = arith.index_cast %mul3A_426 : i32 to index
      %get3A_430 = tpu.vector_load %arg6[%get3A_428, %get3A_429] {strides = array<i32>} : memref<50x384xi32, #tpu.memory_space<vmem>>, vector<16xi32>,
      tpu.vector_store_idx %arg7[%add3A_137, %get3A_430], %broadcast_in_dim3A_8 {add = true} : memref<384x128xf32, #tpu.memory_space<vmem>>[vector<16xi32>, vector<16xi32>], vector<16xf32>,
      %mul3A_431 = arith.constant 16 : i32
      %mul3A_432 = arith.muli %scan3A_133, %mul3A_431 : i32
      %get3A_433 = arith.constant 49 : i32
      %get3A_434 = arith.index_cast %get3A_433 : i32 to index
      %get3A_435 = arith.index_cast %mul3A_432 : i32 to index
      %get3A_436 = tpu.vector_load %arg6[%get3A_434, %get3A_435] {strides = array<i32>} : memref<50x384xi32, #tpu.memory_space<vmem>>, vector<16xi32>,
      tpu.vector_store_idx %arg7[%add3A_137, %get3A_436], %broadcast_in_dim3A_8 {add = true} : memref<384x128xf32, #tpu.memory_space<vmem>>[vector<16xi32>, vector<16xi32>], vector<16xf32>,
      %mul3A_437 = arith.constant 16 : i32
      %mul3A_438 = arith.muli %scan3A_133, %mul3A_437 : i32
      %get3A_439 = arith.index_cast %mul3A_438 : i32 to index
      %get3A_440 = tpu.vector_load %arg5[%get3A_439] {strides = array<i32>} : memref<384xi32, #tpu.memory_space<vmem>>, vector<16xi32>,
      %convert_element_type3A = arith.sitofp %get3A_440 : vector<16xi32> to vector<16xf32>
      tpu.vector_store_idx %arg7[%add3A_137, %broadcast_in_dim3A_12], %convert_element_type3A : memref<384x128xf32, #tpu.memory_space<vmem>>[vector<16xi32>, vector<16xi32>], vector<16xf32>,
    }
    %scan3A_44 = arith.constant 6 : i32
    %add3A_45 = arith.constant 96 : i32
    %add3A_46 = arith.addi %mul3A_2, %add3A_45 : i32
    %dma_start3A_47 = arith.constant 96 : i32
    %dma_start3A_48 = arith.constant 0 : i32
    %dma_start3A_49 = tpu.memref_slice %arg7[%dma_start3A_47, %dma_start3A_48] : memref<384x128xf32, #tpu.memory_space<vmem>> -> memref<96x128xf32, #tpu.memory_space<vmem>>
    %dma_start3A_50 = arith.constant 0 : i32
    %dma_start3A_51 = tpu.memref_slice %arg4[%add3A_46, %dma_start3A_50] : memref<12288x128xf32, #tpu.memory_space<hbm>> -> memref<96x128xf32, #tpu.memory_space<hbm>>
    %dma_start3A_52 = arith.constant 0 : i32
    %dma_start3A_53 = tpu.memref_slice %arg4[%add3A_46, %dma_start3A_52] : memref<12288x128xf32, #tpu.memory_space<hbm>> -> memref<96x128xf32, #tpu.memory_space<hbm>>
    %dma_start3A_54 = arith.constant 96 : i32
    %dma_start3A_55 = arith.constant 0 : i32
    %dma_start3A_56 = tpu.memref_slice %arg7[%dma_start3A_54, %dma_start3A_55] : memref<384x128xf32, #tpu.memory_space<vmem>> -> memref<96x128xf32, #tpu.memory_space<vmem>>
    tpu.enqueue_dma source(%dma_start3A_56 : memref<96x128xf32, #tpu.memory_space<vmem>>) target(%dma_start3A_53 : memref<96x128xf32, #tpu.memory_space<hbm>>) target_semaphore(%arg9 : memref<!tpu.dma_semaphore, #tpu.memory_space<semaphore_mem>>)
    %scan3A_57 = arith.constant 0 : i32
    %scan3A_58 = arith.constant 12 : i32
    %scan3A_59 = arith.constant 6 : i32
    %scan3A_60 = arith.addi %scan3A_58, %scan3A_59 : i32
    %scan3A_61 = arith.constant 1 : i32
    scf.for %scan3A_133 = %scan3A_58 to %scan3A_60 step %scan3A_61  : i32 {
      %mul3A_134 = arith.constant 16 : i32
      %mul3A_135 = arith.muli %scan3A_133, %mul3A_134 : i32
      %add3A_136 = vector.broadcast %mul3A_135 : i32 to vector<16xi32>
      %add3A_137 = arith.addi %add3A_136, %iota3A : vector<16xi32>
      %mul3A_138 = arith.constant 16 : i32
      %mul3A_139 = arith.muli %scan3A_133, %mul3A_138 : i32
      %get3A = arith.constant 0 : i32
      %get3A_140 = arith.index_cast %get3A : i32 to index
      %get3A_141 = arith.index_cast %mul3A_139 : i32 to index
      %get3A_142 = tpu.vector_load %arg6[%get3A_140, %get3A_141] {strides = array<i32>} : memref<50x384xi32, #tpu.memory_space<vmem>>, vector<16xi32>,
      tpu.vector_store_idx %arg7[%add3A_137, %get3A_142], %broadcast_in_dim3A_8 {add = true} : memref<384x128xf32, #tpu.memory_space<vmem>>[vector<16xi32>, vector<16xi32>], vector<16xf32>,
      %mul3A_143 = arith.constant 16 : i32
      %mul3A_144 = arith.muli %scan3A_133, %mul3A_143 : i32
      %get3A_145 = arith.constant 1 : i32
      %get3A_146 = arith.index_cast %get3A_145 : i32 to index
      %get3A_147 = arith.index_cast %mul3A_144 : i32 to index
      %get3A_148 = tpu.vector_load %arg6[%get3A_146, %get3A_147] {strides = array<i32>} : memref<50x384xi32, #tpu.memory_space<vmem>>, vector<16xi32>,
      tpu.vector_store_idx %arg7[%add3A_137, %get3A_148], %broadcast_in_dim3A_8 {add = true} : memref<384x128xf32, #tpu.memory_space<vmem>>[vector<16xi32>, vector<16xi32>], vector<16xf32>,
      %mul3A_149 = arith.constant 16 : i32
      %mul3A_150 = arith.muli %scan3A_133, %mul3A_149 : i32
      %get3A_151 = arith.constant 2 : i32
      %get3A_152 = arith.index_cast %get3A_151 : i32 to index
      %get3A_153 = arith.index_cast %mul3A_150 : i32 to index
      %get3A_154 = tpu.vector_load %arg6[%get3A_152, %get3A_153] {strides = array<i32>} : memref<50x384xi32, #tpu.memory_space<vmem>>, vector<16xi32>,
      tpu.vector_store_idx %arg7[%add3A_137, %get3A_154], %broadcast_in_dim3A_8 {add = true} : memref<384x128xf32, #tpu.memory_space<vmem>>[vector<16xi32>, vector<16xi32>], vector<16xf32>,
      %mul3A_155 = arith.constant 16 : i32
      %mul3A_156 = arith.muli %scan3A_133, %mul3A_155 : i32
      %get3A_157 = arith.constant 3 : i32
      %get3A_158 = arith.index_cast %get3A_157 : i32 to index
      %get3A_159 = arith.index_cast %mul3A_156 : i32 to index
      %get3A_160 = tpu.vector_load %arg6[%get3A_158, %get3A_159] {strides = array<i32>} : memref<50x384xi32, #tpu.memory_space<vmem>>, vector<16xi32>,
      tpu.vector_store_idx %arg7[%add3A_137, %get3A_160], %broadcast_in_dim3A_8 {add = true} : memref<384x128xf32, #tpu.memory_space<vmem>>[vector<16xi32>, vector<16xi32>], vector<16xf32>,
      %mul3A_161 = arith.constant 16 : i32
      %mul3A_162 = arith.muli %scan3A_133, %mul3A_161 : i32
      %get3A_163 = arith.constant 4 : i32
      %get3A_164 = arith.index_cast %get3A_163 : i32 to index
      %get3A_165 = arith.index_cast %mul3A_162 : i32 to index
      %get3A_166 = tpu.vector_load %arg6[%get3A_164, %get3A_165] {strides = array<i32>} : memref<50x384xi32, #tpu.memory_space<vmem>>, vector<16xi32>,
      tpu.vector_store_idx %arg7[%add3A_137, %get3A_166], %broadcast_in_dim3A_8 {add = true} : memref<384x128xf32, #tpu.memory_space<vmem>>[vector<16xi32>, vector<16xi32>], vector<16xf32>,
      %mul3A_167 = arith.constant 16 : i32
      %mul3A_168 = arith.muli %scan3A_133, %mul3A_167 : i32
      %get3A_169 = arith.constant 5 : i32
      %get3A_170 = arith.index_cast %get3A_169 : i32 to index
      %get3A_171 = arith.index_cast %mul3A_168 : i32 to index
      %get3A_172 = tpu.vector_load %arg6[%get3A_170, %get3A_171] {strides = array<i32>} : memref<50x384xi32, #tpu.memory_space<vmem>>, vector<16xi32>,
      tpu.vector_store_idx %arg7[%add3A_137, %get3A_172], %broadcast_in_dim3A_8 {add = true} : memref<384x128xf32, #tpu.memory_space<vmem>>[vector<16xi32>, vector<16xi32>], vector<16xf32>,
      %mul3A_173 = arith.constant 16 : i32
      %mul3A_174 = arith.muli %scan3A_133, %mul3A_173 : i32
      %get3A_175 = arith.constant 6 : i32
      %get3A_176 = arith.index_cast %get3A_175 : i32 to index
      %get3A_177 = arith.index_cast %mul3A_174 : i32 to index
      %get3A_178 = tpu.vector_load %arg6[%get3A_176, %get3A_177] {strides = array<i32>} : memref<50x384xi32, #tpu.memory_space<vmem>>, vector<16xi32>,
      tpu.vector_store_idx %arg7[%add3A_137, %get3A_178], %broadcast_in_dim3A_8 {add = true} : memref<384x128xf32, #tpu.memory_space<vmem>>[vector<16xi32>, vector<16xi32>], vector<16xf32>,
      %mul3A_179 = arith.constant 16 : i32
      %mul3A_180 = arith.muli %scan3A_133, %mul3A_179 : i32
      %get3A_181 = arith.constant 7 : i32
      %get3A_182 = arith.index_cast %get3A_181 : i32 to index
      %get3A_183 = arith.index_cast %mul3A_180 : i32 to index
      %get3A_184 = tpu.vector_load %arg6[%get3A_182, %get3A_183] {strides = array<i32>} : memref<50x384xi32, #tpu.memory_space<vmem>>, vector<16xi32>,
      tpu.vector_store_idx %arg7[%add3A_137, %get3A_184], %broadcast_in_dim3A_8 {add = true} : memref<384x128xf32, #tpu.memory_space<vmem>>[vector<16xi32>, vector<16xi32>], vector<16xf32>,
      %mul3A_185 = arith.constant 16 : i32
      %mul3A_186 = arith.muli %scan3A_133, %mul3A_185 : i32
      %get3A_187 = arith.constant 8 : i32
      %get3A_188 = arith.index_cast %get3A_187 : i32 to index
      %get3A_189 = arith.index_cast %mul3A_186 : i32 to index
      %get3A_190 = tpu.vector_load %arg6[%get3A_188, %get3A_189] {strides = array<i32>} : memref<50x384xi32, #tpu.memory_space<vmem>>, vector<16xi32>,
      tpu.vector_store_idx %arg7[%add3A_137, %get3A_190], %broadcast_in_dim3A_8 {add = true} : memref<384x128xf32, #tpu.memory_space<vmem>>[vector<16xi32>, vector<16xi32>], vector<16xf32>,
      %mul3A_191 = arith.constant 16 : i32
      %mul3A_192 = arith.muli %scan3A_133, %mul3A_191 : i32
      %get3A_193 = arith.constant 9 : i32
      %get3A_194 = arith.index_cast %get3A_193 : i32 to index
      %get3A_195 = arith.index_cast %mul3A_192 : i32 to index
      %get3A_196 = tpu.vector_load %arg6[%get3A_194, %get3A_195] {strides = array<i32>} : memref<50x384xi32, #tpu.memory_space<vmem>>, vector<16xi32>,
      tpu.vector_store_idx %arg7[%add3A_137, %get3A_196], %broadcast_in_dim3A_8 {add = true} : memref<384x128xf32, #tpu.memory_space<vmem>>[vector<16xi32>, vector<16xi32>], vector<16xf32>,
      %mul3A_197 = arith.constant 16 : i32
      %mul3A_198 = arith.muli %scan3A_133, %mul3A_197 : i32
      %get3A_199 = arith.constant 10 : i32
      %get3A_200 = arith.index_cast %get3A_199 : i32 to index
      %get3A_201 = arith.index_cast %mul3A_198 : i32 to index
      %get3A_202 = tpu.vector_load %arg6[%get3A_200, %get3A_201] {strides = array<i32>} : memref<50x384xi32, #tpu.memory_space<vmem>>, vector<16xi32>,
      tpu.vector_store_idx %arg7[%add3A_137, %get3A_202], %broadcast_in_dim3A_8 {add = true} : memref<384x128xf32, #tpu.memory_space<vmem>>[vector<16xi32>, vector<16xi32>], vector<16xf32>,
      %mul3A_203 = arith.constant 16 : i32
      %mul3A_204 = arith.muli %scan3A_133, %mul3A_203 : i32
      %get3A_205 = arith.constant 11 : i32
      %get3A_206 = arith.index_cast %get3A_205 : i32 to index
      %get3A_207 = arith.index_cast %mul3A_204 : i32 to index
      %get3A_208 = tpu.vector_load %arg6[%get3A_206, %get3A_207] {strides = array<i32>} : memref<50x384xi32, #tpu.memory_space<vmem>>, vector<16xi32>,
      tpu.vector_store_idx %arg7[%add3A_137, %get3A_208], %broadcast_in_dim3A_8 {add = true} : memref<384x128xf32, #tpu.memory_space<vmem>>[vector<16xi32>, vector<16xi32>], vector<16xf32>,
      %mul3A_209 = arith.constant 16 : i32
      %mul3A_210 = arith.muli %scan3A_133, %mul3A_209 : i32
      %get3A_211 = arith.constant 12 : i32
      %get3A_212 = arith.index_cast %get3A_211 : i32 to index
      %get3A_213 = arith.index_cast %mul3A_210 : i32 to index
      %get3A_214 = tpu.vector_load %arg6[%get3A_212, %get3A_213] {strides = array<i32>} : memref<50x384xi32, #tpu.memory_space<vmem>>, vector<16xi32>,
      tpu.vector_store_idx %arg7[%add3A_137, %get3A_214], %broadcast_in_dim3A_8 {add = true} : memref<384x128xf32, #tpu.memory_space<vmem>>[vector<16xi32>, vector<16xi32>], vector<16xf32>,
      %mul3A_215 = arith.constant 16 : i32
      %mul3A_216 = arith.muli %scan3A_133, %mul3A_215 : i32
      %get3A_217 = arith.constant 13 : i32
      %get3A_218 = arith.index_cast %get3A_217 : i32 to index
      %get3A_219 = arith.index_cast %mul3A_216 : i32 to index
      %get3A_220 = tpu.vector_load %arg6[%get3A_218, %get3A_219] {strides = array<i32>} : memref<50x384xi32, #tpu.memory_space<vmem>>, vector<16xi32>,
      tpu.vector_store_idx %arg7[%add3A_137, %get3A_220], %broadcast_in_dim3A_8 {add = true} : memref<384x128xf32, #tpu.memory_space<vmem>>[vector<16xi32>, vector<16xi32>], vector<16xf32>,
      %mul3A_221 = arith.constant 16 : i32
      %mul3A_222 = arith.muli %scan3A_133, %mul3A_221 : i32
      %get3A_223 = arith.constant 14 : i32
      %get3A_224 = arith.index_cast %get3A_223 : i32 to index
      %get3A_225 = arith.index_cast %mul3A_222 : i32 to index
      %get3A_226 = tpu.vector_load %arg6[%get3A_224, %get3A_225] {strides = array<i32>} : memref<50x384xi32, #tpu.memory_space<vmem>>, vector<16xi32>,
      tpu.vector_store_idx %arg7[%add3A_137, %get3A_226], %broadcast_in_dim3A_8 {add = true} : memref<384x128xf32, #tpu.memory_space<vmem>>[vector<16xi32>, vector<16xi32>], vector<16xf32>,
      %mul3A_227 = arith.constant 16 : i32
      %mul3A_228 = arith.muli %scan3A_133, %mul3A_227 : i32
      %get3A_229 = arith.constant 15 : i32
      %get3A_230 = arith.index_cast %get3A_229 : i32 to index
      %get3A_231 = arith.index_cast %mul3A_228 : i32 to index
      %get3A_232 = tpu.vector_load %arg6[%get3A_230, %get3A_231] {strides = array<i32>} : memref<50x384xi32, #tpu.memory_space<vmem>>, vector<16xi32>,
      tpu.vector_store_idx %arg7[%add3A_137, %get3A_232], %broadcast_in_dim3A_8 {add = true} : memref<384x128xf32, #tpu.memory_space<vmem>>[vector<16xi32>, vector<16xi32>], vector<16xf32>,
      %mul3A_233 = arith.constant 16 : i32
      %mul3A_234 = arith.muli %scan3A_133, %mul3A_233 : i32
      %get3A_235 = arith.constant 16 : i32
      %get3A_236 = arith.index_cast %get3A_235 : i32 to index
      %get3A_237 = arith.index_cast %mul3A_234 : i32 to index
      %get3A_238 = tpu.vector_load %arg6[%get3A_236, %get3A_237] {strides = array<i32>} : memref<50x384xi32, #tpu.memory_space<vmem>>, vector<16xi32>,
      tpu.vector_store_idx %arg7[%add3A_137, %get3A_238], %broadcast_in_dim3A_8 {add = true} : memref<384x128xf32, #tpu.memory_space<vmem>>[vector<16xi32>, vector<16xi32>], vector<16xf32>,
      %mul3A_239 = arith.constant 16 : i32
      %mul3A_240 = arith.muli %scan3A_133, %mul3A_239 : i32
      %get3A_241 = arith.constant 17 : i32
      %get3A_242 = arith.index_cast %get3A_241 : i32 to index
      %get3A_243 = arith.index_cast %mul3A_240 : i32 to index
      %get3A_244 = tpu.vector_load %arg6[%get3A_242, %get3A_243] {strides = array<i32>} : memref<50x384xi32, #tpu.memory_space<vmem>>, vector<16xi32>,
      tpu.vector_store_idx %arg7[%add3A_137, %get3A_244], %broadcast_in_dim3A_8 {add = true} : memref<384x128xf32, #tpu.memory_space<vmem>>[vector<16xi32>, vector<16xi32>], vector<16xf32>,
      %mul3A_245 = arith.constant 16 : i32
      %mul3A_246 = arith.muli %scan3A_133, %mul3A_245 : i32
      %get3A_247 = arith.constant 18 : i32
      %get3A_248 = arith.index_cast %get3A_247 : i32 to index
      %get3A_249 = arith.index_cast %mul3A_246 : i32 to index
      %get3A_250 = tpu.vector_load %arg6[%get3A_248, %get3A_249] {strides = array<i32>} : memref<50x384xi32, #tpu.memory_space<vmem>>, vector<16xi32>,
      tpu.vector_store_idx %arg7[%add3A_137, %get3A_250], %broadcast_in_dim3A_8 {add = true} : memref<384x128xf32, #tpu.memory_space<vmem>>[vector<16xi32>, vector<16xi32>], vector<16xf32>,
      %mul3A_251 = arith.constant 16 : i32
      %mul3A_252 = arith.muli %scan3A_133, %mul3A_251 : i32
      %get3A_253 = arith.constant 19 : i32
      %get3A_254 = arith.index_cast %get3A_253 : i32 to index
      %get3A_255 = arith.index_cast %mul3A_252 : i32 to index
      %get3A_256 = tpu.vector_load %arg6[%get3A_254, %get3A_255] {strides = array<i32>} : memref<50x384xi32, #tpu.memory_space<vmem>>, vector<16xi32>,
      tpu.vector_store_idx %arg7[%add3A_137, %get3A_256], %broadcast_in_dim3A_8 {add = true} : memref<384x128xf32, #tpu.memory_space<vmem>>[vector<16xi32>, vector<16xi32>], vector<16xf32>,
      %mul3A_257 = arith.constant 16 : i32
      %mul3A_258 = arith.muli %scan3A_133, %mul3A_257 : i32
      %get3A_259 = arith.constant 20 : i32
      %get3A_260 = arith.index_cast %get3A_259 : i32 to index
      %get3A_261 = arith.index_cast %mul3A_258 : i32 to index
      %get3A_262 = tpu.vector_load %arg6[%get3A_260, %get3A_261] {strides = array<i32>} : memref<50x384xi32, #tpu.memory_space<vmem>>, vector<16xi32>,
      tpu.vector_store_idx %arg7[%add3A_137, %get3A_262], %broadcast_in_dim3A_8 {add = true} : memref<384x128xf32, #tpu.memory_space<vmem>>[vector<16xi32>, vector<16xi32>], vector<16xf32>,
      %mul3A_263 = arith.constant 16 : i32
      %mul3A_264 = arith.muli %scan3A_133, %mul3A_263 : i32
      %get3A_265 = arith.constant 21 : i32
      %get3A_266 = arith.index_cast %get3A_265 : i32 to index
      %get3A_267 = arith.index_cast %mul3A_264 : i32 to index
      %get3A_268 = tpu.vector_load %arg6[%get3A_266, %get3A_267] {strides = array<i32>} : memref<50x384xi32, #tpu.memory_space<vmem>>, vector<16xi32>,
      tpu.vector_store_idx %arg7[%add3A_137, %get3A_268], %broadcast_in_dim3A_8 {add = true} : memref<384x128xf32, #tpu.memory_space<vmem>>[vector<16xi32>, vector<16xi32>], vector<16xf32>,
      %mul3A_269 = arith.constant 16 : i32
      %mul3A_270 = arith.muli %scan3A_133, %mul3A_269 : i32
      %get3A_271 = arith.constant 22 : i32
      %get3A_272 = arith.index_cast %get3A_271 : i32 to index
      %get3A_273 = arith.index_cast %mul3A_270 : i32 to index
      %get3A_274 = tpu.vector_load %arg6[%get3A_272, %get3A_273] {strides = array<i32>} : memref<50x384xi32, #tpu.memory_space<vmem>>, vector<16xi32>,
      tpu.vector_store_idx %arg7[%add3A_137, %get3A_274], %broadcast_in_dim3A_8 {add = true} : memref<384x128xf32, #tpu.memory_space<vmem>>[vector<16xi32>, vector<16xi32>], vector<16xf32>,
      %mul3A_275 = arith.constant 16 : i32
      %mul3A_276 = arith.muli %scan3A_133, %mul3A_275 : i32
      %get3A_277 = arith.constant 23 : i32
      %get3A_278 = arith.index_cast %get3A_277 : i32 to index
      %get3A_279 = arith.index_cast %mul3A_276 : i32 to index
      %get3A_280 = tpu.vector_load %arg6[%get3A_278, %get3A_279] {strides = array<i32>} : memref<50x384xi32, #tpu.memory_space<vmem>>, vector<16xi32>,
      tpu.vector_store_idx %arg7[%add3A_137, %get3A_280], %broadcast_in_dim3A_8 {add = true} : memref<384x128xf32, #tpu.memory_space<vmem>>[vector<16xi32>, vector<16xi32>], vector<16xf32>,
      %mul3A_281 = arith.constant 16 : i32
      %mul3A_282 = arith.muli %scan3A_133, %mul3A_281 : i32
      %get3A_283 = arith.constant 24 : i32
      %get3A_284 = arith.index_cast %get3A_283 : i32 to index
      %get3A_285 = arith.index_cast %mul3A_282 : i32 to index
      %get3A_286 = tpu.vector_load %arg6[%get3A_284, %get3A_285] {strides = array<i32>} : memref<50x384xi32, #tpu.memory_space<vmem>>, vector<16xi32>,
      tpu.vector_store_idx %arg7[%add3A_137, %get3A_286], %broadcast_in_dim3A_8 {add = true} : memref<384x128xf32, #tpu.memory_space<vmem>>[vector<16xi32>, vector<16xi32>], vector<16xf32>,
      %mul3A_287 = arith.constant 16 : i32
      %mul3A_288 = arith.muli %scan3A_133, %mul3A_287 : i32
      %get3A_289 = arith.constant 25 : i32
      %get3A_290 = arith.index_cast %get3A_289 : i32 to index
      %get3A_291 = arith.index_cast %mul3A_288 : i32 to index
      %get3A_292 = tpu.vector_load %arg6[%get3A_290, %get3A_291] {strides = array<i32>} : memref<50x384xi32, #tpu.memory_space<vmem>>, vector<16xi32>,
      tpu.vector_store_idx %arg7[%add3A_137, %get3A_292], %broadcast_in_dim3A_8 {add = true} : memref<384x128xf32, #tpu.memory_space<vmem>>[vector<16xi32>, vector<16xi32>], vector<16xf32>,
      %mul3A_293 = arith.constant 16 : i32
      %mul3A_294 = arith.muli %scan3A_133, %mul3A_293 : i32
      %get3A_295 = arith.constant 26 : i32
      %get3A_296 = arith.index_cast %get3A_295 : i32 to index
      %get3A_297 = arith.index_cast %mul3A_294 : i32 to index
      %get3A_298 = tpu.vector_load %arg6[%get3A_296, %get3A_297] {strides = array<i32>} : memref<50x384xi32, #tpu.memory_space<vmem>>, vector<16xi32>,
      tpu.vector_store_idx %arg7[%add3A_137, %get3A_298], %broadcast_in_dim3A_8 {add = true} : memref<384x128xf32, #tpu.memory_space<vmem>>[vector<16xi32>, vector<16xi32>], vector<16xf32>,
      %mul3A_299 = arith.constant 16 : i32
      %mul3A_300 = arith.muli %scan3A_133, %mul3A_299 : i32
      %get3A_301 = arith.constant 27 : i32
      %get3A_302 = arith.index_cast %get3A_301 : i32 to index
      %get3A_303 = arith.index_cast %mul3A_300 : i32 to index
      %get3A_304 = tpu.vector_load %arg6[%get3A_302, %get3A_303] {strides = array<i32>} : memref<50x384xi32, #tpu.memory_space<vmem>>, vector<16xi32>,
      tpu.vector_store_idx %arg7[%add3A_137, %get3A_304], %broadcast_in_dim3A_8 {add = true} : memref<384x128xf32, #tpu.memory_space<vmem>>[vector<16xi32>, vector<16xi32>], vector<16xf32>,
      %mul3A_305 = arith.constant 16 : i32
      %mul3A_306 = arith.muli %scan3A_133, %mul3A_305 : i32
      %get3A_307 = arith.constant 28 : i32
      %get3A_308 = arith.index_cast %get3A_307 : i32 to index
      %get3A_309 = arith.index_cast %mul3A_306 : i32 to index
      %get3A_310 = tpu.vector_load %arg6[%get3A_308, %get3A_309] {strides = array<i32>} : memref<50x384xi32, #tpu.memory_space<vmem>>, vector<16xi32>,
      tpu.vector_store_idx %arg7[%add3A_137, %get3A_310], %broadcast_in_dim3A_8 {add = true} : memref<384x128xf32, #tpu.memory_space<vmem>>[vector<16xi32>, vector<16xi32>], vector<16xf32>,
      %mul3A_311 = arith.constant 16 : i32
      %mul3A_312 = arith.muli %scan3A_133, %mul3A_311 : i32
      %get3A_313 = arith.constant 29 : i32
      %get3A_314 = arith.index_cast %get3A_313 : i32 to index
      %get3A_315 = arith.index_cast %mul3A_312 : i32 to index
      %get3A_316 = tpu.vector_load %arg6[%get3A_314, %get3A_315] {strides = array<i32>} : memref<50x384xi32, #tpu.memory_space<vmem>>, vector<16xi32>,
      tpu.vector_store_idx %arg7[%add3A_137, %get3A_316], %broadcast_in_dim3A_8 {add = true} : memref<384x128xf32, #tpu.memory_space<vmem>>[vector<16xi32>, vector<16xi32>], vector<16xf32>,
      %mul3A_317 = arith.constant 16 : i32
      %mul3A_318 = arith.muli %scan3A_133, %mul3A_317 : i32
      %get3A_319 = arith.constant 30 : i32
      %get3A_320 = arith.index_cast %get3A_319 : i32 to index
      %get3A_321 = arith.index_cast %mul3A_318 : i32 to index
      %get3A_322 = tpu.vector_load %arg6[%get3A_320, %get3A_321] {strides = array<i32>} : memref<50x384xi32, #tpu.memory_space<vmem>>, vector<16xi32>,
      tpu.vector_store_idx %arg7[%add3A_137, %get3A_322], %broadcast_in_dim3A_8 {add = true} : memref<384x128xf32, #tpu.memory_space<vmem>>[vector<16xi32>, vector<16xi32>], vector<16xf32>,
      %mul3A_323 = arith.constant 16 : i32
      %mul3A_324 = arith.muli %scan3A_133, %mul3A_323 : i32
      %get3A_325 = arith.constant 31 : i32
      %get3A_326 = arith.index_cast %get3A_325 : i32 to index
      %get3A_327 = arith.index_cast %mul3A_324 : i32 to index
      %get3A_328 = tpu.vector_load %arg6[%get3A_326, %get3A_327] {strides = array<i32>} : memref<50x384xi32, #tpu.memory_space<vmem>>, vector<16xi32>,
      tpu.vector_store_idx %arg7[%add3A_137, %get3A_328], %broadcast_in_dim3A_8 {add = true} : memref<384x128xf32, #tpu.memory_space<vmem>>[vector<16xi32>, vector<16xi32>], vector<16xf32>,
      %mul3A_329 = arith.constant 16 : i32
      %mul3A_330 = arith.muli %scan3A_133, %mul3A_329 : i32
      %get3A_331 = arith.constant 32 : i32
      %get3A_332 = arith.index_cast %get3A_331 : i32 to index
      %get3A_333 = arith.index_cast %mul3A_330 : i32 to index
      %get3A_334 = tpu.vector_load %arg6[%get3A_332, %get3A_333] {strides = array<i32>} : memref<50x384xi32, #tpu.memory_space<vmem>>, vector<16xi32>,
      tpu.vector_store_idx %arg7[%add3A_137, %get3A_334], %broadcast_in_dim3A_8 {add = true} : memref<384x128xf32, #tpu.memory_space<vmem>>[vector<16xi32>, vector<16xi32>], vector<16xf32>,
      %mul3A_335 = arith.constant 16 : i32
      %mul3A_336 = arith.muli %scan3A_133, %mul3A_335 : i32
      %get3A_337 = arith.constant 33 : i32
      %get3A_338 = arith.index_cast %get3A_337 : i32 to index
      %get3A_339 = arith.index_cast %mul3A_336 : i32 to index
      %get3A_340 = tpu.vector_load %arg6[%get3A_338, %get3A_339] {strides = array<i32>} : memref<50x384xi32, #tpu.memory_space<vmem>>, vector<16xi32>,
      tpu.vector_store_idx %arg7[%add3A_137, %get3A_340], %broadcast_in_dim3A_8 {add = true} : memref<384x128xf32, #tpu.memory_space<vmem>>[vector<16xi32>, vector<16xi32>], vector<16xf32>,
      %mul3A_341 = arith.constant 16 : i32
      %mul3A_342 = arith.muli %scan3A_133, %mul3A_341 : i32
      %get3A_343 = arith.constant 34 : i32
      %get3A_344 = arith.index_cast %get3A_343 : i32 to index
      %get3A_345 = arith.index_cast %mul3A_342 : i32 to index
      %get3A_346 = tpu.vector_load %arg6[%get3A_344, %get3A_345] {strides = array<i32>} : memref<50x384xi32, #tpu.memory_space<vmem>>, vector<16xi32>,
      tpu.vector_store_idx %arg7[%add3A_137, %get3A_346], %broadcast_in_dim3A_8 {add = true} : memref<384x128xf32, #tpu.memory_space<vmem>>[vector<16xi32>, vector<16xi32>], vector<16xf32>,
      %mul3A_347 = arith.constant 16 : i32
      %mul3A_348 = arith.muli %scan3A_133, %mul3A_347 : i32
      %get3A_349 = arith.constant 35 : i32
      %get3A_350 = arith.index_cast %get3A_349 : i32 to index
      %get3A_351 = arith.index_cast %mul3A_348 : i32 to index
      %get3A_352 = tpu.vector_load %arg6[%get3A_350, %get3A_351] {strides = array<i32>} : memref<50x384xi32, #tpu.memory_space<vmem>>, vector<16xi32>,
      tpu.vector_store_idx %arg7[%add3A_137, %get3A_352], %broadcast_in_dim3A_8 {add = true} : memref<384x128xf32, #tpu.memory_space<vmem>>[vector<16xi32>, vector<16xi32>], vector<16xf32>,
      %mul3A_353 = arith.constant 16 : i32
      %mul3A_354 = arith.muli %scan3A_133, %mul3A_353 : i32
      %get3A_355 = arith.constant 36 : i32
      %get3A_356 = arith.index_cast %get3A_355 : i32 to index
      %get3A_357 = arith.index_cast %mul3A_354 : i32 to index
      %get3A_358 = tpu.vector_load %arg6[%get3A_356, %get3A_357] {strides = array<i32>} : memref<50x384xi32, #tpu.memory_space<vmem>>, vector<16xi32>,
      tpu.vector_store_idx %arg7[%add3A_137, %get3A_358], %broadcast_in_dim3A_8 {add = true} : memref<384x128xf32, #tpu.memory_space<vmem>>[vector<16xi32>, vector<16xi32>], vector<16xf32>,
      %mul3A_359 = arith.constant 16 : i32
      %mul3A_360 = arith.muli %scan3A_133, %mul3A_359 : i32
      %get3A_361 = arith.constant 37 : i32
      %get3A_362 = arith.index_cast %get3A_361 : i32 to index
      %get3A_363 = arith.index_cast %mul3A_360 : i32 to index
      %get3A_364 = tpu.vector_load %arg6[%get3A_362, %get3A_363] {strides = array<i32>} : memref<50x384xi32, #tpu.memory_space<vmem>>, vector<16xi32>,
      tpu.vector_store_idx %arg7[%add3A_137, %get3A_364], %broadcast_in_dim3A_8 {add = true} : memref<384x128xf32, #tpu.memory_space<vmem>>[vector<16xi32>, vector<16xi32>], vector<16xf32>,
      %mul3A_365 = arith.constant 16 : i32
      %mul3A_366 = arith.muli %scan3A_133, %mul3A_365 : i32
      %get3A_367 = arith.constant 38 : i32
      %get3A_368 = arith.index_cast %get3A_367 : i32 to index
      %get3A_369 = arith.index_cast %mul3A_366 : i32 to index
      %get3A_370 = tpu.vector_load %arg6[%get3A_368, %get3A_369] {strides = array<i32>} : memref<50x384xi32, #tpu.memory_space<vmem>>, vector<16xi32>,
      tpu.vector_store_idx %arg7[%add3A_137, %get3A_370], %broadcast_in_dim3A_8 {add = true} : memref<384x128xf32, #tpu.memory_space<vmem>>[vector<16xi32>, vector<16xi32>], vector<16xf32>,
      %mul3A_371 = arith.constant 16 : i32
      %mul3A_372 = arith.muli %scan3A_133, %mul3A_371 : i32
      %get3A_373 = arith.constant 39 : i32
      %get3A_374 = arith.index_cast %get3A_373 : i32 to index
      %get3A_375 = arith.index_cast %mul3A_372 : i32 to index
      %get3A_376 = tpu.vector_load %arg6[%get3A_374, %get3A_375] {strides = array<i32>} : memref<50x384xi32, #tpu.memory_space<vmem>>, vector<16xi32>,
      tpu.vector_store_idx %arg7[%add3A_137, %get3A_376], %broadcast_in_dim3A_8 {add = true} : memref<384x128xf32, #tpu.memory_space<vmem>>[vector<16xi32>, vector<16xi32>], vector<16xf32>,
      %mul3A_377 = arith.constant 16 : i32
      %mul3A_378 = arith.muli %scan3A_133, %mul3A_377 : i32
      %get3A_379 = arith.constant 40 : i32
      %get3A_380 = arith.index_cast %get3A_379 : i32 to index
      %get3A_381 = arith.index_cast %mul3A_378 : i32 to index
      %get3A_382 = tpu.vector_load %arg6[%get3A_380, %get3A_381] {strides = array<i32>} : memref<50x384xi32, #tpu.memory_space<vmem>>, vector<16xi32>,
      tpu.vector_store_idx %arg7[%add3A_137, %get3A_382], %broadcast_in_dim3A_8 {add = true} : memref<384x128xf32, #tpu.memory_space<vmem>>[vector<16xi32>, vector<16xi32>], vector<16xf32>,
      %mul3A_383 = arith.constant 16 : i32
      %mul3A_384 = arith.muli %scan3A_133, %mul3A_383 : i32
      %get3A_385 = arith.constant 41 : i32
      %get3A_386 = arith.index_cast %get3A_385 : i32 to index
      %get3A_387 = arith.index_cast %mul3A_384 : i32 to index
      %get3A_388 = tpu.vector_load %arg6[%get3A_386, %get3A_387] {strides = array<i32>} : memref<50x384xi32, #tpu.memory_space<vmem>>, vector<16xi32>,
      tpu.vector_store_idx %arg7[%add3A_137, %get3A_388], %broadcast_in_dim3A_8 {add = true} : memref<384x128xf32, #tpu.memory_space<vmem>>[vector<16xi32>, vector<16xi32>], vector<16xf32>,
      %mul3A_389 = arith.constant 16 : i32
      %mul3A_390 = arith.muli %scan3A_133, %mul3A_389 : i32
      %get3A_391 = arith.constant 42 : i32
      %get3A_392 = arith.index_cast %get3A_391 : i32 to index
      %get3A_393 = arith.index_cast %mul3A_390 : i32 to index
      %get3A_394 = tpu.vector_load %arg6[%get3A_392, %get3A_393] {strides = array<i32>} : memref<50x384xi32, #tpu.memory_space<vmem>>, vector<16xi32>,
      tpu.vector_store_idx %arg7[%add3A_137, %get3A_394], %broadcast_in_dim3A_8 {add = true} : memref<384x128xf32, #tpu.memory_space<vmem>>[vector<16xi32>, vector<16xi32>], vector<16xf32>,
      %mul3A_395 = arith.constant 16 : i32
      %mul3A_396 = arith.muli %scan3A_133, %mul3A_395 : i32
      %get3A_397 = arith.constant 43 : i32
      %get3A_398 = arith.index_cast %get3A_397 : i32 to index
      %get3A_399 = arith.index_cast %mul3A_396 : i32 to index
      %get3A_400 = tpu.vector_load %arg6[%get3A_398, %get3A_399] {strides = array<i32>} : memref<50x384xi32, #tpu.memory_space<vmem>>, vector<16xi32>,
      tpu.vector_store_idx %arg7[%add3A_137, %get3A_400], %broadcast_in_dim3A_8 {add = true} : memref<384x128xf32, #tpu.memory_space<vmem>>[vector<16xi32>, vector<16xi32>], vector<16xf32>,
      %mul3A_401 = arith.constant 16 : i32
      %mul3A_402 = arith.muli %scan3A_133, %mul3A_401 : i32
      %get3A_403 = arith.constant 44 : i32
      %get3A_404 = arith.index_cast %get3A_403 : i32 to index
      %get3A_405 = arith.index_cast %mul3A_402 : i32 to index
      %get3A_406 = tpu.vector_load %arg6[%get3A_404, %get3A_405] {strides = array<i32>} : memref<50x384xi32, #tpu.memory_space<vmem>>, vector<16xi32>,
      tpu.vector_store_idx %arg7[%add3A_137, %get3A_406], %broadcast_in_dim3A_8 {add = true} : memref<384x128xf32, #tpu.memory_space<vmem>>[vector<16xi32>, vector<16xi32>], vector<16xf32>,
      %mul3A_407 = arith.constant 16 : i32
      %mul3A_408 = arith.muli %scan3A_133, %mul3A_407 : i32
      %get3A_409 = arith.constant 45 : i32
      %get3A_410 = arith.index_cast %get3A_409 : i32 to index
      %get3A_411 = arith.index_cast %mul3A_408 : i32 to index
      %get3A_412 = tpu.vector_load %arg6[%get3A_410, %get3A_411] {strides = array<i32>} : memref<50x384xi32, #tpu.memory_space<vmem>>, vector<16xi32>,
      tpu.vector_store_idx %arg7[%add3A_137, %get3A_412], %broadcast_in_dim3A_8 {add = true} : memref<384x128xf32, #tpu.memory_space<vmem>>[vector<16xi32>, vector<16xi32>], vector<16xf32>,
      %mul3A_413 = arith.constant 16 : i32
      %mul3A_414 = arith.muli %scan3A_133, %mul3A_413 : i32
      %get3A_415 = arith.constant 46 : i32
      %get3A_416 = arith.index_cast %get3A_415 : i32 to index
      %get3A_417 = arith.index_cast %mul3A_414 : i32 to index
      %get3A_418 = tpu.vector_load %arg6[%get3A_416, %get3A_417] {strides = array<i32>} : memref<50x384xi32, #tpu.memory_space<vmem>>, vector<16xi32>,
      tpu.vector_store_idx %arg7[%add3A_137, %get3A_418], %broadcast_in_dim3A_8 {add = true} : memref<384x128xf32, #tpu.memory_space<vmem>>[vector<16xi32>, vector<16xi32>], vector<16xf32>,
      %mul3A_419 = arith.constant 16 : i32
      %mul3A_420 = arith.muli %scan3A_133, %mul3A_419 : i32
      %get3A_421 = arith.constant 47 : i32
      %get3A_422 = arith.index_cast %get3A_421 : i32 to index
      %get3A_423 = arith.index_cast %mul3A_420 : i32 to index
      %get3A_424 = tpu.vector_load %arg6[%get3A_422, %get3A_423] {strides = array<i32>} : memref<50x384xi32, #tpu.memory_space<vmem>>, vector<16xi32>,
      tpu.vector_store_idx %arg7[%add3A_137, %get3A_424], %broadcast_in_dim3A_8 {add = true} : memref<384x128xf32, #tpu.memory_space<vmem>>[vector<16xi32>, vector<16xi32>], vector<16xf32>,
      %mul3A_425 = arith.constant 16 : i32
      %mul3A_426 = arith.muli %scan3A_133, %mul3A_425 : i32
      %get3A_427 = arith.constant 48 : i32
      %get3A_428 = arith.index_cast %get3A_427 : i32 to index
      %get3A_429 = arith.index_cast %mul3A_426 : i32 to index
      %get3A_430 = tpu.vector_load %arg6[%get3A_428, %get3A_429] {strides = array<i32>} : memref<50x384xi32, #tpu.memory_space<vmem>>, vector<16xi32>,
      tpu.vector_store_idx %arg7[%add3A_137, %get3A_430], %broadcast_in_dim3A_8 {add = true} : memref<384x128xf32, #tpu.memory_space<vmem>>[vector<16xi32>, vector<16xi32>], vector<16xf32>,
      %mul3A_431 = arith.constant 16 : i32
      %mul3A_432 = arith.muli %scan3A_133, %mul3A_431 : i32
      %get3A_433 = arith.constant 49 : i32
      %get3A_434 = arith.index_cast %get3A_433 : i32 to index
      %get3A_435 = arith.index_cast %mul3A_432 : i32 to index
      %get3A_436 = tpu.vector_load %arg6[%get3A_434, %get3A_435] {strides = array<i32>} : memref<50x384xi32, #tpu.memory_space<vmem>>, vector<16xi32>,
      tpu.vector_store_idx %arg7[%add3A_137, %get3A_436], %broadcast_in_dim3A_8 {add = true} : memref<384x128xf32, #tpu.memory_space<vmem>>[vector<16xi32>, vector<16xi32>], vector<16xf32>,
      %mul3A_437 = arith.constant 16 : i32
      %mul3A_438 = arith.muli %scan3A_133, %mul3A_437 : i32
      %get3A_439 = arith.index_cast %mul3A_438 : i32 to index
      %get3A_440 = tpu.vector_load %arg5[%get3A_439] {strides = array<i32>} : memref<384xi32, #tpu.memory_space<vmem>>, vector<16xi32>,
      %convert_element_type3A = arith.sitofp %get3A_440 : vector<16xi32> to vector<16xf32>
      tpu.vector_store_idx %arg7[%add3A_137, %broadcast_in_dim3A_12], %convert_element_type3A : memref<384x128xf32, #tpu.memory_space<vmem>>[vector<16xi32>, vector<16xi32>], vector<16xf32>,
    }
    %scan3A_62 = arith.constant 6 : i32
    %add3A_63 = arith.constant 192 : i32
    %add3A_64 = arith.addi %mul3A_2, %add3A_63 : i32
    %dma_start3A_65 = arith.constant 192 : i32
    %dma_start3A_66 = arith.constant 0 : i32
    %dma_start3A_67 = tpu.memref_slice %arg7[%dma_start3A_65, %dma_start3A_66] : memref<384x128xf32, #tpu.memory_space<vmem>> -> memref<96x128xf32, #tpu.memory_space<vmem>>
    %dma_start3A_68 = arith.constant 0 : i32
    %dma_start3A_69 = tpu.memref_slice %arg4[%add3A_64, %dma_start3A_68] : memref<12288x128xf32, #tpu.memory_space<hbm>> -> memref<96x128xf32, #tpu.memory_space<hbm>>
    %dma_start3A_70 = arith.constant 0 : i32
    %dma_start3A_71 = tpu.memref_slice %arg4[%add3A_64, %dma_start3A_70] : memref<12288x128xf32, #tpu.memory_space<hbm>> -> memref<96x128xf32, #tpu.memory_space<hbm>>
    %dma_start3A_72 = arith.constant 192 : i32
    %dma_start3A_73 = arith.constant 0 : i32
    %dma_start3A_74 = tpu.memref_slice %arg7[%dma_start3A_72, %dma_start3A_73] : memref<384x128xf32, #tpu.memory_space<vmem>> -> memref<96x128xf32, #tpu.memory_space<vmem>>
    tpu.enqueue_dma source(%dma_start3A_74 : memref<96x128xf32, #tpu.memory_space<vmem>>) target(%dma_start3A_71 : memref<96x128xf32, #tpu.memory_space<hbm>>) target_semaphore(%arg9 : memref<!tpu.dma_semaphore, #tpu.memory_space<semaphore_mem>>)
    %scan3A_75 = arith.constant 0 : i32
    %scan3A_76 = arith.constant 18 : i32
    %scan3A_77 = arith.constant 6 : i32
    %scan3A_78 = arith.addi %scan3A_76, %scan3A_77 : i32
    %scan3A_79 = arith.constant 1 : i32
    scf.for %scan3A_133 = %scan3A_76 to %scan3A_78 step %scan3A_79  : i32 {
      %mul3A_134 = arith.constant 16 : i32
      %mul3A_135 = arith.muli %scan3A_133, %mul3A_134 : i32
      %add3A_136 = vector.broadcast %mul3A_135 : i32 to vector<16xi32>
      %add3A_137 = arith.addi %add3A_136, %iota3A : vector<16xi32>
      %mul3A_138 = arith.constant 16 : i32
      %mul3A_139 = arith.muli %scan3A_133, %mul3A_138 : i32
      %get3A = arith.constant 0 : i32
      %get3A_140 = arith.index_cast %get3A : i32 to index
      %get3A_141 = arith.index_cast %mul3A_139 : i32 to index
      %get3A_142 = tpu.vector_load %arg6[%get3A_140, %get3A_141] {strides = array<i32>} : memref<50x384xi32, #tpu.memory_space<vmem>>, vector<16xi32>,
      tpu.vector_store_idx %arg7[%add3A_137, %get3A_142], %broadcast_in_dim3A_8 {add = true} : memref<384x128xf32, #tpu.memory_space<vmem>>[vector<16xi32>, vector<16xi32>], vector<16xf32>,
      %mul3A_143 = arith.constant 16 : i32
      %mul3A_144 = arith.muli %scan3A_133, %mul3A_143 : i32
      %get3A_145 = arith.constant 1 : i32
      %get3A_146 = arith.index_cast %get3A_145 : i32 to index
      %get3A_147 = arith.index_cast %mul3A_144 : i32 to index
      %get3A_148 = tpu.vector_load %arg6[%get3A_146, %get3A_147] {strides = array<i32>} : memref<50x384xi32, #tpu.memory_space<vmem>>, vector<16xi32>,
      tpu.vector_store_idx %arg7[%add3A_137, %get3A_148], %broadcast_in_dim3A_8 {add = true} : memref<384x128xf32, #tpu.memory_space<vmem>>[vector<16xi32>, vector<16xi32>], vector<16xf32>,
      %mul3A_149 = arith.constant 16 : i32
      %mul3A_150 = arith.muli %scan3A_133, %mul3A_149 : i32
      %get3A_151 = arith.constant 2 : i32
      %get3A_152 = arith.index_cast %get3A_151 : i32 to index
      %get3A_153 = arith.index_cast %mul3A_150 : i32 to index
      %get3A_154 = tpu.vector_load %arg6[%get3A_152, %get3A_153] {strides = array<i32>} : memref<50x384xi32, #tpu.memory_space<vmem>>, vector<16xi32>,
      tpu.vector_store_idx %arg7[%add3A_137, %get3A_154], %broadcast_in_dim3A_8 {add = true} : memref<384x128xf32, #tpu.memory_space<vmem>>[vector<16xi32>, vector<16xi32>], vector<16xf32>,
      %mul3A_155 = arith.constant 16 : i32
      %mul3A_156 = arith.muli %scan3A_133, %mul3A_155 : i32
      %get3A_157 = arith.constant 3 : i32
      %get3A_158 = arith.index_cast %get3A_157 : i32 to index
      %get3A_159 = arith.index_cast %mul3A_156 : i32 to index
      %get3A_160 = tpu.vector_load %arg6[%get3A_158, %get3A_159] {strides = array<i32>} : memref<50x384xi32, #tpu.memory_space<vmem>>, vector<16xi32>,
      tpu.vector_store_idx %arg7[%add3A_137, %get3A_160], %broadcast_in_dim3A_8 {add = true} : memref<384x128xf32, #tpu.memory_space<vmem>>[vector<16xi32>, vector<16xi32>], vector<16xf32>,
      %mul3A_161 = arith.constant 16 : i32
      %mul3A_162 = arith.muli %scan3A_133, %mul3A_161 : i32
      %get3A_163 = arith.constant 4 : i32
      %get3A_164 = arith.index_cast %get3A_163 : i32 to index
      %get3A_165 = arith.index_cast %mul3A_162 : i32 to index
      %get3A_166 = tpu.vector_load %arg6[%get3A_164, %get3A_165] {strides = array<i32>} : memref<50x384xi32, #tpu.memory_space<vmem>>, vector<16xi32>,
      tpu.vector_store_idx %arg7[%add3A_137, %get3A_166], %broadcast_in_dim3A_8 {add = true} : memref<384x128xf32, #tpu.memory_space<vmem>>[vector<16xi32>, vector<16xi32>], vector<16xf32>,
      %mul3A_167 = arith.constant 16 : i32
      %mul3A_168 = arith.muli %scan3A_133, %mul3A_167 : i32
      %get3A_169 = arith.constant 5 : i32
      %get3A_170 = arith.index_cast %get3A_169 : i32 to index
      %get3A_171 = arith.index_cast %mul3A_168 : i32 to index
      %get3A_172 = tpu.vector_load %arg6[%get3A_170, %get3A_171] {strides = array<i32>} : memref<50x384xi32, #tpu.memory_space<vmem>>, vector<16xi32>,
      tpu.vector_store_idx %arg7[%add3A_137, %get3A_172], %broadcast_in_dim3A_8 {add = true} : memref<384x128xf32, #tpu.memory_space<vmem>>[vector<16xi32>, vector<16xi32>], vector<16xf32>,
      %mul3A_173 = arith.constant 16 : i32
      %mul3A_174 = arith.muli %scan3A_133, %mul3A_173 : i32
      %get3A_175 = arith.constant 6 : i32
      %get3A_176 = arith.index_cast %get3A_175 : i32 to index
      %get3A_177 = arith.index_cast %mul3A_174 : i32 to index
      %get3A_178 = tpu.vector_load %arg6[%get3A_176, %get3A_177] {strides = array<i32>} : memref<50x384xi32, #tpu.memory_space<vmem>>, vector<16xi32>,
      tpu.vector_store_idx %arg7[%add3A_137, %get3A_178], %broadcast_in_dim3A_8 {add = true} : memref<384x128xf32, #tpu.memory_space<vmem>>[vector<16xi32>, vector<16xi32>], vector<16xf32>,
      %mul3A_179 = arith.constant 16 : i32
      %mul3A_180 = arith.muli %scan3A_133, %mul3A_179 : i32
      %get3A_181 = arith.constant 7 : i32
      %get3A_182 = arith.index_cast %get3A_181 : i32 to index
      %get3A_183 = arith.index_cast %mul3A_180 : i32 to index
      %get3A_184 = tpu.vector_load %arg6[%get3A_182, %get3A_183] {strides = array<i32>} : memref<50x384xi32, #tpu.memory_space<vmem>>, vector<16xi32>,
      tpu.vector_store_idx %arg7[%add3A_137, %get3A_184], %broadcast_in_dim3A_8 {add = true} : memref<384x128xf32, #tpu.memory_space<vmem>>[vector<16xi32>, vector<16xi32>], vector<16xf32>,
      %mul3A_185 = arith.constant 16 : i32
      %mul3A_186 = arith.muli %scan3A_133, %mul3A_185 : i32
      %get3A_187 = arith.constant 8 : i32
      %get3A_188 = arith.index_cast %get3A_187 : i32 to index
      %get3A_189 = arith.index_cast %mul3A_186 : i32 to index
      %get3A_190 = tpu.vector_load %arg6[%get3A_188, %get3A_189] {strides = array<i32>} : memref<50x384xi32, #tpu.memory_space<vmem>>, vector<16xi32>,
      tpu.vector_store_idx %arg7[%add3A_137, %get3A_190], %broadcast_in_dim3A_8 {add = true} : memref<384x128xf32, #tpu.memory_space<vmem>>[vector<16xi32>, vector<16xi32>], vector<16xf32>,
      %mul3A_191 = arith.constant 16 : i32
      %mul3A_192 = arith.muli %scan3A_133, %mul3A_191 : i32
      %get3A_193 = arith.constant 9 : i32
      %get3A_194 = arith.index_cast %get3A_193 : i32 to index
      %get3A_195 = arith.index_cast %mul3A_192 : i32 to index
      %get3A_196 = tpu.vector_load %arg6[%get3A_194, %get3A_195] {strides = array<i32>} : memref<50x384xi32, #tpu.memory_space<vmem>>, vector<16xi32>,
      tpu.vector_store_idx %arg7[%add3A_137, %get3A_196], %broadcast_in_dim3A_8 {add = true} : memref<384x128xf32, #tpu.memory_space<vmem>>[vector<16xi32>, vector<16xi32>], vector<16xf32>,
      %mul3A_197 = arith.constant 16 : i32
      %mul3A_198 = arith.muli %scan3A_133, %mul3A_197 : i32
      %get3A_199 = arith.constant 10 : i32
      %get3A_200 = arith.index_cast %get3A_199 : i32 to index
      %get3A_201 = arith.index_cast %mul3A_198 : i32 to index
      %get3A_202 = tpu.vector_load %arg6[%get3A_200, %get3A_201] {strides = array<i32>} : memref<50x384xi32, #tpu.memory_space<vmem>>, vector<16xi32>,
      tpu.vector_store_idx %arg7[%add3A_137, %get3A_202], %broadcast_in_dim3A_8 {add = true} : memref<384x128xf32, #tpu.memory_space<vmem>>[vector<16xi32>, vector<16xi32>], vector<16xf32>,
      %mul3A_203 = arith.constant 16 : i32
      %mul3A_204 = arith.muli %scan3A_133, %mul3A_203 : i32
      %get3A_205 = arith.constant 11 : i32
      %get3A_206 = arith.index_cast %get3A_205 : i32 to index
      %get3A_207 = arith.index_cast %mul3A_204 : i32 to index
      %get3A_208 = tpu.vector_load %arg6[%get3A_206, %get3A_207] {strides = array<i32>} : memref<50x384xi32, #tpu.memory_space<vmem>>, vector<16xi32>,
      tpu.vector_store_idx %arg7[%add3A_137, %get3A_208], %broadcast_in_dim3A_8 {add = true} : memref<384x128xf32, #tpu.memory_space<vmem>>[vector<16xi32>, vector<16xi32>], vector<16xf32>,
      %mul3A_209 = arith.constant 16 : i32
      %mul3A_210 = arith.muli %scan3A_133, %mul3A_209 : i32
      %get3A_211 = arith.constant 12 : i32
      %get3A_212 = arith.index_cast %get3A_211 : i32 to index
      %get3A_213 = arith.index_cast %mul3A_210 : i32 to index
      %get3A_214 = tpu.vector_load %arg6[%get3A_212, %get3A_213] {strides = array<i32>} : memref<50x384xi32, #tpu.memory_space<vmem>>, vector<16xi32>,
      tpu.vector_store_idx %arg7[%add3A_137, %get3A_214], %broadcast_in_dim3A_8 {add = true} : memref<384x128xf32, #tpu.memory_space<vmem>>[vector<16xi32>, vector<16xi32>], vector<16xf32>,
      %mul3A_215 = arith.constant 16 : i32
      %mul3A_216 = arith.muli %scan3A_133, %mul3A_215 : i32
      %get3A_217 = arith.constant 13 : i32
      %get3A_218 = arith.index_cast %get3A_217 : i32 to index
      %get3A_219 = arith.index_cast %mul3A_216 : i32 to index
      %get3A_220 = tpu.vector_load %arg6[%get3A_218, %get3A_219] {strides = array<i32>} : memref<50x384xi32, #tpu.memory_space<vmem>>, vector<16xi32>,
      tpu.vector_store_idx %arg7[%add3A_137, %get3A_220], %broadcast_in_dim3A_8 {add = true} : memref<384x128xf32, #tpu.memory_space<vmem>>[vector<16xi32>, vector<16xi32>], vector<16xf32>,
      %mul3A_221 = arith.constant 16 : i32
      %mul3A_222 = arith.muli %scan3A_133, %mul3A_221 : i32
      %get3A_223 = arith.constant 14 : i32
      %get3A_224 = arith.index_cast %get3A_223 : i32 to index
      %get3A_225 = arith.index_cast %mul3A_222 : i32 to index
      %get3A_226 = tpu.vector_load %arg6[%get3A_224, %get3A_225] {strides = array<i32>} : memref<50x384xi32, #tpu.memory_space<vmem>>, vector<16xi32>,
      tpu.vector_store_idx %arg7[%add3A_137, %get3A_226], %broadcast_in_dim3A_8 {add = true} : memref<384x128xf32, #tpu.memory_space<vmem>>[vector<16xi32>, vector<16xi32>], vector<16xf32>,
      %mul3A_227 = arith.constant 16 : i32
      %mul3A_228 = arith.muli %scan3A_133, %mul3A_227 : i32
      %get3A_229 = arith.constant 15 : i32
      %get3A_230 = arith.index_cast %get3A_229 : i32 to index
      %get3A_231 = arith.index_cast %mul3A_228 : i32 to index
      %get3A_232 = tpu.vector_load %arg6[%get3A_230, %get3A_231] {strides = array<i32>} : memref<50x384xi32, #tpu.memory_space<vmem>>, vector<16xi32>,
      tpu.vector_store_idx %arg7[%add3A_137, %get3A_232], %broadcast_in_dim3A_8 {add = true} : memref<384x128xf32, #tpu.memory_space<vmem>>[vector<16xi32>, vector<16xi32>], vector<16xf32>,
      %mul3A_233 = arith.constant 16 : i32
      %mul3A_234 = arith.muli %scan3A_133, %mul3A_233 : i32
      %get3A_235 = arith.constant 16 : i32
      %get3A_236 = arith.index_cast %get3A_235 : i32 to index
      %get3A_237 = arith.index_cast %mul3A_234 : i32 to index
      %get3A_238 = tpu.vector_load %arg6[%get3A_236, %get3A_237] {strides = array<i32>} : memref<50x384xi32, #tpu.memory_space<vmem>>, vector<16xi32>,
      tpu.vector_store_idx %arg7[%add3A_137, %get3A_238], %broadcast_in_dim3A_8 {add = true} : memref<384x128xf32, #tpu.memory_space<vmem>>[vector<16xi32>, vector<16xi32>], vector<16xf32>,
      %mul3A_239 = arith.constant 16 : i32
      %mul3A_240 = arith.muli %scan3A_133, %mul3A_239 : i32
      %get3A_241 = arith.constant 17 : i32
      %get3A_242 = arith.index_cast %get3A_241 : i32 to index
      %get3A_243 = arith.index_cast %mul3A_240 : i32 to index
      %get3A_244 = tpu.vector_load %arg6[%get3A_242, %get3A_243] {strides = array<i32>} : memref<50x384xi32, #tpu.memory_space<vmem>>, vector<16xi32>,
      tpu.vector_store_idx %arg7[%add3A_137, %get3A_244], %broadcast_in_dim3A_8 {add = true} : memref<384x128xf32, #tpu.memory_space<vmem>>[vector<16xi32>, vector<16xi32>], vector<16xf32>,
      %mul3A_245 = arith.constant 16 : i32
      %mul3A_246 = arith.muli %scan3A_133, %mul3A_245 : i32
      %get3A_247 = arith.constant 18 : i32
      %get3A_248 = arith.index_cast %get3A_247 : i32 to index
      %get3A_249 = arith.index_cast %mul3A_246 : i32 to index
      %get3A_250 = tpu.vector_load %arg6[%get3A_248, %get3A_249] {strides = array<i32>} : memref<50x384xi32, #tpu.memory_space<vmem>>, vector<16xi32>,
      tpu.vector_store_idx %arg7[%add3A_137, %get3A_250], %broadcast_in_dim3A_8 {add = true} : memref<384x128xf32, #tpu.memory_space<vmem>>[vector<16xi32>, vector<16xi32>], vector<16xf32>,
      %mul3A_251 = arith.constant 16 : i32
      %mul3A_252 = arith.muli %scan3A_133, %mul3A_251 : i32
      %get3A_253 = arith.constant 19 : i32
      %get3A_254 = arith.index_cast %get3A_253 : i32 to index
      %get3A_255 = arith.index_cast %mul3A_252 : i32 to index
      %get3A_256 = tpu.vector_load %arg6[%get3A_254, %get3A_255] {strides = array<i32>} : memref<50x384xi32, #tpu.memory_space<vmem>>, vector<16xi32>,
      tpu.vector_store_idx %arg7[%add3A_137, %get3A_256], %broadcast_in_dim3A_8 {add = true} : memref<384x128xf32, #tpu.memory_space<vmem>>[vector<16xi32>, vector<16xi32>], vector<16xf32>,
      %mul3A_257 = arith.constant 16 : i32
      %mul3A_258 = arith.muli %scan3A_133, %mul3A_257 : i32
      %get3A_259 = arith.constant 20 : i32
      %get3A_260 = arith.index_cast %get3A_259 : i32 to index
      %get3A_261 = arith.index_cast %mul3A_258 : i32 to index
      %get3A_262 = tpu.vector_load %arg6[%get3A_260, %get3A_261] {strides = array<i32>} : memref<50x384xi32, #tpu.memory_space<vmem>>, vector<16xi32>,
      tpu.vector_store_idx %arg7[%add3A_137, %get3A_262], %broadcast_in_dim3A_8 {add = true} : memref<384x128xf32, #tpu.memory_space<vmem>>[vector<16xi32>, vector<16xi32>], vector<16xf32>,
      %mul3A_263 = arith.constant 16 : i32
      %mul3A_264 = arith.muli %scan3A_133, %mul3A_263 : i32
      %get3A_265 = arith.constant 21 : i32
      %get3A_266 = arith.index_cast %get3A_265 : i32 to index
      %get3A_267 = arith.index_cast %mul3A_264 : i32 to index
      %get3A_268 = tpu.vector_load %arg6[%get3A_266, %get3A_267] {strides = array<i32>} : memref<50x384xi32, #tpu.memory_space<vmem>>, vector<16xi32>,
      tpu.vector_store_idx %arg7[%add3A_137, %get3A_268], %broadcast_in_dim3A_8 {add = true} : memref<384x128xf32, #tpu.memory_space<vmem>>[vector<16xi32>, vector<16xi32>], vector<16xf32>,
      %mul3A_269 = arith.constant 16 : i32
      %mul3A_270 = arith.muli %scan3A_133, %mul3A_269 : i32
      %get3A_271 = arith.constant 22 : i32
      %get3A_272 = arith.index_cast %get3A_271 : i32 to index
      %get3A_273 = arith.index_cast %mul3A_270 : i32 to index
      %get3A_274 = tpu.vector_load %arg6[%get3A_272, %get3A_273] {strides = array<i32>} : memref<50x384xi32, #tpu.memory_space<vmem>>, vector<16xi32>,
      tpu.vector_store_idx %arg7[%add3A_137, %get3A_274], %broadcast_in_dim3A_8 {add = true} : memref<384x128xf32, #tpu.memory_space<vmem>>[vector<16xi32>, vector<16xi32>], vector<16xf32>,
      %mul3A_275 = arith.constant 16 : i32
      %mul3A_276 = arith.muli %scan3A_133, %mul3A_275 : i32
      %get3A_277 = arith.constant 23 : i32
      %get3A_278 = arith.index_cast %get3A_277 : i32 to index
      %get3A_279 = arith.index_cast %mul3A_276 : i32 to index
      %get3A_280 = tpu.vector_load %arg6[%get3A_278, %get3A_279] {strides = array<i32>} : memref<50x384xi32, #tpu.memory_space<vmem>>, vector<16xi32>,
      tpu.vector_store_idx %arg7[%add3A_137, %get3A_280], %broadcast_in_dim3A_8 {add = true} : memref<384x128xf32, #tpu.memory_space<vmem>>[vector<16xi32>, vector<16xi32>], vector<16xf32>,
      %mul3A_281 = arith.constant 16 : i32
      %mul3A_282 = arith.muli %scan3A_133, %mul3A_281 : i32
      %get3A_283 = arith.constant 24 : i32
      %get3A_284 = arith.index_cast %get3A_283 : i32 to index
      %get3A_285 = arith.index_cast %mul3A_282 : i32 to index
      %get3A_286 = tpu.vector_load %arg6[%get3A_284, %get3A_285] {strides = array<i32>} : memref<50x384xi32, #tpu.memory_space<vmem>>, vector<16xi32>,
      tpu.vector_store_idx %arg7[%add3A_137, %get3A_286], %broadcast_in_dim3A_8 {add = true} : memref<384x128xf32, #tpu.memory_space<vmem>>[vector<16xi32>, vector<16xi32>], vector<16xf32>,
      %mul3A_287 = arith.constant 16 : i32
      %mul3A_288 = arith.muli %scan3A_133, %mul3A_287 : i32
      %get3A_289 = arith.constant 25 : i32
      %get3A_290 = arith.index_cast %get3A_289 : i32 to index
      %get3A_291 = arith.index_cast %mul3A_288 : i32 to index
      %get3A_292 = tpu.vector_load %arg6[%get3A_290, %get3A_291] {strides = array<i32>} : memref<50x384xi32, #tpu.memory_space<vmem>>, vector<16xi32>,
      tpu.vector_store_idx %arg7[%add3A_137, %get3A_292], %broadcast_in_dim3A_8 {add = true} : memref<384x128xf32, #tpu.memory_space<vmem>>[vector<16xi32>, vector<16xi32>], vector<16xf32>,
      %mul3A_293 = arith.constant 16 : i32
      %mul3A_294 = arith.muli %scan3A_133, %mul3A_293 : i32
      %get3A_295 = arith.constant 26 : i32
      %get3A_296 = arith.index_cast %get3A_295 : i32 to index
      %get3A_297 = arith.index_cast %mul3A_294 : i32 to index
      %get3A_298 = tpu.vector_load %arg6[%get3A_296, %get3A_297] {strides = array<i32>} : memref<50x384xi32, #tpu.memory_space<vmem>>, vector<16xi32>,
      tpu.vector_store_idx %arg7[%add3A_137, %get3A_298], %broadcast_in_dim3A_8 {add = true} : memref<384x128xf32, #tpu.memory_space<vmem>>[vector<16xi32>, vector<16xi32>], vector<16xf32>,
      %mul3A_299 = arith.constant 16 : i32
      %mul3A_300 = arith.muli %scan3A_133, %mul3A_299 : i32
      %get3A_301 = arith.constant 27 : i32
      %get3A_302 = arith.index_cast %get3A_301 : i32 to index
      %get3A_303 = arith.index_cast %mul3A_300 : i32 to index
      %get3A_304 = tpu.vector_load %arg6[%get3A_302, %get3A_303] {strides = array<i32>} : memref<50x384xi32, #tpu.memory_space<vmem>>, vector<16xi32>,
      tpu.vector_store_idx %arg7[%add3A_137, %get3A_304], %broadcast_in_dim3A_8 {add = true} : memref<384x128xf32, #tpu.memory_space<vmem>>[vector<16xi32>, vector<16xi32>], vector<16xf32>,
      %mul3A_305 = arith.constant 16 : i32
      %mul3A_306 = arith.muli %scan3A_133, %mul3A_305 : i32
      %get3A_307 = arith.constant 28 : i32
      %get3A_308 = arith.index_cast %get3A_307 : i32 to index
      %get3A_309 = arith.index_cast %mul3A_306 : i32 to index
      %get3A_310 = tpu.vector_load %arg6[%get3A_308, %get3A_309] {strides = array<i32>} : memref<50x384xi32, #tpu.memory_space<vmem>>, vector<16xi32>,
      tpu.vector_store_idx %arg7[%add3A_137, %get3A_310], %broadcast_in_dim3A_8 {add = true} : memref<384x128xf32, #tpu.memory_space<vmem>>[vector<16xi32>, vector<16xi32>], vector<16xf32>,
      %mul3A_311 = arith.constant 16 : i32
      %mul3A_312 = arith.muli %scan3A_133, %mul3A_311 : i32
      %get3A_313 = arith.constant 29 : i32
      %get3A_314 = arith.index_cast %get3A_313 : i32 to index
      %get3A_315 = arith.index_cast %mul3A_312 : i32 to index
      %get3A_316 = tpu.vector_load %arg6[%get3A_314, %get3A_315] {strides = array<i32>} : memref<50x384xi32, #tpu.memory_space<vmem>>, vector<16xi32>,
      tpu.vector_store_idx %arg7[%add3A_137, %get3A_316], %broadcast_in_dim3A_8 {add = true} : memref<384x128xf32, #tpu.memory_space<vmem>>[vector<16xi32>, vector<16xi32>], vector<16xf32>,
      %mul3A_317 = arith.constant 16 : i32
      %mul3A_318 = arith.muli %scan3A_133, %mul3A_317 : i32
      %get3A_319 = arith.constant 30 : i32
      %get3A_320 = arith.index_cast %get3A_319 : i32 to index
      %get3A_321 = arith.index_cast %mul3A_318 : i32 to index
      %get3A_322 = tpu.vector_load %arg6[%get3A_320, %get3A_321] {strides = array<i32>} : memref<50x384xi32, #tpu.memory_space<vmem>>, vector<16xi32>,
      tpu.vector_store_idx %arg7[%add3A_137, %get3A_322], %broadcast_in_dim3A_8 {add = true} : memref<384x128xf32, #tpu.memory_space<vmem>>[vector<16xi32>, vector<16xi32>], vector<16xf32>,
      %mul3A_323 = arith.constant 16 : i32
      %mul3A_324 = arith.muli %scan3A_133, %mul3A_323 : i32
      %get3A_325 = arith.constant 31 : i32
      %get3A_326 = arith.index_cast %get3A_325 : i32 to index
      %get3A_327 = arith.index_cast %mul3A_324 : i32 to index
      %get3A_328 = tpu.vector_load %arg6[%get3A_326, %get3A_327] {strides = array<i32>} : memref<50x384xi32, #tpu.memory_space<vmem>>, vector<16xi32>,
      tpu.vector_store_idx %arg7[%add3A_137, %get3A_328], %broadcast_in_dim3A_8 {add = true} : memref<384x128xf32, #tpu.memory_space<vmem>>[vector<16xi32>, vector<16xi32>], vector<16xf32>,
      %mul3A_329 = arith.constant 16 : i32
      %mul3A_330 = arith.muli %scan3A_133, %mul3A_329 : i32
      %get3A_331 = arith.constant 32 : i32
      %get3A_332 = arith.index_cast %get3A_331 : i32 to index
      %get3A_333 = arith.index_cast %mul3A_330 : i32 to index
      %get3A_334 = tpu.vector_load %arg6[%get3A_332, %get3A_333] {strides = array<i32>} : memref<50x384xi32, #tpu.memory_space<vmem>>, vector<16xi32>,
      tpu.vector_store_idx %arg7[%add3A_137, %get3A_334], %broadcast_in_dim3A_8 {add = true} : memref<384x128xf32, #tpu.memory_space<vmem>>[vector<16xi32>, vector<16xi32>], vector<16xf32>,
      %mul3A_335 = arith.constant 16 : i32
      %mul3A_336 = arith.muli %scan3A_133, %mul3A_335 : i32
      %get3A_337 = arith.constant 33 : i32
      %get3A_338 = arith.index_cast %get3A_337 : i32 to index
      %get3A_339 = arith.index_cast %mul3A_336 : i32 to index
      %get3A_340 = tpu.vector_load %arg6[%get3A_338, %get3A_339] {strides = array<i32>} : memref<50x384xi32, #tpu.memory_space<vmem>>, vector<16xi32>,
      tpu.vector_store_idx %arg7[%add3A_137, %get3A_340], %broadcast_in_dim3A_8 {add = true} : memref<384x128xf32, #tpu.memory_space<vmem>>[vector<16xi32>, vector<16xi32>], vector<16xf32>,
      %mul3A_341 = arith.constant 16 : i32
      %mul3A_342 = arith.muli %scan3A_133, %mul3A_341 : i32
      %get3A_343 = arith.constant 34 : i32
      %get3A_344 = arith.index_cast %get3A_343 : i32 to index
      %get3A_345 = arith.index_cast %mul3A_342 : i32 to index
      %get3A_346 = tpu.vector_load %arg6[%get3A_344, %get3A_345] {strides = array<i32>} : memref<50x384xi32, #tpu.memory_space<vmem>>, vector<16xi32>,
      tpu.vector_store_idx %arg7[%add3A_137, %get3A_346], %broadcast_in_dim3A_8 {add = true} : memref<384x128xf32, #tpu.memory_space<vmem>>[vector<16xi32>, vector<16xi32>], vector<16xf32>,
      %mul3A_347 = arith.constant 16 : i32
      %mul3A_348 = arith.muli %scan3A_133, %mul3A_347 : i32
      %get3A_349 = arith.constant 35 : i32
      %get3A_350 = arith.index_cast %get3A_349 : i32 to index
      %get3A_351 = arith.index_cast %mul3A_348 : i32 to index
      %get3A_352 = tpu.vector_load %arg6[%get3A_350, %get3A_351] {strides = array<i32>} : memref<50x384xi32, #tpu.memory_space<vmem>>, vector<16xi32>,
      tpu.vector_store_idx %arg7[%add3A_137, %get3A_352], %broadcast_in_dim3A_8 {add = true} : memref<384x128xf32, #tpu.memory_space<vmem>>[vector<16xi32>, vector<16xi32>], vector<16xf32>,
      %mul3A_353 = arith.constant 16 : i32
      %mul3A_354 = arith.muli %scan3A_133, %mul3A_353 : i32
      %get3A_355 = arith.constant 36 : i32
      %get3A_356 = arith.index_cast %get3A_355 : i32 to index
      %get3A_357 = arith.index_cast %mul3A_354 : i32 to index
      %get3A_358 = tpu.vector_load %arg6[%get3A_356, %get3A_357] {strides = array<i32>} : memref<50x384xi32, #tpu.memory_space<vmem>>, vector<16xi32>,
      tpu.vector_store_idx %arg7[%add3A_137, %get3A_358], %broadcast_in_dim3A_8 {add = true} : memref<384x128xf32, #tpu.memory_space<vmem>>[vector<16xi32>, vector<16xi32>], vector<16xf32>,
      %mul3A_359 = arith.constant 16 : i32
      %mul3A_360 = arith.muli %scan3A_133, %mul3A_359 : i32
      %get3A_361 = arith.constant 37 : i32
      %get3A_362 = arith.index_cast %get3A_361 : i32 to index
      %get3A_363 = arith.index_cast %mul3A_360 : i32 to index
      %get3A_364 = tpu.vector_load %arg6[%get3A_362, %get3A_363] {strides = array<i32>} : memref<50x384xi32, #tpu.memory_space<vmem>>, vector<16xi32>,
      tpu.vector_store_idx %arg7[%add3A_137, %get3A_364], %broadcast_in_dim3A_8 {add = true} : memref<384x128xf32, #tpu.memory_space<vmem>>[vector<16xi32>, vector<16xi32>], vector<16xf32>,
      %mul3A_365 = arith.constant 16 : i32
      %mul3A_366 = arith.muli %scan3A_133, %mul3A_365 : i32
      %get3A_367 = arith.constant 38 : i32
      %get3A_368 = arith.index_cast %get3A_367 : i32 to index
      %get3A_369 = arith.index_cast %mul3A_366 : i32 to index
      %get3A_370 = tpu.vector_load %arg6[%get3A_368, %get3A_369] {strides = array<i32>} : memref<50x384xi32, #tpu.memory_space<vmem>>, vector<16xi32>,
      tpu.vector_store_idx %arg7[%add3A_137, %get3A_370], %broadcast_in_dim3A_8 {add = true} : memref<384x128xf32, #tpu.memory_space<vmem>>[vector<16xi32>, vector<16xi32>], vector<16xf32>,
      %mul3A_371 = arith.constant 16 : i32
      %mul3A_372 = arith.muli %scan3A_133, %mul3A_371 : i32
      %get3A_373 = arith.constant 39 : i32
      %get3A_374 = arith.index_cast %get3A_373 : i32 to index
      %get3A_375 = arith.index_cast %mul3A_372 : i32 to index
      %get3A_376 = tpu.vector_load %arg6[%get3A_374, %get3A_375] {strides = array<i32>} : memref<50x384xi32, #tpu.memory_space<vmem>>, vector<16xi32>,
      tpu.vector_store_idx %arg7[%add3A_137, %get3A_376], %broadcast_in_dim3A_8 {add = true} : memref<384x128xf32, #tpu.memory_space<vmem>>[vector<16xi32>, vector<16xi32>], vector<16xf32>,
      %mul3A_377 = arith.constant 16 : i32
      %mul3A_378 = arith.muli %scan3A_133, %mul3A_377 : i32
      %get3A_379 = arith.constant 40 : i32
      %get3A_380 = arith.index_cast %get3A_379 : i32 to index
      %get3A_381 = arith.index_cast %mul3A_378 : i32 to index
      %get3A_382 = tpu.vector_load %arg6[%get3A_380, %get3A_381] {strides = array<i32>} : memref<50x384xi32, #tpu.memory_space<vmem>>, vector<16xi32>,
      tpu.vector_store_idx %arg7[%add3A_137, %get3A_382], %broadcast_in_dim3A_8 {add = true} : memref<384x128xf32, #tpu.memory_space<vmem>>[vector<16xi32>, vector<16xi32>], vector<16xf32>,
      %mul3A_383 = arith.constant 16 : i32
      %mul3A_384 = arith.muli %scan3A_133, %mul3A_383 : i32
      %get3A_385 = arith.constant 41 : i32
      %get3A_386 = arith.index_cast %get3A_385 : i32 to index
      %get3A_387 = arith.index_cast %mul3A_384 : i32 to index
      %get3A_388 = tpu.vector_load %arg6[%get3A_386, %get3A_387] {strides = array<i32>} : memref<50x384xi32, #tpu.memory_space<vmem>>, vector<16xi32>,
      tpu.vector_store_idx %arg7[%add3A_137, %get3A_388], %broadcast_in_dim3A_8 {add = true} : memref<384x128xf32, #tpu.memory_space<vmem>>[vector<16xi32>, vector<16xi32>], vector<16xf32>,
      %mul3A_389 = arith.constant 16 : i32
      %mul3A_390 = arith.muli %scan3A_133, %mul3A_389 : i32
      %get3A_391 = arith.constant 42 : i32
      %get3A_392 = arith.index_cast %get3A_391 : i32 to index
      %get3A_393 = arith.index_cast %mul3A_390 : i32 to index
      %get3A_394 = tpu.vector_load %arg6[%get3A_392, %get3A_393] {strides = array<i32>} : memref<50x384xi32, #tpu.memory_space<vmem>>, vector<16xi32>,
      tpu.vector_store_idx %arg7[%add3A_137, %get3A_394], %broadcast_in_dim3A_8 {add = true} : memref<384x128xf32, #tpu.memory_space<vmem>>[vector<16xi32>, vector<16xi32>], vector<16xf32>,
      %mul3A_395 = arith.constant 16 : i32
      %mul3A_396 = arith.muli %scan3A_133, %mul3A_395 : i32
      %get3A_397 = arith.constant 43 : i32
      %get3A_398 = arith.index_cast %get3A_397 : i32 to index
      %get3A_399 = arith.index_cast %mul3A_396 : i32 to index
      %get3A_400 = tpu.vector_load %arg6[%get3A_398, %get3A_399] {strides = array<i32>} : memref<50x384xi32, #tpu.memory_space<vmem>>, vector<16xi32>,
      tpu.vector_store_idx %arg7[%add3A_137, %get3A_400], %broadcast_in_dim3A_8 {add = true} : memref<384x128xf32, #tpu.memory_space<vmem>>[vector<16xi32>, vector<16xi32>], vector<16xf32>,
      %mul3A_401 = arith.constant 16 : i32
      %mul3A_402 = arith.muli %scan3A_133, %mul3A_401 : i32
      %get3A_403 = arith.constant 44 : i32
      %get3A_404 = arith.index_cast %get3A_403 : i32 to index
      %get3A_405 = arith.index_cast %mul3A_402 : i32 to index
      %get3A_406 = tpu.vector_load %arg6[%get3A_404, %get3A_405] {strides = array<i32>} : memref<50x384xi32, #tpu.memory_space<vmem>>, vector<16xi32>,
      tpu.vector_store_idx %arg7[%add3A_137, %get3A_406], %broadcast_in_dim3A_8 {add = true} : memref<384x128xf32, #tpu.memory_space<vmem>>[vector<16xi32>, vector<16xi32>], vector<16xf32>,
      %mul3A_407 = arith.constant 16 : i32
      %mul3A_408 = arith.muli %scan3A_133, %mul3A_407 : i32
      %get3A_409 = arith.constant 45 : i32
      %get3A_410 = arith.index_cast %get3A_409 : i32 to index
      %get3A_411 = arith.index_cast %mul3A_408 : i32 to index
      %get3A_412 = tpu.vector_load %arg6[%get3A_410, %get3A_411] {strides = array<i32>} : memref<50x384xi32, #tpu.memory_space<vmem>>, vector<16xi32>,
      tpu.vector_store_idx %arg7[%add3A_137, %get3A_412], %broadcast_in_dim3A_8 {add = true} : memref<384x128xf32, #tpu.memory_space<vmem>>[vector<16xi32>, vector<16xi32>], vector<16xf32>,
      %mul3A_413 = arith.constant 16 : i32
      %mul3A_414 = arith.muli %scan3A_133, %mul3A_413 : i32
      %get3A_415 = arith.constant 46 : i32
      %get3A_416 = arith.index_cast %get3A_415 : i32 to index
      %get3A_417 = arith.index_cast %mul3A_414 : i32 to index
      %get3A_418 = tpu.vector_load %arg6[%get3A_416, %get3A_417] {strides = array<i32>} : memref<50x384xi32, #tpu.memory_space<vmem>>, vector<16xi32>,
      tpu.vector_store_idx %arg7[%add3A_137, %get3A_418], %broadcast_in_dim3A_8 {add = true} : memref<384x128xf32, #tpu.memory_space<vmem>>[vector<16xi32>, vector<16xi32>], vector<16xf32>,
      %mul3A_419 = arith.constant 16 : i32
      %mul3A_420 = arith.muli %scan3A_133, %mul3A_419 : i32
      %get3A_421 = arith.constant 47 : i32
      %get3A_422 = arith.index_cast %get3A_421 : i32 to index
      %get3A_423 = arith.index_cast %mul3A_420 : i32 to index
      %get3A_424 = tpu.vector_load %arg6[%get3A_422, %get3A_423] {strides = array<i32>} : memref<50x384xi32, #tpu.memory_space<vmem>>, vector<16xi32>,
      tpu.vector_store_idx %arg7[%add3A_137, %get3A_424], %broadcast_in_dim3A_8 {add = true} : memref<384x128xf32, #tpu.memory_space<vmem>>[vector<16xi32>, vector<16xi32>], vector<16xf32>,
      %mul3A_425 = arith.constant 16 : i32
      %mul3A_426 = arith.muli %scan3A_133, %mul3A_425 : i32
      %get3A_427 = arith.constant 48 : i32
      %get3A_428 = arith.index_cast %get3A_427 : i32 to index
      %get3A_429 = arith.index_cast %mul3A_426 : i32 to index
      %get3A_430 = tpu.vector_load %arg6[%get3A_428, %get3A_429] {strides = array<i32>} : memref<50x384xi32, #tpu.memory_space<vmem>>, vector<16xi32>,
      tpu.vector_store_idx %arg7[%add3A_137, %get3A_430], %broadcast_in_dim3A_8 {add = true} : memref<384x128xf32, #tpu.memory_space<vmem>>[vector<16xi32>, vector<16xi32>], vector<16xf32>,
      %mul3A_431 = arith.constant 16 : i32
      %mul3A_432 = arith.muli %scan3A_133, %mul3A_431 : i32
      %get3A_433 = arith.constant 49 : i32
      %get3A_434 = arith.index_cast %get3A_433 : i32 to index
      %get3A_435 = arith.index_cast %mul3A_432 : i32 to index
      %get3A_436 = tpu.vector_load %arg6[%get3A_434, %get3A_435] {strides = array<i32>} : memref<50x384xi32, #tpu.memory_space<vmem>>, vector<16xi32>,
      tpu.vector_store_idx %arg7[%add3A_137, %get3A_436], %broadcast_in_dim3A_8 {add = true} : memref<384x128xf32, #tpu.memory_space<vmem>>[vector<16xi32>, vector<16xi32>], vector<16xf32>,
      %mul3A_437 = arith.constant 16 : i32
      %mul3A_438 = arith.muli %scan3A_133, %mul3A_437 : i32
      %get3A_439 = arith.index_cast %mul3A_438 : i32 to index
      %get3A_440 = tpu.vector_load %arg5[%get3A_439] {strides = array<i32>} : memref<384xi32, #tpu.memory_space<vmem>>, vector<16xi32>,
      %convert_element_type3A = arith.sitofp %get3A_440 : vector<16xi32> to vector<16xf32>
      tpu.vector_store_idx %arg7[%add3A_137, %broadcast_in_dim3A_12], %convert_element_type3A : memref<384x128xf32, #tpu.memory_space<vmem>>[vector<16xi32>, vector<16xi32>], vector<16xf32>,
    }
    %scan3A_80 = arith.constant 6 : i32
    %add3A_81 = arith.constant 288 : i32
    %add3A_82 = arith.addi %mul3A_2, %add3A_81 : i32
    %dma_start3A_83 = arith.constant 288 : i32
    %dma_start3A_84 = arith.constant 0 : i32
    %dma_start3A_85 = tpu.memref_slice %arg7[%dma_start3A_83, %dma_start3A_84] : memref<384x128xf32, #tpu.memory_space<vmem>> -> memref<96x128xf32, #tpu.memory_space<vmem>>
    %dma_start3A_86 = arith.constant 0 : i32
    %dma_start3A_87 = tpu.memref_slice %arg4[%add3A_82, %dma_start3A_86] : memref<12288x128xf32, #tpu.memory_space<hbm>> -> memref<96x128xf32, #tpu.memory_space<hbm>>
    %dma_start3A_88 = arith.constant 0 : i32
    %dma_start3A_89 = tpu.memref_slice %arg4[%add3A_82, %dma_start3A_88] : memref<12288x128xf32, #tpu.memory_space<hbm>> -> memref<96x128xf32, #tpu.memory_space<hbm>>
    %dma_start3A_90 = arith.constant 288 : i32
    %dma_start3A_91 = arith.constant 0 : i32
    %dma_start3A_92 = tpu.memref_slice %arg7[%dma_start3A_90, %dma_start3A_91] : memref<384x128xf32, #tpu.memory_space<vmem>> -> memref<96x128xf32, #tpu.memory_space<vmem>>
    tpu.enqueue_dma source(%dma_start3A_92 : memref<96x128xf32, #tpu.memory_space<vmem>>) target(%dma_start3A_89 : memref<96x128xf32, #tpu.memory_space<hbm>>) target_semaphore(%arg9 : memref<!tpu.dma_semaphore, #tpu.memory_space<semaphore_mem>>)
    %dma_wait3A_93 = arith.constant 0 : i32
    %dma_wait3A_94 = arith.constant 0 : i32
    %dma_wait3A_95 = tpu.memref_slice %arg7[%dma_wait3A_93, %dma_wait3A_94] : memref<384x128xf32, #tpu.memory_space<vmem>> -> memref<96x128xf32, #tpu.memory_space<vmem>>
    %dma_wait3A_96 = arith.constant 0 : i32
    %dma_wait3A_97 = tpu.memref_slice %arg4[%add3A_28, %dma_wait3A_96] : memref<12288x128xf32, #tpu.memory_space<hbm>> -> memref<96x128xf32, #tpu.memory_space<hbm>>
    %dma_wait3A_98 = arith.constant 0 : i32
    %dma_wait3A_99 = tpu.memref_slice %arg4[%add3A_28, %dma_wait3A_98] : memref<12288x128xf32, #tpu.memory_space<hbm>> -> memref<96x128xf32, #tpu.memory_space<hbm>>
    %dma_wait3A_100 = arith.constant 0 : i32
    %dma_wait3A_101 = arith.constant 0 : i32
    %dma_wait3A_102 = tpu.memref_slice %arg7[%dma_wait3A_100, %dma_wait3A_101] : memref<384x128xf32, #tpu.memory_space<vmem>> -> memref<96x128xf32, #tpu.memory_space<vmem>>
    tpu.wait_dma2 semaphore(%arg9 : memref<!tpu.dma_semaphore, #tpu.memory_space<semaphore_mem>>) src(%dma_wait3A_102 : memref<96x128xf32, #tpu.memory_space<vmem>>) dst(%dma_wait3A_99 : memref<96x128xf32, #tpu.memory_space<hbm>>)
    %dma_wait3A_103 = arith.constant 96 : i32
    %dma_wait3A_104 = arith.constant 0 : i32
    %dma_wait3A_105 = tpu.memref_slice %arg7[%dma_wait3A_103, %dma_wait3A_104] : memref<384x128xf32, #tpu.memory_space<vmem>> -> memref<96x128xf32, #tpu.memory_space<vmem>>
    %dma_wait3A_106 = arith.constant 0 : i32
    %dma_wait3A_107 = tpu.memref_slice %arg4[%add3A_46, %dma_wait3A_106] : memref<12288x128xf32, #tpu.memory_space<hbm>> -> memref<96x128xf32, #tpu.memory_space<hbm>>
    %dma_wait3A_108 = arith.constant 0 : i32
    %dma_wait3A_109 = tpu.memref_slice %arg4[%add3A_46, %dma_wait3A_108] : memref<12288x128xf32, #tpu.memory_space<hbm>> -> memref<96x128xf32, #tpu.memory_space<hbm>>
    %dma_wait3A_110 = arith.constant 96 : i32
    %dma_wait3A_111 = arith.constant 0 : i32
    %dma_wait3A_112 = tpu.memref_slice %arg7[%dma_wait3A_110, %dma_wait3A_111] : memref<384x128xf32, #tpu.memory_space<vmem>> -> memref<96x128xf32, #tpu.memory_space<vmem>>
    tpu.wait_dma2 semaphore(%arg9 : memref<!tpu.dma_semaphore, #tpu.memory_space<semaphore_mem>>) src(%dma_wait3A_112 : memref<96x128xf32, #tpu.memory_space<vmem>>) dst(%dma_wait3A_109 : memref<96x128xf32, #tpu.memory_space<hbm>>)
    %dma_wait3A_113 = arith.constant 192 : i32
    %dma_wait3A_114 = arith.constant 0 : i32
    %dma_wait3A_115 = tpu.memref_slice %arg7[%dma_wait3A_113, %dma_wait3A_114] : memref<384x128xf32, #tpu.memory_space<vmem>> -> memref<96x128xf32, #tpu.memory_space<vmem>>
    %dma_wait3A_116 = arith.constant 0 : i32
    %dma_wait3A_117 = tpu.memref_slice %arg4[%add3A_64, %dma_wait3A_116] : memref<12288x128xf32, #tpu.memory_space<hbm>> -> memref<96x128xf32, #tpu.memory_space<hbm>>
    %dma_wait3A_118 = arith.constant 0 : i32
    %dma_wait3A_119 = tpu.memref_slice %arg4[%add3A_64, %dma_wait3A_118] : memref<12288x128xf32, #tpu.memory_space<hbm>> -> memref<96x128xf32, #tpu.memory_space<hbm>>
    %dma_wait3A_120 = arith.constant 192 : i32
    %dma_wait3A_121 = arith.constant 0 : i32
    %dma_wait3A_122 = tpu.memref_slice %arg7[%dma_wait3A_120, %dma_wait3A_121] : memref<384x128xf32, #tpu.memory_space<vmem>> -> memref<96x128xf32, #tpu.memory_space<vmem>>
    tpu.wait_dma2 semaphore(%arg9 : memref<!tpu.dma_semaphore, #tpu.memory_space<semaphore_mem>>) src(%dma_wait3A_122 : memref<96x128xf32, #tpu.memory_space<vmem>>) dst(%dma_wait3A_119 : memref<96x128xf32, #tpu.memory_space<hbm>>)
    %dma_wait3A_123 = arith.constant 288 : i32
    %dma_wait3A_124 = arith.constant 0 : i32
    %dma_wait3A_125 = tpu.memref_slice %arg7[%dma_wait3A_123, %dma_wait3A_124] : memref<384x128xf32, #tpu.memory_space<vmem>> -> memref<96x128xf32, #tpu.memory_space<vmem>>
    %dma_wait3A_126 = arith.constant 0 : i32
    %dma_wait3A_127 = tpu.memref_slice %arg4[%add3A_82, %dma_wait3A_126] : memref<12288x128xf32, #tpu.memory_space<hbm>> -> memref<96x128xf32, #tpu.memory_space<hbm>>
    %dma_wait3A_128 = arith.constant 0 : i32
    %dma_wait3A_129 = tpu.memref_slice %arg4[%add3A_82, %dma_wait3A_128] : memref<12288x128xf32, #tpu.memory_space<hbm>> -> memref<96x128xf32, #tpu.memory_space<hbm>>
    %dma_wait3A_130 = arith.constant 288 : i32
    %dma_wait3A_131 = arith.constant 0 : i32
    %dma_wait3A_132 = tpu.memref_slice %arg7[%dma_wait3A_130, %dma_wait3A_131] : memref<384x128xf32, #tpu.memory_space<vmem>> -> memref<96x128xf32, #tpu.memory_space<vmem>>
    tpu.wait_dma2 semaphore(%arg9 : memref<!tpu.dma_semaphore, #tpu.memory_space<semaphore_mem>>) src(%dma_wait3A_132 : memref<96x128xf32, #tpu.memory_space<vmem>>) dst(%dma_wait3A_129 : memref<96x128xf32, #tpu.memory_space<hbm>>)
    return
  }
}

#map = affine_map<(d0, d1) -> (0)>
#map1 = affine_map<(d0, d1) -> (0, 0)>
module attributes {stable_mosaic.version = 14 : i64} {
  func.func @_sc_body(%arg0: i32, %arg1: i32, %arg2: memref<16384xi32, #tpu.memory_space<hbm>>, %arg3: memref<50x16384xi32, #tpu.memory_space<hbm>>, %arg4: memref<4096x128xf32, #tpu.memory_space<hbm>>, %arg5: memref<128xi32, #tpu.memory_space<vmem>>, %arg6: memref<50x128xi32, #tpu.memory_space<vmem>>, %arg7: memref<128x128xf32, #tpu.memory_space<vmem>>, %arg8: memref<!tpu.dma_semaphore, #tpu.memory_space<semaphore_mem>>, %arg9: memref<!tpu.dma_semaphore, #tpu.memory_space<semaphore_mem>>) attributes {dimension_semantics = [#tpu.dimension_semantics<core_parallel>, #tpu.dimension_semantics<subcore_parallel>], iteration_bounds = array<i64: 2, 16>, scalar_prefetch = 0 : i64, scratch_operands = 5 : i64, tpu.core_type = #tpu.core_type<sc_vector_subcore>, window_params = [{transform_indices = #map}, {transform_indices = #map1}, {transform_indices = #map1}]} {
    %mul3A = arith.constant 2 : i32
    %mul3A_0 = arith.muli %arg1, %mul3A : i32
    %add3A = arith.addi %mul3A_0, %arg0 : i32
    %mul3A_1 = arith.constant 128 : i32
    %mul3A_2 = arith.muli %add3A, %mul3A_1 : i32
    %add3A_3 = arith.constant 12288 : i32
    %add3A_4 = arith.addi %add3A_3, %mul3A_2 : i32
    %dma_start3A = arith.constant 0 : i32
    %dma_start3A_5 = tpu.memref_slice %arg3[%dma_start3A, %add3A_4] : memref<50x16384xi32, #tpu.memory_space<hbm>> -> memref<50x128xi32, #tpu.memory_space<hbm>>
    %dma_start3A_6 = arith.constant 0 : i32
    %dma_start3A_7 = tpu.memref_slice %arg3[%dma_start3A_6, %add3A_4] : memref<50x16384xi32, #tpu.memory_space<hbm>> -> memref<50x128xi32, #tpu.memory_space<hbm>>
    tpu.enqueue_dma source(%dma_start3A_7 : memref<50x128xi32, #tpu.memory_space<hbm>>) target(%arg6 : memref<50x128xi32, #tpu.memory_space<vmem>>) target_semaphore(%arg8 : memref<!tpu.dma_semaphore, #tpu.memory_space<semaphore_mem>>)
    "tpu.region"() ({
      %run_scoped3A = tpu.sem_alloc : memref<!tpu.dma_semaphore, #tpu.memory_space<semaphore_mem>>
      %dma_start3A_133 = tpu.memref_slice %arg2[%add3A_4] : memref<16384xi32, #tpu.memory_space<hbm>> -> memref<128xi32, #tpu.memory_space<hbm>>
      %dma_start3A_134 = tpu.memref_slice %arg2[%add3A_4] : memref<16384xi32, #tpu.memory_space<hbm>> -> memref<128xi32, #tpu.memory_space<hbm>>
      tpu.enqueue_dma source(%dma_start3A_134 : memref<128xi32, #tpu.memory_space<hbm>>) target(%arg5 : memref<128xi32, #tpu.memory_space<vmem>>) target_semaphore(%run_scoped3A : memref<!tpu.dma_semaphore, #tpu.memory_space<semaphore_mem>>)
      %dma_wait3A_135 = tpu.memref_slice %arg2[%add3A_4] : memref<16384xi32, #tpu.memory_space<hbm>> -> memref<128xi32, #tpu.memory_space<hbm>>
      %dma_wait3A_136 = tpu.memref_slice %arg2[%add3A_4] : memref<16384xi32, #tpu.memory_space<hbm>> -> memref<128xi32, #tpu.memory_space<hbm>>
      tpu.wait_dma2 semaphore(%run_scoped3A : memref<!tpu.dma_semaphore, #tpu.memory_space<semaphore_mem>>) src(%dma_wait3A_136 : memref<128xi32, #tpu.memory_space<hbm>>) dst(%arg5 : memref<128xi32, #tpu.memory_space<vmem>>)
      tpu.yield
    }) : () -> ()
    %iota3A = tpu.iota {dimensions = array<i32: 0>} : vector<16xi32>
    %broadcast_in_dim3A = arith.constant 1.000000e+00 : f32
    %broadcast_in_dim3A_8 = vector.broadcast %broadcast_in_dim3A : f32 to vector<16xf32>
    %broadcast_in_dim3A_9 = arith.constant 0.000000e+00 : f32
    %broadcast_in_dim3A_10 = vector.broadcast %broadcast_in_dim3A_9 : f32 to vector<16xf32>
    %broadcast_in_dim3A_11 = arith.constant 100 : i32
    %broadcast_in_dim3A_12 = vector.broadcast %broadcast_in_dim3A_11 : i32 to vector<16xi32>
    %scan3A = arith.constant 0 : i32
    %scan3A_13 = arith.constant 0 : i32
    %scan3A_14 = arith.constant 32 : i32
    %scan3A_15 = arith.addi %scan3A_13, %scan3A_14 : i32
    %scan3A_16 = arith.constant 1 : i32
    scf.for %scan3A_133 = %scan3A_13 to %scan3A_15 step %scan3A_16  : i32 {
      %mul3A_134 = arith.constant 4 : i32
      %mul3A_135 = arith.muli %scan3A_133, %mul3A_134 : i32
      %add3A_136 = arith.constant 0 : i32
      %add3A_137 = arith.addi %mul3A_135, %add3A_136 : i32
      %swap3A = arith.index_cast %add3A_137 : i32 to index
      %swap3A_138 = arith.constant 0 : index
      %swap3A_139 = tpu.vector_load %arg7[%swap3A, %swap3A_138] {strides = array<i32>} : memref<128x128xf32, #tpu.memory_space<vmem>>, vector<16xf32>,
      tpu.vector_store %arg7[%swap3A, %swap3A_138], %broadcast_in_dim3A_10 {strides = array<i32>} : memref<128x128xf32, #tpu.memory_space<vmem>>, vector<16xf32>,
      %mul3A_140 = arith.constant 4 : i32
      %mul3A_141 = arith.muli %scan3A_133, %mul3A_140 : i32
      %add3A_142 = arith.constant 0 : i32
      %add3A_143 = arith.addi %mul3A_141, %add3A_142 : i32
      %swap3A_144 = arith.index_cast %add3A_143 : i32 to index
      %swap3A_145 = arith.constant 16 : index
      %swap3A_146 = tpu.vector_load %arg7[%swap3A_144, %swap3A_145] {strides = array<i32>} : memref<128x128xf32, #tpu.memory_space<vmem>>, vector<16xf32>,
      tpu.vector_store %arg7[%swap3A_144, %swap3A_145], %broadcast_in_dim3A_10 {strides = array<i32>} : memref<128x128xf32, #tpu.memory_space<vmem>>, vector<16xf32>,
      %mul3A_147 = arith.constant 4 : i32
      %mul3A_148 = arith.muli %scan3A_133, %mul3A_147 : i32
      %add3A_149 = arith.constant 0 : i32
      %add3A_150 = arith.addi %mul3A_148, %add3A_149 : i32
      %swap3A_151 = arith.index_cast %add3A_150 : i32 to index
      %swap3A_152 = arith.constant 32 : index
      %swap3A_153 = tpu.vector_load %arg7[%swap3A_151, %swap3A_152] {strides = array<i32>} : memref<128x128xf32, #tpu.memory_space<vmem>>, vector<16xf32>,
      tpu.vector_store %arg7[%swap3A_151, %swap3A_152], %broadcast_in_dim3A_10 {strides = array<i32>} : memref<128x128xf32, #tpu.memory_space<vmem>>, vector<16xf32>,
      %mul3A_154 = arith.constant 4 : i32
      %mul3A_155 = arith.muli %scan3A_133, %mul3A_154 : i32
      %add3A_156 = arith.constant 0 : i32
      %add3A_157 = arith.addi %mul3A_155, %add3A_156 : i32
      %swap3A_158 = arith.index_cast %add3A_157 : i32 to index
      %swap3A_159 = arith.constant 48 : index
      %swap3A_160 = tpu.vector_load %arg7[%swap3A_158, %swap3A_159] {strides = array<i32>} : memref<128x128xf32, #tpu.memory_space<vmem>>, vector<16xf32>,
      tpu.vector_store %arg7[%swap3A_158, %swap3A_159], %broadcast_in_dim3A_10 {strides = array<i32>} : memref<128x128xf32, #tpu.memory_space<vmem>>, vector<16xf32>,
      %mul3A_161 = arith.constant 4 : i32
      %mul3A_162 = arith.muli %scan3A_133, %mul3A_161 : i32
      %add3A_163 = arith.constant 0 : i32
      %add3A_164 = arith.addi %mul3A_162, %add3A_163 : i32
      %swap3A_165 = arith.index_cast %add3A_164 : i32 to index
      %swap3A_166 = arith.constant 64 : index
      %swap3A_167 = tpu.vector_load %arg7[%swap3A_165, %swap3A_166] {strides = array<i32>} : memref<128x128xf32, #tpu.memory_space<vmem>>, vector<16xf32>,
      tpu.vector_store %arg7[%swap3A_165, %swap3A_166], %broadcast_in_dim3A_10 {strides = array<i32>} : memref<128x128xf32, #tpu.memory_space<vmem>>, vector<16xf32>,
      %mul3A_168 = arith.constant 4 : i32
      %mul3A_169 = arith.muli %scan3A_133, %mul3A_168 : i32
      %add3A_170 = arith.constant 0 : i32
      %add3A_171 = arith.addi %mul3A_169, %add3A_170 : i32
      %swap3A_172 = arith.index_cast %add3A_171 : i32 to index
      %swap3A_173 = arith.constant 80 : index
      %swap3A_174 = tpu.vector_load %arg7[%swap3A_172, %swap3A_173] {strides = array<i32>} : memref<128x128xf32, #tpu.memory_space<vmem>>, vector<16xf32>,
      tpu.vector_store %arg7[%swap3A_172, %swap3A_173], %broadcast_in_dim3A_10 {strides = array<i32>} : memref<128x128xf32, #tpu.memory_space<vmem>>, vector<16xf32>,
      %mul3A_175 = arith.constant 4 : i32
      %mul3A_176 = arith.muli %scan3A_133, %mul3A_175 : i32
      %add3A_177 = arith.constant 0 : i32
      %add3A_178 = arith.addi %mul3A_176, %add3A_177 : i32
      %swap3A_179 = arith.index_cast %add3A_178 : i32 to index
      %swap3A_180 = arith.constant 96 : index
      %swap3A_181 = tpu.vector_load %arg7[%swap3A_179, %swap3A_180] {strides = array<i32>} : memref<128x128xf32, #tpu.memory_space<vmem>>, vector<16xf32>,
      tpu.vector_store %arg7[%swap3A_179, %swap3A_180], %broadcast_in_dim3A_10 {strides = array<i32>} : memref<128x128xf32, #tpu.memory_space<vmem>>, vector<16xf32>,
      %mul3A_182 = arith.constant 4 : i32
      %mul3A_183 = arith.muli %scan3A_133, %mul3A_182 : i32
      %add3A_184 = arith.constant 0 : i32
      %add3A_185 = arith.addi %mul3A_183, %add3A_184 : i32
      %swap3A_186 = arith.index_cast %add3A_185 : i32 to index
      %swap3A_187 = arith.constant 112 : index
      %swap3A_188 = tpu.vector_load %arg7[%swap3A_186, %swap3A_187] {strides = array<i32>} : memref<128x128xf32, #tpu.memory_space<vmem>>, vector<16xf32>,
      tpu.vector_store %arg7[%swap3A_186, %swap3A_187], %broadcast_in_dim3A_10 {strides = array<i32>} : memref<128x128xf32, #tpu.memory_space<vmem>>, vector<16xf32>,
      %mul3A_189 = arith.constant 4 : i32
      %mul3A_190 = arith.muli %scan3A_133, %mul3A_189 : i32
      %add3A_191 = arith.constant 1 : i32
      %add3A_192 = arith.addi %mul3A_190, %add3A_191 : i32
      %swap3A_193 = arith.index_cast %add3A_192 : i32 to index
      %swap3A_194 = arith.constant 0 : index
      %swap3A_195 = tpu.vector_load %arg7[%swap3A_193, %swap3A_194] {strides = array<i32>} : memref<128x128xf32, #tpu.memory_space<vmem>>, vector<16xf32>,
      tpu.vector_store %arg7[%swap3A_193, %swap3A_194], %broadcast_in_dim3A_10 {strides = array<i32>} : memref<128x128xf32, #tpu.memory_space<vmem>>, vector<16xf32>,
      %mul3A_196 = arith.constant 4 : i32
      %mul3A_197 = arith.muli %scan3A_133, %mul3A_196 : i32
      %add3A_198 = arith.constant 1 : i32
      %add3A_199 = arith.addi %mul3A_197, %add3A_198 : i32
      %swap3A_200 = arith.index_cast %add3A_199 : i32 to index
      %swap3A_201 = arith.constant 16 : index
      %swap3A_202 = tpu.vector_load %arg7[%swap3A_200, %swap3A_201] {strides = array<i32>} : memref<128x128xf32, #tpu.memory_space<vmem>>, vector<16xf32>,
      tpu.vector_store %arg7[%swap3A_200, %swap3A_201], %broadcast_in_dim3A_10 {strides = array<i32>} : memref<128x128xf32, #tpu.memory_space<vmem>>, vector<16xf32>,
      %mul3A_203 = arith.constant 4 : i32
      %mul3A_204 = arith.muli %scan3A_133, %mul3A_203 : i32
      %add3A_205 = arith.constant 1 : i32
      %add3A_206 = arith.addi %mul3A_204, %add3A_205 : i32
      %swap3A_207 = arith.index_cast %add3A_206 : i32 to index
      %swap3A_208 = arith.constant 32 : index
      %swap3A_209 = tpu.vector_load %arg7[%swap3A_207, %swap3A_208] {strides = array<i32>} : memref<128x128xf32, #tpu.memory_space<vmem>>, vector<16xf32>,
      tpu.vector_store %arg7[%swap3A_207, %swap3A_208], %broadcast_in_dim3A_10 {strides = array<i32>} : memref<128x128xf32, #tpu.memory_space<vmem>>, vector<16xf32>,
      %mul3A_210 = arith.constant 4 : i32
      %mul3A_211 = arith.muli %scan3A_133, %mul3A_210 : i32
      %add3A_212 = arith.constant 1 : i32
      %add3A_213 = arith.addi %mul3A_211, %add3A_212 : i32
      %swap3A_214 = arith.index_cast %add3A_213 : i32 to index
      %swap3A_215 = arith.constant 48 : index
      %swap3A_216 = tpu.vector_load %arg7[%swap3A_214, %swap3A_215] {strides = array<i32>} : memref<128x128xf32, #tpu.memory_space<vmem>>, vector<16xf32>,
      tpu.vector_store %arg7[%swap3A_214, %swap3A_215], %broadcast_in_dim3A_10 {strides = array<i32>} : memref<128x128xf32, #tpu.memory_space<vmem>>, vector<16xf32>,
      %mul3A_217 = arith.constant 4 : i32
      %mul3A_218 = arith.muli %scan3A_133, %mul3A_217 : i32
      %add3A_219 = arith.constant 1 : i32
      %add3A_220 = arith.addi %mul3A_218, %add3A_219 : i32
      %swap3A_221 = arith.index_cast %add3A_220 : i32 to index
      %swap3A_222 = arith.constant 64 : index
      %swap3A_223 = tpu.vector_load %arg7[%swap3A_221, %swap3A_222] {strides = array<i32>} : memref<128x128xf32, #tpu.memory_space<vmem>>, vector<16xf32>,
      tpu.vector_store %arg7[%swap3A_221, %swap3A_222], %broadcast_in_dim3A_10 {strides = array<i32>} : memref<128x128xf32, #tpu.memory_space<vmem>>, vector<16xf32>,
      %mul3A_224 = arith.constant 4 : i32
      %mul3A_225 = arith.muli %scan3A_133, %mul3A_224 : i32
      %add3A_226 = arith.constant 1 : i32
      %add3A_227 = arith.addi %mul3A_225, %add3A_226 : i32
      %swap3A_228 = arith.index_cast %add3A_227 : i32 to index
      %swap3A_229 = arith.constant 80 : index
      %swap3A_230 = tpu.vector_load %arg7[%swap3A_228, %swap3A_229] {strides = array<i32>} : memref<128x128xf32, #tpu.memory_space<vmem>>, vector<16xf32>,
      tpu.vector_store %arg7[%swap3A_228, %swap3A_229], %broadcast_in_dim3A_10 {strides = array<i32>} : memref<128x128xf32, #tpu.memory_space<vmem>>, vector<16xf32>,
      %mul3A_231 = arith.constant 4 : i32
      %mul3A_232 = arith.muli %scan3A_133, %mul3A_231 : i32
      %add3A_233 = arith.constant 1 : i32
      %add3A_234 = arith.addi %mul3A_232, %add3A_233 : i32
      %swap3A_235 = arith.index_cast %add3A_234 : i32 to index
      %swap3A_236 = arith.constant 96 : index
      %swap3A_237 = tpu.vector_load %arg7[%swap3A_235, %swap3A_236] {strides = array<i32>} : memref<128x128xf32, #tpu.memory_space<vmem>>, vector<16xf32>,
      tpu.vector_store %arg7[%swap3A_235, %swap3A_236], %broadcast_in_dim3A_10 {strides = array<i32>} : memref<128x128xf32, #tpu.memory_space<vmem>>, vector<16xf32>,
      %mul3A_238 = arith.constant 4 : i32
      %mul3A_239 = arith.muli %scan3A_133, %mul3A_238 : i32
      %add3A_240 = arith.constant 1 : i32
      %add3A_241 = arith.addi %mul3A_239, %add3A_240 : i32
      %swap3A_242 = arith.index_cast %add3A_241 : i32 to index
      %swap3A_243 = arith.constant 112 : index
      %swap3A_244 = tpu.vector_load %arg7[%swap3A_242, %swap3A_243] {strides = array<i32>} : memref<128x128xf32, #tpu.memory_space<vmem>>, vector<16xf32>,
      tpu.vector_store %arg7[%swap3A_242, %swap3A_243], %broadcast_in_dim3A_10 {strides = array<i32>} : memref<128x128xf32, #tpu.memory_space<vmem>>, vector<16xf32>,
      %mul3A_245 = arith.constant 4 : i32
      %mul3A_246 = arith.muli %scan3A_133, %mul3A_245 : i32
      %add3A_247 = arith.constant 2 : i32
      %add3A_248 = arith.addi %mul3A_246, %add3A_247 : i32
      %swap3A_249 = arith.index_cast %add3A_248 : i32 to index
      %swap3A_250 = arith.constant 0 : index
      %swap3A_251 = tpu.vector_load %arg7[%swap3A_249, %swap3A_250] {strides = array<i32>} : memref<128x128xf32, #tpu.memory_space<vmem>>, vector<16xf32>,
      tpu.vector_store %arg7[%swap3A_249, %swap3A_250], %broadcast_in_dim3A_10 {strides = array<i32>} : memref<128x128xf32, #tpu.memory_space<vmem>>, vector<16xf32>,
      %mul3A_252 = arith.constant 4 : i32
      %mul3A_253 = arith.muli %scan3A_133, %mul3A_252 : i32
      %add3A_254 = arith.constant 2 : i32
      %add3A_255 = arith.addi %mul3A_253, %add3A_254 : i32
      %swap3A_256 = arith.index_cast %add3A_255 : i32 to index
      %swap3A_257 = arith.constant 16 : index
      %swap3A_258 = tpu.vector_load %arg7[%swap3A_256, %swap3A_257] {strides = array<i32>} : memref<128x128xf32, #tpu.memory_space<vmem>>, vector<16xf32>,
      tpu.vector_store %arg7[%swap3A_256, %swap3A_257], %broadcast_in_dim3A_10 {strides = array<i32>} : memref<128x128xf32, #tpu.memory_space<vmem>>, vector<16xf32>,
      %mul3A_259 = arith.constant 4 : i32
      %mul3A_260 = arith.muli %scan3A_133, %mul3A_259 : i32
      %add3A_261 = arith.constant 2 : i32
      %add3A_262 = arith.addi %mul3A_260, %add3A_261 : i32
      %swap3A_263 = arith.index_cast %add3A_262 : i32 to index
      %swap3A_264 = arith.constant 32 : index
      %swap3A_265 = tpu.vector_load %arg7[%swap3A_263, %swap3A_264] {strides = array<i32>} : memref<128x128xf32, #tpu.memory_space<vmem>>, vector<16xf32>,
      tpu.vector_store %arg7[%swap3A_263, %swap3A_264], %broadcast_in_dim3A_10 {strides = array<i32>} : memref<128x128xf32, #tpu.memory_space<vmem>>, vector<16xf32>,
      %mul3A_266 = arith.constant 4 : i32
      %mul3A_267 = arith.muli %scan3A_133, %mul3A_266 : i32
      %add3A_268 = arith.constant 2 : i32
      %add3A_269 = arith.addi %mul3A_267, %add3A_268 : i32
      %swap3A_270 = arith.index_cast %add3A_269 : i32 to index
      %swap3A_271 = arith.constant 48 : index
      %swap3A_272 = tpu.vector_load %arg7[%swap3A_270, %swap3A_271] {strides = array<i32>} : memref<128x128xf32, #tpu.memory_space<vmem>>, vector<16xf32>,
      tpu.vector_store %arg7[%swap3A_270, %swap3A_271], %broadcast_in_dim3A_10 {strides = array<i32>} : memref<128x128xf32, #tpu.memory_space<vmem>>, vector<16xf32>,
      %mul3A_273 = arith.constant 4 : i32
      %mul3A_274 = arith.muli %scan3A_133, %mul3A_273 : i32
      %add3A_275 = arith.constant 2 : i32
      %add3A_276 = arith.addi %mul3A_274, %add3A_275 : i32
      %swap3A_277 = arith.index_cast %add3A_276 : i32 to index
      %swap3A_278 = arith.constant 64 : index
      %swap3A_279 = tpu.vector_load %arg7[%swap3A_277, %swap3A_278] {strides = array<i32>} : memref<128x128xf32, #tpu.memory_space<vmem>>, vector<16xf32>,
      tpu.vector_store %arg7[%swap3A_277, %swap3A_278], %broadcast_in_dim3A_10 {strides = array<i32>} : memref<128x128xf32, #tpu.memory_space<vmem>>, vector<16xf32>,
      %mul3A_280 = arith.constant 4 : i32
      %mul3A_281 = arith.muli %scan3A_133, %mul3A_280 : i32
      %add3A_282 = arith.constant 2 : i32
      %add3A_283 = arith.addi %mul3A_281, %add3A_282 : i32
      %swap3A_284 = arith.index_cast %add3A_283 : i32 to index
      %swap3A_285 = arith.constant 80 : index
      %swap3A_286 = tpu.vector_load %arg7[%swap3A_284, %swap3A_285] {strides = array<i32>} : memref<128x128xf32, #tpu.memory_space<vmem>>, vector<16xf32>,
      tpu.vector_store %arg7[%swap3A_284, %swap3A_285], %broadcast_in_dim3A_10 {strides = array<i32>} : memref<128x128xf32, #tpu.memory_space<vmem>>, vector<16xf32>,
      %mul3A_287 = arith.constant 4 : i32
      %mul3A_288 = arith.muli %scan3A_133, %mul3A_287 : i32
      %add3A_289 = arith.constant 2 : i32
      %add3A_290 = arith.addi %mul3A_288, %add3A_289 : i32
      %swap3A_291 = arith.index_cast %add3A_290 : i32 to index
      %swap3A_292 = arith.constant 96 : index
      %swap3A_293 = tpu.vector_load %arg7[%swap3A_291, %swap3A_292] {strides = array<i32>} : memref<128x128xf32, #tpu.memory_space<vmem>>, vector<16xf32>,
      tpu.vector_store %arg7[%swap3A_291, %swap3A_292], %broadcast_in_dim3A_10 {strides = array<i32>} : memref<128x128xf32, #tpu.memory_space<vmem>>, vector<16xf32>,
      %mul3A_294 = arith.constant 4 : i32
      %mul3A_295 = arith.muli %scan3A_133, %mul3A_294 : i32
      %add3A_296 = arith.constant 2 : i32
      %add3A_297 = arith.addi %mul3A_295, %add3A_296 : i32
      %swap3A_298 = arith.index_cast %add3A_297 : i32 to index
      %swap3A_299 = arith.constant 112 : index
      %swap3A_300 = tpu.vector_load %arg7[%swap3A_298, %swap3A_299] {strides = array<i32>} : memref<128x128xf32, #tpu.memory_space<vmem>>, vector<16xf32>,
      tpu.vector_store %arg7[%swap3A_298, %swap3A_299], %broadcast_in_dim3A_10 {strides = array<i32>} : memref<128x128xf32, #tpu.memory_space<vmem>>, vector<16xf32>,
      %mul3A_301 = arith.constant 4 : i32
      %mul3A_302 = arith.muli %scan3A_133, %mul3A_301 : i32
      %add3A_303 = arith.constant 3 : i32
      %add3A_304 = arith.addi %mul3A_302, %add3A_303 : i32
      %swap3A_305 = arith.index_cast %add3A_304 : i32 to index
      %swap3A_306 = arith.constant 0 : index
      %swap3A_307 = tpu.vector_load %arg7[%swap3A_305, %swap3A_306] {strides = array<i32>} : memref<128x128xf32, #tpu.memory_space<vmem>>, vector<16xf32>,
      tpu.vector_store %arg7[%swap3A_305, %swap3A_306], %broadcast_in_dim3A_10 {strides = array<i32>} : memref<128x128xf32, #tpu.memory_space<vmem>>, vector<16xf32>,
      %mul3A_308 = arith.constant 4 : i32
      %mul3A_309 = arith.muli %scan3A_133, %mul3A_308 : i32
      %add3A_310 = arith.constant 3 : i32
      %add3A_311 = arith.addi %mul3A_309, %add3A_310 : i32
      %swap3A_312 = arith.index_cast %add3A_311 : i32 to index
      %swap3A_313 = arith.constant 16 : index
      %swap3A_314 = tpu.vector_load %arg7[%swap3A_312, %swap3A_313] {strides = array<i32>} : memref<128x128xf32, #tpu.memory_space<vmem>>, vector<16xf32>,
      tpu.vector_store %arg7[%swap3A_312, %swap3A_313], %broadcast_in_dim3A_10 {strides = array<i32>} : memref<128x128xf32, #tpu.memory_space<vmem>>, vector<16xf32>,
      %mul3A_315 = arith.constant 4 : i32
      %mul3A_316 = arith.muli %scan3A_133, %mul3A_315 : i32
      %add3A_317 = arith.constant 3 : i32
      %add3A_318 = arith.addi %mul3A_316, %add3A_317 : i32
      %swap3A_319 = arith.index_cast %add3A_318 : i32 to index
      %swap3A_320 = arith.constant 32 : index
      %swap3A_321 = tpu.vector_load %arg7[%swap3A_319, %swap3A_320] {strides = array<i32>} : memref<128x128xf32, #tpu.memory_space<vmem>>, vector<16xf32>,
      tpu.vector_store %arg7[%swap3A_319, %swap3A_320], %broadcast_in_dim3A_10 {strides = array<i32>} : memref<128x128xf32, #tpu.memory_space<vmem>>, vector<16xf32>,
      %mul3A_322 = arith.constant 4 : i32
      %mul3A_323 = arith.muli %scan3A_133, %mul3A_322 : i32
      %add3A_324 = arith.constant 3 : i32
      %add3A_325 = arith.addi %mul3A_323, %add3A_324 : i32
      %swap3A_326 = arith.index_cast %add3A_325 : i32 to index
      %swap3A_327 = arith.constant 48 : index
      %swap3A_328 = tpu.vector_load %arg7[%swap3A_326, %swap3A_327] {strides = array<i32>} : memref<128x128xf32, #tpu.memory_space<vmem>>, vector<16xf32>,
      tpu.vector_store %arg7[%swap3A_326, %swap3A_327], %broadcast_in_dim3A_10 {strides = array<i32>} : memref<128x128xf32, #tpu.memory_space<vmem>>, vector<16xf32>,
      %mul3A_329 = arith.constant 4 : i32
      %mul3A_330 = arith.muli %scan3A_133, %mul3A_329 : i32
      %add3A_331 = arith.constant 3 : i32
      %add3A_332 = arith.addi %mul3A_330, %add3A_331 : i32
      %swap3A_333 = arith.index_cast %add3A_332 : i32 to index
      %swap3A_334 = arith.constant 64 : index
      %swap3A_335 = tpu.vector_load %arg7[%swap3A_333, %swap3A_334] {strides = array<i32>} : memref<128x128xf32, #tpu.memory_space<vmem>>, vector<16xf32>,
      tpu.vector_store %arg7[%swap3A_333, %swap3A_334], %broadcast_in_dim3A_10 {strides = array<i32>} : memref<128x128xf32, #tpu.memory_space<vmem>>, vector<16xf32>,
      %mul3A_336 = arith.constant 4 : i32
      %mul3A_337 = arith.muli %scan3A_133, %mul3A_336 : i32
      %add3A_338 = arith.constant 3 : i32
      %add3A_339 = arith.addi %mul3A_337, %add3A_338 : i32
      %swap3A_340 = arith.index_cast %add3A_339 : i32 to index
      %swap3A_341 = arith.constant 80 : index
      %swap3A_342 = tpu.vector_load %arg7[%swap3A_340, %swap3A_341] {strides = array<i32>} : memref<128x128xf32, #tpu.memory_space<vmem>>, vector<16xf32>,
      tpu.vector_store %arg7[%swap3A_340, %swap3A_341], %broadcast_in_dim3A_10 {strides = array<i32>} : memref<128x128xf32, #tpu.memory_space<vmem>>, vector<16xf32>,
      %mul3A_343 = arith.constant 4 : i32
      %mul3A_344 = arith.muli %scan3A_133, %mul3A_343 : i32
      %add3A_345 = arith.constant 3 : i32
      %add3A_346 = arith.addi %mul3A_344, %add3A_345 : i32
      %swap3A_347 = arith.index_cast %add3A_346 : i32 to index
      %swap3A_348 = arith.constant 96 : index
      %swap3A_349 = tpu.vector_load %arg7[%swap3A_347, %swap3A_348] {strides = array<i32>} : memref<128x128xf32, #tpu.memory_space<vmem>>, vector<16xf32>,
      tpu.vector_store %arg7[%swap3A_347, %swap3A_348], %broadcast_in_dim3A_10 {strides = array<i32>} : memref<128x128xf32, #tpu.memory_space<vmem>>, vector<16xf32>,
      %mul3A_350 = arith.constant 4 : i32
      %mul3A_351 = arith.muli %scan3A_133, %mul3A_350 : i32
      %add3A_352 = arith.constant 3 : i32
      %add3A_353 = arith.addi %mul3A_351, %add3A_352 : i32
      %swap3A_354 = arith.index_cast %add3A_353 : i32 to index
      %swap3A_355 = arith.constant 112 : index
      %swap3A_356 = tpu.vector_load %arg7[%swap3A_354, %swap3A_355] {strides = array<i32>} : memref<128x128xf32, #tpu.memory_space<vmem>>, vector<16xf32>,
      tpu.vector_store %arg7[%swap3A_354, %swap3A_355], %broadcast_in_dim3A_10 {strides = array<i32>} : memref<128x128xf32, #tpu.memory_space<vmem>>, vector<16xf32>,
    }
    %scan3A_17 = arith.constant 32 : i32
    %dma_wait3A = arith.constant 0 : i32
    %dma_wait3A_18 = tpu.memref_slice %arg3[%dma_wait3A, %add3A_4] : memref<50x16384xi32, #tpu.memory_space<hbm>> -> memref<50x128xi32, #tpu.memory_space<hbm>>
    %dma_wait3A_19 = arith.constant 0 : i32
    %dma_wait3A_20 = tpu.memref_slice %arg3[%dma_wait3A_19, %add3A_4] : memref<50x16384xi32, #tpu.memory_space<hbm>> -> memref<50x128xi32, #tpu.memory_space<hbm>>
    tpu.wait_dma2 semaphore(%arg8 : memref<!tpu.dma_semaphore, #tpu.memory_space<semaphore_mem>>) src(%dma_wait3A_20 : memref<50x128xi32, #tpu.memory_space<hbm>>) dst(%arg6 : memref<50x128xi32, #tpu.memory_space<vmem>>)
    %scan3A_21 = arith.constant 0 : i32
    %scan3A_22 = arith.constant 0 : i32
    %scan3A_23 = arith.constant 2 : i32
    %scan3A_24 = arith.addi %scan3A_22, %scan3A_23 : i32
    %scan3A_25 = arith.constant 1 : i32
    scf.for %scan3A_133 = %scan3A_22 to %scan3A_24 step %scan3A_25  : i32 {
      %mul3A_134 = arith.constant 16 : i32
      %mul3A_135 = arith.muli %scan3A_133, %mul3A_134 : i32
      %add3A_136 = vector.broadcast %mul3A_135 : i32 to vector<16xi32>
      %add3A_137 = arith.addi %add3A_136, %iota3A : vector<16xi32>
      %mul3A_138 = arith.constant 16 : i32
      %mul3A_139 = arith.muli %scan3A_133, %mul3A_138 : i32
      %get3A = arith.constant 0 : i32
      %get3A_140 = arith.index_cast %get3A : i32 to index
      %get3A_141 = arith.index_cast %mul3A_139 : i32 to index
      %get3A_142 = tpu.vector_load %arg6[%get3A_140, %get3A_141] {strides = array<i32>} : memref<50x128xi32, #tpu.memory_space<vmem>>, vector<16xi32>,
      tpu.vector_store_idx %arg7[%add3A_137, %get3A_142], %broadcast_in_dim3A_8 {add = true} : memref<128x128xf32, #tpu.memory_space<vmem>>[vector<16xi32>, vector<16xi32>], vector<16xf32>,
      %mul3A_143 = arith.constant 16 : i32
      %mul3A_144 = arith.muli %scan3A_133, %mul3A_143 : i32
      %get3A_145 = arith.constant 1 : i32
      %get3A_146 = arith.index_cast %get3A_145 : i32 to index
      %get3A_147 = arith.index_cast %mul3A_144 : i32 to index
      %get3A_148 = tpu.vector_load %arg6[%get3A_146, %get3A_147] {strides = array<i32>} : memref<50x128xi32, #tpu.memory_space<vmem>>, vector<16xi32>,
      tpu.vector_store_idx %arg7[%add3A_137, %get3A_148], %broadcast_in_dim3A_8 {add = true} : memref<128x128xf32, #tpu.memory_space<vmem>>[vector<16xi32>, vector<16xi32>], vector<16xf32>,
      %mul3A_149 = arith.constant 16 : i32
      %mul3A_150 = arith.muli %scan3A_133, %mul3A_149 : i32
      %get3A_151 = arith.constant 2 : i32
      %get3A_152 = arith.index_cast %get3A_151 : i32 to index
      %get3A_153 = arith.index_cast %mul3A_150 : i32 to index
      %get3A_154 = tpu.vector_load %arg6[%get3A_152, %get3A_153] {strides = array<i32>} : memref<50x128xi32, #tpu.memory_space<vmem>>, vector<16xi32>,
      tpu.vector_store_idx %arg7[%add3A_137, %get3A_154], %broadcast_in_dim3A_8 {add = true} : memref<128x128xf32, #tpu.memory_space<vmem>>[vector<16xi32>, vector<16xi32>], vector<16xf32>,
      %mul3A_155 = arith.constant 16 : i32
      %mul3A_156 = arith.muli %scan3A_133, %mul3A_155 : i32
      %get3A_157 = arith.constant 3 : i32
      %get3A_158 = arith.index_cast %get3A_157 : i32 to index
      %get3A_159 = arith.index_cast %mul3A_156 : i32 to index
      %get3A_160 = tpu.vector_load %arg6[%get3A_158, %get3A_159] {strides = array<i32>} : memref<50x128xi32, #tpu.memory_space<vmem>>, vector<16xi32>,
      tpu.vector_store_idx %arg7[%add3A_137, %get3A_160], %broadcast_in_dim3A_8 {add = true} : memref<128x128xf32, #tpu.memory_space<vmem>>[vector<16xi32>, vector<16xi32>], vector<16xf32>,
      %mul3A_161 = arith.constant 16 : i32
      %mul3A_162 = arith.muli %scan3A_133, %mul3A_161 : i32
      %get3A_163 = arith.constant 4 : i32
      %get3A_164 = arith.index_cast %get3A_163 : i32 to index
      %get3A_165 = arith.index_cast %mul3A_162 : i32 to index
      %get3A_166 = tpu.vector_load %arg6[%get3A_164, %get3A_165] {strides = array<i32>} : memref<50x128xi32, #tpu.memory_space<vmem>>, vector<16xi32>,
      tpu.vector_store_idx %arg7[%add3A_137, %get3A_166], %broadcast_in_dim3A_8 {add = true} : memref<128x128xf32, #tpu.memory_space<vmem>>[vector<16xi32>, vector<16xi32>], vector<16xf32>,
      %mul3A_167 = arith.constant 16 : i32
      %mul3A_168 = arith.muli %scan3A_133, %mul3A_167 : i32
      %get3A_169 = arith.constant 5 : i32
      %get3A_170 = arith.index_cast %get3A_169 : i32 to index
      %get3A_171 = arith.index_cast %mul3A_168 : i32 to index
      %get3A_172 = tpu.vector_load %arg6[%get3A_170, %get3A_171] {strides = array<i32>} : memref<50x128xi32, #tpu.memory_space<vmem>>, vector<16xi32>,
      tpu.vector_store_idx %arg7[%add3A_137, %get3A_172], %broadcast_in_dim3A_8 {add = true} : memref<128x128xf32, #tpu.memory_space<vmem>>[vector<16xi32>, vector<16xi32>], vector<16xf32>,
      %mul3A_173 = arith.constant 16 : i32
      %mul3A_174 = arith.muli %scan3A_133, %mul3A_173 : i32
      %get3A_175 = arith.constant 6 : i32
      %get3A_176 = arith.index_cast %get3A_175 : i32 to index
      %get3A_177 = arith.index_cast %mul3A_174 : i32 to index
      %get3A_178 = tpu.vector_load %arg6[%get3A_176, %get3A_177] {strides = array<i32>} : memref<50x128xi32, #tpu.memory_space<vmem>>, vector<16xi32>,
      tpu.vector_store_idx %arg7[%add3A_137, %get3A_178], %broadcast_in_dim3A_8 {add = true} : memref<128x128xf32, #tpu.memory_space<vmem>>[vector<16xi32>, vector<16xi32>], vector<16xf32>,
      %mul3A_179 = arith.constant 16 : i32
      %mul3A_180 = arith.muli %scan3A_133, %mul3A_179 : i32
      %get3A_181 = arith.constant 7 : i32
      %get3A_182 = arith.index_cast %get3A_181 : i32 to index
      %get3A_183 = arith.index_cast %mul3A_180 : i32 to index
      %get3A_184 = tpu.vector_load %arg6[%get3A_182, %get3A_183] {strides = array<i32>} : memref<50x128xi32, #tpu.memory_space<vmem>>, vector<16xi32>,
      tpu.vector_store_idx %arg7[%add3A_137, %get3A_184], %broadcast_in_dim3A_8 {add = true} : memref<128x128xf32, #tpu.memory_space<vmem>>[vector<16xi32>, vector<16xi32>], vector<16xf32>,
      %mul3A_185 = arith.constant 16 : i32
      %mul3A_186 = arith.muli %scan3A_133, %mul3A_185 : i32
      %get3A_187 = arith.constant 8 : i32
      %get3A_188 = arith.index_cast %get3A_187 : i32 to index
      %get3A_189 = arith.index_cast %mul3A_186 : i32 to index
      %get3A_190 = tpu.vector_load %arg6[%get3A_188, %get3A_189] {strides = array<i32>} : memref<50x128xi32, #tpu.memory_space<vmem>>, vector<16xi32>,
      tpu.vector_store_idx %arg7[%add3A_137, %get3A_190], %broadcast_in_dim3A_8 {add = true} : memref<128x128xf32, #tpu.memory_space<vmem>>[vector<16xi32>, vector<16xi32>], vector<16xf32>,
      %mul3A_191 = arith.constant 16 : i32
      %mul3A_192 = arith.muli %scan3A_133, %mul3A_191 : i32
      %get3A_193 = arith.constant 9 : i32
      %get3A_194 = arith.index_cast %get3A_193 : i32 to index
      %get3A_195 = arith.index_cast %mul3A_192 : i32 to index
      %get3A_196 = tpu.vector_load %arg6[%get3A_194, %get3A_195] {strides = array<i32>} : memref<50x128xi32, #tpu.memory_space<vmem>>, vector<16xi32>,
      tpu.vector_store_idx %arg7[%add3A_137, %get3A_196], %broadcast_in_dim3A_8 {add = true} : memref<128x128xf32, #tpu.memory_space<vmem>>[vector<16xi32>, vector<16xi32>], vector<16xf32>,
      %mul3A_197 = arith.constant 16 : i32
      %mul3A_198 = arith.muli %scan3A_133, %mul3A_197 : i32
      %get3A_199 = arith.constant 10 : i32
      %get3A_200 = arith.index_cast %get3A_199 : i32 to index
      %get3A_201 = arith.index_cast %mul3A_198 : i32 to index
      %get3A_202 = tpu.vector_load %arg6[%get3A_200, %get3A_201] {strides = array<i32>} : memref<50x128xi32, #tpu.memory_space<vmem>>, vector<16xi32>,
      tpu.vector_store_idx %arg7[%add3A_137, %get3A_202], %broadcast_in_dim3A_8 {add = true} : memref<128x128xf32, #tpu.memory_space<vmem>>[vector<16xi32>, vector<16xi32>], vector<16xf32>,
      %mul3A_203 = arith.constant 16 : i32
      %mul3A_204 = arith.muli %scan3A_133, %mul3A_203 : i32
      %get3A_205 = arith.constant 11 : i32
      %get3A_206 = arith.index_cast %get3A_205 : i32 to index
      %get3A_207 = arith.index_cast %mul3A_204 : i32 to index
      %get3A_208 = tpu.vector_load %arg6[%get3A_206, %get3A_207] {strides = array<i32>} : memref<50x128xi32, #tpu.memory_space<vmem>>, vector<16xi32>,
      tpu.vector_store_idx %arg7[%add3A_137, %get3A_208], %broadcast_in_dim3A_8 {add = true} : memref<128x128xf32, #tpu.memory_space<vmem>>[vector<16xi32>, vector<16xi32>], vector<16xf32>,
      %mul3A_209 = arith.constant 16 : i32
      %mul3A_210 = arith.muli %scan3A_133, %mul3A_209 : i32
      %get3A_211 = arith.constant 12 : i32
      %get3A_212 = arith.index_cast %get3A_211 : i32 to index
      %get3A_213 = arith.index_cast %mul3A_210 : i32 to index
      %get3A_214 = tpu.vector_load %arg6[%get3A_212, %get3A_213] {strides = array<i32>} : memref<50x128xi32, #tpu.memory_space<vmem>>, vector<16xi32>,
      tpu.vector_store_idx %arg7[%add3A_137, %get3A_214], %broadcast_in_dim3A_8 {add = true} : memref<128x128xf32, #tpu.memory_space<vmem>>[vector<16xi32>, vector<16xi32>], vector<16xf32>,
      %mul3A_215 = arith.constant 16 : i32
      %mul3A_216 = arith.muli %scan3A_133, %mul3A_215 : i32
      %get3A_217 = arith.constant 13 : i32
      %get3A_218 = arith.index_cast %get3A_217 : i32 to index
      %get3A_219 = arith.index_cast %mul3A_216 : i32 to index
      %get3A_220 = tpu.vector_load %arg6[%get3A_218, %get3A_219] {strides = array<i32>} : memref<50x128xi32, #tpu.memory_space<vmem>>, vector<16xi32>,
      tpu.vector_store_idx %arg7[%add3A_137, %get3A_220], %broadcast_in_dim3A_8 {add = true} : memref<128x128xf32, #tpu.memory_space<vmem>>[vector<16xi32>, vector<16xi32>], vector<16xf32>,
      %mul3A_221 = arith.constant 16 : i32
      %mul3A_222 = arith.muli %scan3A_133, %mul3A_221 : i32
      %get3A_223 = arith.constant 14 : i32
      %get3A_224 = arith.index_cast %get3A_223 : i32 to index
      %get3A_225 = arith.index_cast %mul3A_222 : i32 to index
      %get3A_226 = tpu.vector_load %arg6[%get3A_224, %get3A_225] {strides = array<i32>} : memref<50x128xi32, #tpu.memory_space<vmem>>, vector<16xi32>,
      tpu.vector_store_idx %arg7[%add3A_137, %get3A_226], %broadcast_in_dim3A_8 {add = true} : memref<128x128xf32, #tpu.memory_space<vmem>>[vector<16xi32>, vector<16xi32>], vector<16xf32>,
      %mul3A_227 = arith.constant 16 : i32
      %mul3A_228 = arith.muli %scan3A_133, %mul3A_227 : i32
      %get3A_229 = arith.constant 15 : i32
      %get3A_230 = arith.index_cast %get3A_229 : i32 to index
      %get3A_231 = arith.index_cast %mul3A_228 : i32 to index
      %get3A_232 = tpu.vector_load %arg6[%get3A_230, %get3A_231] {strides = array<i32>} : memref<50x128xi32, #tpu.memory_space<vmem>>, vector<16xi32>,
      tpu.vector_store_idx %arg7[%add3A_137, %get3A_232], %broadcast_in_dim3A_8 {add = true} : memref<128x128xf32, #tpu.memory_space<vmem>>[vector<16xi32>, vector<16xi32>], vector<16xf32>,
      %mul3A_233 = arith.constant 16 : i32
      %mul3A_234 = arith.muli %scan3A_133, %mul3A_233 : i32
      %get3A_235 = arith.constant 16 : i32
      %get3A_236 = arith.index_cast %get3A_235 : i32 to index
      %get3A_237 = arith.index_cast %mul3A_234 : i32 to index
      %get3A_238 = tpu.vector_load %arg6[%get3A_236, %get3A_237] {strides = array<i32>} : memref<50x128xi32, #tpu.memory_space<vmem>>, vector<16xi32>,
      tpu.vector_store_idx %arg7[%add3A_137, %get3A_238], %broadcast_in_dim3A_8 {add = true} : memref<128x128xf32, #tpu.memory_space<vmem>>[vector<16xi32>, vector<16xi32>], vector<16xf32>,
      %mul3A_239 = arith.constant 16 : i32
      %mul3A_240 = arith.muli %scan3A_133, %mul3A_239 : i32
      %get3A_241 = arith.constant 17 : i32
      %get3A_242 = arith.index_cast %get3A_241 : i32 to index
      %get3A_243 = arith.index_cast %mul3A_240 : i32 to index
      %get3A_244 = tpu.vector_load %arg6[%get3A_242, %get3A_243] {strides = array<i32>} : memref<50x128xi32, #tpu.memory_space<vmem>>, vector<16xi32>,
      tpu.vector_store_idx %arg7[%add3A_137, %get3A_244], %broadcast_in_dim3A_8 {add = true} : memref<128x128xf32, #tpu.memory_space<vmem>>[vector<16xi32>, vector<16xi32>], vector<16xf32>,
      %mul3A_245 = arith.constant 16 : i32
      %mul3A_246 = arith.muli %scan3A_133, %mul3A_245 : i32
      %get3A_247 = arith.constant 18 : i32
      %get3A_248 = arith.index_cast %get3A_247 : i32 to index
      %get3A_249 = arith.index_cast %mul3A_246 : i32 to index
      %get3A_250 = tpu.vector_load %arg6[%get3A_248, %get3A_249] {strides = array<i32>} : memref<50x128xi32, #tpu.memory_space<vmem>>, vector<16xi32>,
      tpu.vector_store_idx %arg7[%add3A_137, %get3A_250], %broadcast_in_dim3A_8 {add = true} : memref<128x128xf32, #tpu.memory_space<vmem>>[vector<16xi32>, vector<16xi32>], vector<16xf32>,
      %mul3A_251 = arith.constant 16 : i32
      %mul3A_252 = arith.muli %scan3A_133, %mul3A_251 : i32
      %get3A_253 = arith.constant 19 : i32
      %get3A_254 = arith.index_cast %get3A_253 : i32 to index
      %get3A_255 = arith.index_cast %mul3A_252 : i32 to index
      %get3A_256 = tpu.vector_load %arg6[%get3A_254, %get3A_255] {strides = array<i32>} : memref<50x128xi32, #tpu.memory_space<vmem>>, vector<16xi32>,
      tpu.vector_store_idx %arg7[%add3A_137, %get3A_256], %broadcast_in_dim3A_8 {add = true} : memref<128x128xf32, #tpu.memory_space<vmem>>[vector<16xi32>, vector<16xi32>], vector<16xf32>,
      %mul3A_257 = arith.constant 16 : i32
      %mul3A_258 = arith.muli %scan3A_133, %mul3A_257 : i32
      %get3A_259 = arith.constant 20 : i32
      %get3A_260 = arith.index_cast %get3A_259 : i32 to index
      %get3A_261 = arith.index_cast %mul3A_258 : i32 to index
      %get3A_262 = tpu.vector_load %arg6[%get3A_260, %get3A_261] {strides = array<i32>} : memref<50x128xi32, #tpu.memory_space<vmem>>, vector<16xi32>,
      tpu.vector_store_idx %arg7[%add3A_137, %get3A_262], %broadcast_in_dim3A_8 {add = true} : memref<128x128xf32, #tpu.memory_space<vmem>>[vector<16xi32>, vector<16xi32>], vector<16xf32>,
      %mul3A_263 = arith.constant 16 : i32
      %mul3A_264 = arith.muli %scan3A_133, %mul3A_263 : i32
      %get3A_265 = arith.constant 21 : i32
      %get3A_266 = arith.index_cast %get3A_265 : i32 to index
      %get3A_267 = arith.index_cast %mul3A_264 : i32 to index
      %get3A_268 = tpu.vector_load %arg6[%get3A_266, %get3A_267] {strides = array<i32>} : memref<50x128xi32, #tpu.memory_space<vmem>>, vector<16xi32>,
      tpu.vector_store_idx %arg7[%add3A_137, %get3A_268], %broadcast_in_dim3A_8 {add = true} : memref<128x128xf32, #tpu.memory_space<vmem>>[vector<16xi32>, vector<16xi32>], vector<16xf32>,
      %mul3A_269 = arith.constant 16 : i32
      %mul3A_270 = arith.muli %scan3A_133, %mul3A_269 : i32
      %get3A_271 = arith.constant 22 : i32
      %get3A_272 = arith.index_cast %get3A_271 : i32 to index
      %get3A_273 = arith.index_cast %mul3A_270 : i32 to index
      %get3A_274 = tpu.vector_load %arg6[%get3A_272, %get3A_273] {strides = array<i32>} : memref<50x128xi32, #tpu.memory_space<vmem>>, vector<16xi32>,
      tpu.vector_store_idx %arg7[%add3A_137, %get3A_274], %broadcast_in_dim3A_8 {add = true} : memref<128x128xf32, #tpu.memory_space<vmem>>[vector<16xi32>, vector<16xi32>], vector<16xf32>,
      %mul3A_275 = arith.constant 16 : i32
      %mul3A_276 = arith.muli %scan3A_133, %mul3A_275 : i32
      %get3A_277 = arith.constant 23 : i32
      %get3A_278 = arith.index_cast %get3A_277 : i32 to index
      %get3A_279 = arith.index_cast %mul3A_276 : i32 to index
      %get3A_280 = tpu.vector_load %arg6[%get3A_278, %get3A_279] {strides = array<i32>} : memref<50x128xi32, #tpu.memory_space<vmem>>, vector<16xi32>,
      tpu.vector_store_idx %arg7[%add3A_137, %get3A_280], %broadcast_in_dim3A_8 {add = true} : memref<128x128xf32, #tpu.memory_space<vmem>>[vector<16xi32>, vector<16xi32>], vector<16xf32>,
      %mul3A_281 = arith.constant 16 : i32
      %mul3A_282 = arith.muli %scan3A_133, %mul3A_281 : i32
      %get3A_283 = arith.constant 24 : i32
      %get3A_284 = arith.index_cast %get3A_283 : i32 to index
      %get3A_285 = arith.index_cast %mul3A_282 : i32 to index
      %get3A_286 = tpu.vector_load %arg6[%get3A_284, %get3A_285] {strides = array<i32>} : memref<50x128xi32, #tpu.memory_space<vmem>>, vector<16xi32>,
      tpu.vector_store_idx %arg7[%add3A_137, %get3A_286], %broadcast_in_dim3A_8 {add = true} : memref<128x128xf32, #tpu.memory_space<vmem>>[vector<16xi32>, vector<16xi32>], vector<16xf32>,
      %mul3A_287 = arith.constant 16 : i32
      %mul3A_288 = arith.muli %scan3A_133, %mul3A_287 : i32
      %get3A_289 = arith.constant 25 : i32
      %get3A_290 = arith.index_cast %get3A_289 : i32 to index
      %get3A_291 = arith.index_cast %mul3A_288 : i32 to index
      %get3A_292 = tpu.vector_load %arg6[%get3A_290, %get3A_291] {strides = array<i32>} : memref<50x128xi32, #tpu.memory_space<vmem>>, vector<16xi32>,
      tpu.vector_store_idx %arg7[%add3A_137, %get3A_292], %broadcast_in_dim3A_8 {add = true} : memref<128x128xf32, #tpu.memory_space<vmem>>[vector<16xi32>, vector<16xi32>], vector<16xf32>,
      %mul3A_293 = arith.constant 16 : i32
      %mul3A_294 = arith.muli %scan3A_133, %mul3A_293 : i32
      %get3A_295 = arith.constant 26 : i32
      %get3A_296 = arith.index_cast %get3A_295 : i32 to index
      %get3A_297 = arith.index_cast %mul3A_294 : i32 to index
      %get3A_298 = tpu.vector_load %arg6[%get3A_296, %get3A_297] {strides = array<i32>} : memref<50x128xi32, #tpu.memory_space<vmem>>, vector<16xi32>,
      tpu.vector_store_idx %arg7[%add3A_137, %get3A_298], %broadcast_in_dim3A_8 {add = true} : memref<128x128xf32, #tpu.memory_space<vmem>>[vector<16xi32>, vector<16xi32>], vector<16xf32>,
      %mul3A_299 = arith.constant 16 : i32
      %mul3A_300 = arith.muli %scan3A_133, %mul3A_299 : i32
      %get3A_301 = arith.constant 27 : i32
      %get3A_302 = arith.index_cast %get3A_301 : i32 to index
      %get3A_303 = arith.index_cast %mul3A_300 : i32 to index
      %get3A_304 = tpu.vector_load %arg6[%get3A_302, %get3A_303] {strides = array<i32>} : memref<50x128xi32, #tpu.memory_space<vmem>>, vector<16xi32>,
      tpu.vector_store_idx %arg7[%add3A_137, %get3A_304], %broadcast_in_dim3A_8 {add = true} : memref<128x128xf32, #tpu.memory_space<vmem>>[vector<16xi32>, vector<16xi32>], vector<16xf32>,
      %mul3A_305 = arith.constant 16 : i32
      %mul3A_306 = arith.muli %scan3A_133, %mul3A_305 : i32
      %get3A_307 = arith.constant 28 : i32
      %get3A_308 = arith.index_cast %get3A_307 : i32 to index
      %get3A_309 = arith.index_cast %mul3A_306 : i32 to index
      %get3A_310 = tpu.vector_load %arg6[%get3A_308, %get3A_309] {strides = array<i32>} : memref<50x128xi32, #tpu.memory_space<vmem>>, vector<16xi32>,
      tpu.vector_store_idx %arg7[%add3A_137, %get3A_310], %broadcast_in_dim3A_8 {add = true} : memref<128x128xf32, #tpu.memory_space<vmem>>[vector<16xi32>, vector<16xi32>], vector<16xf32>,
      %mul3A_311 = arith.constant 16 : i32
      %mul3A_312 = arith.muli %scan3A_133, %mul3A_311 : i32
      %get3A_313 = arith.constant 29 : i32
      %get3A_314 = arith.index_cast %get3A_313 : i32 to index
      %get3A_315 = arith.index_cast %mul3A_312 : i32 to index
      %get3A_316 = tpu.vector_load %arg6[%get3A_314, %get3A_315] {strides = array<i32>} : memref<50x128xi32, #tpu.memory_space<vmem>>, vector<16xi32>,
      tpu.vector_store_idx %arg7[%add3A_137, %get3A_316], %broadcast_in_dim3A_8 {add = true} : memref<128x128xf32, #tpu.memory_space<vmem>>[vector<16xi32>, vector<16xi32>], vector<16xf32>,
      %mul3A_317 = arith.constant 16 : i32
      %mul3A_318 = arith.muli %scan3A_133, %mul3A_317 : i32
      %get3A_319 = arith.constant 30 : i32
      %get3A_320 = arith.index_cast %get3A_319 : i32 to index
      %get3A_321 = arith.index_cast %mul3A_318 : i32 to index
      %get3A_322 = tpu.vector_load %arg6[%get3A_320, %get3A_321] {strides = array<i32>} : memref<50x128xi32, #tpu.memory_space<vmem>>, vector<16xi32>,
      tpu.vector_store_idx %arg7[%add3A_137, %get3A_322], %broadcast_in_dim3A_8 {add = true} : memref<128x128xf32, #tpu.memory_space<vmem>>[vector<16xi32>, vector<16xi32>], vector<16xf32>,
      %mul3A_323 = arith.constant 16 : i32
      %mul3A_324 = arith.muli %scan3A_133, %mul3A_323 : i32
      %get3A_325 = arith.constant 31 : i32
      %get3A_326 = arith.index_cast %get3A_325 : i32 to index
      %get3A_327 = arith.index_cast %mul3A_324 : i32 to index
      %get3A_328 = tpu.vector_load %arg6[%get3A_326, %get3A_327] {strides = array<i32>} : memref<50x128xi32, #tpu.memory_space<vmem>>, vector<16xi32>,
      tpu.vector_store_idx %arg7[%add3A_137, %get3A_328], %broadcast_in_dim3A_8 {add = true} : memref<128x128xf32, #tpu.memory_space<vmem>>[vector<16xi32>, vector<16xi32>], vector<16xf32>,
      %mul3A_329 = arith.constant 16 : i32
      %mul3A_330 = arith.muli %scan3A_133, %mul3A_329 : i32
      %get3A_331 = arith.constant 32 : i32
      %get3A_332 = arith.index_cast %get3A_331 : i32 to index
      %get3A_333 = arith.index_cast %mul3A_330 : i32 to index
      %get3A_334 = tpu.vector_load %arg6[%get3A_332, %get3A_333] {strides = array<i32>} : memref<50x128xi32, #tpu.memory_space<vmem>>, vector<16xi32>,
      tpu.vector_store_idx %arg7[%add3A_137, %get3A_334], %broadcast_in_dim3A_8 {add = true} : memref<128x128xf32, #tpu.memory_space<vmem>>[vector<16xi32>, vector<16xi32>], vector<16xf32>,
      %mul3A_335 = arith.constant 16 : i32
      %mul3A_336 = arith.muli %scan3A_133, %mul3A_335 : i32
      %get3A_337 = arith.constant 33 : i32
      %get3A_338 = arith.index_cast %get3A_337 : i32 to index
      %get3A_339 = arith.index_cast %mul3A_336 : i32 to index
      %get3A_340 = tpu.vector_load %arg6[%get3A_338, %get3A_339] {strides = array<i32>} : memref<50x128xi32, #tpu.memory_space<vmem>>, vector<16xi32>,
      tpu.vector_store_idx %arg7[%add3A_137, %get3A_340], %broadcast_in_dim3A_8 {add = true} : memref<128x128xf32, #tpu.memory_space<vmem>>[vector<16xi32>, vector<16xi32>], vector<16xf32>,
      %mul3A_341 = arith.constant 16 : i32
      %mul3A_342 = arith.muli %scan3A_133, %mul3A_341 : i32
      %get3A_343 = arith.constant 34 : i32
      %get3A_344 = arith.index_cast %get3A_343 : i32 to index
      %get3A_345 = arith.index_cast %mul3A_342 : i32 to index
      %get3A_346 = tpu.vector_load %arg6[%get3A_344, %get3A_345] {strides = array<i32>} : memref<50x128xi32, #tpu.memory_space<vmem>>, vector<16xi32>,
      tpu.vector_store_idx %arg7[%add3A_137, %get3A_346], %broadcast_in_dim3A_8 {add = true} : memref<128x128xf32, #tpu.memory_space<vmem>>[vector<16xi32>, vector<16xi32>], vector<16xf32>,
      %mul3A_347 = arith.constant 16 : i32
      %mul3A_348 = arith.muli %scan3A_133, %mul3A_347 : i32
      %get3A_349 = arith.constant 35 : i32
      %get3A_350 = arith.index_cast %get3A_349 : i32 to index
      %get3A_351 = arith.index_cast %mul3A_348 : i32 to index
      %get3A_352 = tpu.vector_load %arg6[%get3A_350, %get3A_351] {strides = array<i32>} : memref<50x128xi32, #tpu.memory_space<vmem>>, vector<16xi32>,
      tpu.vector_store_idx %arg7[%add3A_137, %get3A_352], %broadcast_in_dim3A_8 {add = true} : memref<128x128xf32, #tpu.memory_space<vmem>>[vector<16xi32>, vector<16xi32>], vector<16xf32>,
      %mul3A_353 = arith.constant 16 : i32
      %mul3A_354 = arith.muli %scan3A_133, %mul3A_353 : i32
      %get3A_355 = arith.constant 36 : i32
      %get3A_356 = arith.index_cast %get3A_355 : i32 to index
      %get3A_357 = arith.index_cast %mul3A_354 : i32 to index
      %get3A_358 = tpu.vector_load %arg6[%get3A_356, %get3A_357] {strides = array<i32>} : memref<50x128xi32, #tpu.memory_space<vmem>>, vector<16xi32>,
      tpu.vector_store_idx %arg7[%add3A_137, %get3A_358], %broadcast_in_dim3A_8 {add = true} : memref<128x128xf32, #tpu.memory_space<vmem>>[vector<16xi32>, vector<16xi32>], vector<16xf32>,
      %mul3A_359 = arith.constant 16 : i32
      %mul3A_360 = arith.muli %scan3A_133, %mul3A_359 : i32
      %get3A_361 = arith.constant 37 : i32
      %get3A_362 = arith.index_cast %get3A_361 : i32 to index
      %get3A_363 = arith.index_cast %mul3A_360 : i32 to index
      %get3A_364 = tpu.vector_load %arg6[%get3A_362, %get3A_363] {strides = array<i32>} : memref<50x128xi32, #tpu.memory_space<vmem>>, vector<16xi32>,
      tpu.vector_store_idx %arg7[%add3A_137, %get3A_364], %broadcast_in_dim3A_8 {add = true} : memref<128x128xf32, #tpu.memory_space<vmem>>[vector<16xi32>, vector<16xi32>], vector<16xf32>,
      %mul3A_365 = arith.constant 16 : i32
      %mul3A_366 = arith.muli %scan3A_133, %mul3A_365 : i32
      %get3A_367 = arith.constant 38 : i32
      %get3A_368 = arith.index_cast %get3A_367 : i32 to index
      %get3A_369 = arith.index_cast %mul3A_366 : i32 to index
      %get3A_370 = tpu.vector_load %arg6[%get3A_368, %get3A_369] {strides = array<i32>} : memref<50x128xi32, #tpu.memory_space<vmem>>, vector<16xi32>,
      tpu.vector_store_idx %arg7[%add3A_137, %get3A_370], %broadcast_in_dim3A_8 {add = true} : memref<128x128xf32, #tpu.memory_space<vmem>>[vector<16xi32>, vector<16xi32>], vector<16xf32>,
      %mul3A_371 = arith.constant 16 : i32
      %mul3A_372 = arith.muli %scan3A_133, %mul3A_371 : i32
      %get3A_373 = arith.constant 39 : i32
      %get3A_374 = arith.index_cast %get3A_373 : i32 to index
      %get3A_375 = arith.index_cast %mul3A_372 : i32 to index
      %get3A_376 = tpu.vector_load %arg6[%get3A_374, %get3A_375] {strides = array<i32>} : memref<50x128xi32, #tpu.memory_space<vmem>>, vector<16xi32>,
      tpu.vector_store_idx %arg7[%add3A_137, %get3A_376], %broadcast_in_dim3A_8 {add = true} : memref<128x128xf32, #tpu.memory_space<vmem>>[vector<16xi32>, vector<16xi32>], vector<16xf32>,
      %mul3A_377 = arith.constant 16 : i32
      %mul3A_378 = arith.muli %scan3A_133, %mul3A_377 : i32
      %get3A_379 = arith.constant 40 : i32
      %get3A_380 = arith.index_cast %get3A_379 : i32 to index
      %get3A_381 = arith.index_cast %mul3A_378 : i32 to index
      %get3A_382 = tpu.vector_load %arg6[%get3A_380, %get3A_381] {strides = array<i32>} : memref<50x128xi32, #tpu.memory_space<vmem>>, vector<16xi32>,
      tpu.vector_store_idx %arg7[%add3A_137, %get3A_382], %broadcast_in_dim3A_8 {add = true} : memref<128x128xf32, #tpu.memory_space<vmem>>[vector<16xi32>, vector<16xi32>], vector<16xf32>,
      %mul3A_383 = arith.constant 16 : i32
      %mul3A_384 = arith.muli %scan3A_133, %mul3A_383 : i32
      %get3A_385 = arith.constant 41 : i32
      %get3A_386 = arith.index_cast %get3A_385 : i32 to index
      %get3A_387 = arith.index_cast %mul3A_384 : i32 to index
      %get3A_388 = tpu.vector_load %arg6[%get3A_386, %get3A_387] {strides = array<i32>} : memref<50x128xi32, #tpu.memory_space<vmem>>, vector<16xi32>,
      tpu.vector_store_idx %arg7[%add3A_137, %get3A_388], %broadcast_in_dim3A_8 {add = true} : memref<128x128xf32, #tpu.memory_space<vmem>>[vector<16xi32>, vector<16xi32>], vector<16xf32>,
      %mul3A_389 = arith.constant 16 : i32
      %mul3A_390 = arith.muli %scan3A_133, %mul3A_389 : i32
      %get3A_391 = arith.constant 42 : i32
      %get3A_392 = arith.index_cast %get3A_391 : i32 to index
      %get3A_393 = arith.index_cast %mul3A_390 : i32 to index
      %get3A_394 = tpu.vector_load %arg6[%get3A_392, %get3A_393] {strides = array<i32>} : memref<50x128xi32, #tpu.memory_space<vmem>>, vector<16xi32>,
      tpu.vector_store_idx %arg7[%add3A_137, %get3A_394], %broadcast_in_dim3A_8 {add = true} : memref<128x128xf32, #tpu.memory_space<vmem>>[vector<16xi32>, vector<16xi32>], vector<16xf32>,
      %mul3A_395 = arith.constant 16 : i32
      %mul3A_396 = arith.muli %scan3A_133, %mul3A_395 : i32
      %get3A_397 = arith.constant 43 : i32
      %get3A_398 = arith.index_cast %get3A_397 : i32 to index
      %get3A_399 = arith.index_cast %mul3A_396 : i32 to index
      %get3A_400 = tpu.vector_load %arg6[%get3A_398, %get3A_399] {strides = array<i32>} : memref<50x128xi32, #tpu.memory_space<vmem>>, vector<16xi32>,
      tpu.vector_store_idx %arg7[%add3A_137, %get3A_400], %broadcast_in_dim3A_8 {add = true} : memref<128x128xf32, #tpu.memory_space<vmem>>[vector<16xi32>, vector<16xi32>], vector<16xf32>,
      %mul3A_401 = arith.constant 16 : i32
      %mul3A_402 = arith.muli %scan3A_133, %mul3A_401 : i32
      %get3A_403 = arith.constant 44 : i32
      %get3A_404 = arith.index_cast %get3A_403 : i32 to index
      %get3A_405 = arith.index_cast %mul3A_402 : i32 to index
      %get3A_406 = tpu.vector_load %arg6[%get3A_404, %get3A_405] {strides = array<i32>} : memref<50x128xi32, #tpu.memory_space<vmem>>, vector<16xi32>,
      tpu.vector_store_idx %arg7[%add3A_137, %get3A_406], %broadcast_in_dim3A_8 {add = true} : memref<128x128xf32, #tpu.memory_space<vmem>>[vector<16xi32>, vector<16xi32>], vector<16xf32>,
      %mul3A_407 = arith.constant 16 : i32
      %mul3A_408 = arith.muli %scan3A_133, %mul3A_407 : i32
      %get3A_409 = arith.constant 45 : i32
      %get3A_410 = arith.index_cast %get3A_409 : i32 to index
      %get3A_411 = arith.index_cast %mul3A_408 : i32 to index
      %get3A_412 = tpu.vector_load %arg6[%get3A_410, %get3A_411] {strides = array<i32>} : memref<50x128xi32, #tpu.memory_space<vmem>>, vector<16xi32>,
      tpu.vector_store_idx %arg7[%add3A_137, %get3A_412], %broadcast_in_dim3A_8 {add = true} : memref<128x128xf32, #tpu.memory_space<vmem>>[vector<16xi32>, vector<16xi32>], vector<16xf32>,
      %mul3A_413 = arith.constant 16 : i32
      %mul3A_414 = arith.muli %scan3A_133, %mul3A_413 : i32
      %get3A_415 = arith.constant 46 : i32
      %get3A_416 = arith.index_cast %get3A_415 : i32 to index
      %get3A_417 = arith.index_cast %mul3A_414 : i32 to index
      %get3A_418 = tpu.vector_load %arg6[%get3A_416, %get3A_417] {strides = array<i32>} : memref<50x128xi32, #tpu.memory_space<vmem>>, vector<16xi32>,
      tpu.vector_store_idx %arg7[%add3A_137, %get3A_418], %broadcast_in_dim3A_8 {add = true} : memref<128x128xf32, #tpu.memory_space<vmem>>[vector<16xi32>, vector<16xi32>], vector<16xf32>,
      %mul3A_419 = arith.constant 16 : i32
      %mul3A_420 = arith.muli %scan3A_133, %mul3A_419 : i32
      %get3A_421 = arith.constant 47 : i32
      %get3A_422 = arith.index_cast %get3A_421 : i32 to index
      %get3A_423 = arith.index_cast %mul3A_420 : i32 to index
      %get3A_424 = tpu.vector_load %arg6[%get3A_422, %get3A_423] {strides = array<i32>} : memref<50x128xi32, #tpu.memory_space<vmem>>, vector<16xi32>,
      tpu.vector_store_idx %arg7[%add3A_137, %get3A_424], %broadcast_in_dim3A_8 {add = true} : memref<128x128xf32, #tpu.memory_space<vmem>>[vector<16xi32>, vector<16xi32>], vector<16xf32>,
      %mul3A_425 = arith.constant 16 : i32
      %mul3A_426 = arith.muli %scan3A_133, %mul3A_425 : i32
      %get3A_427 = arith.constant 48 : i32
      %get3A_428 = arith.index_cast %get3A_427 : i32 to index
      %get3A_429 = arith.index_cast %mul3A_426 : i32 to index
      %get3A_430 = tpu.vector_load %arg6[%get3A_428, %get3A_429] {strides = array<i32>} : memref<50x128xi32, #tpu.memory_space<vmem>>, vector<16xi32>,
      tpu.vector_store_idx %arg7[%add3A_137, %get3A_430], %broadcast_in_dim3A_8 {add = true} : memref<128x128xf32, #tpu.memory_space<vmem>>[vector<16xi32>, vector<16xi32>], vector<16xf32>,
      %mul3A_431 = arith.constant 16 : i32
      %mul3A_432 = arith.muli %scan3A_133, %mul3A_431 : i32
      %get3A_433 = arith.constant 49 : i32
      %get3A_434 = arith.index_cast %get3A_433 : i32 to index
      %get3A_435 = arith.index_cast %mul3A_432 : i32 to index
      %get3A_436 = tpu.vector_load %arg6[%get3A_434, %get3A_435] {strides = array<i32>} : memref<50x128xi32, #tpu.memory_space<vmem>>, vector<16xi32>,
      tpu.vector_store_idx %arg7[%add3A_137, %get3A_436], %broadcast_in_dim3A_8 {add = true} : memref<128x128xf32, #tpu.memory_space<vmem>>[vector<16xi32>, vector<16xi32>], vector<16xf32>,
      %mul3A_437 = arith.constant 16 : i32
      %mul3A_438 = arith.muli %scan3A_133, %mul3A_437 : i32
      %get3A_439 = arith.index_cast %mul3A_438 : i32 to index
      %get3A_440 = tpu.vector_load %arg5[%get3A_439] {strides = array<i32>} : memref<128xi32, #tpu.memory_space<vmem>>, vector<16xi32>,
      %convert_element_type3A = arith.sitofp %get3A_440 : vector<16xi32> to vector<16xf32>
      tpu.vector_store_idx %arg7[%add3A_137, %broadcast_in_dim3A_12], %convert_element_type3A : memref<128x128xf32, #tpu.memory_space<vmem>>[vector<16xi32>, vector<16xi32>], vector<16xf32>,
    }
    %scan3A_26 = arith.constant 2 : i32
    %add3A_27 = arith.constant 0 : i32
    %add3A_28 = arith.addi %mul3A_2, %add3A_27 : i32
    %dma_start3A_29 = arith.constant 0 : i32
    %dma_start3A_30 = arith.constant 0 : i32
    %dma_start3A_31 = tpu.memref_slice %arg7[%dma_start3A_29, %dma_start3A_30] : memref<128x128xf32, #tpu.memory_space<vmem>> -> memref<32x128xf32, #tpu.memory_space<vmem>>
    %dma_start3A_32 = arith.constant 0 : i32
    %dma_start3A_33 = tpu.memref_slice %arg4[%add3A_28, %dma_start3A_32] : memref<4096x128xf32, #tpu.memory_space<hbm>> -> memref<32x128xf32, #tpu.memory_space<hbm>>
    %dma_start3A_34 = arith.constant 0 : i32
    %dma_start3A_35 = tpu.memref_slice %arg4[%add3A_28, %dma_start3A_34] : memref<4096x128xf32, #tpu.memory_space<hbm>> -> memref<32x128xf32, #tpu.memory_space<hbm>>
    %dma_start3A_36 = arith.constant 0 : i32
    %dma_start3A_37 = arith.constant 0 : i32
    %dma_start3A_38 = tpu.memref_slice %arg7[%dma_start3A_36, %dma_start3A_37] : memref<128x128xf32, #tpu.memory_space<vmem>> -> memref<32x128xf32, #tpu.memory_space<vmem>>
    tpu.enqueue_dma source(%dma_start3A_38 : memref<32x128xf32, #tpu.memory_space<vmem>>) target(%dma_start3A_35 : memref<32x128xf32, #tpu.memory_space<hbm>>) target_semaphore(%arg9 : memref<!tpu.dma_semaphore, #tpu.memory_space<semaphore_mem>>)
    %scan3A_39 = arith.constant 0 : i32
    %scan3A_40 = arith.constant 2 : i32
    %scan3A_41 = arith.constant 2 : i32
    %scan3A_42 = arith.addi %scan3A_40, %scan3A_41 : i32
    %scan3A_43 = arith.constant 1 : i32
    scf.for %scan3A_133 = %scan3A_40 to %scan3A_42 step %scan3A_43  : i32 {
      %mul3A_134 = arith.constant 16 : i32
      %mul3A_135 = arith.muli %scan3A_133, %mul3A_134 : i32
      %add3A_136 = vector.broadcast %mul3A_135 : i32 to vector<16xi32>
      %add3A_137 = arith.addi %add3A_136, %iota3A : vector<16xi32>
      %mul3A_138 = arith.constant 16 : i32
      %mul3A_139 = arith.muli %scan3A_133, %mul3A_138 : i32
      %get3A = arith.constant 0 : i32
      %get3A_140 = arith.index_cast %get3A : i32 to index
      %get3A_141 = arith.index_cast %mul3A_139 : i32 to index
      %get3A_142 = tpu.vector_load %arg6[%get3A_140, %get3A_141] {strides = array<i32>} : memref<50x128xi32, #tpu.memory_space<vmem>>, vector<16xi32>,
      tpu.vector_store_idx %arg7[%add3A_137, %get3A_142], %broadcast_in_dim3A_8 {add = true} : memref<128x128xf32, #tpu.memory_space<vmem>>[vector<16xi32>, vector<16xi32>], vector<16xf32>,
      %mul3A_143 = arith.constant 16 : i32
      %mul3A_144 = arith.muli %scan3A_133, %mul3A_143 : i32
      %get3A_145 = arith.constant 1 : i32
      %get3A_146 = arith.index_cast %get3A_145 : i32 to index
      %get3A_147 = arith.index_cast %mul3A_144 : i32 to index
      %get3A_148 = tpu.vector_load %arg6[%get3A_146, %get3A_147] {strides = array<i32>} : memref<50x128xi32, #tpu.memory_space<vmem>>, vector<16xi32>,
      tpu.vector_store_idx %arg7[%add3A_137, %get3A_148], %broadcast_in_dim3A_8 {add = true} : memref<128x128xf32, #tpu.memory_space<vmem>>[vector<16xi32>, vector<16xi32>], vector<16xf32>,
      %mul3A_149 = arith.constant 16 : i32
      %mul3A_150 = arith.muli %scan3A_133, %mul3A_149 : i32
      %get3A_151 = arith.constant 2 : i32
      %get3A_152 = arith.index_cast %get3A_151 : i32 to index
      %get3A_153 = arith.index_cast %mul3A_150 : i32 to index
      %get3A_154 = tpu.vector_load %arg6[%get3A_152, %get3A_153] {strides = array<i32>} : memref<50x128xi32, #tpu.memory_space<vmem>>, vector<16xi32>,
      tpu.vector_store_idx %arg7[%add3A_137, %get3A_154], %broadcast_in_dim3A_8 {add = true} : memref<128x128xf32, #tpu.memory_space<vmem>>[vector<16xi32>, vector<16xi32>], vector<16xf32>,
      %mul3A_155 = arith.constant 16 : i32
      %mul3A_156 = arith.muli %scan3A_133, %mul3A_155 : i32
      %get3A_157 = arith.constant 3 : i32
      %get3A_158 = arith.index_cast %get3A_157 : i32 to index
      %get3A_159 = arith.index_cast %mul3A_156 : i32 to index
      %get3A_160 = tpu.vector_load %arg6[%get3A_158, %get3A_159] {strides = array<i32>} : memref<50x128xi32, #tpu.memory_space<vmem>>, vector<16xi32>,
      tpu.vector_store_idx %arg7[%add3A_137, %get3A_160], %broadcast_in_dim3A_8 {add = true} : memref<128x128xf32, #tpu.memory_space<vmem>>[vector<16xi32>, vector<16xi32>], vector<16xf32>,
      %mul3A_161 = arith.constant 16 : i32
      %mul3A_162 = arith.muli %scan3A_133, %mul3A_161 : i32
      %get3A_163 = arith.constant 4 : i32
      %get3A_164 = arith.index_cast %get3A_163 : i32 to index
      %get3A_165 = arith.index_cast %mul3A_162 : i32 to index
      %get3A_166 = tpu.vector_load %arg6[%get3A_164, %get3A_165] {strides = array<i32>} : memref<50x128xi32, #tpu.memory_space<vmem>>, vector<16xi32>,
      tpu.vector_store_idx %arg7[%add3A_137, %get3A_166], %broadcast_in_dim3A_8 {add = true} : memref<128x128xf32, #tpu.memory_space<vmem>>[vector<16xi32>, vector<16xi32>], vector<16xf32>,
      %mul3A_167 = arith.constant 16 : i32
      %mul3A_168 = arith.muli %scan3A_133, %mul3A_167 : i32
      %get3A_169 = arith.constant 5 : i32
      %get3A_170 = arith.index_cast %get3A_169 : i32 to index
      %get3A_171 = arith.index_cast %mul3A_168 : i32 to index
      %get3A_172 = tpu.vector_load %arg6[%get3A_170, %get3A_171] {strides = array<i32>} : memref<50x128xi32, #tpu.memory_space<vmem>>, vector<16xi32>,
      tpu.vector_store_idx %arg7[%add3A_137, %get3A_172], %broadcast_in_dim3A_8 {add = true} : memref<128x128xf32, #tpu.memory_space<vmem>>[vector<16xi32>, vector<16xi32>], vector<16xf32>,
      %mul3A_173 = arith.constant 16 : i32
      %mul3A_174 = arith.muli %scan3A_133, %mul3A_173 : i32
      %get3A_175 = arith.constant 6 : i32
      %get3A_176 = arith.index_cast %get3A_175 : i32 to index
      %get3A_177 = arith.index_cast %mul3A_174 : i32 to index
      %get3A_178 = tpu.vector_load %arg6[%get3A_176, %get3A_177] {strides = array<i32>} : memref<50x128xi32, #tpu.memory_space<vmem>>, vector<16xi32>,
      tpu.vector_store_idx %arg7[%add3A_137, %get3A_178], %broadcast_in_dim3A_8 {add = true} : memref<128x128xf32, #tpu.memory_space<vmem>>[vector<16xi32>, vector<16xi32>], vector<16xf32>,
      %mul3A_179 = arith.constant 16 : i32
      %mul3A_180 = arith.muli %scan3A_133, %mul3A_179 : i32
      %get3A_181 = arith.constant 7 : i32
      %get3A_182 = arith.index_cast %get3A_181 : i32 to index
      %get3A_183 = arith.index_cast %mul3A_180 : i32 to index
      %get3A_184 = tpu.vector_load %arg6[%get3A_182, %get3A_183] {strides = array<i32>} : memref<50x128xi32, #tpu.memory_space<vmem>>, vector<16xi32>,
      tpu.vector_store_idx %arg7[%add3A_137, %get3A_184], %broadcast_in_dim3A_8 {add = true} : memref<128x128xf32, #tpu.memory_space<vmem>>[vector<16xi32>, vector<16xi32>], vector<16xf32>,
      %mul3A_185 = arith.constant 16 : i32
      %mul3A_186 = arith.muli %scan3A_133, %mul3A_185 : i32
      %get3A_187 = arith.constant 8 : i32
      %get3A_188 = arith.index_cast %get3A_187 : i32 to index
      %get3A_189 = arith.index_cast %mul3A_186 : i32 to index
      %get3A_190 = tpu.vector_load %arg6[%get3A_188, %get3A_189] {strides = array<i32>} : memref<50x128xi32, #tpu.memory_space<vmem>>, vector<16xi32>,
      tpu.vector_store_idx %arg7[%add3A_137, %get3A_190], %broadcast_in_dim3A_8 {add = true} : memref<128x128xf32, #tpu.memory_space<vmem>>[vector<16xi32>, vector<16xi32>], vector<16xf32>,
      %mul3A_191 = arith.constant 16 : i32
      %mul3A_192 = arith.muli %scan3A_133, %mul3A_191 : i32
      %get3A_193 = arith.constant 9 : i32
      %get3A_194 = arith.index_cast %get3A_193 : i32 to index
      %get3A_195 = arith.index_cast %mul3A_192 : i32 to index
      %get3A_196 = tpu.vector_load %arg6[%get3A_194, %get3A_195] {strides = array<i32>} : memref<50x128xi32, #tpu.memory_space<vmem>>, vector<16xi32>,
      tpu.vector_store_idx %arg7[%add3A_137, %get3A_196], %broadcast_in_dim3A_8 {add = true} : memref<128x128xf32, #tpu.memory_space<vmem>>[vector<16xi32>, vector<16xi32>], vector<16xf32>,
      %mul3A_197 = arith.constant 16 : i32
      %mul3A_198 = arith.muli %scan3A_133, %mul3A_197 : i32
      %get3A_199 = arith.constant 10 : i32
      %get3A_200 = arith.index_cast %get3A_199 : i32 to index
      %get3A_201 = arith.index_cast %mul3A_198 : i32 to index
      %get3A_202 = tpu.vector_load %arg6[%get3A_200, %get3A_201] {strides = array<i32>} : memref<50x128xi32, #tpu.memory_space<vmem>>, vector<16xi32>,
      tpu.vector_store_idx %arg7[%add3A_137, %get3A_202], %broadcast_in_dim3A_8 {add = true} : memref<128x128xf32, #tpu.memory_space<vmem>>[vector<16xi32>, vector<16xi32>], vector<16xf32>,
      %mul3A_203 = arith.constant 16 : i32
      %mul3A_204 = arith.muli %scan3A_133, %mul3A_203 : i32
      %get3A_205 = arith.constant 11 : i32
      %get3A_206 = arith.index_cast %get3A_205 : i32 to index
      %get3A_207 = arith.index_cast %mul3A_204 : i32 to index
      %get3A_208 = tpu.vector_load %arg6[%get3A_206, %get3A_207] {strides = array<i32>} : memref<50x128xi32, #tpu.memory_space<vmem>>, vector<16xi32>,
      tpu.vector_store_idx %arg7[%add3A_137, %get3A_208], %broadcast_in_dim3A_8 {add = true} : memref<128x128xf32, #tpu.memory_space<vmem>>[vector<16xi32>, vector<16xi32>], vector<16xf32>,
      %mul3A_209 = arith.constant 16 : i32
      %mul3A_210 = arith.muli %scan3A_133, %mul3A_209 : i32
      %get3A_211 = arith.constant 12 : i32
      %get3A_212 = arith.index_cast %get3A_211 : i32 to index
      %get3A_213 = arith.index_cast %mul3A_210 : i32 to index
      %get3A_214 = tpu.vector_load %arg6[%get3A_212, %get3A_213] {strides = array<i32>} : memref<50x128xi32, #tpu.memory_space<vmem>>, vector<16xi32>,
      tpu.vector_store_idx %arg7[%add3A_137, %get3A_214], %broadcast_in_dim3A_8 {add = true} : memref<128x128xf32, #tpu.memory_space<vmem>>[vector<16xi32>, vector<16xi32>], vector<16xf32>,
      %mul3A_215 = arith.constant 16 : i32
      %mul3A_216 = arith.muli %scan3A_133, %mul3A_215 : i32
      %get3A_217 = arith.constant 13 : i32
      %get3A_218 = arith.index_cast %get3A_217 : i32 to index
      %get3A_219 = arith.index_cast %mul3A_216 : i32 to index
      %get3A_220 = tpu.vector_load %arg6[%get3A_218, %get3A_219] {strides = array<i32>} : memref<50x128xi32, #tpu.memory_space<vmem>>, vector<16xi32>,
      tpu.vector_store_idx %arg7[%add3A_137, %get3A_220], %broadcast_in_dim3A_8 {add = true} : memref<128x128xf32, #tpu.memory_space<vmem>>[vector<16xi32>, vector<16xi32>], vector<16xf32>,
      %mul3A_221 = arith.constant 16 : i32
      %mul3A_222 = arith.muli %scan3A_133, %mul3A_221 : i32
      %get3A_223 = arith.constant 14 : i32
      %get3A_224 = arith.index_cast %get3A_223 : i32 to index
      %get3A_225 = arith.index_cast %mul3A_222 : i32 to index
      %get3A_226 = tpu.vector_load %arg6[%get3A_224, %get3A_225] {strides = array<i32>} : memref<50x128xi32, #tpu.memory_space<vmem>>, vector<16xi32>,
      tpu.vector_store_idx %arg7[%add3A_137, %get3A_226], %broadcast_in_dim3A_8 {add = true} : memref<128x128xf32, #tpu.memory_space<vmem>>[vector<16xi32>, vector<16xi32>], vector<16xf32>,
      %mul3A_227 = arith.constant 16 : i32
      %mul3A_228 = arith.muli %scan3A_133, %mul3A_227 : i32
      %get3A_229 = arith.constant 15 : i32
      %get3A_230 = arith.index_cast %get3A_229 : i32 to index
      %get3A_231 = arith.index_cast %mul3A_228 : i32 to index
      %get3A_232 = tpu.vector_load %arg6[%get3A_230, %get3A_231] {strides = array<i32>} : memref<50x128xi32, #tpu.memory_space<vmem>>, vector<16xi32>,
      tpu.vector_store_idx %arg7[%add3A_137, %get3A_232], %broadcast_in_dim3A_8 {add = true} : memref<128x128xf32, #tpu.memory_space<vmem>>[vector<16xi32>, vector<16xi32>], vector<16xf32>,
      %mul3A_233 = arith.constant 16 : i32
      %mul3A_234 = arith.muli %scan3A_133, %mul3A_233 : i32
      %get3A_235 = arith.constant 16 : i32
      %get3A_236 = arith.index_cast %get3A_235 : i32 to index
      %get3A_237 = arith.index_cast %mul3A_234 : i32 to index
      %get3A_238 = tpu.vector_load %arg6[%get3A_236, %get3A_237] {strides = array<i32>} : memref<50x128xi32, #tpu.memory_space<vmem>>, vector<16xi32>,
      tpu.vector_store_idx %arg7[%add3A_137, %get3A_238], %broadcast_in_dim3A_8 {add = true} : memref<128x128xf32, #tpu.memory_space<vmem>>[vector<16xi32>, vector<16xi32>], vector<16xf32>,
      %mul3A_239 = arith.constant 16 : i32
      %mul3A_240 = arith.muli %scan3A_133, %mul3A_239 : i32
      %get3A_241 = arith.constant 17 : i32
      %get3A_242 = arith.index_cast %get3A_241 : i32 to index
      %get3A_243 = arith.index_cast %mul3A_240 : i32 to index
      %get3A_244 = tpu.vector_load %arg6[%get3A_242, %get3A_243] {strides = array<i32>} : memref<50x128xi32, #tpu.memory_space<vmem>>, vector<16xi32>,
      tpu.vector_store_idx %arg7[%add3A_137, %get3A_244], %broadcast_in_dim3A_8 {add = true} : memref<128x128xf32, #tpu.memory_space<vmem>>[vector<16xi32>, vector<16xi32>], vector<16xf32>,
      %mul3A_245 = arith.constant 16 : i32
      %mul3A_246 = arith.muli %scan3A_133, %mul3A_245 : i32
      %get3A_247 = arith.constant 18 : i32
      %get3A_248 = arith.index_cast %get3A_247 : i32 to index
      %get3A_249 = arith.index_cast %mul3A_246 : i32 to index
      %get3A_250 = tpu.vector_load %arg6[%get3A_248, %get3A_249] {strides = array<i32>} : memref<50x128xi32, #tpu.memory_space<vmem>>, vector<16xi32>,
      tpu.vector_store_idx %arg7[%add3A_137, %get3A_250], %broadcast_in_dim3A_8 {add = true} : memref<128x128xf32, #tpu.memory_space<vmem>>[vector<16xi32>, vector<16xi32>], vector<16xf32>,
      %mul3A_251 = arith.constant 16 : i32
      %mul3A_252 = arith.muli %scan3A_133, %mul3A_251 : i32
      %get3A_253 = arith.constant 19 : i32
      %get3A_254 = arith.index_cast %get3A_253 : i32 to index
      %get3A_255 = arith.index_cast %mul3A_252 : i32 to index
      %get3A_256 = tpu.vector_load %arg6[%get3A_254, %get3A_255] {strides = array<i32>} : memref<50x128xi32, #tpu.memory_space<vmem>>, vector<16xi32>,
      tpu.vector_store_idx %arg7[%add3A_137, %get3A_256], %broadcast_in_dim3A_8 {add = true} : memref<128x128xf32, #tpu.memory_space<vmem>>[vector<16xi32>, vector<16xi32>], vector<16xf32>,
      %mul3A_257 = arith.constant 16 : i32
      %mul3A_258 = arith.muli %scan3A_133, %mul3A_257 : i32
      %get3A_259 = arith.constant 20 : i32
      %get3A_260 = arith.index_cast %get3A_259 : i32 to index
      %get3A_261 = arith.index_cast %mul3A_258 : i32 to index
      %get3A_262 = tpu.vector_load %arg6[%get3A_260, %get3A_261] {strides = array<i32>} : memref<50x128xi32, #tpu.memory_space<vmem>>, vector<16xi32>,
      tpu.vector_store_idx %arg7[%add3A_137, %get3A_262], %broadcast_in_dim3A_8 {add = true} : memref<128x128xf32, #tpu.memory_space<vmem>>[vector<16xi32>, vector<16xi32>], vector<16xf32>,
      %mul3A_263 = arith.constant 16 : i32
      %mul3A_264 = arith.muli %scan3A_133, %mul3A_263 : i32
      %get3A_265 = arith.constant 21 : i32
      %get3A_266 = arith.index_cast %get3A_265 : i32 to index
      %get3A_267 = arith.index_cast %mul3A_264 : i32 to index
      %get3A_268 = tpu.vector_load %arg6[%get3A_266, %get3A_267] {strides = array<i32>} : memref<50x128xi32, #tpu.memory_space<vmem>>, vector<16xi32>,
      tpu.vector_store_idx %arg7[%add3A_137, %get3A_268], %broadcast_in_dim3A_8 {add = true} : memref<128x128xf32, #tpu.memory_space<vmem>>[vector<16xi32>, vector<16xi32>], vector<16xf32>,
      %mul3A_269 = arith.constant 16 : i32
      %mul3A_270 = arith.muli %scan3A_133, %mul3A_269 : i32
      %get3A_271 = arith.constant 22 : i32
      %get3A_272 = arith.index_cast %get3A_271 : i32 to index
      %get3A_273 = arith.index_cast %mul3A_270 : i32 to index
      %get3A_274 = tpu.vector_load %arg6[%get3A_272, %get3A_273] {strides = array<i32>} : memref<50x128xi32, #tpu.memory_space<vmem>>, vector<16xi32>,
      tpu.vector_store_idx %arg7[%add3A_137, %get3A_274], %broadcast_in_dim3A_8 {add = true} : memref<128x128xf32, #tpu.memory_space<vmem>>[vector<16xi32>, vector<16xi32>], vector<16xf32>,
      %mul3A_275 = arith.constant 16 : i32
      %mul3A_276 = arith.muli %scan3A_133, %mul3A_275 : i32
      %get3A_277 = arith.constant 23 : i32
      %get3A_278 = arith.index_cast %get3A_277 : i32 to index
      %get3A_279 = arith.index_cast %mul3A_276 : i32 to index
      %get3A_280 = tpu.vector_load %arg6[%get3A_278, %get3A_279] {strides = array<i32>} : memref<50x128xi32, #tpu.memory_space<vmem>>, vector<16xi32>,
      tpu.vector_store_idx %arg7[%add3A_137, %get3A_280], %broadcast_in_dim3A_8 {add = true} : memref<128x128xf32, #tpu.memory_space<vmem>>[vector<16xi32>, vector<16xi32>], vector<16xf32>,
      %mul3A_281 = arith.constant 16 : i32
      %mul3A_282 = arith.muli %scan3A_133, %mul3A_281 : i32
      %get3A_283 = arith.constant 24 : i32
      %get3A_284 = arith.index_cast %get3A_283 : i32 to index
      %get3A_285 = arith.index_cast %mul3A_282 : i32 to index
      %get3A_286 = tpu.vector_load %arg6[%get3A_284, %get3A_285] {strides = array<i32>} : memref<50x128xi32, #tpu.memory_space<vmem>>, vector<16xi32>,
      tpu.vector_store_idx %arg7[%add3A_137, %get3A_286], %broadcast_in_dim3A_8 {add = true} : memref<128x128xf32, #tpu.memory_space<vmem>>[vector<16xi32>, vector<16xi32>], vector<16xf32>,
      %mul3A_287 = arith.constant 16 : i32
      %mul3A_288 = arith.muli %scan3A_133, %mul3A_287 : i32
      %get3A_289 = arith.constant 25 : i32
      %get3A_290 = arith.index_cast %get3A_289 : i32 to index
      %get3A_291 = arith.index_cast %mul3A_288 : i32 to index
      %get3A_292 = tpu.vector_load %arg6[%get3A_290, %get3A_291] {strides = array<i32>} : memref<50x128xi32, #tpu.memory_space<vmem>>, vector<16xi32>,
      tpu.vector_store_idx %arg7[%add3A_137, %get3A_292], %broadcast_in_dim3A_8 {add = true} : memref<128x128xf32, #tpu.memory_space<vmem>>[vector<16xi32>, vector<16xi32>], vector<16xf32>,
      %mul3A_293 = arith.constant 16 : i32
      %mul3A_294 = arith.muli %scan3A_133, %mul3A_293 : i32
      %get3A_295 = arith.constant 26 : i32
      %get3A_296 = arith.index_cast %get3A_295 : i32 to index
      %get3A_297 = arith.index_cast %mul3A_294 : i32 to index
      %get3A_298 = tpu.vector_load %arg6[%get3A_296, %get3A_297] {strides = array<i32>} : memref<50x128xi32, #tpu.memory_space<vmem>>, vector<16xi32>,
      tpu.vector_store_idx %arg7[%add3A_137, %get3A_298], %broadcast_in_dim3A_8 {add = true} : memref<128x128xf32, #tpu.memory_space<vmem>>[vector<16xi32>, vector<16xi32>], vector<16xf32>,
      %mul3A_299 = arith.constant 16 : i32
      %mul3A_300 = arith.muli %scan3A_133, %mul3A_299 : i32
      %get3A_301 = arith.constant 27 : i32
      %get3A_302 = arith.index_cast %get3A_301 : i32 to index
      %get3A_303 = arith.index_cast %mul3A_300 : i32 to index
      %get3A_304 = tpu.vector_load %arg6[%get3A_302, %get3A_303] {strides = array<i32>} : memref<50x128xi32, #tpu.memory_space<vmem>>, vector<16xi32>,
      tpu.vector_store_idx %arg7[%add3A_137, %get3A_304], %broadcast_in_dim3A_8 {add = true} : memref<128x128xf32, #tpu.memory_space<vmem>>[vector<16xi32>, vector<16xi32>], vector<16xf32>,
      %mul3A_305 = arith.constant 16 : i32
      %mul3A_306 = arith.muli %scan3A_133, %mul3A_305 : i32
      %get3A_307 = arith.constant 28 : i32
      %get3A_308 = arith.index_cast %get3A_307 : i32 to index
      %get3A_309 = arith.index_cast %mul3A_306 : i32 to index
      %get3A_310 = tpu.vector_load %arg6[%get3A_308, %get3A_309] {strides = array<i32>} : memref<50x128xi32, #tpu.memory_space<vmem>>, vector<16xi32>,
      tpu.vector_store_idx %arg7[%add3A_137, %get3A_310], %broadcast_in_dim3A_8 {add = true} : memref<128x128xf32, #tpu.memory_space<vmem>>[vector<16xi32>, vector<16xi32>], vector<16xf32>,
      %mul3A_311 = arith.constant 16 : i32
      %mul3A_312 = arith.muli %scan3A_133, %mul3A_311 : i32
      %get3A_313 = arith.constant 29 : i32
      %get3A_314 = arith.index_cast %get3A_313 : i32 to index
      %get3A_315 = arith.index_cast %mul3A_312 : i32 to index
      %get3A_316 = tpu.vector_load %arg6[%get3A_314, %get3A_315] {strides = array<i32>} : memref<50x128xi32, #tpu.memory_space<vmem>>, vector<16xi32>,
      tpu.vector_store_idx %arg7[%add3A_137, %get3A_316], %broadcast_in_dim3A_8 {add = true} : memref<128x128xf32, #tpu.memory_space<vmem>>[vector<16xi32>, vector<16xi32>], vector<16xf32>,
      %mul3A_317 = arith.constant 16 : i32
      %mul3A_318 = arith.muli %scan3A_133, %mul3A_317 : i32
      %get3A_319 = arith.constant 30 : i32
      %get3A_320 = arith.index_cast %get3A_319 : i32 to index
      %get3A_321 = arith.index_cast %mul3A_318 : i32 to index
      %get3A_322 = tpu.vector_load %arg6[%get3A_320, %get3A_321] {strides = array<i32>} : memref<50x128xi32, #tpu.memory_space<vmem>>, vector<16xi32>,
      tpu.vector_store_idx %arg7[%add3A_137, %get3A_322], %broadcast_in_dim3A_8 {add = true} : memref<128x128xf32, #tpu.memory_space<vmem>>[vector<16xi32>, vector<16xi32>], vector<16xf32>,
      %mul3A_323 = arith.constant 16 : i32
      %mul3A_324 = arith.muli %scan3A_133, %mul3A_323 : i32
      %get3A_325 = arith.constant 31 : i32
      %get3A_326 = arith.index_cast %get3A_325 : i32 to index
      %get3A_327 = arith.index_cast %mul3A_324 : i32 to index
      %get3A_328 = tpu.vector_load %arg6[%get3A_326, %get3A_327] {strides = array<i32>} : memref<50x128xi32, #tpu.memory_space<vmem>>, vector<16xi32>,
      tpu.vector_store_idx %arg7[%add3A_137, %get3A_328], %broadcast_in_dim3A_8 {add = true} : memref<128x128xf32, #tpu.memory_space<vmem>>[vector<16xi32>, vector<16xi32>], vector<16xf32>,
      %mul3A_329 = arith.constant 16 : i32
      %mul3A_330 = arith.muli %scan3A_133, %mul3A_329 : i32
      %get3A_331 = arith.constant 32 : i32
      %get3A_332 = arith.index_cast %get3A_331 : i32 to index
      %get3A_333 = arith.index_cast %mul3A_330 : i32 to index
      %get3A_334 = tpu.vector_load %arg6[%get3A_332, %get3A_333] {strides = array<i32>} : memref<50x128xi32, #tpu.memory_space<vmem>>, vector<16xi32>,
      tpu.vector_store_idx %arg7[%add3A_137, %get3A_334], %broadcast_in_dim3A_8 {add = true} : memref<128x128xf32, #tpu.memory_space<vmem>>[vector<16xi32>, vector<16xi32>], vector<16xf32>,
      %mul3A_335 = arith.constant 16 : i32
      %mul3A_336 = arith.muli %scan3A_133, %mul3A_335 : i32
      %get3A_337 = arith.constant 33 : i32
      %get3A_338 = arith.index_cast %get3A_337 : i32 to index
      %get3A_339 = arith.index_cast %mul3A_336 : i32 to index
      %get3A_340 = tpu.vector_load %arg6[%get3A_338, %get3A_339] {strides = array<i32>} : memref<50x128xi32, #tpu.memory_space<vmem>>, vector<16xi32>,
      tpu.vector_store_idx %arg7[%add3A_137, %get3A_340], %broadcast_in_dim3A_8 {add = true} : memref<128x128xf32, #tpu.memory_space<vmem>>[vector<16xi32>, vector<16xi32>], vector<16xf32>,
      %mul3A_341 = arith.constant 16 : i32
      %mul3A_342 = arith.muli %scan3A_133, %mul3A_341 : i32
      %get3A_343 = arith.constant 34 : i32
      %get3A_344 = arith.index_cast %get3A_343 : i32 to index
      %get3A_345 = arith.index_cast %mul3A_342 : i32 to index
      %get3A_346 = tpu.vector_load %arg6[%get3A_344, %get3A_345] {strides = array<i32>} : memref<50x128xi32, #tpu.memory_space<vmem>>, vector<16xi32>,
      tpu.vector_store_idx %arg7[%add3A_137, %get3A_346], %broadcast_in_dim3A_8 {add = true} : memref<128x128xf32, #tpu.memory_space<vmem>>[vector<16xi32>, vector<16xi32>], vector<16xf32>,
      %mul3A_347 = arith.constant 16 : i32
      %mul3A_348 = arith.muli %scan3A_133, %mul3A_347 : i32
      %get3A_349 = arith.constant 35 : i32
      %get3A_350 = arith.index_cast %get3A_349 : i32 to index
      %get3A_351 = arith.index_cast %mul3A_348 : i32 to index
      %get3A_352 = tpu.vector_load %arg6[%get3A_350, %get3A_351] {strides = array<i32>} : memref<50x128xi32, #tpu.memory_space<vmem>>, vector<16xi32>,
      tpu.vector_store_idx %arg7[%add3A_137, %get3A_352], %broadcast_in_dim3A_8 {add = true} : memref<128x128xf32, #tpu.memory_space<vmem>>[vector<16xi32>, vector<16xi32>], vector<16xf32>,
      %mul3A_353 = arith.constant 16 : i32
      %mul3A_354 = arith.muli %scan3A_133, %mul3A_353 : i32
      %get3A_355 = arith.constant 36 : i32
      %get3A_356 = arith.index_cast %get3A_355 : i32 to index
      %get3A_357 = arith.index_cast %mul3A_354 : i32 to index
      %get3A_358 = tpu.vector_load %arg6[%get3A_356, %get3A_357] {strides = array<i32>} : memref<50x128xi32, #tpu.memory_space<vmem>>, vector<16xi32>,
      tpu.vector_store_idx %arg7[%add3A_137, %get3A_358], %broadcast_in_dim3A_8 {add = true} : memref<128x128xf32, #tpu.memory_space<vmem>>[vector<16xi32>, vector<16xi32>], vector<16xf32>,
      %mul3A_359 = arith.constant 16 : i32
      %mul3A_360 = arith.muli %scan3A_133, %mul3A_359 : i32
      %get3A_361 = arith.constant 37 : i32
      %get3A_362 = arith.index_cast %get3A_361 : i32 to index
      %get3A_363 = arith.index_cast %mul3A_360 : i32 to index
      %get3A_364 = tpu.vector_load %arg6[%get3A_362, %get3A_363] {strides = array<i32>} : memref<50x128xi32, #tpu.memory_space<vmem>>, vector<16xi32>,
      tpu.vector_store_idx %arg7[%add3A_137, %get3A_364], %broadcast_in_dim3A_8 {add = true} : memref<128x128xf32, #tpu.memory_space<vmem>>[vector<16xi32>, vector<16xi32>], vector<16xf32>,
      %mul3A_365 = arith.constant 16 : i32
      %mul3A_366 = arith.muli %scan3A_133, %mul3A_365 : i32
      %get3A_367 = arith.constant 38 : i32
      %get3A_368 = arith.index_cast %get3A_367 : i32 to index
      %get3A_369 = arith.index_cast %mul3A_366 : i32 to index
      %get3A_370 = tpu.vector_load %arg6[%get3A_368, %get3A_369] {strides = array<i32>} : memref<50x128xi32, #tpu.memory_space<vmem>>, vector<16xi32>,
      tpu.vector_store_idx %arg7[%add3A_137, %get3A_370], %broadcast_in_dim3A_8 {add = true} : memref<128x128xf32, #tpu.memory_space<vmem>>[vector<16xi32>, vector<16xi32>], vector<16xf32>,
      %mul3A_371 = arith.constant 16 : i32
      %mul3A_372 = arith.muli %scan3A_133, %mul3A_371 : i32
      %get3A_373 = arith.constant 39 : i32
      %get3A_374 = arith.index_cast %get3A_373 : i32 to index
      %get3A_375 = arith.index_cast %mul3A_372 : i32 to index
      %get3A_376 = tpu.vector_load %arg6[%get3A_374, %get3A_375] {strides = array<i32>} : memref<50x128xi32, #tpu.memory_space<vmem>>, vector<16xi32>,
      tpu.vector_store_idx %arg7[%add3A_137, %get3A_376], %broadcast_in_dim3A_8 {add = true} : memref<128x128xf32, #tpu.memory_space<vmem>>[vector<16xi32>, vector<16xi32>], vector<16xf32>,
      %mul3A_377 = arith.constant 16 : i32
      %mul3A_378 = arith.muli %scan3A_133, %mul3A_377 : i32
      %get3A_379 = arith.constant 40 : i32
      %get3A_380 = arith.index_cast %get3A_379 : i32 to index
      %get3A_381 = arith.index_cast %mul3A_378 : i32 to index
      %get3A_382 = tpu.vector_load %arg6[%get3A_380, %get3A_381] {strides = array<i32>} : memref<50x128xi32, #tpu.memory_space<vmem>>, vector<16xi32>,
      tpu.vector_store_idx %arg7[%add3A_137, %get3A_382], %broadcast_in_dim3A_8 {add = true} : memref<128x128xf32, #tpu.memory_space<vmem>>[vector<16xi32>, vector<16xi32>], vector<16xf32>,
      %mul3A_383 = arith.constant 16 : i32
      %mul3A_384 = arith.muli %scan3A_133, %mul3A_383 : i32
      %get3A_385 = arith.constant 41 : i32
      %get3A_386 = arith.index_cast %get3A_385 : i32 to index
      %get3A_387 = arith.index_cast %mul3A_384 : i32 to index
      %get3A_388 = tpu.vector_load %arg6[%get3A_386, %get3A_387] {strides = array<i32>} : memref<50x128xi32, #tpu.memory_space<vmem>>, vector<16xi32>,
      tpu.vector_store_idx %arg7[%add3A_137, %get3A_388], %broadcast_in_dim3A_8 {add = true} : memref<128x128xf32, #tpu.memory_space<vmem>>[vector<16xi32>, vector<16xi32>], vector<16xf32>,
      %mul3A_389 = arith.constant 16 : i32
      %mul3A_390 = arith.muli %scan3A_133, %mul3A_389 : i32
      %get3A_391 = arith.constant 42 : i32
      %get3A_392 = arith.index_cast %get3A_391 : i32 to index
      %get3A_393 = arith.index_cast %mul3A_390 : i32 to index
      %get3A_394 = tpu.vector_load %arg6[%get3A_392, %get3A_393] {strides = array<i32>} : memref<50x128xi32, #tpu.memory_space<vmem>>, vector<16xi32>,
      tpu.vector_store_idx %arg7[%add3A_137, %get3A_394], %broadcast_in_dim3A_8 {add = true} : memref<128x128xf32, #tpu.memory_space<vmem>>[vector<16xi32>, vector<16xi32>], vector<16xf32>,
      %mul3A_395 = arith.constant 16 : i32
      %mul3A_396 = arith.muli %scan3A_133, %mul3A_395 : i32
      %get3A_397 = arith.constant 43 : i32
      %get3A_398 = arith.index_cast %get3A_397 : i32 to index
      %get3A_399 = arith.index_cast %mul3A_396 : i32 to index
      %get3A_400 = tpu.vector_load %arg6[%get3A_398, %get3A_399] {strides = array<i32>} : memref<50x128xi32, #tpu.memory_space<vmem>>, vector<16xi32>,
      tpu.vector_store_idx %arg7[%add3A_137, %get3A_400], %broadcast_in_dim3A_8 {add = true} : memref<128x128xf32, #tpu.memory_space<vmem>>[vector<16xi32>, vector<16xi32>], vector<16xf32>,
      %mul3A_401 = arith.constant 16 : i32
      %mul3A_402 = arith.muli %scan3A_133, %mul3A_401 : i32
      %get3A_403 = arith.constant 44 : i32
      %get3A_404 = arith.index_cast %get3A_403 : i32 to index
      %get3A_405 = arith.index_cast %mul3A_402 : i32 to index
      %get3A_406 = tpu.vector_load %arg6[%get3A_404, %get3A_405] {strides = array<i32>} : memref<50x128xi32, #tpu.memory_space<vmem>>, vector<16xi32>,
      tpu.vector_store_idx %arg7[%add3A_137, %get3A_406], %broadcast_in_dim3A_8 {add = true} : memref<128x128xf32, #tpu.memory_space<vmem>>[vector<16xi32>, vector<16xi32>], vector<16xf32>,
      %mul3A_407 = arith.constant 16 : i32
      %mul3A_408 = arith.muli %scan3A_133, %mul3A_407 : i32
      %get3A_409 = arith.constant 45 : i32
      %get3A_410 = arith.index_cast %get3A_409 : i32 to index
      %get3A_411 = arith.index_cast %mul3A_408 : i32 to index
      %get3A_412 = tpu.vector_load %arg6[%get3A_410, %get3A_411] {strides = array<i32>} : memref<50x128xi32, #tpu.memory_space<vmem>>, vector<16xi32>,
      tpu.vector_store_idx %arg7[%add3A_137, %get3A_412], %broadcast_in_dim3A_8 {add = true} : memref<128x128xf32, #tpu.memory_space<vmem>>[vector<16xi32>, vector<16xi32>], vector<16xf32>,
      %mul3A_413 = arith.constant 16 : i32
      %mul3A_414 = arith.muli %scan3A_133, %mul3A_413 : i32
      %get3A_415 = arith.constant 46 : i32
      %get3A_416 = arith.index_cast %get3A_415 : i32 to index
      %get3A_417 = arith.index_cast %mul3A_414 : i32 to index
      %get3A_418 = tpu.vector_load %arg6[%get3A_416, %get3A_417] {strides = array<i32>} : memref<50x128xi32, #tpu.memory_space<vmem>>, vector<16xi32>,
      tpu.vector_store_idx %arg7[%add3A_137, %get3A_418], %broadcast_in_dim3A_8 {add = true} : memref<128x128xf32, #tpu.memory_space<vmem>>[vector<16xi32>, vector<16xi32>], vector<16xf32>,
      %mul3A_419 = arith.constant 16 : i32
      %mul3A_420 = arith.muli %scan3A_133, %mul3A_419 : i32
      %get3A_421 = arith.constant 47 : i32
      %get3A_422 = arith.index_cast %get3A_421 : i32 to index
      %get3A_423 = arith.index_cast %mul3A_420 : i32 to index
      %get3A_424 = tpu.vector_load %arg6[%get3A_422, %get3A_423] {strides = array<i32>} : memref<50x128xi32, #tpu.memory_space<vmem>>, vector<16xi32>,
      tpu.vector_store_idx %arg7[%add3A_137, %get3A_424], %broadcast_in_dim3A_8 {add = true} : memref<128x128xf32, #tpu.memory_space<vmem>>[vector<16xi32>, vector<16xi32>], vector<16xf32>,
      %mul3A_425 = arith.constant 16 : i32
      %mul3A_426 = arith.muli %scan3A_133, %mul3A_425 : i32
      %get3A_427 = arith.constant 48 : i32
      %get3A_428 = arith.index_cast %get3A_427 : i32 to index
      %get3A_429 = arith.index_cast %mul3A_426 : i32 to index
      %get3A_430 = tpu.vector_load %arg6[%get3A_428, %get3A_429] {strides = array<i32>} : memref<50x128xi32, #tpu.memory_space<vmem>>, vector<16xi32>,
      tpu.vector_store_idx %arg7[%add3A_137, %get3A_430], %broadcast_in_dim3A_8 {add = true} : memref<128x128xf32, #tpu.memory_space<vmem>>[vector<16xi32>, vector<16xi32>], vector<16xf32>,
      %mul3A_431 = arith.constant 16 : i32
      %mul3A_432 = arith.muli %scan3A_133, %mul3A_431 : i32
      %get3A_433 = arith.constant 49 : i32
      %get3A_434 = arith.index_cast %get3A_433 : i32 to index
      %get3A_435 = arith.index_cast %mul3A_432 : i32 to index
      %get3A_436 = tpu.vector_load %arg6[%get3A_434, %get3A_435] {strides = array<i32>} : memref<50x128xi32, #tpu.memory_space<vmem>>, vector<16xi32>,
      tpu.vector_store_idx %arg7[%add3A_137, %get3A_436], %broadcast_in_dim3A_8 {add = true} : memref<128x128xf32, #tpu.memory_space<vmem>>[vector<16xi32>, vector<16xi32>], vector<16xf32>,
      %mul3A_437 = arith.constant 16 : i32
      %mul3A_438 = arith.muli %scan3A_133, %mul3A_437 : i32
      %get3A_439 = arith.index_cast %mul3A_438 : i32 to index
      %get3A_440 = tpu.vector_load %arg5[%get3A_439] {strides = array<i32>} : memref<128xi32, #tpu.memory_space<vmem>>, vector<16xi32>,
      %convert_element_type3A = arith.sitofp %get3A_440 : vector<16xi32> to vector<16xf32>
      tpu.vector_store_idx %arg7[%add3A_137, %broadcast_in_dim3A_12], %convert_element_type3A : memref<128x128xf32, #tpu.memory_space<vmem>>[vector<16xi32>, vector<16xi32>], vector<16xf32>,
    }
    %scan3A_44 = arith.constant 2 : i32
    %add3A_45 = arith.constant 32 : i32
    %add3A_46 = arith.addi %mul3A_2, %add3A_45 : i32
    %dma_start3A_47 = arith.constant 32 : i32
    %dma_start3A_48 = arith.constant 0 : i32
    %dma_start3A_49 = tpu.memref_slice %arg7[%dma_start3A_47, %dma_start3A_48] : memref<128x128xf32, #tpu.memory_space<vmem>> -> memref<32x128xf32, #tpu.memory_space<vmem>>
    %dma_start3A_50 = arith.constant 0 : i32
    %dma_start3A_51 = tpu.memref_slice %arg4[%add3A_46, %dma_start3A_50] : memref<4096x128xf32, #tpu.memory_space<hbm>> -> memref<32x128xf32, #tpu.memory_space<hbm>>
    %dma_start3A_52 = arith.constant 0 : i32
    %dma_start3A_53 = tpu.memref_slice %arg4[%add3A_46, %dma_start3A_52] : memref<4096x128xf32, #tpu.memory_space<hbm>> -> memref<32x128xf32, #tpu.memory_space<hbm>>
    %dma_start3A_54 = arith.constant 32 : i32
    %dma_start3A_55 = arith.constant 0 : i32
    %dma_start3A_56 = tpu.memref_slice %arg7[%dma_start3A_54, %dma_start3A_55] : memref<128x128xf32, #tpu.memory_space<vmem>> -> memref<32x128xf32, #tpu.memory_space<vmem>>
    tpu.enqueue_dma source(%dma_start3A_56 : memref<32x128xf32, #tpu.memory_space<vmem>>) target(%dma_start3A_53 : memref<32x128xf32, #tpu.memory_space<hbm>>) target_semaphore(%arg9 : memref<!tpu.dma_semaphore, #tpu.memory_space<semaphore_mem>>)
    %scan3A_57 = arith.constant 0 : i32
    %scan3A_58 = arith.constant 4 : i32
    %scan3A_59 = arith.constant 2 : i32
    %scan3A_60 = arith.addi %scan3A_58, %scan3A_59 : i32
    %scan3A_61 = arith.constant 1 : i32
    scf.for %scan3A_133 = %scan3A_58 to %scan3A_60 step %scan3A_61  : i32 {
      %mul3A_134 = arith.constant 16 : i32
      %mul3A_135 = arith.muli %scan3A_133, %mul3A_134 : i32
      %add3A_136 = vector.broadcast %mul3A_135 : i32 to vector<16xi32>
      %add3A_137 = arith.addi %add3A_136, %iota3A : vector<16xi32>
      %mul3A_138 = arith.constant 16 : i32
      %mul3A_139 = arith.muli %scan3A_133, %mul3A_138 : i32
      %get3A = arith.constant 0 : i32
      %get3A_140 = arith.index_cast %get3A : i32 to index
      %get3A_141 = arith.index_cast %mul3A_139 : i32 to index
      %get3A_142 = tpu.vector_load %arg6[%get3A_140, %get3A_141] {strides = array<i32>} : memref<50x128xi32, #tpu.memory_space<vmem>>, vector<16xi32>,
      tpu.vector_store_idx %arg7[%add3A_137, %get3A_142], %broadcast_in_dim3A_8 {add = true} : memref<128x128xf32, #tpu.memory_space<vmem>>[vector<16xi32>, vector<16xi32>], vector<16xf32>,
      %mul3A_143 = arith.constant 16 : i32
      %mul3A_144 = arith.muli %scan3A_133, %mul3A_143 : i32
      %get3A_145 = arith.constant 1 : i32
      %get3A_146 = arith.index_cast %get3A_145 : i32 to index
      %get3A_147 = arith.index_cast %mul3A_144 : i32 to index
      %get3A_148 = tpu.vector_load %arg6[%get3A_146, %get3A_147] {strides = array<i32>} : memref<50x128xi32, #tpu.memory_space<vmem>>, vector<16xi32>,
      tpu.vector_store_idx %arg7[%add3A_137, %get3A_148], %broadcast_in_dim3A_8 {add = true} : memref<128x128xf32, #tpu.memory_space<vmem>>[vector<16xi32>, vector<16xi32>], vector<16xf32>,
      %mul3A_149 = arith.constant 16 : i32
      %mul3A_150 = arith.muli %scan3A_133, %mul3A_149 : i32
      %get3A_151 = arith.constant 2 : i32
      %get3A_152 = arith.index_cast %get3A_151 : i32 to index
      %get3A_153 = arith.index_cast %mul3A_150 : i32 to index
      %get3A_154 = tpu.vector_load %arg6[%get3A_152, %get3A_153] {strides = array<i32>} : memref<50x128xi32, #tpu.memory_space<vmem>>, vector<16xi32>,
      tpu.vector_store_idx %arg7[%add3A_137, %get3A_154], %broadcast_in_dim3A_8 {add = true} : memref<128x128xf32, #tpu.memory_space<vmem>>[vector<16xi32>, vector<16xi32>], vector<16xf32>,
      %mul3A_155 = arith.constant 16 : i32
      %mul3A_156 = arith.muli %scan3A_133, %mul3A_155 : i32
      %get3A_157 = arith.constant 3 : i32
      %get3A_158 = arith.index_cast %get3A_157 : i32 to index
      %get3A_159 = arith.index_cast %mul3A_156 : i32 to index
      %get3A_160 = tpu.vector_load %arg6[%get3A_158, %get3A_159] {strides = array<i32>} : memref<50x128xi32, #tpu.memory_space<vmem>>, vector<16xi32>,
      tpu.vector_store_idx %arg7[%add3A_137, %get3A_160], %broadcast_in_dim3A_8 {add = true} : memref<128x128xf32, #tpu.memory_space<vmem>>[vector<16xi32>, vector<16xi32>], vector<16xf32>,
      %mul3A_161 = arith.constant 16 : i32
      %mul3A_162 = arith.muli %scan3A_133, %mul3A_161 : i32
      %get3A_163 = arith.constant 4 : i32
      %get3A_164 = arith.index_cast %get3A_163 : i32 to index
      %get3A_165 = arith.index_cast %mul3A_162 : i32 to index
      %get3A_166 = tpu.vector_load %arg6[%get3A_164, %get3A_165] {strides = array<i32>} : memref<50x128xi32, #tpu.memory_space<vmem>>, vector<16xi32>,
      tpu.vector_store_idx %arg7[%add3A_137, %get3A_166], %broadcast_in_dim3A_8 {add = true} : memref<128x128xf32, #tpu.memory_space<vmem>>[vector<16xi32>, vector<16xi32>], vector<16xf32>,
      %mul3A_167 = arith.constant 16 : i32
      %mul3A_168 = arith.muli %scan3A_133, %mul3A_167 : i32
      %get3A_169 = arith.constant 5 : i32
      %get3A_170 = arith.index_cast %get3A_169 : i32 to index
      %get3A_171 = arith.index_cast %mul3A_168 : i32 to index
      %get3A_172 = tpu.vector_load %arg6[%get3A_170, %get3A_171] {strides = array<i32>} : memref<50x128xi32, #tpu.memory_space<vmem>>, vector<16xi32>,
      tpu.vector_store_idx %arg7[%add3A_137, %get3A_172], %broadcast_in_dim3A_8 {add = true} : memref<128x128xf32, #tpu.memory_space<vmem>>[vector<16xi32>, vector<16xi32>], vector<16xf32>,
      %mul3A_173 = arith.constant 16 : i32
      %mul3A_174 = arith.muli %scan3A_133, %mul3A_173 : i32
      %get3A_175 = arith.constant 6 : i32
      %get3A_176 = arith.index_cast %get3A_175 : i32 to index
      %get3A_177 = arith.index_cast %mul3A_174 : i32 to index
      %get3A_178 = tpu.vector_load %arg6[%get3A_176, %get3A_177] {strides = array<i32>} : memref<50x128xi32, #tpu.memory_space<vmem>>, vector<16xi32>,
      tpu.vector_store_idx %arg7[%add3A_137, %get3A_178], %broadcast_in_dim3A_8 {add = true} : memref<128x128xf32, #tpu.memory_space<vmem>>[vector<16xi32>, vector<16xi32>], vector<16xf32>,
      %mul3A_179 = arith.constant 16 : i32
      %mul3A_180 = arith.muli %scan3A_133, %mul3A_179 : i32
      %get3A_181 = arith.constant 7 : i32
      %get3A_182 = arith.index_cast %get3A_181 : i32 to index
      %get3A_183 = arith.index_cast %mul3A_180 : i32 to index
      %get3A_184 = tpu.vector_load %arg6[%get3A_182, %get3A_183] {strides = array<i32>} : memref<50x128xi32, #tpu.memory_space<vmem>>, vector<16xi32>,
      tpu.vector_store_idx %arg7[%add3A_137, %get3A_184], %broadcast_in_dim3A_8 {add = true} : memref<128x128xf32, #tpu.memory_space<vmem>>[vector<16xi32>, vector<16xi32>], vector<16xf32>,
      %mul3A_185 = arith.constant 16 : i32
      %mul3A_186 = arith.muli %scan3A_133, %mul3A_185 : i32
      %get3A_187 = arith.constant 8 : i32
      %get3A_188 = arith.index_cast %get3A_187 : i32 to index
      %get3A_189 = arith.index_cast %mul3A_186 : i32 to index
      %get3A_190 = tpu.vector_load %arg6[%get3A_188, %get3A_189] {strides = array<i32>} : memref<50x128xi32, #tpu.memory_space<vmem>>, vector<16xi32>,
      tpu.vector_store_idx %arg7[%add3A_137, %get3A_190], %broadcast_in_dim3A_8 {add = true} : memref<128x128xf32, #tpu.memory_space<vmem>>[vector<16xi32>, vector<16xi32>], vector<16xf32>,
      %mul3A_191 = arith.constant 16 : i32
      %mul3A_192 = arith.muli %scan3A_133, %mul3A_191 : i32
      %get3A_193 = arith.constant 9 : i32
      %get3A_194 = arith.index_cast %get3A_193 : i32 to index
      %get3A_195 = arith.index_cast %mul3A_192 : i32 to index
      %get3A_196 = tpu.vector_load %arg6[%get3A_194, %get3A_195] {strides = array<i32>} : memref<50x128xi32, #tpu.memory_space<vmem>>, vector<16xi32>,
      tpu.vector_store_idx %arg7[%add3A_137, %get3A_196], %broadcast_in_dim3A_8 {add = true} : memref<128x128xf32, #tpu.memory_space<vmem>>[vector<16xi32>, vector<16xi32>], vector<16xf32>,
      %mul3A_197 = arith.constant 16 : i32
      %mul3A_198 = arith.muli %scan3A_133, %mul3A_197 : i32
      %get3A_199 = arith.constant 10 : i32
      %get3A_200 = arith.index_cast %get3A_199 : i32 to index
      %get3A_201 = arith.index_cast %mul3A_198 : i32 to index
      %get3A_202 = tpu.vector_load %arg6[%get3A_200, %get3A_201] {strides = array<i32>} : memref<50x128xi32, #tpu.memory_space<vmem>>, vector<16xi32>,
      tpu.vector_store_idx %arg7[%add3A_137, %get3A_202], %broadcast_in_dim3A_8 {add = true} : memref<128x128xf32, #tpu.memory_space<vmem>>[vector<16xi32>, vector<16xi32>], vector<16xf32>,
      %mul3A_203 = arith.constant 16 : i32
      %mul3A_204 = arith.muli %scan3A_133, %mul3A_203 : i32
      %get3A_205 = arith.constant 11 : i32
      %get3A_206 = arith.index_cast %get3A_205 : i32 to index
      %get3A_207 = arith.index_cast %mul3A_204 : i32 to index
      %get3A_208 = tpu.vector_load %arg6[%get3A_206, %get3A_207] {strides = array<i32>} : memref<50x128xi32, #tpu.memory_space<vmem>>, vector<16xi32>,
      tpu.vector_store_idx %arg7[%add3A_137, %get3A_208], %broadcast_in_dim3A_8 {add = true} : memref<128x128xf32, #tpu.memory_space<vmem>>[vector<16xi32>, vector<16xi32>], vector<16xf32>,
      %mul3A_209 = arith.constant 16 : i32
      %mul3A_210 = arith.muli %scan3A_133, %mul3A_209 : i32
      %get3A_211 = arith.constant 12 : i32
      %get3A_212 = arith.index_cast %get3A_211 : i32 to index
      %get3A_213 = arith.index_cast %mul3A_210 : i32 to index
      %get3A_214 = tpu.vector_load %arg6[%get3A_212, %get3A_213] {strides = array<i32>} : memref<50x128xi32, #tpu.memory_space<vmem>>, vector<16xi32>,
      tpu.vector_store_idx %arg7[%add3A_137, %get3A_214], %broadcast_in_dim3A_8 {add = true} : memref<128x128xf32, #tpu.memory_space<vmem>>[vector<16xi32>, vector<16xi32>], vector<16xf32>,
      %mul3A_215 = arith.constant 16 : i32
      %mul3A_216 = arith.muli %scan3A_133, %mul3A_215 : i32
      %get3A_217 = arith.constant 13 : i32
      %get3A_218 = arith.index_cast %get3A_217 : i32 to index
      %get3A_219 = arith.index_cast %mul3A_216 : i32 to index
      %get3A_220 = tpu.vector_load %arg6[%get3A_218, %get3A_219] {strides = array<i32>} : memref<50x128xi32, #tpu.memory_space<vmem>>, vector<16xi32>,
      tpu.vector_store_idx %arg7[%add3A_137, %get3A_220], %broadcast_in_dim3A_8 {add = true} : memref<128x128xf32, #tpu.memory_space<vmem>>[vector<16xi32>, vector<16xi32>], vector<16xf32>,
      %mul3A_221 = arith.constant 16 : i32
      %mul3A_222 = arith.muli %scan3A_133, %mul3A_221 : i32
      %get3A_223 = arith.constant 14 : i32
      %get3A_224 = arith.index_cast %get3A_223 : i32 to index
      %get3A_225 = arith.index_cast %mul3A_222 : i32 to index
      %get3A_226 = tpu.vector_load %arg6[%get3A_224, %get3A_225] {strides = array<i32>} : memref<50x128xi32, #tpu.memory_space<vmem>>, vector<16xi32>,
      tpu.vector_store_idx %arg7[%add3A_137, %get3A_226], %broadcast_in_dim3A_8 {add = true} : memref<128x128xf32, #tpu.memory_space<vmem>>[vector<16xi32>, vector<16xi32>], vector<16xf32>,
      %mul3A_227 = arith.constant 16 : i32
      %mul3A_228 = arith.muli %scan3A_133, %mul3A_227 : i32
      %get3A_229 = arith.constant 15 : i32
      %get3A_230 = arith.index_cast %get3A_229 : i32 to index
      %get3A_231 = arith.index_cast %mul3A_228 : i32 to index
      %get3A_232 = tpu.vector_load %arg6[%get3A_230, %get3A_231] {strides = array<i32>} : memref<50x128xi32, #tpu.memory_space<vmem>>, vector<16xi32>,
      tpu.vector_store_idx %arg7[%add3A_137, %get3A_232], %broadcast_in_dim3A_8 {add = true} : memref<128x128xf32, #tpu.memory_space<vmem>>[vector<16xi32>, vector<16xi32>], vector<16xf32>,
      %mul3A_233 = arith.constant 16 : i32
      %mul3A_234 = arith.muli %scan3A_133, %mul3A_233 : i32
      %get3A_235 = arith.constant 16 : i32
      %get3A_236 = arith.index_cast %get3A_235 : i32 to index
      %get3A_237 = arith.index_cast %mul3A_234 : i32 to index
      %get3A_238 = tpu.vector_load %arg6[%get3A_236, %get3A_237] {strides = array<i32>} : memref<50x128xi32, #tpu.memory_space<vmem>>, vector<16xi32>,
      tpu.vector_store_idx %arg7[%add3A_137, %get3A_238], %broadcast_in_dim3A_8 {add = true} : memref<128x128xf32, #tpu.memory_space<vmem>>[vector<16xi32>, vector<16xi32>], vector<16xf32>,
      %mul3A_239 = arith.constant 16 : i32
      %mul3A_240 = arith.muli %scan3A_133, %mul3A_239 : i32
      %get3A_241 = arith.constant 17 : i32
      %get3A_242 = arith.index_cast %get3A_241 : i32 to index
      %get3A_243 = arith.index_cast %mul3A_240 : i32 to index
      %get3A_244 = tpu.vector_load %arg6[%get3A_242, %get3A_243] {strides = array<i32>} : memref<50x128xi32, #tpu.memory_space<vmem>>, vector<16xi32>,
      tpu.vector_store_idx %arg7[%add3A_137, %get3A_244], %broadcast_in_dim3A_8 {add = true} : memref<128x128xf32, #tpu.memory_space<vmem>>[vector<16xi32>, vector<16xi32>], vector<16xf32>,
      %mul3A_245 = arith.constant 16 : i32
      %mul3A_246 = arith.muli %scan3A_133, %mul3A_245 : i32
      %get3A_247 = arith.constant 18 : i32
      %get3A_248 = arith.index_cast %get3A_247 : i32 to index
      %get3A_249 = arith.index_cast %mul3A_246 : i32 to index
      %get3A_250 = tpu.vector_load %arg6[%get3A_248, %get3A_249] {strides = array<i32>} : memref<50x128xi32, #tpu.memory_space<vmem>>, vector<16xi32>,
      tpu.vector_store_idx %arg7[%add3A_137, %get3A_250], %broadcast_in_dim3A_8 {add = true} : memref<128x128xf32, #tpu.memory_space<vmem>>[vector<16xi32>, vector<16xi32>], vector<16xf32>,
      %mul3A_251 = arith.constant 16 : i32
      %mul3A_252 = arith.muli %scan3A_133, %mul3A_251 : i32
      %get3A_253 = arith.constant 19 : i32
      %get3A_254 = arith.index_cast %get3A_253 : i32 to index
      %get3A_255 = arith.index_cast %mul3A_252 : i32 to index
      %get3A_256 = tpu.vector_load %arg6[%get3A_254, %get3A_255] {strides = array<i32>} : memref<50x128xi32, #tpu.memory_space<vmem>>, vector<16xi32>,
      tpu.vector_store_idx %arg7[%add3A_137, %get3A_256], %broadcast_in_dim3A_8 {add = true} : memref<128x128xf32, #tpu.memory_space<vmem>>[vector<16xi32>, vector<16xi32>], vector<16xf32>,
      %mul3A_257 = arith.constant 16 : i32
      %mul3A_258 = arith.muli %scan3A_133, %mul3A_257 : i32
      %get3A_259 = arith.constant 20 : i32
      %get3A_260 = arith.index_cast %get3A_259 : i32 to index
      %get3A_261 = arith.index_cast %mul3A_258 : i32 to index
      %get3A_262 = tpu.vector_load %arg6[%get3A_260, %get3A_261] {strides = array<i32>} : memref<50x128xi32, #tpu.memory_space<vmem>>, vector<16xi32>,
      tpu.vector_store_idx %arg7[%add3A_137, %get3A_262], %broadcast_in_dim3A_8 {add = true} : memref<128x128xf32, #tpu.memory_space<vmem>>[vector<16xi32>, vector<16xi32>], vector<16xf32>,
      %mul3A_263 = arith.constant 16 : i32
      %mul3A_264 = arith.muli %scan3A_133, %mul3A_263 : i32
      %get3A_265 = arith.constant 21 : i32
      %get3A_266 = arith.index_cast %get3A_265 : i32 to index
      %get3A_267 = arith.index_cast %mul3A_264 : i32 to index
      %get3A_268 = tpu.vector_load %arg6[%get3A_266, %get3A_267] {strides = array<i32>} : memref<50x128xi32, #tpu.memory_space<vmem>>, vector<16xi32>,
      tpu.vector_store_idx %arg7[%add3A_137, %get3A_268], %broadcast_in_dim3A_8 {add = true} : memref<128x128xf32, #tpu.memory_space<vmem>>[vector<16xi32>, vector<16xi32>], vector<16xf32>,
      %mul3A_269 = arith.constant 16 : i32
      %mul3A_270 = arith.muli %scan3A_133, %mul3A_269 : i32
      %get3A_271 = arith.constant 22 : i32
      %get3A_272 = arith.index_cast %get3A_271 : i32 to index
      %get3A_273 = arith.index_cast %mul3A_270 : i32 to index
      %get3A_274 = tpu.vector_load %arg6[%get3A_272, %get3A_273] {strides = array<i32>} : memref<50x128xi32, #tpu.memory_space<vmem>>, vector<16xi32>,
      tpu.vector_store_idx %arg7[%add3A_137, %get3A_274], %broadcast_in_dim3A_8 {add = true} : memref<128x128xf32, #tpu.memory_space<vmem>>[vector<16xi32>, vector<16xi32>], vector<16xf32>,
      %mul3A_275 = arith.constant 16 : i32
      %mul3A_276 = arith.muli %scan3A_133, %mul3A_275 : i32
      %get3A_277 = arith.constant 23 : i32
      %get3A_278 = arith.index_cast %get3A_277 : i32 to index
      %get3A_279 = arith.index_cast %mul3A_276 : i32 to index
      %get3A_280 = tpu.vector_load %arg6[%get3A_278, %get3A_279] {strides = array<i32>} : memref<50x128xi32, #tpu.memory_space<vmem>>, vector<16xi32>,
      tpu.vector_store_idx %arg7[%add3A_137, %get3A_280], %broadcast_in_dim3A_8 {add = true} : memref<128x128xf32, #tpu.memory_space<vmem>>[vector<16xi32>, vector<16xi32>], vector<16xf32>,
      %mul3A_281 = arith.constant 16 : i32
      %mul3A_282 = arith.muli %scan3A_133, %mul3A_281 : i32
      %get3A_283 = arith.constant 24 : i32
      %get3A_284 = arith.index_cast %get3A_283 : i32 to index
      %get3A_285 = arith.index_cast %mul3A_282 : i32 to index
      %get3A_286 = tpu.vector_load %arg6[%get3A_284, %get3A_285] {strides = array<i32>} : memref<50x128xi32, #tpu.memory_space<vmem>>, vector<16xi32>,
      tpu.vector_store_idx %arg7[%add3A_137, %get3A_286], %broadcast_in_dim3A_8 {add = true} : memref<128x128xf32, #tpu.memory_space<vmem>>[vector<16xi32>, vector<16xi32>], vector<16xf32>,
      %mul3A_287 = arith.constant 16 : i32
      %mul3A_288 = arith.muli %scan3A_133, %mul3A_287 : i32
      %get3A_289 = arith.constant 25 : i32
      %get3A_290 = arith.index_cast %get3A_289 : i32 to index
      %get3A_291 = arith.index_cast %mul3A_288 : i32 to index
      %get3A_292 = tpu.vector_load %arg6[%get3A_290, %get3A_291] {strides = array<i32>} : memref<50x128xi32, #tpu.memory_space<vmem>>, vector<16xi32>,
      tpu.vector_store_idx %arg7[%add3A_137, %get3A_292], %broadcast_in_dim3A_8 {add = true} : memref<128x128xf32, #tpu.memory_space<vmem>>[vector<16xi32>, vector<16xi32>], vector<16xf32>,
      %mul3A_293 = arith.constant 16 : i32
      %mul3A_294 = arith.muli %scan3A_133, %mul3A_293 : i32
      %get3A_295 = arith.constant 26 : i32
      %get3A_296 = arith.index_cast %get3A_295 : i32 to index
      %get3A_297 = arith.index_cast %mul3A_294 : i32 to index
      %get3A_298 = tpu.vector_load %arg6[%get3A_296, %get3A_297] {strides = array<i32>} : memref<50x128xi32, #tpu.memory_space<vmem>>, vector<16xi32>,
      tpu.vector_store_idx %arg7[%add3A_137, %get3A_298], %broadcast_in_dim3A_8 {add = true} : memref<128x128xf32, #tpu.memory_space<vmem>>[vector<16xi32>, vector<16xi32>], vector<16xf32>,
      %mul3A_299 = arith.constant 16 : i32
      %mul3A_300 = arith.muli %scan3A_133, %mul3A_299 : i32
      %get3A_301 = arith.constant 27 : i32
      %get3A_302 = arith.index_cast %get3A_301 : i32 to index
      %get3A_303 = arith.index_cast %mul3A_300 : i32 to index
      %get3A_304 = tpu.vector_load %arg6[%get3A_302, %get3A_303] {strides = array<i32>} : memref<50x128xi32, #tpu.memory_space<vmem>>, vector<16xi32>,
      tpu.vector_store_idx %arg7[%add3A_137, %get3A_304], %broadcast_in_dim3A_8 {add = true} : memref<128x128xf32, #tpu.memory_space<vmem>>[vector<16xi32>, vector<16xi32>], vector<16xf32>,
      %mul3A_305 = arith.constant 16 : i32
      %mul3A_306 = arith.muli %scan3A_133, %mul3A_305 : i32
      %get3A_307 = arith.constant 28 : i32
      %get3A_308 = arith.index_cast %get3A_307 : i32 to index
      %get3A_309 = arith.index_cast %mul3A_306 : i32 to index
      %get3A_310 = tpu.vector_load %arg6[%get3A_308, %get3A_309] {strides = array<i32>} : memref<50x128xi32, #tpu.memory_space<vmem>>, vector<16xi32>,
      tpu.vector_store_idx %arg7[%add3A_137, %get3A_310], %broadcast_in_dim3A_8 {add = true} : memref<128x128xf32, #tpu.memory_space<vmem>>[vector<16xi32>, vector<16xi32>], vector<16xf32>,
      %mul3A_311 = arith.constant 16 : i32
      %mul3A_312 = arith.muli %scan3A_133, %mul3A_311 : i32
      %get3A_313 = arith.constant 29 : i32
      %get3A_314 = arith.index_cast %get3A_313 : i32 to index
      %get3A_315 = arith.index_cast %mul3A_312 : i32 to index
      %get3A_316 = tpu.vector_load %arg6[%get3A_314, %get3A_315] {strides = array<i32>} : memref<50x128xi32, #tpu.memory_space<vmem>>, vector<16xi32>,
      tpu.vector_store_idx %arg7[%add3A_137, %get3A_316], %broadcast_in_dim3A_8 {add = true} : memref<128x128xf32, #tpu.memory_space<vmem>>[vector<16xi32>, vector<16xi32>], vector<16xf32>,
      %mul3A_317 = arith.constant 16 : i32
      %mul3A_318 = arith.muli %scan3A_133, %mul3A_317 : i32
      %get3A_319 = arith.constant 30 : i32
      %get3A_320 = arith.index_cast %get3A_319 : i32 to index
      %get3A_321 = arith.index_cast %mul3A_318 : i32 to index
      %get3A_322 = tpu.vector_load %arg6[%get3A_320, %get3A_321] {strides = array<i32>} : memref<50x128xi32, #tpu.memory_space<vmem>>, vector<16xi32>,
      tpu.vector_store_idx %arg7[%add3A_137, %get3A_322], %broadcast_in_dim3A_8 {add = true} : memref<128x128xf32, #tpu.memory_space<vmem>>[vector<16xi32>, vector<16xi32>], vector<16xf32>,
      %mul3A_323 = arith.constant 16 : i32
      %mul3A_324 = arith.muli %scan3A_133, %mul3A_323 : i32
      %get3A_325 = arith.constant 31 : i32
      %get3A_326 = arith.index_cast %get3A_325 : i32 to index
      %get3A_327 = arith.index_cast %mul3A_324 : i32 to index
      %get3A_328 = tpu.vector_load %arg6[%get3A_326, %get3A_327] {strides = array<i32>} : memref<50x128xi32, #tpu.memory_space<vmem>>, vector<16xi32>,
      tpu.vector_store_idx %arg7[%add3A_137, %get3A_328], %broadcast_in_dim3A_8 {add = true} : memref<128x128xf32, #tpu.memory_space<vmem>>[vector<16xi32>, vector<16xi32>], vector<16xf32>,
      %mul3A_329 = arith.constant 16 : i32
      %mul3A_330 = arith.muli %scan3A_133, %mul3A_329 : i32
      %get3A_331 = arith.constant 32 : i32
      %get3A_332 = arith.index_cast %get3A_331 : i32 to index
      %get3A_333 = arith.index_cast %mul3A_330 : i32 to index
      %get3A_334 = tpu.vector_load %arg6[%get3A_332, %get3A_333] {strides = array<i32>} : memref<50x128xi32, #tpu.memory_space<vmem>>, vector<16xi32>,
      tpu.vector_store_idx %arg7[%add3A_137, %get3A_334], %broadcast_in_dim3A_8 {add = true} : memref<128x128xf32, #tpu.memory_space<vmem>>[vector<16xi32>, vector<16xi32>], vector<16xf32>,
      %mul3A_335 = arith.constant 16 : i32
      %mul3A_336 = arith.muli %scan3A_133, %mul3A_335 : i32
      %get3A_337 = arith.constant 33 : i32
      %get3A_338 = arith.index_cast %get3A_337 : i32 to index
      %get3A_339 = arith.index_cast %mul3A_336 : i32 to index
      %get3A_340 = tpu.vector_load %arg6[%get3A_338, %get3A_339] {strides = array<i32>} : memref<50x128xi32, #tpu.memory_space<vmem>>, vector<16xi32>,
      tpu.vector_store_idx %arg7[%add3A_137, %get3A_340], %broadcast_in_dim3A_8 {add = true} : memref<128x128xf32, #tpu.memory_space<vmem>>[vector<16xi32>, vector<16xi32>], vector<16xf32>,
      %mul3A_341 = arith.constant 16 : i32
      %mul3A_342 = arith.muli %scan3A_133, %mul3A_341 : i32
      %get3A_343 = arith.constant 34 : i32
      %get3A_344 = arith.index_cast %get3A_343 : i32 to index
      %get3A_345 = arith.index_cast %mul3A_342 : i32 to index
      %get3A_346 = tpu.vector_load %arg6[%get3A_344, %get3A_345] {strides = array<i32>} : memref<50x128xi32, #tpu.memory_space<vmem>>, vector<16xi32>,
      tpu.vector_store_idx %arg7[%add3A_137, %get3A_346], %broadcast_in_dim3A_8 {add = true} : memref<128x128xf32, #tpu.memory_space<vmem>>[vector<16xi32>, vector<16xi32>], vector<16xf32>,
      %mul3A_347 = arith.constant 16 : i32
      %mul3A_348 = arith.muli %scan3A_133, %mul3A_347 : i32
      %get3A_349 = arith.constant 35 : i32
      %get3A_350 = arith.index_cast %get3A_349 : i32 to index
      %get3A_351 = arith.index_cast %mul3A_348 : i32 to index
      %get3A_352 = tpu.vector_load %arg6[%get3A_350, %get3A_351] {strides = array<i32>} : memref<50x128xi32, #tpu.memory_space<vmem>>, vector<16xi32>,
      tpu.vector_store_idx %arg7[%add3A_137, %get3A_352], %broadcast_in_dim3A_8 {add = true} : memref<128x128xf32, #tpu.memory_space<vmem>>[vector<16xi32>, vector<16xi32>], vector<16xf32>,
      %mul3A_353 = arith.constant 16 : i32
      %mul3A_354 = arith.muli %scan3A_133, %mul3A_353 : i32
      %get3A_355 = arith.constant 36 : i32
      %get3A_356 = arith.index_cast %get3A_355 : i32 to index
      %get3A_357 = arith.index_cast %mul3A_354 : i32 to index
      %get3A_358 = tpu.vector_load %arg6[%get3A_356, %get3A_357] {strides = array<i32>} : memref<50x128xi32, #tpu.memory_space<vmem>>, vector<16xi32>,
      tpu.vector_store_idx %arg7[%add3A_137, %get3A_358], %broadcast_in_dim3A_8 {add = true} : memref<128x128xf32, #tpu.memory_space<vmem>>[vector<16xi32>, vector<16xi32>], vector<16xf32>,
      %mul3A_359 = arith.constant 16 : i32
      %mul3A_360 = arith.muli %scan3A_133, %mul3A_359 : i32
      %get3A_361 = arith.constant 37 : i32
      %get3A_362 = arith.index_cast %get3A_361 : i32 to index
      %get3A_363 = arith.index_cast %mul3A_360 : i32 to index
      %get3A_364 = tpu.vector_load %arg6[%get3A_362, %get3A_363] {strides = array<i32>} : memref<50x128xi32, #tpu.memory_space<vmem>>, vector<16xi32>,
      tpu.vector_store_idx %arg7[%add3A_137, %get3A_364], %broadcast_in_dim3A_8 {add = true} : memref<128x128xf32, #tpu.memory_space<vmem>>[vector<16xi32>, vector<16xi32>], vector<16xf32>,
      %mul3A_365 = arith.constant 16 : i32
      %mul3A_366 = arith.muli %scan3A_133, %mul3A_365 : i32
      %get3A_367 = arith.constant 38 : i32
      %get3A_368 = arith.index_cast %get3A_367 : i32 to index
      %get3A_369 = arith.index_cast %mul3A_366 : i32 to index
      %get3A_370 = tpu.vector_load %arg6[%get3A_368, %get3A_369] {strides = array<i32>} : memref<50x128xi32, #tpu.memory_space<vmem>>, vector<16xi32>,
      tpu.vector_store_idx %arg7[%add3A_137, %get3A_370], %broadcast_in_dim3A_8 {add = true} : memref<128x128xf32, #tpu.memory_space<vmem>>[vector<16xi32>, vector<16xi32>], vector<16xf32>,
      %mul3A_371 = arith.constant 16 : i32
      %mul3A_372 = arith.muli %scan3A_133, %mul3A_371 : i32
      %get3A_373 = arith.constant 39 : i32
      %get3A_374 = arith.index_cast %get3A_373 : i32 to index
      %get3A_375 = arith.index_cast %mul3A_372 : i32 to index
      %get3A_376 = tpu.vector_load %arg6[%get3A_374, %get3A_375] {strides = array<i32>} : memref<50x128xi32, #tpu.memory_space<vmem>>, vector<16xi32>,
      tpu.vector_store_idx %arg7[%add3A_137, %get3A_376], %broadcast_in_dim3A_8 {add = true} : memref<128x128xf32, #tpu.memory_space<vmem>>[vector<16xi32>, vector<16xi32>], vector<16xf32>,
      %mul3A_377 = arith.constant 16 : i32
      %mul3A_378 = arith.muli %scan3A_133, %mul3A_377 : i32
      %get3A_379 = arith.constant 40 : i32
      %get3A_380 = arith.index_cast %get3A_379 : i32 to index
      %get3A_381 = arith.index_cast %mul3A_378 : i32 to index
      %get3A_382 = tpu.vector_load %arg6[%get3A_380, %get3A_381] {strides = array<i32>} : memref<50x128xi32, #tpu.memory_space<vmem>>, vector<16xi32>,
      tpu.vector_store_idx %arg7[%add3A_137, %get3A_382], %broadcast_in_dim3A_8 {add = true} : memref<128x128xf32, #tpu.memory_space<vmem>>[vector<16xi32>, vector<16xi32>], vector<16xf32>,
      %mul3A_383 = arith.constant 16 : i32
      %mul3A_384 = arith.muli %scan3A_133, %mul3A_383 : i32
      %get3A_385 = arith.constant 41 : i32
      %get3A_386 = arith.index_cast %get3A_385 : i32 to index
      %get3A_387 = arith.index_cast %mul3A_384 : i32 to index
      %get3A_388 = tpu.vector_load %arg6[%get3A_386, %get3A_387] {strides = array<i32>} : memref<50x128xi32, #tpu.memory_space<vmem>>, vector<16xi32>,
      tpu.vector_store_idx %arg7[%add3A_137, %get3A_388], %broadcast_in_dim3A_8 {add = true} : memref<128x128xf32, #tpu.memory_space<vmem>>[vector<16xi32>, vector<16xi32>], vector<16xf32>,
      %mul3A_389 = arith.constant 16 : i32
      %mul3A_390 = arith.muli %scan3A_133, %mul3A_389 : i32
      %get3A_391 = arith.constant 42 : i32
      %get3A_392 = arith.index_cast %get3A_391 : i32 to index
      %get3A_393 = arith.index_cast %mul3A_390 : i32 to index
      %get3A_394 = tpu.vector_load %arg6[%get3A_392, %get3A_393] {strides = array<i32>} : memref<50x128xi32, #tpu.memory_space<vmem>>, vector<16xi32>,
      tpu.vector_store_idx %arg7[%add3A_137, %get3A_394], %broadcast_in_dim3A_8 {add = true} : memref<128x128xf32, #tpu.memory_space<vmem>>[vector<16xi32>, vector<16xi32>], vector<16xf32>,
      %mul3A_395 = arith.constant 16 : i32
      %mul3A_396 = arith.muli %scan3A_133, %mul3A_395 : i32
      %get3A_397 = arith.constant 43 : i32
      %get3A_398 = arith.index_cast %get3A_397 : i32 to index
      %get3A_399 = arith.index_cast %mul3A_396 : i32 to index
      %get3A_400 = tpu.vector_load %arg6[%get3A_398, %get3A_399] {strides = array<i32>} : memref<50x128xi32, #tpu.memory_space<vmem>>, vector<16xi32>,
      tpu.vector_store_idx %arg7[%add3A_137, %get3A_400], %broadcast_in_dim3A_8 {add = true} : memref<128x128xf32, #tpu.memory_space<vmem>>[vector<16xi32>, vector<16xi32>], vector<16xf32>,
      %mul3A_401 = arith.constant 16 : i32
      %mul3A_402 = arith.muli %scan3A_133, %mul3A_401 : i32
      %get3A_403 = arith.constant 44 : i32
      %get3A_404 = arith.index_cast %get3A_403 : i32 to index
      %get3A_405 = arith.index_cast %mul3A_402 : i32 to index
      %get3A_406 = tpu.vector_load %arg6[%get3A_404, %get3A_405] {strides = array<i32>} : memref<50x128xi32, #tpu.memory_space<vmem>>, vector<16xi32>,
      tpu.vector_store_idx %arg7[%add3A_137, %get3A_406], %broadcast_in_dim3A_8 {add = true} : memref<128x128xf32, #tpu.memory_space<vmem>>[vector<16xi32>, vector<16xi32>], vector<16xf32>,
      %mul3A_407 = arith.constant 16 : i32
      %mul3A_408 = arith.muli %scan3A_133, %mul3A_407 : i32
      %get3A_409 = arith.constant 45 : i32
      %get3A_410 = arith.index_cast %get3A_409 : i32 to index
      %get3A_411 = arith.index_cast %mul3A_408 : i32 to index
      %get3A_412 = tpu.vector_load %arg6[%get3A_410, %get3A_411] {strides = array<i32>} : memref<50x128xi32, #tpu.memory_space<vmem>>, vector<16xi32>,
      tpu.vector_store_idx %arg7[%add3A_137, %get3A_412], %broadcast_in_dim3A_8 {add = true} : memref<128x128xf32, #tpu.memory_space<vmem>>[vector<16xi32>, vector<16xi32>], vector<16xf32>,
      %mul3A_413 = arith.constant 16 : i32
      %mul3A_414 = arith.muli %scan3A_133, %mul3A_413 : i32
      %get3A_415 = arith.constant 46 : i32
      %get3A_416 = arith.index_cast %get3A_415 : i32 to index
      %get3A_417 = arith.index_cast %mul3A_414 : i32 to index
      %get3A_418 = tpu.vector_load %arg6[%get3A_416, %get3A_417] {strides = array<i32>} : memref<50x128xi32, #tpu.memory_space<vmem>>, vector<16xi32>,
      tpu.vector_store_idx %arg7[%add3A_137, %get3A_418], %broadcast_in_dim3A_8 {add = true} : memref<128x128xf32, #tpu.memory_space<vmem>>[vector<16xi32>, vector<16xi32>], vector<16xf32>,
      %mul3A_419 = arith.constant 16 : i32
      %mul3A_420 = arith.muli %scan3A_133, %mul3A_419 : i32
      %get3A_421 = arith.constant 47 : i32
      %get3A_422 = arith.index_cast %get3A_421 : i32 to index
      %get3A_423 = arith.index_cast %mul3A_420 : i32 to index
      %get3A_424 = tpu.vector_load %arg6[%get3A_422, %get3A_423] {strides = array<i32>} : memref<50x128xi32, #tpu.memory_space<vmem>>, vector<16xi32>,
      tpu.vector_store_idx %arg7[%add3A_137, %get3A_424], %broadcast_in_dim3A_8 {add = true} : memref<128x128xf32, #tpu.memory_space<vmem>>[vector<16xi32>, vector<16xi32>], vector<16xf32>,
      %mul3A_425 = arith.constant 16 : i32
      %mul3A_426 = arith.muli %scan3A_133, %mul3A_425 : i32
      %get3A_427 = arith.constant 48 : i32
      %get3A_428 = arith.index_cast %get3A_427 : i32 to index
      %get3A_429 = arith.index_cast %mul3A_426 : i32 to index
      %get3A_430 = tpu.vector_load %arg6[%get3A_428, %get3A_429] {strides = array<i32>} : memref<50x128xi32, #tpu.memory_space<vmem>>, vector<16xi32>,
      tpu.vector_store_idx %arg7[%add3A_137, %get3A_430], %broadcast_in_dim3A_8 {add = true} : memref<128x128xf32, #tpu.memory_space<vmem>>[vector<16xi32>, vector<16xi32>], vector<16xf32>,
      %mul3A_431 = arith.constant 16 : i32
      %mul3A_432 = arith.muli %scan3A_133, %mul3A_431 : i32
      %get3A_433 = arith.constant 49 : i32
      %get3A_434 = arith.index_cast %get3A_433 : i32 to index
      %get3A_435 = arith.index_cast %mul3A_432 : i32 to index
      %get3A_436 = tpu.vector_load %arg6[%get3A_434, %get3A_435] {strides = array<i32>} : memref<50x128xi32, #tpu.memory_space<vmem>>, vector<16xi32>,
      tpu.vector_store_idx %arg7[%add3A_137, %get3A_436], %broadcast_in_dim3A_8 {add = true} : memref<128x128xf32, #tpu.memory_space<vmem>>[vector<16xi32>, vector<16xi32>], vector<16xf32>,
      %mul3A_437 = arith.constant 16 : i32
      %mul3A_438 = arith.muli %scan3A_133, %mul3A_437 : i32
      %get3A_439 = arith.index_cast %mul3A_438 : i32 to index
      %get3A_440 = tpu.vector_load %arg5[%get3A_439] {strides = array<i32>} : memref<128xi32, #tpu.memory_space<vmem>>, vector<16xi32>,
      %convert_element_type3A = arith.sitofp %get3A_440 : vector<16xi32> to vector<16xf32>
      tpu.vector_store_idx %arg7[%add3A_137, %broadcast_in_dim3A_12], %convert_element_type3A : memref<128x128xf32, #tpu.memory_space<vmem>>[vector<16xi32>, vector<16xi32>], vector<16xf32>,
    }
    %scan3A_62 = arith.constant 2 : i32
    %add3A_63 = arith.constant 64 : i32
    %add3A_64 = arith.addi %mul3A_2, %add3A_63 : i32
    %dma_start3A_65 = arith.constant 64 : i32
    %dma_start3A_66 = arith.constant 0 : i32
    %dma_start3A_67 = tpu.memref_slice %arg7[%dma_start3A_65, %dma_start3A_66] : memref<128x128xf32, #tpu.memory_space<vmem>> -> memref<32x128xf32, #tpu.memory_space<vmem>>
    %dma_start3A_68 = arith.constant 0 : i32
    %dma_start3A_69 = tpu.memref_slice %arg4[%add3A_64, %dma_start3A_68] : memref<4096x128xf32, #tpu.memory_space<hbm>> -> memref<32x128xf32, #tpu.memory_space<hbm>>
    %dma_start3A_70 = arith.constant 0 : i32
    %dma_start3A_71 = tpu.memref_slice %arg4[%add3A_64, %dma_start3A_70] : memref<4096x128xf32, #tpu.memory_space<hbm>> -> memref<32x128xf32, #tpu.memory_space<hbm>>
    %dma_start3A_72 = arith.constant 64 : i32
    %dma_start3A_73 = arith.constant 0 : i32
    %dma_start3A_74 = tpu.memref_slice %arg7[%dma_start3A_72, %dma_start3A_73] : memref<128x128xf32, #tpu.memory_space<vmem>> -> memref<32x128xf32, #tpu.memory_space<vmem>>
    tpu.enqueue_dma source(%dma_start3A_74 : memref<32x128xf32, #tpu.memory_space<vmem>>) target(%dma_start3A_71 : memref<32x128xf32, #tpu.memory_space<hbm>>) target_semaphore(%arg9 : memref<!tpu.dma_semaphore, #tpu.memory_space<semaphore_mem>>)
    %scan3A_75 = arith.constant 0 : i32
    %scan3A_76 = arith.constant 6 : i32
    %scan3A_77 = arith.constant 2 : i32
    %scan3A_78 = arith.addi %scan3A_76, %scan3A_77 : i32
    %scan3A_79 = arith.constant 1 : i32
    scf.for %scan3A_133 = %scan3A_76 to %scan3A_78 step %scan3A_79  : i32 {
      %mul3A_134 = arith.constant 16 : i32
      %mul3A_135 = arith.muli %scan3A_133, %mul3A_134 : i32
      %add3A_136 = vector.broadcast %mul3A_135 : i32 to vector<16xi32>
      %add3A_137 = arith.addi %add3A_136, %iota3A : vector<16xi32>
      %mul3A_138 = arith.constant 16 : i32
      %mul3A_139 = arith.muli %scan3A_133, %mul3A_138 : i32
      %get3A = arith.constant 0 : i32
      %get3A_140 = arith.index_cast %get3A : i32 to index
      %get3A_141 = arith.index_cast %mul3A_139 : i32 to index
      %get3A_142 = tpu.vector_load %arg6[%get3A_140, %get3A_141] {strides = array<i32>} : memref<50x128xi32, #tpu.memory_space<vmem>>, vector<16xi32>,
      tpu.vector_store_idx %arg7[%add3A_137, %get3A_142], %broadcast_in_dim3A_8 {add = true} : memref<128x128xf32, #tpu.memory_space<vmem>>[vector<16xi32>, vector<16xi32>], vector<16xf32>,
      %mul3A_143 = arith.constant 16 : i32
      %mul3A_144 = arith.muli %scan3A_133, %mul3A_143 : i32
      %get3A_145 = arith.constant 1 : i32
      %get3A_146 = arith.index_cast %get3A_145 : i32 to index
      %get3A_147 = arith.index_cast %mul3A_144 : i32 to index
      %get3A_148 = tpu.vector_load %arg6[%get3A_146, %get3A_147] {strides = array<i32>} : memref<50x128xi32, #tpu.memory_space<vmem>>, vector<16xi32>,
      tpu.vector_store_idx %arg7[%add3A_137, %get3A_148], %broadcast_in_dim3A_8 {add = true} : memref<128x128xf32, #tpu.memory_space<vmem>>[vector<16xi32>, vector<16xi32>], vector<16xf32>,
      %mul3A_149 = arith.constant 16 : i32
      %mul3A_150 = arith.muli %scan3A_133, %mul3A_149 : i32
      %get3A_151 = arith.constant 2 : i32
      %get3A_152 = arith.index_cast %get3A_151 : i32 to index
      %get3A_153 = arith.index_cast %mul3A_150 : i32 to index
      %get3A_154 = tpu.vector_load %arg6[%get3A_152, %get3A_153] {strides = array<i32>} : memref<50x128xi32, #tpu.memory_space<vmem>>, vector<16xi32>,
      tpu.vector_store_idx %arg7[%add3A_137, %get3A_154], %broadcast_in_dim3A_8 {add = true} : memref<128x128xf32, #tpu.memory_space<vmem>>[vector<16xi32>, vector<16xi32>], vector<16xf32>,
      %mul3A_155 = arith.constant 16 : i32
      %mul3A_156 = arith.muli %scan3A_133, %mul3A_155 : i32
      %get3A_157 = arith.constant 3 : i32
      %get3A_158 = arith.index_cast %get3A_157 : i32 to index
      %get3A_159 = arith.index_cast %mul3A_156 : i32 to index
      %get3A_160 = tpu.vector_load %arg6[%get3A_158, %get3A_159] {strides = array<i32>} : memref<50x128xi32, #tpu.memory_space<vmem>>, vector<16xi32>,
      tpu.vector_store_idx %arg7[%add3A_137, %get3A_160], %broadcast_in_dim3A_8 {add = true} : memref<128x128xf32, #tpu.memory_space<vmem>>[vector<16xi32>, vector<16xi32>], vector<16xf32>,
      %mul3A_161 = arith.constant 16 : i32
      %mul3A_162 = arith.muli %scan3A_133, %mul3A_161 : i32
      %get3A_163 = arith.constant 4 : i32
      %get3A_164 = arith.index_cast %get3A_163 : i32 to index
      %get3A_165 = arith.index_cast %mul3A_162 : i32 to index
      %get3A_166 = tpu.vector_load %arg6[%get3A_164, %get3A_165] {strides = array<i32>} : memref<50x128xi32, #tpu.memory_space<vmem>>, vector<16xi32>,
      tpu.vector_store_idx %arg7[%add3A_137, %get3A_166], %broadcast_in_dim3A_8 {add = true} : memref<128x128xf32, #tpu.memory_space<vmem>>[vector<16xi32>, vector<16xi32>], vector<16xf32>,
      %mul3A_167 = arith.constant 16 : i32
      %mul3A_168 = arith.muli %scan3A_133, %mul3A_167 : i32
      %get3A_169 = arith.constant 5 : i32
      %get3A_170 = arith.index_cast %get3A_169 : i32 to index
      %get3A_171 = arith.index_cast %mul3A_168 : i32 to index
      %get3A_172 = tpu.vector_load %arg6[%get3A_170, %get3A_171] {strides = array<i32>} : memref<50x128xi32, #tpu.memory_space<vmem>>, vector<16xi32>,
      tpu.vector_store_idx %arg7[%add3A_137, %get3A_172], %broadcast_in_dim3A_8 {add = true} : memref<128x128xf32, #tpu.memory_space<vmem>>[vector<16xi32>, vector<16xi32>], vector<16xf32>,
      %mul3A_173 = arith.constant 16 : i32
      %mul3A_174 = arith.muli %scan3A_133, %mul3A_173 : i32
      %get3A_175 = arith.constant 6 : i32
      %get3A_176 = arith.index_cast %get3A_175 : i32 to index
      %get3A_177 = arith.index_cast %mul3A_174 : i32 to index
      %get3A_178 = tpu.vector_load %arg6[%get3A_176, %get3A_177] {strides = array<i32>} : memref<50x128xi32, #tpu.memory_space<vmem>>, vector<16xi32>,
      tpu.vector_store_idx %arg7[%add3A_137, %get3A_178], %broadcast_in_dim3A_8 {add = true} : memref<128x128xf32, #tpu.memory_space<vmem>>[vector<16xi32>, vector<16xi32>], vector<16xf32>,
      %mul3A_179 = arith.constant 16 : i32
      %mul3A_180 = arith.muli %scan3A_133, %mul3A_179 : i32
      %get3A_181 = arith.constant 7 : i32
      %get3A_182 = arith.index_cast %get3A_181 : i32 to index
      %get3A_183 = arith.index_cast %mul3A_180 : i32 to index
      %get3A_184 = tpu.vector_load %arg6[%get3A_182, %get3A_183] {strides = array<i32>} : memref<50x128xi32, #tpu.memory_space<vmem>>, vector<16xi32>,
      tpu.vector_store_idx %arg7[%add3A_137, %get3A_184], %broadcast_in_dim3A_8 {add = true} : memref<128x128xf32, #tpu.memory_space<vmem>>[vector<16xi32>, vector<16xi32>], vector<16xf32>,
      %mul3A_185 = arith.constant 16 : i32
      %mul3A_186 = arith.muli %scan3A_133, %mul3A_185 : i32
      %get3A_187 = arith.constant 8 : i32
      %get3A_188 = arith.index_cast %get3A_187 : i32 to index
      %get3A_189 = arith.index_cast %mul3A_186 : i32 to index
      %get3A_190 = tpu.vector_load %arg6[%get3A_188, %get3A_189] {strides = array<i32>} : memref<50x128xi32, #tpu.memory_space<vmem>>, vector<16xi32>,
      tpu.vector_store_idx %arg7[%add3A_137, %get3A_190], %broadcast_in_dim3A_8 {add = true} : memref<128x128xf32, #tpu.memory_space<vmem>>[vector<16xi32>, vector<16xi32>], vector<16xf32>,
      %mul3A_191 = arith.constant 16 : i32
      %mul3A_192 = arith.muli %scan3A_133, %mul3A_191 : i32
      %get3A_193 = arith.constant 9 : i32
      %get3A_194 = arith.index_cast %get3A_193 : i32 to index
      %get3A_195 = arith.index_cast %mul3A_192 : i32 to index
      %get3A_196 = tpu.vector_load %arg6[%get3A_194, %get3A_195] {strides = array<i32>} : memref<50x128xi32, #tpu.memory_space<vmem>>, vector<16xi32>,
      tpu.vector_store_idx %arg7[%add3A_137, %get3A_196], %broadcast_in_dim3A_8 {add = true} : memref<128x128xf32, #tpu.memory_space<vmem>>[vector<16xi32>, vector<16xi32>], vector<16xf32>,
      %mul3A_197 = arith.constant 16 : i32
      %mul3A_198 = arith.muli %scan3A_133, %mul3A_197 : i32
      %get3A_199 = arith.constant 10 : i32
      %get3A_200 = arith.index_cast %get3A_199 : i32 to index
      %get3A_201 = arith.index_cast %mul3A_198 : i32 to index
      %get3A_202 = tpu.vector_load %arg6[%get3A_200, %get3A_201] {strides = array<i32>} : memref<50x128xi32, #tpu.memory_space<vmem>>, vector<16xi32>,
      tpu.vector_store_idx %arg7[%add3A_137, %get3A_202], %broadcast_in_dim3A_8 {add = true} : memref<128x128xf32, #tpu.memory_space<vmem>>[vector<16xi32>, vector<16xi32>], vector<16xf32>,
      %mul3A_203 = arith.constant 16 : i32
      %mul3A_204 = arith.muli %scan3A_133, %mul3A_203 : i32
      %get3A_205 = arith.constant 11 : i32
      %get3A_206 = arith.index_cast %get3A_205 : i32 to index
      %get3A_207 = arith.index_cast %mul3A_204 : i32 to index
      %get3A_208 = tpu.vector_load %arg6[%get3A_206, %get3A_207] {strides = array<i32>} : memref<50x128xi32, #tpu.memory_space<vmem>>, vector<16xi32>,
      tpu.vector_store_idx %arg7[%add3A_137, %get3A_208], %broadcast_in_dim3A_8 {add = true} : memref<128x128xf32, #tpu.memory_space<vmem>>[vector<16xi32>, vector<16xi32>], vector<16xf32>,
      %mul3A_209 = arith.constant 16 : i32
      %mul3A_210 = arith.muli %scan3A_133, %mul3A_209 : i32
      %get3A_211 = arith.constant 12 : i32
      %get3A_212 = arith.index_cast %get3A_211 : i32 to index
      %get3A_213 = arith.index_cast %mul3A_210 : i32 to index
      %get3A_214 = tpu.vector_load %arg6[%get3A_212, %get3A_213] {strides = array<i32>} : memref<50x128xi32, #tpu.memory_space<vmem>>, vector<16xi32>,
      tpu.vector_store_idx %arg7[%add3A_137, %get3A_214], %broadcast_in_dim3A_8 {add = true} : memref<128x128xf32, #tpu.memory_space<vmem>>[vector<16xi32>, vector<16xi32>], vector<16xf32>,
      %mul3A_215 = arith.constant 16 : i32
      %mul3A_216 = arith.muli %scan3A_133, %mul3A_215 : i32
      %get3A_217 = arith.constant 13 : i32
      %get3A_218 = arith.index_cast %get3A_217 : i32 to index
      %get3A_219 = arith.index_cast %mul3A_216 : i32 to index
      %get3A_220 = tpu.vector_load %arg6[%get3A_218, %get3A_219] {strides = array<i32>} : memref<50x128xi32, #tpu.memory_space<vmem>>, vector<16xi32>,
      tpu.vector_store_idx %arg7[%add3A_137, %get3A_220], %broadcast_in_dim3A_8 {add = true} : memref<128x128xf32, #tpu.memory_space<vmem>>[vector<16xi32>, vector<16xi32>], vector<16xf32>,
      %mul3A_221 = arith.constant 16 : i32
      %mul3A_222 = arith.muli %scan3A_133, %mul3A_221 : i32
      %get3A_223 = arith.constant 14 : i32
      %get3A_224 = arith.index_cast %get3A_223 : i32 to index
      %get3A_225 = arith.index_cast %mul3A_222 : i32 to index
      %get3A_226 = tpu.vector_load %arg6[%get3A_224, %get3A_225] {strides = array<i32>} : memref<50x128xi32, #tpu.memory_space<vmem>>, vector<16xi32>,
      tpu.vector_store_idx %arg7[%add3A_137, %get3A_226], %broadcast_in_dim3A_8 {add = true} : memref<128x128xf32, #tpu.memory_space<vmem>>[vector<16xi32>, vector<16xi32>], vector<16xf32>,
      %mul3A_227 = arith.constant 16 : i32
      %mul3A_228 = arith.muli %scan3A_133, %mul3A_227 : i32
      %get3A_229 = arith.constant 15 : i32
      %get3A_230 = arith.index_cast %get3A_229 : i32 to index
      %get3A_231 = arith.index_cast %mul3A_228 : i32 to index
      %get3A_232 = tpu.vector_load %arg6[%get3A_230, %get3A_231] {strides = array<i32>} : memref<50x128xi32, #tpu.memory_space<vmem>>, vector<16xi32>,
      tpu.vector_store_idx %arg7[%add3A_137, %get3A_232], %broadcast_in_dim3A_8 {add = true} : memref<128x128xf32, #tpu.memory_space<vmem>>[vector<16xi32>, vector<16xi32>], vector<16xf32>,
      %mul3A_233 = arith.constant 16 : i32
      %mul3A_234 = arith.muli %scan3A_133, %mul3A_233 : i32
      %get3A_235 = arith.constant 16 : i32
      %get3A_236 = arith.index_cast %get3A_235 : i32 to index
      %get3A_237 = arith.index_cast %mul3A_234 : i32 to index
      %get3A_238 = tpu.vector_load %arg6[%get3A_236, %get3A_237] {strides = array<i32>} : memref<50x128xi32, #tpu.memory_space<vmem>>, vector<16xi32>,
      tpu.vector_store_idx %arg7[%add3A_137, %get3A_238], %broadcast_in_dim3A_8 {add = true} : memref<128x128xf32, #tpu.memory_space<vmem>>[vector<16xi32>, vector<16xi32>], vector<16xf32>,
      %mul3A_239 = arith.constant 16 : i32
      %mul3A_240 = arith.muli %scan3A_133, %mul3A_239 : i32
      %get3A_241 = arith.constant 17 : i32
      %get3A_242 = arith.index_cast %get3A_241 : i32 to index
      %get3A_243 = arith.index_cast %mul3A_240 : i32 to index
      %get3A_244 = tpu.vector_load %arg6[%get3A_242, %get3A_243] {strides = array<i32>} : memref<50x128xi32, #tpu.memory_space<vmem>>, vector<16xi32>,
      tpu.vector_store_idx %arg7[%add3A_137, %get3A_244], %broadcast_in_dim3A_8 {add = true} : memref<128x128xf32, #tpu.memory_space<vmem>>[vector<16xi32>, vector<16xi32>], vector<16xf32>,
      %mul3A_245 = arith.constant 16 : i32
      %mul3A_246 = arith.muli %scan3A_133, %mul3A_245 : i32
      %get3A_247 = arith.constant 18 : i32
      %get3A_248 = arith.index_cast %get3A_247 : i32 to index
      %get3A_249 = arith.index_cast %mul3A_246 : i32 to index
      %get3A_250 = tpu.vector_load %arg6[%get3A_248, %get3A_249] {strides = array<i32>} : memref<50x128xi32, #tpu.memory_space<vmem>>, vector<16xi32>,
      tpu.vector_store_idx %arg7[%add3A_137, %get3A_250], %broadcast_in_dim3A_8 {add = true} : memref<128x128xf32, #tpu.memory_space<vmem>>[vector<16xi32>, vector<16xi32>], vector<16xf32>,
      %mul3A_251 = arith.constant 16 : i32
      %mul3A_252 = arith.muli %scan3A_133, %mul3A_251 : i32
      %get3A_253 = arith.constant 19 : i32
      %get3A_254 = arith.index_cast %get3A_253 : i32 to index
      %get3A_255 = arith.index_cast %mul3A_252 : i32 to index
      %get3A_256 = tpu.vector_load %arg6[%get3A_254, %get3A_255] {strides = array<i32>} : memref<50x128xi32, #tpu.memory_space<vmem>>, vector<16xi32>,
      tpu.vector_store_idx %arg7[%add3A_137, %get3A_256], %broadcast_in_dim3A_8 {add = true} : memref<128x128xf32, #tpu.memory_space<vmem>>[vector<16xi32>, vector<16xi32>], vector<16xf32>,
      %mul3A_257 = arith.constant 16 : i32
      %mul3A_258 = arith.muli %scan3A_133, %mul3A_257 : i32
      %get3A_259 = arith.constant 20 : i32
      %get3A_260 = arith.index_cast %get3A_259 : i32 to index
      %get3A_261 = arith.index_cast %mul3A_258 : i32 to index
      %get3A_262 = tpu.vector_load %arg6[%get3A_260, %get3A_261] {strides = array<i32>} : memref<50x128xi32, #tpu.memory_space<vmem>>, vector<16xi32>,
      tpu.vector_store_idx %arg7[%add3A_137, %get3A_262], %broadcast_in_dim3A_8 {add = true} : memref<128x128xf32, #tpu.memory_space<vmem>>[vector<16xi32>, vector<16xi32>], vector<16xf32>,
      %mul3A_263 = arith.constant 16 : i32
      %mul3A_264 = arith.muli %scan3A_133, %mul3A_263 : i32
      %get3A_265 = arith.constant 21 : i32
      %get3A_266 = arith.index_cast %get3A_265 : i32 to index
      %get3A_267 = arith.index_cast %mul3A_264 : i32 to index
      %get3A_268 = tpu.vector_load %arg6[%get3A_266, %get3A_267] {strides = array<i32>} : memref<50x128xi32, #tpu.memory_space<vmem>>, vector<16xi32>,
      tpu.vector_store_idx %arg7[%add3A_137, %get3A_268], %broadcast_in_dim3A_8 {add = true} : memref<128x128xf32, #tpu.memory_space<vmem>>[vector<16xi32>, vector<16xi32>], vector<16xf32>,
      %mul3A_269 = arith.constant 16 : i32
      %mul3A_270 = arith.muli %scan3A_133, %mul3A_269 : i32
      %get3A_271 = arith.constant 22 : i32
      %get3A_272 = arith.index_cast %get3A_271 : i32 to index
      %get3A_273 = arith.index_cast %mul3A_270 : i32 to index
      %get3A_274 = tpu.vector_load %arg6[%get3A_272, %get3A_273] {strides = array<i32>} : memref<50x128xi32, #tpu.memory_space<vmem>>, vector<16xi32>,
      tpu.vector_store_idx %arg7[%add3A_137, %get3A_274], %broadcast_in_dim3A_8 {add = true} : memref<128x128xf32, #tpu.memory_space<vmem>>[vector<16xi32>, vector<16xi32>], vector<16xf32>,
      %mul3A_275 = arith.constant 16 : i32
      %mul3A_276 = arith.muli %scan3A_133, %mul3A_275 : i32
      %get3A_277 = arith.constant 23 : i32
      %get3A_278 = arith.index_cast %get3A_277 : i32 to index
      %get3A_279 = arith.index_cast %mul3A_276 : i32 to index
      %get3A_280 = tpu.vector_load %arg6[%get3A_278, %get3A_279] {strides = array<i32>} : memref<50x128xi32, #tpu.memory_space<vmem>>, vector<16xi32>,
      tpu.vector_store_idx %arg7[%add3A_137, %get3A_280], %broadcast_in_dim3A_8 {add = true} : memref<128x128xf32, #tpu.memory_space<vmem>>[vector<16xi32>, vector<16xi32>], vector<16xf32>,
      %mul3A_281 = arith.constant 16 : i32
      %mul3A_282 = arith.muli %scan3A_133, %mul3A_281 : i32
      %get3A_283 = arith.constant 24 : i32
      %get3A_284 = arith.index_cast %get3A_283 : i32 to index
      %get3A_285 = arith.index_cast %mul3A_282 : i32 to index
      %get3A_286 = tpu.vector_load %arg6[%get3A_284, %get3A_285] {strides = array<i32>} : memref<50x128xi32, #tpu.memory_space<vmem>>, vector<16xi32>,
      tpu.vector_store_idx %arg7[%add3A_137, %get3A_286], %broadcast_in_dim3A_8 {add = true} : memref<128x128xf32, #tpu.memory_space<vmem>>[vector<16xi32>, vector<16xi32>], vector<16xf32>,
      %mul3A_287 = arith.constant 16 : i32
      %mul3A_288 = arith.muli %scan3A_133, %mul3A_287 : i32
      %get3A_289 = arith.constant 25 : i32
      %get3A_290 = arith.index_cast %get3A_289 : i32 to index
      %get3A_291 = arith.index_cast %mul3A_288 : i32 to index
      %get3A_292 = tpu.vector_load %arg6[%get3A_290, %get3A_291] {strides = array<i32>} : memref<50x128xi32, #tpu.memory_space<vmem>>, vector<16xi32>,
      tpu.vector_store_idx %arg7[%add3A_137, %get3A_292], %broadcast_in_dim3A_8 {add = true} : memref<128x128xf32, #tpu.memory_space<vmem>>[vector<16xi32>, vector<16xi32>], vector<16xf32>,
      %mul3A_293 = arith.constant 16 : i32
      %mul3A_294 = arith.muli %scan3A_133, %mul3A_293 : i32
      %get3A_295 = arith.constant 26 : i32
      %get3A_296 = arith.index_cast %get3A_295 : i32 to index
      %get3A_297 = arith.index_cast %mul3A_294 : i32 to index
      %get3A_298 = tpu.vector_load %arg6[%get3A_296, %get3A_297] {strides = array<i32>} : memref<50x128xi32, #tpu.memory_space<vmem>>, vector<16xi32>,
      tpu.vector_store_idx %arg7[%add3A_137, %get3A_298], %broadcast_in_dim3A_8 {add = true} : memref<128x128xf32, #tpu.memory_space<vmem>>[vector<16xi32>, vector<16xi32>], vector<16xf32>,
      %mul3A_299 = arith.constant 16 : i32
      %mul3A_300 = arith.muli %scan3A_133, %mul3A_299 : i32
      %get3A_301 = arith.constant 27 : i32
      %get3A_302 = arith.index_cast %get3A_301 : i32 to index
      %get3A_303 = arith.index_cast %mul3A_300 : i32 to index
      %get3A_304 = tpu.vector_load %arg6[%get3A_302, %get3A_303] {strides = array<i32>} : memref<50x128xi32, #tpu.memory_space<vmem>>, vector<16xi32>,
      tpu.vector_store_idx %arg7[%add3A_137, %get3A_304], %broadcast_in_dim3A_8 {add = true} : memref<128x128xf32, #tpu.memory_space<vmem>>[vector<16xi32>, vector<16xi32>], vector<16xf32>,
      %mul3A_305 = arith.constant 16 : i32
      %mul3A_306 = arith.muli %scan3A_133, %mul3A_305 : i32
      %get3A_307 = arith.constant 28 : i32
      %get3A_308 = arith.index_cast %get3A_307 : i32 to index
      %get3A_309 = arith.index_cast %mul3A_306 : i32 to index
      %get3A_310 = tpu.vector_load %arg6[%get3A_308, %get3A_309] {strides = array<i32>} : memref<50x128xi32, #tpu.memory_space<vmem>>, vector<16xi32>,
      tpu.vector_store_idx %arg7[%add3A_137, %get3A_310], %broadcast_in_dim3A_8 {add = true} : memref<128x128xf32, #tpu.memory_space<vmem>>[vector<16xi32>, vector<16xi32>], vector<16xf32>,
      %mul3A_311 = arith.constant 16 : i32
      %mul3A_312 = arith.muli %scan3A_133, %mul3A_311 : i32
      %get3A_313 = arith.constant 29 : i32
      %get3A_314 = arith.index_cast %get3A_313 : i32 to index
      %get3A_315 = arith.index_cast %mul3A_312 : i32 to index
      %get3A_316 = tpu.vector_load %arg6[%get3A_314, %get3A_315] {strides = array<i32>} : memref<50x128xi32, #tpu.memory_space<vmem>>, vector<16xi32>,
      tpu.vector_store_idx %arg7[%add3A_137, %get3A_316], %broadcast_in_dim3A_8 {add = true} : memref<128x128xf32, #tpu.memory_space<vmem>>[vector<16xi32>, vector<16xi32>], vector<16xf32>,
      %mul3A_317 = arith.constant 16 : i32
      %mul3A_318 = arith.muli %scan3A_133, %mul3A_317 : i32
      %get3A_319 = arith.constant 30 : i32
      %get3A_320 = arith.index_cast %get3A_319 : i32 to index
      %get3A_321 = arith.index_cast %mul3A_318 : i32 to index
      %get3A_322 = tpu.vector_load %arg6[%get3A_320, %get3A_321] {strides = array<i32>} : memref<50x128xi32, #tpu.memory_space<vmem>>, vector<16xi32>,
      tpu.vector_store_idx %arg7[%add3A_137, %get3A_322], %broadcast_in_dim3A_8 {add = true} : memref<128x128xf32, #tpu.memory_space<vmem>>[vector<16xi32>, vector<16xi32>], vector<16xf32>,
      %mul3A_323 = arith.constant 16 : i32
      %mul3A_324 = arith.muli %scan3A_133, %mul3A_323 : i32
      %get3A_325 = arith.constant 31 : i32
      %get3A_326 = arith.index_cast %get3A_325 : i32 to index
      %get3A_327 = arith.index_cast %mul3A_324 : i32 to index
      %get3A_328 = tpu.vector_load %arg6[%get3A_326, %get3A_327] {strides = array<i32>} : memref<50x128xi32, #tpu.memory_space<vmem>>, vector<16xi32>,
      tpu.vector_store_idx %arg7[%add3A_137, %get3A_328], %broadcast_in_dim3A_8 {add = true} : memref<128x128xf32, #tpu.memory_space<vmem>>[vector<16xi32>, vector<16xi32>], vector<16xf32>,
      %mul3A_329 = arith.constant 16 : i32
      %mul3A_330 = arith.muli %scan3A_133, %mul3A_329 : i32
      %get3A_331 = arith.constant 32 : i32
      %get3A_332 = arith.index_cast %get3A_331 : i32 to index
      %get3A_333 = arith.index_cast %mul3A_330 : i32 to index
      %get3A_334 = tpu.vector_load %arg6[%get3A_332, %get3A_333] {strides = array<i32>} : memref<50x128xi32, #tpu.memory_space<vmem>>, vector<16xi32>,
      tpu.vector_store_idx %arg7[%add3A_137, %get3A_334], %broadcast_in_dim3A_8 {add = true} : memref<128x128xf32, #tpu.memory_space<vmem>>[vector<16xi32>, vector<16xi32>], vector<16xf32>,
      %mul3A_335 = arith.constant 16 : i32
      %mul3A_336 = arith.muli %scan3A_133, %mul3A_335 : i32
      %get3A_337 = arith.constant 33 : i32
      %get3A_338 = arith.index_cast %get3A_337 : i32 to index
      %get3A_339 = arith.index_cast %mul3A_336 : i32 to index
      %get3A_340 = tpu.vector_load %arg6[%get3A_338, %get3A_339] {strides = array<i32>} : memref<50x128xi32, #tpu.memory_space<vmem>>, vector<16xi32>,
      tpu.vector_store_idx %arg7[%add3A_137, %get3A_340], %broadcast_in_dim3A_8 {add = true} : memref<128x128xf32, #tpu.memory_space<vmem>>[vector<16xi32>, vector<16xi32>], vector<16xf32>,
      %mul3A_341 = arith.constant 16 : i32
      %mul3A_342 = arith.muli %scan3A_133, %mul3A_341 : i32
      %get3A_343 = arith.constant 34 : i32
      %get3A_344 = arith.index_cast %get3A_343 : i32 to index
      %get3A_345 = arith.index_cast %mul3A_342 : i32 to index
      %get3A_346 = tpu.vector_load %arg6[%get3A_344, %get3A_345] {strides = array<i32>} : memref<50x128xi32, #tpu.memory_space<vmem>>, vector<16xi32>,
      tpu.vector_store_idx %arg7[%add3A_137, %get3A_346], %broadcast_in_dim3A_8 {add = true} : memref<128x128xf32, #tpu.memory_space<vmem>>[vector<16xi32>, vector<16xi32>], vector<16xf32>,
      %mul3A_347 = arith.constant 16 : i32
      %mul3A_348 = arith.muli %scan3A_133, %mul3A_347 : i32
      %get3A_349 = arith.constant 35 : i32
      %get3A_350 = arith.index_cast %get3A_349 : i32 to index
      %get3A_351 = arith.index_cast %mul3A_348 : i32 to index
      %get3A_352 = tpu.vector_load %arg6[%get3A_350, %get3A_351] {strides = array<i32>} : memref<50x128xi32, #tpu.memory_space<vmem>>, vector<16xi32>,
      tpu.vector_store_idx %arg7[%add3A_137, %get3A_352], %broadcast_in_dim3A_8 {add = true} : memref<128x128xf32, #tpu.memory_space<vmem>>[vector<16xi32>, vector<16xi32>], vector<16xf32>,
      %mul3A_353 = arith.constant 16 : i32
      %mul3A_354 = arith.muli %scan3A_133, %mul3A_353 : i32
      %get3A_355 = arith.constant 36 : i32
      %get3A_356 = arith.index_cast %get3A_355 : i32 to index
      %get3A_357 = arith.index_cast %mul3A_354 : i32 to index
      %get3A_358 = tpu.vector_load %arg6[%get3A_356, %get3A_357] {strides = array<i32>} : memref<50x128xi32, #tpu.memory_space<vmem>>, vector<16xi32>,
      tpu.vector_store_idx %arg7[%add3A_137, %get3A_358], %broadcast_in_dim3A_8 {add = true} : memref<128x128xf32, #tpu.memory_space<vmem>>[vector<16xi32>, vector<16xi32>], vector<16xf32>,
      %mul3A_359 = arith.constant 16 : i32
      %mul3A_360 = arith.muli %scan3A_133, %mul3A_359 : i32
      %get3A_361 = arith.constant 37 : i32
      %get3A_362 = arith.index_cast %get3A_361 : i32 to index
      %get3A_363 = arith.index_cast %mul3A_360 : i32 to index
      %get3A_364 = tpu.vector_load %arg6[%get3A_362, %get3A_363] {strides = array<i32>} : memref<50x128xi32, #tpu.memory_space<vmem>>, vector<16xi32>,
      tpu.vector_store_idx %arg7[%add3A_137, %get3A_364], %broadcast_in_dim3A_8 {add = true} : memref<128x128xf32, #tpu.memory_space<vmem>>[vector<16xi32>, vector<16xi32>], vector<16xf32>,
      %mul3A_365 = arith.constant 16 : i32
      %mul3A_366 = arith.muli %scan3A_133, %mul3A_365 : i32
      %get3A_367 = arith.constant 38 : i32
      %get3A_368 = arith.index_cast %get3A_367 : i32 to index
      %get3A_369 = arith.index_cast %mul3A_366 : i32 to index
      %get3A_370 = tpu.vector_load %arg6[%get3A_368, %get3A_369] {strides = array<i32>} : memref<50x128xi32, #tpu.memory_space<vmem>>, vector<16xi32>,
      tpu.vector_store_idx %arg7[%add3A_137, %get3A_370], %broadcast_in_dim3A_8 {add = true} : memref<128x128xf32, #tpu.memory_space<vmem>>[vector<16xi32>, vector<16xi32>], vector<16xf32>,
      %mul3A_371 = arith.constant 16 : i32
      %mul3A_372 = arith.muli %scan3A_133, %mul3A_371 : i32
      %get3A_373 = arith.constant 39 : i32
      %get3A_374 = arith.index_cast %get3A_373 : i32 to index
      %get3A_375 = arith.index_cast %mul3A_372 : i32 to index
      %get3A_376 = tpu.vector_load %arg6[%get3A_374, %get3A_375] {strides = array<i32>} : memref<50x128xi32, #tpu.memory_space<vmem>>, vector<16xi32>,
      tpu.vector_store_idx %arg7[%add3A_137, %get3A_376], %broadcast_in_dim3A_8 {add = true} : memref<128x128xf32, #tpu.memory_space<vmem>>[vector<16xi32>, vector<16xi32>], vector<16xf32>,
      %mul3A_377 = arith.constant 16 : i32
      %mul3A_378 = arith.muli %scan3A_133, %mul3A_377 : i32
      %get3A_379 = arith.constant 40 : i32
      %get3A_380 = arith.index_cast %get3A_379 : i32 to index
      %get3A_381 = arith.index_cast %mul3A_378 : i32 to index
      %get3A_382 = tpu.vector_load %arg6[%get3A_380, %get3A_381] {strides = array<i32>} : memref<50x128xi32, #tpu.memory_space<vmem>>, vector<16xi32>,
      tpu.vector_store_idx %arg7[%add3A_137, %get3A_382], %broadcast_in_dim3A_8 {add = true} : memref<128x128xf32, #tpu.memory_space<vmem>>[vector<16xi32>, vector<16xi32>], vector<16xf32>,
      %mul3A_383 = arith.constant 16 : i32
      %mul3A_384 = arith.muli %scan3A_133, %mul3A_383 : i32
      %get3A_385 = arith.constant 41 : i32
      %get3A_386 = arith.index_cast %get3A_385 : i32 to index
      %get3A_387 = arith.index_cast %mul3A_384 : i32 to index
      %get3A_388 = tpu.vector_load %arg6[%get3A_386, %get3A_387] {strides = array<i32>} : memref<50x128xi32, #tpu.memory_space<vmem>>, vector<16xi32>,
      tpu.vector_store_idx %arg7[%add3A_137, %get3A_388], %broadcast_in_dim3A_8 {add = true} : memref<128x128xf32, #tpu.memory_space<vmem>>[vector<16xi32>, vector<16xi32>], vector<16xf32>,
      %mul3A_389 = arith.constant 16 : i32
      %mul3A_390 = arith.muli %scan3A_133, %mul3A_389 : i32
      %get3A_391 = arith.constant 42 : i32
      %get3A_392 = arith.index_cast %get3A_391 : i32 to index
      %get3A_393 = arith.index_cast %mul3A_390 : i32 to index
      %get3A_394 = tpu.vector_load %arg6[%get3A_392, %get3A_393] {strides = array<i32>} : memref<50x128xi32, #tpu.memory_space<vmem>>, vector<16xi32>,
      tpu.vector_store_idx %arg7[%add3A_137, %get3A_394], %broadcast_in_dim3A_8 {add = true} : memref<128x128xf32, #tpu.memory_space<vmem>>[vector<16xi32>, vector<16xi32>], vector<16xf32>,
      %mul3A_395 = arith.constant 16 : i32
      %mul3A_396 = arith.muli %scan3A_133, %mul3A_395 : i32
      %get3A_397 = arith.constant 43 : i32
      %get3A_398 = arith.index_cast %get3A_397 : i32 to index
      %get3A_399 = arith.index_cast %mul3A_396 : i32 to index
      %get3A_400 = tpu.vector_load %arg6[%get3A_398, %get3A_399] {strides = array<i32>} : memref<50x128xi32, #tpu.memory_space<vmem>>, vector<16xi32>,
      tpu.vector_store_idx %arg7[%add3A_137, %get3A_400], %broadcast_in_dim3A_8 {add = true} : memref<128x128xf32, #tpu.memory_space<vmem>>[vector<16xi32>, vector<16xi32>], vector<16xf32>,
      %mul3A_401 = arith.constant 16 : i32
      %mul3A_402 = arith.muli %scan3A_133, %mul3A_401 : i32
      %get3A_403 = arith.constant 44 : i32
      %get3A_404 = arith.index_cast %get3A_403 : i32 to index
      %get3A_405 = arith.index_cast %mul3A_402 : i32 to index
      %get3A_406 = tpu.vector_load %arg6[%get3A_404, %get3A_405] {strides = array<i32>} : memref<50x128xi32, #tpu.memory_space<vmem>>, vector<16xi32>,
      tpu.vector_store_idx %arg7[%add3A_137, %get3A_406], %broadcast_in_dim3A_8 {add = true} : memref<128x128xf32, #tpu.memory_space<vmem>>[vector<16xi32>, vector<16xi32>], vector<16xf32>,
      %mul3A_407 = arith.constant 16 : i32
      %mul3A_408 = arith.muli %scan3A_133, %mul3A_407 : i32
      %get3A_409 = arith.constant 45 : i32
      %get3A_410 = arith.index_cast %get3A_409 : i32 to index
      %get3A_411 = arith.index_cast %mul3A_408 : i32 to index
      %get3A_412 = tpu.vector_load %arg6[%get3A_410, %get3A_411] {strides = array<i32>} : memref<50x128xi32, #tpu.memory_space<vmem>>, vector<16xi32>,
      tpu.vector_store_idx %arg7[%add3A_137, %get3A_412], %broadcast_in_dim3A_8 {add = true} : memref<128x128xf32, #tpu.memory_space<vmem>>[vector<16xi32>, vector<16xi32>], vector<16xf32>,
      %mul3A_413 = arith.constant 16 : i32
      %mul3A_414 = arith.muli %scan3A_133, %mul3A_413 : i32
      %get3A_415 = arith.constant 46 : i32
      %get3A_416 = arith.index_cast %get3A_415 : i32 to index
      %get3A_417 = arith.index_cast %mul3A_414 : i32 to index
      %get3A_418 = tpu.vector_load %arg6[%get3A_416, %get3A_417] {strides = array<i32>} : memref<50x128xi32, #tpu.memory_space<vmem>>, vector<16xi32>,
      tpu.vector_store_idx %arg7[%add3A_137, %get3A_418], %broadcast_in_dim3A_8 {add = true} : memref<128x128xf32, #tpu.memory_space<vmem>>[vector<16xi32>, vector<16xi32>], vector<16xf32>,
      %mul3A_419 = arith.constant 16 : i32
      %mul3A_420 = arith.muli %scan3A_133, %mul3A_419 : i32
      %get3A_421 = arith.constant 47 : i32
      %get3A_422 = arith.index_cast %get3A_421 : i32 to index
      %get3A_423 = arith.index_cast %mul3A_420 : i32 to index
      %get3A_424 = tpu.vector_load %arg6[%get3A_422, %get3A_423] {strides = array<i32>} : memref<50x128xi32, #tpu.memory_space<vmem>>, vector<16xi32>,
      tpu.vector_store_idx %arg7[%add3A_137, %get3A_424], %broadcast_in_dim3A_8 {add = true} : memref<128x128xf32, #tpu.memory_space<vmem>>[vector<16xi32>, vector<16xi32>], vector<16xf32>,
      %mul3A_425 = arith.constant 16 : i32
      %mul3A_426 = arith.muli %scan3A_133, %mul3A_425 : i32
      %get3A_427 = arith.constant 48 : i32
      %get3A_428 = arith.index_cast %get3A_427 : i32 to index
      %get3A_429 = arith.index_cast %mul3A_426 : i32 to index
      %get3A_430 = tpu.vector_load %arg6[%get3A_428, %get3A_429] {strides = array<i32>} : memref<50x128xi32, #tpu.memory_space<vmem>>, vector<16xi32>,
      tpu.vector_store_idx %arg7[%add3A_137, %get3A_430], %broadcast_in_dim3A_8 {add = true} : memref<128x128xf32, #tpu.memory_space<vmem>>[vector<16xi32>, vector<16xi32>], vector<16xf32>,
      %mul3A_431 = arith.constant 16 : i32
      %mul3A_432 = arith.muli %scan3A_133, %mul3A_431 : i32
      %get3A_433 = arith.constant 49 : i32
      %get3A_434 = arith.index_cast %get3A_433 : i32 to index
      %get3A_435 = arith.index_cast %mul3A_432 : i32 to index
      %get3A_436 = tpu.vector_load %arg6[%get3A_434, %get3A_435] {strides = array<i32>} : memref<50x128xi32, #tpu.memory_space<vmem>>, vector<16xi32>,
      tpu.vector_store_idx %arg7[%add3A_137, %get3A_436], %broadcast_in_dim3A_8 {add = true} : memref<128x128xf32, #tpu.memory_space<vmem>>[vector<16xi32>, vector<16xi32>], vector<16xf32>,
      %mul3A_437 = arith.constant 16 : i32
      %mul3A_438 = arith.muli %scan3A_133, %mul3A_437 : i32
      %get3A_439 = arith.index_cast %mul3A_438 : i32 to index
      %get3A_440 = tpu.vector_load %arg5[%get3A_439] {strides = array<i32>} : memref<128xi32, #tpu.memory_space<vmem>>, vector<16xi32>,
      %convert_element_type3A = arith.sitofp %get3A_440 : vector<16xi32> to vector<16xf32>
      tpu.vector_store_idx %arg7[%add3A_137, %broadcast_in_dim3A_12], %convert_element_type3A : memref<128x128xf32, #tpu.memory_space<vmem>>[vector<16xi32>, vector<16xi32>], vector<16xf32>,
    }
    %scan3A_80 = arith.constant 2 : i32
    %add3A_81 = arith.constant 96 : i32
    %add3A_82 = arith.addi %mul3A_2, %add3A_81 : i32
    %dma_start3A_83 = arith.constant 96 : i32
    %dma_start3A_84 = arith.constant 0 : i32
    %dma_start3A_85 = tpu.memref_slice %arg7[%dma_start3A_83, %dma_start3A_84] : memref<128x128xf32, #tpu.memory_space<vmem>> -> memref<32x128xf32, #tpu.memory_space<vmem>>
    %dma_start3A_86 = arith.constant 0 : i32
    %dma_start3A_87 = tpu.memref_slice %arg4[%add3A_82, %dma_start3A_86] : memref<4096x128xf32, #tpu.memory_space<hbm>> -> memref<32x128xf32, #tpu.memory_space<hbm>>
    %dma_start3A_88 = arith.constant 0 : i32
    %dma_start3A_89 = tpu.memref_slice %arg4[%add3A_82, %dma_start3A_88] : memref<4096x128xf32, #tpu.memory_space<hbm>> -> memref<32x128xf32, #tpu.memory_space<hbm>>
    %dma_start3A_90 = arith.constant 96 : i32
    %dma_start3A_91 = arith.constant 0 : i32
    %dma_start3A_92 = tpu.memref_slice %arg7[%dma_start3A_90, %dma_start3A_91] : memref<128x128xf32, #tpu.memory_space<vmem>> -> memref<32x128xf32, #tpu.memory_space<vmem>>
    tpu.enqueue_dma source(%dma_start3A_92 : memref<32x128xf32, #tpu.memory_space<vmem>>) target(%dma_start3A_89 : memref<32x128xf32, #tpu.memory_space<hbm>>) target_semaphore(%arg9 : memref<!tpu.dma_semaphore, #tpu.memory_space<semaphore_mem>>)
    %dma_wait3A_93 = arith.constant 0 : i32
    %dma_wait3A_94 = arith.constant 0 : i32
    %dma_wait3A_95 = tpu.memref_slice %arg7[%dma_wait3A_93, %dma_wait3A_94] : memref<128x128xf32, #tpu.memory_space<vmem>> -> memref<32x128xf32, #tpu.memory_space<vmem>>
    %dma_wait3A_96 = arith.constant 0 : i32
    %dma_wait3A_97 = tpu.memref_slice %arg4[%add3A_28, %dma_wait3A_96] : memref<4096x128xf32, #tpu.memory_space<hbm>> -> memref<32x128xf32, #tpu.memory_space<hbm>>
    %dma_wait3A_98 = arith.constant 0 : i32
    %dma_wait3A_99 = tpu.memref_slice %arg4[%add3A_28, %dma_wait3A_98] : memref<4096x128xf32, #tpu.memory_space<hbm>> -> memref<32x128xf32, #tpu.memory_space<hbm>>
    %dma_wait3A_100 = arith.constant 0 : i32
    %dma_wait3A_101 = arith.constant 0 : i32
    %dma_wait3A_102 = tpu.memref_slice %arg7[%dma_wait3A_100, %dma_wait3A_101] : memref<128x128xf32, #tpu.memory_space<vmem>> -> memref<32x128xf32, #tpu.memory_space<vmem>>
    tpu.wait_dma2 semaphore(%arg9 : memref<!tpu.dma_semaphore, #tpu.memory_space<semaphore_mem>>) src(%dma_wait3A_102 : memref<32x128xf32, #tpu.memory_space<vmem>>) dst(%dma_wait3A_99 : memref<32x128xf32, #tpu.memory_space<hbm>>)
    %dma_wait3A_103 = arith.constant 32 : i32
    %dma_wait3A_104 = arith.constant 0 : i32
    %dma_wait3A_105 = tpu.memref_slice %arg7[%dma_wait3A_103, %dma_wait3A_104] : memref<128x128xf32, #tpu.memory_space<vmem>> -> memref<32x128xf32, #tpu.memory_space<vmem>>
    %dma_wait3A_106 = arith.constant 0 : i32
    %dma_wait3A_107 = tpu.memref_slice %arg4[%add3A_46, %dma_wait3A_106] : memref<4096x128xf32, #tpu.memory_space<hbm>> -> memref<32x128xf32, #tpu.memory_space<hbm>>
    %dma_wait3A_108 = arith.constant 0 : i32
    %dma_wait3A_109 = tpu.memref_slice %arg4[%add3A_46, %dma_wait3A_108] : memref<4096x128xf32, #tpu.memory_space<hbm>> -> memref<32x128xf32, #tpu.memory_space<hbm>>
    %dma_wait3A_110 = arith.constant 32 : i32
    %dma_wait3A_111 = arith.constant 0 : i32
    %dma_wait3A_112 = tpu.memref_slice %arg7[%dma_wait3A_110, %dma_wait3A_111] : memref<128x128xf32, #tpu.memory_space<vmem>> -> memref<32x128xf32, #tpu.memory_space<vmem>>
    tpu.wait_dma2 semaphore(%arg9 : memref<!tpu.dma_semaphore, #tpu.memory_space<semaphore_mem>>) src(%dma_wait3A_112 : memref<32x128xf32, #tpu.memory_space<vmem>>) dst(%dma_wait3A_109 : memref<32x128xf32, #tpu.memory_space<hbm>>)
    %dma_wait3A_113 = arith.constant 64 : i32
    %dma_wait3A_114 = arith.constant 0 : i32
    %dma_wait3A_115 = tpu.memref_slice %arg7[%dma_wait3A_113, %dma_wait3A_114] : memref<128x128xf32, #tpu.memory_space<vmem>> -> memref<32x128xf32, #tpu.memory_space<vmem>>
    %dma_wait3A_116 = arith.constant 0 : i32
    %dma_wait3A_117 = tpu.memref_slice %arg4[%add3A_64, %dma_wait3A_116] : memref<4096x128xf32, #tpu.memory_space<hbm>> -> memref<32x128xf32, #tpu.memory_space<hbm>>
    %dma_wait3A_118 = arith.constant 0 : i32
    %dma_wait3A_119 = tpu.memref_slice %arg4[%add3A_64, %dma_wait3A_118] : memref<4096x128xf32, #tpu.memory_space<hbm>> -> memref<32x128xf32, #tpu.memory_space<hbm>>
    %dma_wait3A_120 = arith.constant 64 : i32
    %dma_wait3A_121 = arith.constant 0 : i32
    %dma_wait3A_122 = tpu.memref_slice %arg7[%dma_wait3A_120, %dma_wait3A_121] : memref<128x128xf32, #tpu.memory_space<vmem>> -> memref<32x128xf32, #tpu.memory_space<vmem>>
    tpu.wait_dma2 semaphore(%arg9 : memref<!tpu.dma_semaphore, #tpu.memory_space<semaphore_mem>>) src(%dma_wait3A_122 : memref<32x128xf32, #tpu.memory_space<vmem>>) dst(%dma_wait3A_119 : memref<32x128xf32, #tpu.memory_space<hbm>>)
    %dma_wait3A_123 = arith.constant 96 : i32
    %dma_wait3A_124 = arith.constant 0 : i32
    %dma_wait3A_125 = tpu.memref_slice %arg7[%dma_wait3A_123, %dma_wait3A_124] : memref<128x128xf32, #tpu.memory_space<vmem>> -> memref<32x128xf32, #tpu.memory_space<vmem>>
    %dma_wait3A_126 = arith.constant 0 : i32
    %dma_wait3A_127 = tpu.memref_slice %arg4[%add3A_82, %dma_wait3A_126] : memref<4096x128xf32, #tpu.memory_space<hbm>> -> memref<32x128xf32, #tpu.memory_space<hbm>>
    %dma_wait3A_128 = arith.constant 0 : i32
    %dma_wait3A_129 = tpu.memref_slice %arg4[%add3A_82, %dma_wait3A_128] : memref<4096x128xf32, #tpu.memory_space<hbm>> -> memref<32x128xf32, #tpu.memory_space<hbm>>
    %dma_wait3A_130 = arith.constant 96 : i32
    %dma_wait3A_131 = arith.constant 0 : i32
    %dma_wait3A_132 = tpu.memref_slice %arg7[%dma_wait3A_130, %dma_wait3A_131] : memref<128x128xf32, #tpu.memory_space<vmem>> -> memref<32x128xf32, #tpu.memory_space<vmem>>
    tpu.wait_dma2 semaphore(%arg9 : memref<!tpu.dma_semaphore, #tpu.memory_space<semaphore_mem>>) src(%dma_wait3A_132 : memref<32x128xf32, #tpu.memory_space<vmem>>) dst(%dma_wait3A_129 : memref<32x128xf32, #tpu.memory_space<hbm>>)
    return
  }
}

module attributes {stable_mosaic.version = 14 : i64} {
  func.func @_tc_body(%arg0: i32, %arg1: memref<2048x128xf32, #tpu.memory_space<vmem>>, %arg2: memref<1024x64xbf16, #tpu.memory_space<vmem>>, %arg3: memref<128x64xbf16, #tpu.memory_space<vmem>>, %arg4: memref<2048x128xf32, #tpu.memory_space<vmem>>) attributes {dimension_semantics = [#tpu.dimension_semantics<arbitrary>], iteration_bounds = array<i64: 6>, scalar_prefetch = 0 : i64, scratch_operands = 0 : i64, tpu.core_type = #tpu.core_type<tc>, window_params = [{transform_indices = @transform_0, window_bounds = array<i64: 2048, 128>}, {pipeline_mode = #tpu.pipeline_mode<synchronous>, transform_indices = @transform_1, window_bounds = array<i64: 1024, 64>}, {pipeline_mode = #tpu.pipeline_mode<synchronous>, transform_indices = @transform_2, window_bounds = array<i64: 128, 64>}, {transform_indices = @transform_3, window_bounds = array<i64: 2048, 128>}]} {
    %get3A = arith.constant 0 : index
    %get3A_0 = arith.constant 0 : index
    %get3A_1 = vector.load %arg1[%get3A, %get3A_0] : memref<2048x128xf32, #tpu.memory_space<vmem>>, vector<2048x128xf32>
    %slice3A = vector.extract_strided_slice %get3A_1 {offsets = [0, 100], sizes = [2048, 1], strides = [1, 1]} : vector<2048x128xf32> to vector<2048x1xf32>
    %convert_element_type3A = arith.fptosi %slice3A : vector<2048x1xf32> to vector<2048x1xi32>
    %iota3A = tpu.iota {dimensions = array<i32: 1>} : vector<2048x1024xi32>
    %eq3A = vector.broadcast %convert_element_type3A : vector<2048x1xi32> to vector<2048x1024xi32>
    %eq3A_2 = arith.cmpi eq, %eq3A, %iota3A : vector<2048x1024xi32>
    %convert_element_type3A_3 = arith.extui %eq3A_2 : vector<2048x1024xi1> to vector<2048x1024xi32>
    %convert_element_type3A_4 = arith.sitofp %convert_element_type3A_3 : vector<2048x1024xi32> to vector<2048x1024xf32>
    %convert_element_type3A_5 = arith.truncf %convert_element_type3A_4 : vector<2048x1024xf32> to vector<2048x1024xbf16>
    %get3A_6 = arith.constant 0 : index
    %get3A_7 = arith.constant 0 : index
    %get3A_8 = vector.load %arg2[%get3A_6, %get3A_7] : memref<1024x64xbf16, #tpu.memory_space<vmem>>, vector<1024x64xbf16>
    %dot_general3A = arith.constant dense<0.000000e+00> : vector<2048x64xf32>
    %dot_general3A_9 = tpu.matmul %convert_element_type3A_5, %get3A_8, %dot_general3A {dimension_numbers = #tpu.dot_dimension_numbers<[1], [0], [0], [1], [0, 0, 1, 1], [], []>, transpose_lhs_hint = false} : vector<2048x1024xbf16>, vector<1024x64xbf16>, vector<2048x64xf32> -> vector<2048x64xf32>
    %convert_element_type3A_10 = arith.truncf %get3A_1 : vector<2048x128xf32> to vector<2048x128xbf16>
    %get3A_11 = arith.constant 0 : index
    %get3A_12 = arith.constant 0 : index
    %get3A_13 = vector.load %arg3[%get3A_11, %get3A_12] : memref<128x64xbf16, #tpu.memory_space<vmem>>, vector<128x64xbf16>
    %dot_general3A_14 = arith.constant dense<0.000000e+00> : vector<2048x64xf32>
    %dot_general3A_15 = tpu.matmul %convert_element_type3A_10, %get3A_13, %dot_general3A_14 {dimension_numbers = #tpu.dot_dimension_numbers<[1], [0], [0], [1], [0, 0, 1, 1], [], []>, transpose_lhs_hint = false} : vector<2048x128xbf16>, vector<128x64xbf16>, vector<2048x64xf32> -> vector<2048x64xf32>
    %concatenate3A = tpu.concatenate %dot_general3A_9, %dot_general3A_15 in 1 : vector<2048x64xf32>, vector<2048x64xf32> -> vector<2048x128xf32>
    %swap3A = arith.constant 0 : index
    %swap3A_16 = arith.constant 0 : index
    %swap3A_17 = vector.load %arg4[%swap3A, %swap3A_16] : memref<2048x128xf32, #tpu.memory_space<vmem>>, vector<2048x128xf32>
    tpu.vector_store %arg4[%swap3A, %swap3A_16], %concatenate3A {strides = array<i32>} : memref<2048x128xf32, #tpu.memory_space<vmem>>, vector<2048x128xf32>,
    return
  }
  func.func @transform_0(%arg0: i32) -> (i32, i32) {
    %c0_i32 = arith.constant 0 : i32
    %c0_i32_0 = arith.constant 0 : i32
    return %arg0, %c0_i32 : i32, i32
  }
  func.func @transform_1(%arg0: i32) -> (i32, i32) {
    %c0_i32 = arith.constant 0 : i32
    %c0_i32_0 = arith.constant 0 : i32
    %c0_i32_1 = arith.constant 0 : i32
    return %c0_i32, %c0_i32_0 : i32, i32
  }
  func.func @transform_2(%arg0: i32) -> (i32, i32) {
    %c0_i32 = arith.constant 0 : i32
    %c0_i32_0 = arith.constant 0 : i32
    %c0_i32_1 = arith.constant 0 : i32
    return %c0_i32, %c0_i32_0 : i32, i32
  }
  func.func @transform_3(%arg0: i32) -> (i32, i32) {
    %c0_i32 = arith.constant 0 : i32
    %c0_i32_0 = arith.constant 0 : i32
    return %arg0, %c0_i32 : i32, i32
  }
}

module attributes {stable_mosaic.version = 14 : i64} {
  func.func @_tc_body2(%arg0: i32, %arg1: memref<2048x128xf32, #tpu.memory_space<vmem>>, %arg2: memref<1024x64xbf16, #tpu.memory_space<vmem>>, %arg3: memref<128x64xbf16, #tpu.memory_space<vmem>>, %arg4: memref<8x128xf32, #tpu.memory_space<vmem>>, %arg5: memref<2048x128xf32, #tpu.memory_space<vmem>>) attributes {dimension_semantics = [#tpu.dimension_semantics<arbitrary>], iteration_bounds = array<i64: 2>, scalar_prefetch = 0 : i64, scratch_operands = 0 : i64, tpu.core_type = #tpu.core_type<tc>, window_params = [{transform_indices = @transform_0, window_bounds = array<i64: 2048, 128>}, {pipeline_mode = #tpu.pipeline_mode<synchronous>, transform_indices = @transform_1, window_bounds = array<i64: 1024, 64>}, {pipeline_mode = #tpu.pipeline_mode<synchronous>, transform_indices = @transform_2, window_bounds = array<i64: 128, 64>}, {transform_indices = @transform_3, window_bounds = array<i64: 8, 128>}, {transform_indices = @transform_4, window_bounds = array<i64: 2048, 128>}]} {
    %get3A = arith.constant 0 : index
    %get3A_0 = arith.constant 0 : index
    %get3A_1 = vector.load %arg1[%get3A, %get3A_0] : memref<2048x128xf32, #tpu.memory_space<vmem>>, vector<2048x128xf32>
    %slice3A = vector.extract_strided_slice %get3A_1 {offsets = [0, 100], sizes = [2048, 1], strides = [1, 1]} : vector<2048x128xf32> to vector<2048x1xf32>
    %convert_element_type3A = arith.fptosi %slice3A : vector<2048x1xf32> to vector<2048x1xi32>
    %iota3A = tpu.iota {dimensions = array<i32: 1>} : vector<2048x1024xi32>
    %eq3A = vector.broadcast %convert_element_type3A : vector<2048x1xi32> to vector<2048x1024xi32>
    %eq3A_2 = arith.cmpi eq, %eq3A, %iota3A : vector<2048x1024xi32>
    %convert_element_type3A_3 = arith.extui %eq3A_2 : vector<2048x1024xi1> to vector<2048x1024xi32>
    %convert_element_type3A_4 = arith.sitofp %convert_element_type3A_3 : vector<2048x1024xi32> to vector<2048x1024xf32>
    %convert_element_type3A_5 = arith.truncf %convert_element_type3A_4 : vector<2048x1024xf32> to vector<2048x1024xbf16>
    %get3A_6 = arith.constant 0 : index
    %get3A_7 = arith.constant 0 : index
    %get3A_8 = vector.load %arg2[%get3A_6, %get3A_7] : memref<1024x64xbf16, #tpu.memory_space<vmem>>, vector<1024x64xbf16>
    %dot_general3A = arith.constant dense<0.000000e+00> : vector<2048x64xf32>
    %dot_general3A_9 = tpu.matmul %convert_element_type3A_5, %get3A_8, %dot_general3A {dimension_numbers = #tpu.dot_dimension_numbers<[1], [0], [0], [1], [0, 0, 1, 1], [], []>, transpose_lhs_hint = false} : vector<2048x1024xbf16>, vector<1024x64xbf16>, vector<2048x64xf32> -> vector<2048x64xf32>
    %convert_element_type3A_10 = arith.truncf %get3A_1 : vector<2048x128xf32> to vector<2048x128xbf16>
    %get3A_11 = arith.constant 0 : index
    %get3A_12 = arith.constant 0 : index
    %get3A_13 = vector.load %arg3[%get3A_11, %get3A_12] : memref<128x64xbf16, #tpu.memory_space<vmem>>, vector<128x64xbf16>
    %dot_general3A_14 = arith.constant dense<0.000000e+00> : vector<2048x64xf32>
    %dot_general3A_15 = tpu.matmul %convert_element_type3A_10, %get3A_13, %dot_general3A_14 {dimension_numbers = #tpu.dot_dimension_numbers<[1], [0], [0], [1], [0, 0, 1, 1], [], []>, transpose_lhs_hint = false} : vector<2048x128xbf16>, vector<128x64xbf16>, vector<2048x64xf32> -> vector<2048x64xf32>
    %concatenate3A = tpu.concatenate %dot_general3A_9, %dot_general3A_15 in 1 : vector<2048x64xf32>, vector<2048x64xf32> -> vector<2048x128xf32>
    %swap3A = arith.constant 0 : index
    %swap3A_16 = arith.constant 0 : index
    %swap3A_17 = vector.load %arg5[%swap3A, %swap3A_16] : memref<2048x128xf32, #tpu.memory_space<vmem>>, vector<2048x128xf32>
    tpu.vector_store %arg5[%swap3A, %swap3A_16], %concatenate3A {strides = array<i32>} : memref<2048x128xf32, #tpu.memory_space<vmem>>, vector<2048x128xf32>,
    return
  }
  func.func @transform_0(%arg0: i32) -> (i32, i32) {
    %c0_i32 = arith.constant 0 : i32
    %c0_i32_0 = arith.constant 0 : i32
    return %arg0, %c0_i32 : i32, i32
  }
  func.func @transform_1(%arg0: i32) -> (i32, i32) {
    %c0_i32 = arith.constant 0 : i32
    %c0_i32_0 = arith.constant 0 : i32
    %c0_i32_1 = arith.constant 0 : i32
    return %c0_i32, %c0_i32_0 : i32, i32
  }
  func.func @transform_2(%arg0: i32) -> (i32, i32) {
    %c0_i32 = arith.constant 0 : i32
    %c0_i32_0 = arith.constant 0 : i32
    %c0_i32_1 = arith.constant 0 : i32
    return %c0_i32, %c0_i32_0 : i32, i32
  }
  func.func @transform_3(%arg0: i32) -> (i32, i32) {
    %c0_i32 = arith.constant 0 : i32
    %c0_i32_0 = arith.constant 0 : i32
    %c0_i32_1 = arith.constant 0 : i32
    return %c0_i32, %c0_i32_0 : i32, i32
  }
  func.func @transform_4(%arg0: i32) -> (i32, i32) {
    %add3A = arith.constant 6 : i32
    %add3A_0 = arith.addi %arg0, %add3A : i32
    %c0_i32 = arith.constant 0 : i32
    %c0_i32_1 = arith.constant 0 : i32
    return %add3A_0, %c0_i32 : i32, i32
  }
}

</mosaic_0001>

<sc_bundles>
// kernel: kernel.6.cloned.1.call-start
scs
__scs_entry_jumppad:
0x0: {  	(pc) =	sbr.rel $0x88, $3  }
0x1: {  	(tag) =	ssettag $0x0;
	lr =	simm.s32 $0x1  }
0x2: {  	[smem:$0x3F9D] =	sst lr;
	_ =	strace $0xD0000000  }
0x3: {  	_ = 	snop  }
0x4: {  	_ = 	snop  }
0x5: {  	_ = 	snop  }
0x6: {  	_ = 	snop  }
0x7: {  	_ = 	snop  }
__scs_overlays_trampoline_lowered:
0x8: {  	[smem:$0x3FAC] =	sst s0  }
0x9: {  	[smem:$0x3FAD] =	sst s1  }
0xa: {  	[smem:$0x3FAE] =	sst s2  }
0xb: {  	[smem:$0x3FAF] =	sst s3  }
0xc: {  	[smem:$0x3FB0] =	sst s4  }
0xd: {  	[smem:$0x3FB1] =	sst s5  }
0xe: {  	[smem:$0x3FB2] =	sst s6  }
0xf: {  	[smem:$0x3FB3] =	sst s7  }
0x10: {  	[smem:$0x3FB4] =	sst s8  }
0x11: {  	[smem:$0x3FB5] =	sst s9;
	s0 =	simm.s32 @!p0 $0x0  }
0x12: {  	s1 =	sld [smem:$0x3F9B];
	s0 =	simm.s32 @p0 $0x1  }
0x13: {  	[smem:$0x3FB6] =	sst s0;
	s0 =	simm.s32 @!p1 $0x0  }
0x14: {  	s2 =	sld [smem:$0x3F9A];
	s0 =	simm.s32 @p1 $0x1  }
0x15: {  	[smem:$0x3FB7] =	sst s0;
	s0 =	simm.s32 @!p2 $0x0  }
0x16: {  	s3 =	sld [smem:$0x3FDB];
	s0 =	simm.s32 @p2 $0x1  }
0x17: {  	s4 =	simm.s32 $0x1BF5;
	[smem:$0x3FB9] =	sst s0  }
0x18: {  	s0 =	sld [smem:$0x3F9C];
	_ =	swait.ge [sflag:s4], $0x0  }
0x19: {  	s7 =	sld [smem:$0x3F9D]  }
0x1a: {  	s8 =	sadd.s32 $0xFFFFE003, lr  }
0x1b: {  	s9 =	sadd.s32 $0xFFFFFEF7, lr;
	s5 =	simm.s32 $0xFFFFFFFF;
	p2 =	slt.u32 s8, $0xFFFFF086  }
0x1c: {  	p1 =	slt.u32 s9, $0xF7A;
	s5 =	simm.s32 @!p2 $0x0  }
0x1d: {  	s5 =	simm.s32 @p1 $0x1;
	p0 =	seq.s32 s7, s2  }
0x1e: {  	s7 =	smul.u32 @!p0 $0xF7A, s2;
	p2 =	seq.s32 @!p0 s5, $0x0  }
0x1f: {  	s9 =	smul.u32 $0xF7A, s1;
	s8 =	simm.s32 @!p0 $0x1BF5;
	p2 =	por !p2, p0  }
0x20: {  	[sflag:s8] =	ssyncset.s32 @!p0 $0xFFFFF086;
	s6 =	sadd.s32 @!p0 s3, s7;
	s7 =	simm.s32 @!p0 $0x108  }
0x21: {  	s3 =	sadd.s32 s3, s9;
	s6 =	sadd.s32 @!p0 $0x88, s6;
	s7 =	simm.s32 @p2 $0x1082  }
0x22: {  	[simem:s7], [sflag:s8] =	dma.local @!p0 [hbm:s6], $0xF7A  }
0x23: {  	s9 =	sor.u32 $0xD0000000, s2;
	s6 =	simm.s32 $0x108;
	_ =	swait.ge @!p0 [sflag:s8], $0x0  }
0x24: {  	s3 =	sadd.s32 $0x88, s3;
	s6 =	simm.s32 @!p1 $0x1082;
	[sflag:s4] =	ssyncset.s32 $0xFFFFF086  }
0x25: {  	[simem:s6], [sflag:s4] =	dma.local [hbm:s3], $0xF7A  }
0x26: {  	[smem:$0x3F9D] =	sst s1;
	(tag) =	ssettag s2;
	_ =	strace s9  }
0x27: {  	s1 =	sld [smem:$0x3FAD]  }
0x28: {  	s2 =	sld [smem:$0x3FAE]  }
0x29: {  	s4 =	sld [smem:$0x3FB0]  }
0x2a: {  	p0 =	seq.s32 s5, $0x0;
	s5 =	sld [smem:$0x3FB1]  }
0x2b: {  	s6 =	sld [smem:$0x3FB2]  }
0x2c: {  	s7 =	sld [smem:$0x3FB3]  }
0x2d: {  	s3 =	simm.s32 $0x108;
	s8 =	sld [smem:$0x3FB4]  }
0x2e: {  	s3 =	simm.s32 @!p0 $0x1082;
	s9 =	sld [smem:$0x3FB5]  }
0x2f: {  	lr =	sadd.s32 s0, s3;
	s0 =	sld [smem:$0x3FAC]  }
0x30: {  	s3 =	sld [smem:$0x3FAF]  }
0x31: {  	[smem:$0x3FB8] =	sst s10  }
0x32: {  	s10 =	sld [smem:$0x3FB6];
	_ =	sdelay $0x3  }
0x33: {  	p0 =	seq.s32 s10, $0x1;
	s10 =	sld [smem:$0x3FB8];
	_ =	sdelay $0x3  }
0x34: {  	[smem:$0x3FB8] =	sst s10  }
0x35: {  	s10 =	sld [smem:$0x3FB7];
	_ =	sdelay $0x3  }
0x36: {  	p1 =	seq.s32 s10, $0x1;
	s10 =	sld [smem:$0x3FB8];
	_ =	sdelay $0x3  }
0x37: {  	[smem:$0x3FB8] =	sst s10  }
0x38: {  	s10 =	sld [smem:$0x3FB9]  }
0x39: {  	_ = 	snop;
	(pc) =	sbr.ind lr, $3  }
0x3a: {  	_ = 	snop  }
0x3b: {  	_ = 	snop  }
0x3c: {  	p2 =	seq.s32 s10, $0x1;
	s10 =	sld [smem:$0x3FB8]  }
0x3d: {  	_ =	shalt  }
0x3e: {  	_ =	shalt  }
0x3f: {  	_ =	shalt  }
0x40: {  	_ =	shalt  }
0x41: {  	_ =	shalt  }
0x42: {  	_ =	shalt  }
0x43: {  	_ =	shalt  }
0x44: {  	_ =	shalt  }
0x45: {  	_ =	shalt  }
0x46: {  	_ =	shalt  }
0x47: {  	_ =	shalt  }
0x48: {  	_ =	shalt  }
0x49: {  	_ =	shalt  }
0x4a: {  	_ =	shalt  }
0x4b: {  	_ =	shalt  }
0x4c: {  	_ =	shalt  }
0x4d: {  	_ =	shalt  }
0x4e: {  	_ =	shalt  }
0x4f: {  	_ =	shalt  }
0x50: {  	_ =	shalt  }
0x51: {  	_ =	shalt  }
0x52: {  	_ =	shalt  }
0x53: {  	_ =	shalt  }
0x54: {  	_ =	shalt  }
0x55: {  	_ =	shalt  }
0x56: {  	_ =	shalt  }
0x57: {  	_ =	shalt  }
0x58: {  	_ =	shalt  }
0x59: {  	_ =	shalt  }
0x5a: {  	_ =	shalt  }
0x5b: {  	_ =	shalt  }
0x5c: {  	_ =	shalt  }
0x5d: {  	_ =	shalt  }
0x5e: {  	_ =	shalt  }
0x5f: {  	_ =	shalt  }
0x60: {  	_ =	shalt  }
0x61: {  	_ =	shalt  }
0x62: {  	_ =	shalt  }
0x63: {  	_ =	shalt  }
0x64: {  	_ =	shalt  }
0x65: {  	_ =	shalt  }
0x66: {  	_ =	shalt  }
0x67: {  	_ =	shalt  }
0x68: {  	_ =	shalt  }
0x69: {  	_ =	shalt  }
0x6a: {  	_ =	shalt  }
0x6b: {  	_ =	shalt  }
0x6c: {  	_ =	shalt  }
0x6d: {  	_ =	shalt  }
0x6e: {  	_ =	shalt  }
0x6f: {  	_ =	shalt  }
0x70: {  	_ =	shalt  }
0x71: {  	_ =	shalt  }
0x72: {  	_ =	shalt  }
0x73: {  	_ =	shalt  }
0x74: {  	_ =	shalt  }
0x75: {  	_ =	shalt  }
0x76: {  	_ =	shalt  }
0x77: {  	_ =	shalt  }
0x78: {  	_ =	shalt  }
0x79: {  	_ =	shalt  }
0x7a: {  	_ =	shalt  }
0x7b: {  	_ =	shalt  }
0x7c: {  	_ =	shalt  }
0x7d: {  	_ =	shalt  }
0x7e: {  	_ =	shalt  }
0x7f: {  	_ =	shalt  }
0x80: {  	_ =	shalt  }
0x81: {  	_ =	shalt  }
0x82: {  	_ =	shalt  }
0x83: {  	_ =	shalt  }
0x84: {  	_ =	shalt  }
0x85: {  	_ =	shalt  }
0x86: {  	_ =	shalt  }
0x87: {  	_ =	shalt  }
.Lfunc_end0:
.L_simem_size_0:
called_computation_lowered:
.L_overlay_start_0:
0x88: {  	s2 =	sld [smem:$0x3FD9]  }
0x89: {  	s3 =	sld [smem:$0x3FFE];
	_ =	sdelay $0x1  }
0x8a: {  	s1 =	srdreg.scid  }
0x8b: {  	s0 =	sand.u32 $0x1, s1  }
0x8c: {  	s18 =	sshll.u32 s0, $0xA;
	s2 =	sadd.s32 s3, s2  }
0x8d: {  	s2 =	sadd.s32 s2, s18  }
0x8e: {  	[smem:$0x3FC4] =	sst s2  }
0x8f: {  	_ = 	snop  }
0x90: {  	s2 =	sld [smem:$0x3FC9]  }
0x91: {  	s19 =	sld [smem:$0x3FC8]  }
0x92: {  	s4 =	sld [smem:$0x3FD0];
	(tm) =	ssettm $0x1  }
0x93: {  	s5 =	sld [smem:$0x3FFB];
	_ =	sdelay $0x3  }
0x94: {  	_ =	strace s5  }
0x95: {  	s5 =	sld [smem:$0x3FFC];
	_ =	sdelay $0x3  }
0x96: {  	_ =	strace s5  }
0x97: {  	s5 =	sld [smem:$0x3FFD];
	_ =	sdelay $0x3  }
0x98: {  	_ =	strace s5  }
0x99: {  	_ =	strace $0x8FFFFFFF  }
0x9a: {  	s20 =	sld [smem:$0x3FDB];
	_ =	sdelay $0x1  }
0x9b: {  	s6 =	simm.s32 $_scs_section_size  }
0x9c: {  	s7 =	simm.s32 $_size__tile_overlayer_lowered;
	s8 =	simm.s32 $_tile_overlayer_lowered  }
0x9d: {  	s23 =	simm.s32 $0x1BFF;
	s22 =	sshll.u32 s8, $0x1;
	s5 =	sadd.s32 s6, s20  }
0x9e: {  	s9 =	simm.s32 $0x0;
	s21 =	sshll.u32 s7, $0x1;
	s7 =	sadd.s32 s22, s5  }
0x9f: {  	[timem:s9], [sflag:s23] =	dma.local [hbm:s7], s21  }
0xa0: {  	_ =	swait.ge [sflag:s23], s21  }
0xa1: {  	s6 =	ssub.s32 $0x0, s21;
	[sflag:s23] =	ssyncset.done $0x0  }
0xa2: {  	[sflag:s23] =	ssyncadd.s32 s6;
	_ =	sdelay $0x1  }
0xa3: {  	s24 =	simm.s32 $0x1B8B  }
0xa4: {  	_ =	swait.ge [sflag:s24], $0x1  }
0xa5: {  	[sflag:s24] =	ssyncset.done $0x0  }
0xa6: {  	s25 =	simm.s32 $0x1B8E;
	[sflag:s24] =	ssyncadd.s32 $0xFFFFFFFF  }
0xa7: {  	s26 =	simm.s32 $execute0_lowered;
	[smem:$0x3FD2] =	sst s25  }
0xa8: {  	s6 =	sshll.u32 s26, $0x1;
	_ =	strace $0x80000046;
	[dreg:$0x1] =	wrdreg $0xFFFFFFFF  }
0xa9: {  	s28 =	simm.s32 $_size_execute0_lowered;
	s5 =	sadd.s32 s5, s6;
	[dreg:$0x0] =	wrdreg $0x0  }
0xaa: {  	s6 =	sshll.u32 s28, $0x1;
	[dreg:$0x2] =	wrdreg s5  }
0xab: {  	[dreg:$0x3] =	wrdreg s6  }
0xac: {  	[dreg:$0x4] =	wrdreg $0xC0  }
0xad: {  	_ =	task [dreg:s9], $0x5FFFF  }
0xae: {  	[dreg:$0x1] =	wrdreg $0xFFFFFFFF  }
0xaf: {  	[dreg:$0x0] =	wrdreg $0x60  }
0xb0: {  	[dreg:$0x2] =	wrdreg s2  }
0xb1: {  	[dreg:$0x3] =	wrdreg s19  }
0xb2: {  	[dreg:$0x4] =	wrdreg s4  }
0xb3: {  	[dreg:$0x5] =	wrdreg $0x9  }
0xb4: {  	_ =	task.clear_ibuf [dreg:s9], $0x6FFFF;
	_ =	strace $0x90000046  }
0xb5: {  	s29 =	simm.s32 $0x9;
	_ =	strace $0x80000048  }
0xb6: {  	_ =	swait.ge [sflag:s29], $0x1  }
0xb7: {  	[sflag:s29] =	ssyncadd.s32 $0xFFFFFFFF  }
0xb8: {  	_ =	strace $0x90000048  }
0xb9: {  	_ =	sfence  }
0xba: {  	s30 =	sld [smem:$0x0];
	_ =	sdelay $0x2  }
0xbb: {  	s31 =	sshll.u32 s1, $0xD;
	s1 =	sshrl.u32 s1, $0x2  }
0xbc: {  	s3 =	sand.u32 $0x4000, s31;
	s1 =	sadd.s32 s1, s30  }
0xbd: {  	s0 =	sor.u32 s3, s0;
	s1 =	sshll.u32 s1, $0x11  }
0xbe: {  	s0 =	sor.u32 s1, s0  }
0xbf: {  	s0 =	sadd.s32 $0x8F2B, s0  }
0xc0: {  	[sflag:s0] =	ssyncadd.remote.s32 $0x1  }
0xc1: {  	_ =	sfence.sel $0xFFFF  }
0xc2: {  	[dreg:$0x0] =	wrdreg $0xFFFFFFFF;
	(pc) =	sbr.abs _section_cstart, $3  }
0xc3: {  	[dreg:$0x1] =	wrdreg $0xFFFFFFFF  }
0xc4: {  	_ =	task.clear_ibuf [dreg:s9], $0x2FFFF;
	_ =	strace $0x9FFFFFFF  }
0xc5: {  	(tm) =	ssettm $0x7FFFFFFF  }
tec
execute0_lowered:
.L_overlay_start_1:
0x0: {  	(tag) =	ssettag $0x1  }
0x1: {  	s4 =	rddreg [dreg:$0x0]  }
0x2: {  	s1 =	srdreg.scid;
	s5 =	rddreg [dreg:$0x1]  }
0x3: {  	s0 =	stileid.u32;
	s7 =	rddreg [dreg:$0x2];
	s2 =	simm.s32 $0x0  }
0x4: {  	s12 =	simm.s32 $0x180;
	s13 =	simm.s32 $0x3;
	s14 =	simm.s32 $0x1  }
0x5: {  	s15 =	simm.s32 $0x5580;
	s3 =	sand.u32 $0x1, s1;
	s30 =	sshll.u32 s0, $0x1  }
0x6: {  	s16 =	simm.s32 $0x8580;
	s17 =	simm.s32 $0xB580;
	s6 =	sor.u32 s3, s30  }
0x7: {  	s18 =	simm.s32 $0xE580;
	s19 =	simm.s32 $0x2;
	s8 =	smul.u32 $0x180, s6  }
0x8: {  	s20 =	simm.s32 $0x0;
	s1 =	rddreg [dreg:$0x3];
	s9 =	smul.u32 $0x30, s6  }
0x9: {  	[smem:$0x7FF] =	sst s2;
	s3 =	ssub.s32 $0x2, s3;
	s10 =	smul.u32 $0xC000, s6  }
0xa: {  	_ =	strace $0x80000047;
	s11 =	sshrl.u32 s3, $0x1;
	s6 =	smul.u32 $0x1800, s6  }
0xb: {  	s11 =	ssub.s32 s3, s11;
	s3 =	sadd.s32 s5, s8;
	s31 =	sshrl.u32 s10, $0x3  }
0xc: {  	s4 =	sadd.s32 s4, s9;
	s5 =	sadd.s32 s7, s6;
	s9 =	smax.u32 s11, $0x1  }
0xd: {  	v1 =	vlaneseq.u32;
	s10 =	simm.s32 $0xC00;
	s11 =	simm.s32 $0x20000;
	s8 =	sadd.s32 s7, s31  }
0xe: {  	v0 =	vimm.f32 $0.0e+00;
	v2 =	vimm.f32 $1.000000000e+00;
	v1 =	vmul.u32 $0x80, v1;
	s6 =	sadd.s32 $0x600, s5;
	s7 =	sadd.s32 $0xC00, s8;
	s8 =	sadd.s32 $0x1200, s8  }
.LBB2_1:
0xf: {  	[tilespmem:s12], [sflag:$0x1] =	stream.strided.gather [hbm4b:s3+s10], $0x5400, s11, s10, $0x38;
	[tilespmem:$0x11580] =	vst v63  }
0x10: {  	_ = 	snop  }
0x11: {  	[tilespmem:s2], [sflag:$0x3] =	stream.linear.gather [hbm4b:s4+s2], $0x180, $0x38;
	[tilespmem:$0x11580] =	vst v63  }
0x12: {  	_ =	swait.ge [sflag:s13], $0x180  }
0x13: {  	[sflag:s13] =	ssyncset.done $0x0  }
0x14: {  	s21 =	simm.s32 $0x0;
	s22 =	simm.s32 $0x800;
	[sflag:s13] =	ssyncadd.s32 $0xFFFFFE80  }
.LBB2_2:
0x15: {  	p0 =	sne.s32 s22, $0x2F800;
	[tilespmem:s21+$0x5770] =	vst v0  }
0x16: {  	[tilespmem:s21+$0x5580] =	vst v0  }
0x17: {  	[tilespmem:s21+$0x5590] =	vst v0  }
0x18: {  	[tilespmem:s21+$0x55A0] =	vst v0  }
0x19: {  	[tilespmem:s21+$0x55B0] =	vst v0  }
0x1a: {  	[tilespmem:s21+$0x55C0] =	vst v0  }
0x1b: {  	[tilespmem:s21+$0x55D0] =	vst v0  }
0x1c: {  	[tilespmem:s21+$0x55E0] =	vst v0  }
0x1d: {  	[tilespmem:s21+$0x55F0] =	vst v0  }
0x1e: {  	[tilespmem:s21+$0x5600] =	vst v0  }
0x1f: {  	[tilespmem:s21+$0x5610] =	vst v0  }
0x20: {  	[tilespmem:s21+$0x5620] =	vst v0  }
0x21: {  	[tilespmem:s21+$0x5630] =	vst v0  }
0x22: {  	[tilespmem:s21+$0x5640] =	vst v0  }
0x23: {  	[tilespmem:s21+$0x5650] =	vst v0  }
0x24: {  	[tilespmem:s21+$0x5660] =	vst v0  }
0x25: {  	[tilespmem:s21+$0x5670] =	vst v0  }
0x26: {  	[tilespmem:s21+$0x5680] =	vst v0  }
0x27: {  	[tilespmem:s21+$0x5690] =	vst v0  }
0x28: {  	[tilespmem:s21+$0x56A0] =	vst v0  }
0x29: {  	[tilespmem:s21+$0x56B0] =	vst v0  }
0x2a: {  	[tilespmem:s21+$0x56C0] =	vst v0  }
0x2b: {  	[tilespmem:s21+$0x56D0] =	vst v0  }
0x2c: {  	[tilespmem:s21+$0x56E0] =	vst v0  }
0x2d: {  	[tilespmem:s21+$0x56F0] =	vst v0  }
0x2e: {  	[tilespmem:s21+$0x5700] =	vst v0  }
0x2f: {  	[tilespmem:s21+$0x5710] =	vst v0  }
.Ltmp0:
0x30: {  	[tilespmem:s21+$0x5720] =	vst v0;
	(pc) =	sbr.rel @p0 .LBB2_2-.Ltmp0, $4  }
0x31: {  	[tilespmem:s21+$0x5730] =	vst v0  }
0x32: {  	[tilespmem:s21+$0x5740] =	vst v0  }
0x33: {  	[tilespmem:s21+$0x5750] =	vst v0  }
0x34: {  	[tilespmem:s21+$0x5760] =	vst v0;
	s21 =	sshra.s32 s22, $0x2;
	s22 =	sadd.s32 $0x800, s22  }
0x35: {  	[tilespmem:s21+$0x5770] =	vst v0  }
0x36: {  	[tilespmem:s21+$0x5580] =	vst v0  }
0x37: {  	[tilespmem:s21+$0x5590] =	vst v0  }
0x38: {  	[tilespmem:s21+$0x55A0] =	vst v0  }
0x39: {  	[tilespmem:s21+$0x55B0] =	vst v0  }
0x3a: {  	[tilespmem:s21+$0x55C0] =	vst v0  }
0x3b: {  	[tilespmem:s21+$0x55D0] =	vst v0  }
0x3c: {  	[tilespmem:s21+$0x55E0] =	vst v0  }
0x3d: {  	[tilespmem:s21+$0x55F0] =	vst v0  }
0x3e: {  	[tilespmem:s21+$0x5600] =	vst v0  }
0x3f: {  	[tilespmem:s21+$0x5610] =	vst v0  }
0x40: {  	[tilespmem:s21+$0x5620] =	vst v0  }
0x41: {  	[tilespmem:s21+$0x5630] =	vst v0  }
0x42: {  	[tilespmem:s21+$0x5640] =	vst v0  }
0x43: {  	[tilespmem:s21+$0x5650] =	vst v0  }
0x44: {  	[tilespmem:s21+$0x5660] =	vst v0  }
0x45: {  	[tilespmem:s21+$0x5670] =	vst v0  }
0x46: {  	[tilespmem:s21+$0x5680] =	vst v0  }
0x47: {  	[tilespmem:s21+$0x5690] =	vst v0  }
0x48: {  	[tilespmem:s21+$0x56A0] =	vst v0  }
0x49: {  	[tilespmem:s21+$0x56B0] =	vst v0  }
0x4a: {  	[tilespmem:s21+$0x56C0] =	vst v0  }
0x4b: {  	[tilespmem:s21+$0x56D0] =	vst v0  }
0x4c: {  	[tilespmem:s21+$0x56E0] =	vst v0  }
0x4d: {  	[tilespmem:s21+$0x56F0] =	vst v0  }
0x4e: {  	[tilespmem:s21+$0x5700] =	vst v0  }
0x4f: {  	[tilespmem:s21+$0x5710] =	vst v0  }
0x50: {  	[tilespmem:s21+$0x5720] =	vst v0  }
0x51: {  	[tilespmem:s21+$0x5730] =	vst v0  }
0x52: {  	[tilespmem:s21+$0x5740] =	vst v0  }
0x53: {  	[tilespmem:s21+$0x5750] =	vst v0  }
0x54: {  	[tilespmem:s21+$0x5760] =	vst v0  }
0x55: {  	_ =	swait.ge [sflag:s14], $0x5400  }
0x56: {  	s21 =	simm.s32 $0x0;
	[sflag:s14] =	ssyncset.done $0x0  }
0x57: {  	s22 =	simm.s32 $0x4A00;
	s23 =	simm.s32 $0x0;
	[sflag:s14] =	ssyncadd.s32 $0xFFFFAC00  }
.LBB2_4:
0x58: {  	v4 =	vld [tilespmem:s22+$0xFFFFB780];
	_ =	sdelay $0x2  }
0x59: {  	v3 =	vmov s23  }
0x5a: {  	v3 =	vshll.u32 v3, $0x7  }
0x5b: {  	v3 =	vor.u32 v1, v3;
	v5 =	vand.u32 $0xFFFFFF80, v4  }
0x5c: {  	v4 =	vand.u32 $0x7F, v4;
	v5 =	vadd.s32 v3, v5  }
0x5d: {  	v4 =	vor.u32 v4, v5;
	_ =	sdelay $0x4  }
0x5e: {  	[tilespmem:v4+s15+$0x0] =	vst.idx.add.f32.msk $0xffff, v2  }
0x5f: {  	v4 =	vld [tilespmem:s22+$0xFFFFB800];
	_ =	sdelay $0x4  }
0x60: {  	v15 =	vand.u32 $0xFFFFFF80, v4  }
0x61: {  	v4 =	vand.u32 $0x7F, v4;
	v5 =	vadd.s32 v3, v15  }
0x62: {  	v4 =	vor.u32 v4, v5;
	_ =	sdelay $0x4  }
0x63: {  	[tilespmem:v4+s15+$0x0] =	vst.idx.add.f32.msk $0xffff, v2  }
0x64: {  	v4 =	vld [tilespmem:s22+$0xFFFFB880];
	_ =	sdelay $0x4  }
0x65: {  	v16 =	vand.u32 $0xFFFFFF80, v4  }
0x66: {  	v4 =	vand.u32 $0x7F, v4;
	v5 =	vadd.s32 v3, v16  }
0x67: {  	v4 =	vor.u32 v4, v5;
	_ =	sdelay $0x4  }
0x68: {  	[tilespmem:v4+s15+$0x0] =	vst.idx.add.f32.msk $0xffff, v2  }
0x69: {  	v4 =	vld [tilespmem:s22+$0xFFFFB900];
	_ =	sdelay $0x4  }
0x6a: {  	v17 =	vand.u32 $0xFFFFFF80, v4  }
0x6b: {  	v4 =	vand.u32 $0x7F, v4;
	v5 =	vadd.s32 v3, v17  }
0x6c: {  	v4 =	vor.u32 v4, v5;
	_ =	sdelay $0x4  }
0x6d: {  	[tilespmem:v4+s15+$0x0] =	vst.idx.add.f32.msk $0xffff, v2  }
0x6e: {  	v4 =	vld [tilespmem:s22+$0xFFFFB980];
	_ =	sdelay $0x4  }
0x6f: {  	v18 =	vand.u32 $0xFFFFFF80, v4  }
0x70: {  	v4 =	vand.u32 $0x7F, v4;
	v5 =	vadd.s32 v3, v18  }
0x71: {  	v4 =	vor.u32 v4, v5;
	_ =	sdelay $0x4  }
0x72: {  	[tilespmem:v4+s15+$0x0] =	vst.idx.add.f32.msk $0xffff, v2  }
0x73: {  	v4 =	vld [tilespmem:s22+$0xFFFFBA00];
	_ =	sdelay $0x4  }
0x74: {  	v19 =	vand.u32 $0xFFFFFF80, v4  }
0x75: {  	v4 =	vand.u32 $0x7F, v4;
	v5 =	vadd.s32 v3, v19  }
0x76: {  	v4 =	vor.u32 v4, v5;
	_ =	sdelay $0x4  }
0x77: {  	[tilespmem:v4+s15+$0x0] =	vst.idx.add.f32.msk $0xffff, v2  }
0x78: {  	v4 =	vld [tilespmem:s22+$0xFFFFBA80];
	_ =	sdelay $0x4  }
0x79: {  	v20 =	vand.u32 $0xFFFFFF80, v4  }
0x7a: {  	v4 =	vand.u32 $0x7F, v4;
	v5 =	vadd.s32 v3, v20  }
0x7b: {  	v4 =	vor.u32 v4, v5;
	_ =	sdelay $0x4  }
0x7c: {  	[tilespmem:v4+s15+$0x0] =	vst.idx.add.f32.msk $0xffff, v2  }
0x7d: {  	v4 =	vld [tilespmem:s22+$0xFFFFBB00];
	_ =	sdelay $0x4  }
0x7e: {  	v21 =	vand.u32 $0xFFFFFF80, v4  }
0x7f: {  	v4 =	vand.u32 $0x7F, v4;
	v5 =	vadd.s32 v3, v21  }
0x80: {  	v4 =	vor.u32 v4, v5;
	_ =	sdelay $0x4  }
0x81: {  	[tilespmem:v4+s15+$0x0] =	vst.idx.add.f32.msk $0xffff, v2  }
0x82: {  	v4 =	vld [tilespmem:s22+$0xFFFFC380];
	_ =	sdelay $0x4  }
0x83: {  	v22 =	vand.u32 $0xFFFFFF80, v4  }
0x84: {  	v4 =	vand.u32 $0x7F, v4;
	v5 =	vadd.s32 v3, v22  }
0x85: {  	v4 =	vor.u32 v4, v5;
	_ =	sdelay $0x4  }
0x86: {  	[tilespmem:v4+s15+$0x0] =	vst.idx.add.f32.msk $0xffff, v2  }
0x87: {  	v4 =	vld [tilespmem:s22+$0xFFFFC400];
	_ =	sdelay $0x4  }
0x88: {  	v23 =	vand.u32 $0xFFFFFF80, v4  }
0x89: {  	v4 =	vand.u32 $0x7F, v4;
	v5 =	vadd.s32 v3, v23  }
0x8a: {  	v4 =	vor.u32 v4, v5;
	_ =	sdelay $0x4  }
0x8b: {  	[tilespmem:v4+s15+$0x0] =	vst.idx.add.f32.msk $0xffff, v2  }
0x8c: {  	v4 =	vld [tilespmem:s22+$0xFFFFC480];
	_ =	sdelay $0x4  }
0x8d: {  	v24 =	vand.u32 $0xFFFFFF80, v4  }
0x8e: {  	v4 =	vand.u32 $0x7F, v4;
	v5 =	vadd.s32 v3, v24  }
0x8f: {  	v4 =	vor.u32 v4, v5;
	_ =	sdelay $0x4  }
0x90: {  	[tilespmem:v4+s15+$0x0] =	vst.idx.add.f32.msk $0xffff, v2  }
0x91: {  	v4 =	vld [tilespmem:s22+$0xFFFFC500];
	_ =	sdelay $0x4  }
0x92: {  	v25 =	vand.u32 $0xFFFFFF80, v4  }
0x93: {  	v4 =	vand.u32 $0x7F, v4;
	v5 =	vadd.s32 v3, v25  }
0x94: {  	v4 =	vor.u32 v4, v5;
	_ =	sdelay $0x4  }
0x95: {  	[tilespmem:v4+s15+$0x0] =	vst.idx.add.f32.msk $0xffff, v2  }
0x96: {  	v4 =	vld [tilespmem:s22+$0xFFFFC580];
	_ =	sdelay $0x4  }
0x97: {  	v26 =	vand.u32 $0xFFFFFF80, v4  }
0x98: {  	v4 =	vand.u32 $0x7F, v4;
	v5 =	vadd.s32 v3, v26  }
0x99: {  	v4 =	vor.u32 v4, v5;
	_ =	sdelay $0x4  }
0x9a: {  	[tilespmem:v4+s15+$0x0] =	vst.idx.add.f32.msk $0xffff, v2  }
0x9b: {  	v4 =	vld [tilespmem:s22+$0xFFFFC600];
	_ =	sdelay $0x4  }
0x9c: {  	v27 =	vand.u32 $0xFFFFFF80, v4  }
0x9d: {  	v4 =	vand.u32 $0x7F, v4;
	v5 =	vadd.s32 v3, v27  }
0x9e: {  	v4 =	vor.u32 v4, v5;
	_ =	sdelay $0x4  }
0x9f: {  	[tilespmem:v4+s15+$0x0] =	vst.idx.add.f32.msk $0xffff, v2  }
0xa0: {  	v4 =	vld [tilespmem:s22+$0xFFFFC680];
	_ =	sdelay $0x4  }
0xa1: {  	v28 =	vand.u32 $0xFFFFFF80, v4  }
0xa2: {  	v4 =	vand.u32 $0x7F, v4;
	v5 =	vadd.s32 v3, v28  }
0xa3: {  	v4 =	vor.u32 v4, v5;
	_ =	sdelay $0x4  }
0xa4: {  	[tilespmem:v4+s15+$0x0] =	vst.idx.add.f32.msk $0xffff, v2  }
0xa5: {  	v4 =	vld [tilespmem:s22+$0xFFFFC700];
	_ =	sdelay $0x4  }
0xa6: {  	v29 =	vand.u32 $0xFFFFFF80, v4  }
0xa7: {  	v4 =	vand.u32 $0x7F, v4;
	v5 =	vadd.s32 v3, v29  }
0xa8: {  	v4 =	vor.u32 v4, v5;
	_ =	sdelay $0x4  }
0xa9: {  	[tilespmem:v4+s15+$0x0] =	vst.idx.add.f32.msk $0xffff, v2  }
0xaa: {  	v4 =	vld [tilespmem:s22+$0xFFFFCF80];
	_ =	sdelay $0x4  }
0xab: {  	v30 =	vand.u32 $0xFFFFFF80, v4  }
0xac: {  	v4 =	vand.u32 $0x7F, v4;
	v5 =	vadd.s32 v3, v30  }
0xad: {  	v4 =	vor.u32 v4, v5;
	_ =	sdelay $0x4  }
0xae: {  	[tilespmem:v4+s15+$0x0] =	vst.idx.add.f32.msk $0xffff, v2  }
0xaf: {  	v4 =	vld [tilespmem:s22+$0xFFFFD000];
	_ =	sdelay $0x4  }
0xb0: {  	v31 =	vand.u32 $0xFFFFFF80, v4  }
0xb1: {  	v4 =	vand.u32 $0x7F, v4;
	v5 =	vadd.s32 v3, v31  }
0xb2: {  	v4 =	vor.u32 v4, v5;
	_ =	sdelay $0x4  }
0xb3: {  	[tilespmem:v4+s15+$0x0] =	vst.idx.add.f32.msk $0xffff, v2  }
0xb4: {  	v4 =	vld [tilespmem:s22+$0xFFFFD080];
	_ =	sdelay $0x4  }
0xb5: {  	v32 =	vand.u32 $0xFFFFFF80, v4  }
0xb6: {  	v4 =	vand.u32 $0x7F, v4;
	v5 =	vadd.s32 v3, v32  }
0xb7: {  	v4 =	vor.u32 v4, v5;
	_ =	sdelay $0x4  }
0xb8: {  	[tilespmem:v4+s15+$0x0] =	vst.idx.add.f32.msk $0xffff, v2  }
0xb9: {  	v4 =	vld [tilespmem:s22+$0xFFFFD100];
	_ =	sdelay $0x4  }
0xba: {  	v33 =	vand.u32 $0xFFFFFF80, v4  }
0xbb: {  	v4 =	vand.u32 $0x7F, v4;
	v5 =	vadd.s32 v3, v33  }
0xbc: {  	v4 =	vor.u32 v4, v5;
	_ =	sdelay $0x4  }
0xbd: {  	[tilespmem:v4+s15+$0x0] =	vst.idx.add.f32.msk $0xffff, v2  }
0xbe: {  	v4 =	vld [tilespmem:s22+$0xFFFFD180];
	_ =	sdelay $0x4  }
0xbf: {  	v34 =	vand.u32 $0xFFFFFF80, v4  }
0xc0: {  	v4 =	vand.u32 $0x7F, v4;
	v5 =	vadd.s32 v3, v34  }
0xc1: {  	v4 =	vor.u32 v4, v5;
	_ =	sdelay $0x4  }
0xc2: {  	[tilespmem:v4+s15+$0x0] =	vst.idx.add.f32.msk $0xffff, v2  }
0xc3: {  	v4 =	vld [tilespmem:s22+$0xFFFFD200];
	_ =	sdelay $0x4  }
0xc4: {  	v35 =	vand.u32 $0xFFFFFF80, v4  }
0xc5: {  	v4 =	vand.u32 $0x7F, v4;
	v5 =	vadd.s32 v3, v35  }
0xc6: {  	v4 =	vor.u32 v4, v5;
	_ =	sdelay $0x4  }
0xc7: {  	[tilespmem:v4+s15+$0x0] =	vst.idx.add.f32.msk $0xffff, v2  }
0xc8: {  	v4 =	vld [tilespmem:s22+$0xFFFFD280];
	_ =	sdelay $0x4  }
0xc9: {  	v36 =	vand.u32 $0xFFFFFF80, v4  }
0xca: {  	v4 =	vand.u32 $0x7F, v4;
	v5 =	vadd.s32 v3, v36  }
0xcb: {  	v4 =	vor.u32 v4, v5;
	_ =	sdelay $0x4  }
0xcc: {  	[tilespmem:v4+s15+$0x0] =	vst.idx.add.f32.msk $0xffff, v2  }
0xcd: {  	v4 =	vld [tilespmem:s22+$0xFFFFD300];
	_ =	sdelay $0x4  }
0xce: {  	v37 =	vand.u32 $0xFFFFFF80, v4  }
0xcf: {  	v4 =	vand.u32 $0x7F, v4;
	v5 =	vadd.s32 v3, v37  }
0xd0: {  	v4 =	vor.u32 v4, v5;
	_ =	sdelay $0x4  }
0xd1: {  	[tilespmem:v4+s15+$0x0] =	vst.idx.add.f32.msk $0xffff, v2  }
0xd2: {  	v4 =	vld [tilespmem:s22+$0xFFFFDB80];
	_ =	sdelay $0x4  }
0xd3: {  	v38 =	vand.u32 $0xFFFFFF80, v4  }
0xd4: {  	v4 =	vand.u32 $0x7F, v4;
	v5 =	vadd.s32 v3, v38  }
0xd5: {  	v4 =	vor.u32 v4, v5;
	_ =	sdelay $0x4  }
0xd6: {  	[tilespmem:v4+s15+$0x0] =	vst.idx.add.f32.msk $0xffff, v2  }
0xd7: {  	v4 =	vld [tilespmem:s22+$0xFFFFDC00];
	_ =	sdelay $0x4  }
0xd8: {  	v39 =	vand.u32 $0xFFFFFF80, v4  }
0xd9: {  	v4 =	vand.u32 $0x7F, v4;
	v5 =	vadd.s32 v3, v39  }
0xda: {  	v4 =	vor.u32 v4, v5;
	_ =	sdelay $0x4  }
0xdb: {  	[tilespmem:v4+s15+$0x0] =	vst.idx.add.f32.msk $0xffff, v2  }
0xdc: {  	v4 =	vld [tilespmem:s22+$0xFFFFDC80];
	_ =	sdelay $0x4  }
0xdd: {  	v40 =	vand.u32 $0xFFFFFF80, v4  }
0xde: {  	v4 =	vand.u32 $0x7F, v4;
	v5 =	vadd.s32 v3, v40  }
0xdf: {  	v4 =	vor.u32 v4, v5;
	_ =	sdelay $0x4  }
0xe0: {  	[tilespmem:v4+s15+$0x0] =	vst.idx.add.f32.msk $0xffff, v2  }
0xe1: {  	v4 =	vld [tilespmem:s22+$0xFFFFDD00];
	_ =	sdelay $0x4  }
0xe2: {  	v41 =	vand.u32 $0xFFFFFF80, v4  }
0xe3: {  	v4 =	vand.u32 $0x7F, v4;
	v5 =	vadd.s32 v3, v41  }
0xe4: {  	v4 =	vor.u32 v4, v5;
	_ =	sdelay $0x4  }
0xe5: {  	[tilespmem:v4+s15+$0x0] =	vst.idx.add.f32.msk $0xffff, v2  }
0xe6: {  	v4 =	vld [tilespmem:s22+$0xFFFFDD80];
	_ =	sdelay $0x4  }
0xe7: {  	v42 =	vand.u32 $0xFFFFFF80, v4  }
0xe8: {  	v4 =	vand.u32 $0x7F, v4;
	v5 =	vadd.s32 v3, v42  }
0xe9: {  	v4 =	vor.u32 v4, v5;
	_ =	sdelay $0x4  }
0xea: {  	[tilespmem:v4+s15+$0x0] =	vst.idx.add.f32.msk $0xffff, v2  }
0xeb: {  	v4 =	vld [tilespmem:s22+$0xFFFFDE00];
	_ =	sdelay $0x4  }
0xec: {  	v43 =	vand.u32 $0xFFFFFF80, v4  }
0xed: {  	v4 =	vand.u32 $0x7F, v4;
	v5 =	vadd.s32 v3, v43  }
0xee: {  	v4 =	vor.u32 v4, v5;
	_ =	sdelay $0x4  }
0xef: {  	[tilespmem:v4+s15+$0x0] =	vst.idx.add.f32.msk $0xffff, v2  }
0xf0: {  	v4 =	vld [tilespmem:s22+$0xFFFFDE80];
	_ =	sdelay $0x4  }
0xf1: {  	v44 =	vand.u32 $0xFFFFFF80, v4  }
0xf2: {  	v4 =	vand.u32 $0x7F, v4;
	v5 =	vadd.s32 v3, v44  }
0xf3: {  	v4 =	vor.u32 v4, v5;
	_ =	sdelay $0x4  }
0xf4: {  	[tilespmem:v4+s15+$0x0] =	vst.idx.add.f32.msk $0xffff, v2  }
0xf5: {  	v4 =	vld [tilespmem:s22+$0xFFFFDF00];
	_ =	sdelay $0x4  }
0xf6: {  	v45 =	vand.u32 $0xFFFFFF80, v4  }
0xf7: {  	v4 =	vand.u32 $0x7F, v4;
	v5 =	vadd.s32 v3, v45  }
0xf8: {  	v4 =	vor.u32 v4, v5;
	_ =	sdelay $0x4  }
0xf9: {  	[tilespmem:v4+s15+$0x0] =	vst.idx.add.f32.msk $0xffff, v2  }
0xfa: {  	v4 =	vld [tilespmem:s22+$0xFFFFE780];
	_ =	sdelay $0x4  }
0xfb: {  	v46 =	vand.u32 $0xFFFFFF80, v4  }
0xfc: {  	v4 =	vand.u32 $0x7F, v4;
	v5 =	vadd.s32 v3, v46  }
0xfd: {  	v4 =	vor.u32 v4, v5;
	_ =	sdelay $0x4  }
0xfe: {  	[tilespmem:v4+s15+$0x0] =	vst.idx.add.f32.msk $0xffff, v2  }
0xff: {  	v4 =	vld [tilespmem:s22+$0xFFFFE800];
	_ =	sdelay $0x4  }
0x100: {  	v47 =	vand.u32 $0xFFFFFF80, v4  }
0x101: {  	v4 =	vand.u32 $0x7F, v4;
	v5 =	vadd.s32 v3, v47  }
0x102: {  	v4 =	vor.u32 v4, v5;
	_ =	sdelay $0x4  }
0x103: {  	[tilespmem:v4+s15+$0x0] =	vst.idx.add.f32.msk $0xffff, v2  }
0x104: {  	v4 =	vld [tilespmem:s22+$0xFFFFE880];
	_ =	sdelay $0x4  }
0x105: {  	v48 =	vand.u32 $0xFFFFFF80, v4  }
0x106: {  	v4 =	vand.u32 $0x7F, v4;
	v5 =	vadd.s32 v3, v48  }
0x107: {  	v4 =	vor.u32 v4, v5;
	_ =	sdelay $0x4  }
0x108: {  	[tilespmem:v4+s15+$0x0] =	vst.idx.add.f32.msk $0xffff, v2  }
0x109: {  	v4 =	vld [tilespmem:s22+$0xFFFFE900];
	_ =	sdelay $0x4  }
0x10a: {  	v49 =	vand.u32 $0xFFFFFF80, v4  }
0x10b: {  	v4 =	vand.u32 $0x7F, v4;
	v5 =	vadd.s32 v3, v49  }
0x10c: {  	v4 =	vor.u32 v4, v5;
	_ =	sdelay $0x4  }
0x10d: {  	[tilespmem:v4+s15+$0x0] =	vst.idx.add.f32.msk $0xffff, v2  }
0x10e: {  	v4 =	vld [tilespmem:s22+$0xFFFFE980];
	_ =	sdelay $0x4  }
0x10f: {  	v50 =	vand.u32 $0xFFFFFF80, v4  }
0x110: {  	v4 =	vand.u32 $0x7F, v4;
	v5 =	vadd.s32 v3, v50  }
0x111: {  	v4 =	vor.u32 v4, v5;
	_ =	sdelay $0x4  }
0x112: {  	[tilespmem:v4+s15+$0x0] =	vst.idx.add.f32.msk $0xffff, v2  }
0x113: {  	v4 =	vld [tilespmem:s22+$0xFFFFEA00];
	_ =	sdelay $0x4  }
0x114: {  	v51 =	vand.u32 $0xFFFFFF80, v4  }
0x115: {  	v4 =	vand.u32 $0x7F, v4;
	v5 =	vadd.s32 v3, v51  }
0x116: {  	v4 =	vor.u32 v4, v5;
	_ =	sdelay $0x4  }
0x117: {  	[tilespmem:v4+s15+$0x0] =	vst.idx.add.f32.msk $0xffff, v2  }
0x118: {  	v4 =	vld [tilespmem:s22+$0xFFFFEA80];
	_ =	sdelay $0x4  }
0x119: {  	v52 =	vand.u32 $0xFFFFFF80, v4  }
0x11a: {  	v4 =	vand.u32 $0x7F, v4;
	v5 =	vadd.s32 v3, v52  }
0x11b: {  	v4 =	vor.u32 v4, v5;
	_ =	sdelay $0x4  }
0x11c: {  	[tilespmem:v4+s15+$0x0] =	vst.idx.add.f32.msk $0xffff, v2  }
0x11d: {  	v4 =	vld [tilespmem:s22+$0xFFFFEB00];
	_ =	sdelay $0x4  }
0x11e: {  	v53 =	vand.u32 $0xFFFFFF80, v4  }
0x11f: {  	v4 =	vand.u32 $0x7F, v4;
	v5 =	vadd.s32 v3, v53  }
0x120: {  	v4 =	vor.u32 v4, v5;
	_ =	sdelay $0x4  }
0x121: {  	[tilespmem:v4+s15+$0x0] =	vst.idx.add.f32.msk $0xffff, v2  }
0x122: {  	v4 =	vld [tilespmem:s22+$0xFFFFF380];
	_ =	sdelay $0x4  }
0x123: {  	v54 =	vand.u32 $0xFFFFFF80, v4  }
0x124: {  	v4 =	vand.u32 $0x7F, v4;
	v5 =	vadd.s32 v3, v54  }
0x125: {  	v4 =	vor.u32 v4, v5;
	_ =	sdelay $0x4  }
0x126: {  	[tilespmem:v4+s15+$0x0] =	vst.idx.add.f32.msk $0xffff, v2  }
0x127: {  	v4 =	vld [tilespmem:s22+$0xFFFFF400];
	_ =	sdelay $0x4  }
0x128: {  	v55 =	vand.u32 $0xFFFFFF80, v4  }
0x129: {  	v4 =	vand.u32 $0x7F, v4;
	v5 =	vadd.s32 v3, v55  }
0x12a: {  	v4 =	vor.u32 v4, v5;
	_ =	sdelay $0x4  }
0x12b: {  	[tilespmem:v4+s15+$0x0] =	vst.idx.add.f32.msk $0xffff, v2  }
0x12c: {  	v4 =	vld [tilespmem:s22+$0xFFFFF480];
	_ =	sdelay $0x4  }
0x12d: {  	v56 =	vand.u32 $0xFFFFFF80, v4  }
0x12e: {  	v4 =	vand.u32 $0x7F, v4;
	v5 =	vadd.s32 v3, v56  }
0x12f: {  	v4 =	vor.u32 v4, v5;
	_ =	sdelay $0x4  }
0x130: {  	[tilespmem:v4+s15+$0x0] =	vst.idx.add.f32.msk $0xffff, v2  }
0x131: {  	v4 =	vld [tilespmem:s22+$0xFFFFF500];
	_ =	sdelay $0x4  }
0x132: {  	v57 =	vand.u32 $0xFFFFFF80, v4  }
0x133: {  	v4 =	vand.u32 $0x7F, v4;
	v5 =	vadd.s32 v3, v57  }
0x134: {  	v4 =	vor.u32 v4, v5;
	_ =	sdelay $0x4  }
0x135: {  	[tilespmem:v4+s15+$0x0] =	vst.idx.add.f32.msk $0xffff, v2  }
0x136: {  	v4 =	vld [tilespmem:s22+$0xFFFFF580];
	_ =	sdelay $0x4  }
0x137: {  	v58 =	vand.u32 $0xFFFFFF80, v4  }
0x138: {  	v4 =	vand.u32 $0x7F, v4;
	v5 =	vadd.s32 v3, v58  }
0x139: {  	v4 =	vor.u32 v4, v5;
	_ =	sdelay $0x4  }
0x13a: {  	[tilespmem:v4+s15+$0x0] =	vst.idx.add.f32.msk $0xffff, v2  }
0x13b: {  	v4 =	vld [tilespmem:s22+$0xFFFFF600];
	_ =	sdelay $0x4  }
0x13c: {  	v59 =	vand.u32 $0xFFFFFF80, v4  }
0x13d: {  	v4 =	vand.u32 $0x7F, v4;
	v5 =	vadd.s32 v3, v59  }
0x13e: {  	v4 =	vor.u32 v4, v5;
	_ =	sdelay $0x4  }
0x13f: {  	[tilespmem:v4+s15+$0x0] =	vst.idx.add.f32.msk $0xffff, v2  }
0x140: {  	v4 =	vld [tilespmem:s22+$0xFFFFF680];
	_ =	sdelay $0x4  }
0x141: {  	v60 =	vand.u32 $0xFFFFFF80, v4  }
0x142: {  	v4 =	vand.u32 $0x7F, v4;
	v5 =	vadd.s32 v3, v60  }
0x143: {  	v4 =	vor.u32 v4, v5;
	_ =	sdelay $0x4  }
0x144: {  	[tilespmem:v4+s15+$0x0] =	vst.idx.add.f32.msk $0xffff, v2  }
0x145: {  	v4 =	vld [tilespmem:s22+$0xFFFFF700];
	_ =	sdelay $0x4  }
0x146: {  	v61 =	vand.u32 $0xFFFFFF80, v4  }
0x147: {  	v4 =	vand.u32 $0x7F, v4;
	v5 =	vadd.s32 v3, v61  }
0x148: {  	v4 =	vor.u32 v4, v5;
	_ =	sdelay $0x4  }
0x149: {  	[tilespmem:v4+s15+$0x0] =	vst.idx.add.f32.msk $0xffff, v2  }
0x14a: {  	v4 =	vld [tilespmem:s22+$0xFFFFFF80];
	_ =	sdelay $0x4  }
0x14b: {  	v62 =	vand.u32 $0xFFFFFF80, v4  }
0x14c: {  	v4 =	vand.u32 $0x7F, v4;
	v5 =	vadd.s32 v3, v62  }
0x14d: {  	v4 =	vor.u32 v4, v5;
	_ =	sdelay $0x4  }
0x14e: {  	[tilespmem:v4+s15+$0x0] =	vst.idx.add.f32.msk $0xffff, v2  }
0x14f: {  	v4 =	vld [tilespmem:s22+$0x0];
	_ =	sdelay $0x4  }
0x150: {  	v63 =	vand.u32 $0xFFFFFF80, v4  }
0x151: {  	v4 =	vand.u32 $0x7F, v4;
	v5 =	vadd.s32 v3, v63  }
0x152: {  	v4 =	vor.u32 v4, v5;
	_ =	sdelay $0x4  }
0x153: {  	[tilespmem:v4+s15+$0x0] =	vst.idx.add.f32.msk $0xffff, v2  }
0x154: {  	v4 =	vld [tilespmem:s21+$0x0];
	_ =	sdelay $0x1  }
0x155: {  	p0 =	sne.s32 s23, $0x50;
	v3 =	vor.u32 $0x64, v3  }
.Ltmp1:
0x156: {  	_ = 	snop;
	(pc) =	sbr.rel @p0 .LBB2_4-.Ltmp1, $3  }
0x157: {  	_ = 	snop  }
0x158: {  	v4 =	vcvt.s32.f32 v4;
	_ =	sdelay $0x1  }
0x159: {  	s23 =	sadd.s32 $0x10, s23;
	s22 =	sadd.s32 $0x10, s22;
	s21 =	sadd.s32 $0x10, s21;
	[tilespmem:v3+s15+$0x0] =	vst.idx.msk $0xffff, v4  }
0x15a: {  	[hbm4b:s5+s2] =	stream.linear.scatter [tilespmem:s15], [sflag:$0x2], $0x3000, $0x38;
	[tilespmem:$0x11580] =	vst v63  }
0x15b: {  	s21 =	simm.s32 $0x60;
	s22 =	simm.s32 $0x300;
	s23 =	simm.s32 $0x60  }
.LBB2_6:
0x15c: {  	s24 =	sand.u32 $0x70, s23;
	s25 =	sand.u32 $0x400, s22  }
0x15d: {  	s24 =	sor.u32 s24, s25  }
0x15e: {  	v4 =	vld [tilespmem:s24+$0x180];
	_ =	sdelay $0x2  }
0x15f: {  	v3 =	vmov s23  }
0x160: {  	v3 =	vshll.u32 v3, $0x7  }
0x161: {  	v3 =	vor.u32 v1, v3;
	v5 =	vand.u32 $0xFFFFFF80, v4  }
0x162: {  	v4 =	vand.u32 $0x7F, v4;
	v5 =	vadd.s32 v3, v5  }
0x163: {  	v4 =	vor.u32 v4, v5;
	_ =	sdelay $0x4  }
0x164: {  	[tilespmem:v4+s15+$0x0] =	vst.idx.add.f32.msk $0xffff, v2  }
0x165: {  	v4 =	vld [tilespmem:s24+$0x200];
	_ =	sdelay $0x4  }
0x166: {  	v15 =	vand.u32 $0xFFFFFF80, v4  }
0x167: {  	v4 =	vand.u32 $0x7F, v4;
	v5 =	vadd.s32 v3, v15  }
0x168: {  	v4 =	vor.u32 v4, v5;
	_ =	sdelay $0x4  }
0x169: {  	[tilespmem:v4+s15+$0x0] =	vst.idx.add.f32.msk $0xffff, v2  }
0x16a: {  	v4 =	vld [tilespmem:s24+$0x280];
	_ =	sdelay $0x4  }
0x16b: {  	v16 =	vand.u32 $0xFFFFFF80, v4  }
0x16c: {  	v4 =	vand.u32 $0x7F, v4;
	v5 =	vadd.s32 v3, v16  }
0x16d: {  	v4 =	vor.u32 v4, v5;
	_ =	sdelay $0x4  }
0x16e: {  	[tilespmem:v4+s15+$0x0] =	vst.idx.add.f32.msk $0xffff, v2  }
0x16f: {  	v4 =	vld [tilespmem:s24+$0x300];
	_ =	sdelay $0x4  }
0x170: {  	v17 =	vand.u32 $0xFFFFFF80, v4  }
0x171: {  	v4 =	vand.u32 $0x7F, v4;
	v5 =	vadd.s32 v3, v17  }
0x172: {  	v4 =	vor.u32 v4, v5;
	_ =	sdelay $0x4  }
0x173: {  	[tilespmem:v4+s15+$0x0] =	vst.idx.add.f32.msk $0xffff, v2  }
0x174: {  	v4 =	vld [tilespmem:s24+$0x380];
	_ =	sdelay $0x4  }
0x175: {  	v18 =	vand.u32 $0xFFFFFF80, v4  }
0x176: {  	v4 =	vand.u32 $0x7F, v4;
	v5 =	vadd.s32 v3, v18  }
0x177: {  	v4 =	vor.u32 v4, v5;
	_ =	sdelay $0x4  }
0x178: {  	[tilespmem:v4+s15+$0x0] =	vst.idx.add.f32.msk $0xffff, v2  }
0x179: {  	v4 =	vld [tilespmem:s24+$0x400];
	_ =	sdelay $0x4  }
0x17a: {  	v19 =	vand.u32 $0xFFFFFF80, v4  }
0x17b: {  	v4 =	vand.u32 $0x7F, v4;
	v5 =	vadd.s32 v3, v19  }
0x17c: {  	v4 =	vor.u32 v4, v5;
	_ =	sdelay $0x4  }
0x17d: {  	[tilespmem:v4+s15+$0x0] =	vst.idx.add.f32.msk $0xffff, v2  }
0x17e: {  	v4 =	vld [tilespmem:s24+$0x480];
	_ =	sdelay $0x4  }
0x17f: {  	v20 =	vand.u32 $0xFFFFFF80, v4  }
0x180: {  	v4 =	vand.u32 $0x7F, v4;
	v5 =	vadd.s32 v3, v20  }
0x181: {  	v4 =	vor.u32 v4, v5;
	_ =	sdelay $0x4  }
0x182: {  	[tilespmem:v4+s15+$0x0] =	vst.idx.add.f32.msk $0xffff, v2  }
0x183: {  	v4 =	vld [tilespmem:s24+$0x500];
	_ =	sdelay $0x4  }
0x184: {  	v21 =	vand.u32 $0xFFFFFF80, v4  }
0x185: {  	v4 =	vand.u32 $0x7F, v4;
	v5 =	vadd.s32 v3, v21  }
0x186: {  	v4 =	vor.u32 v4, v5;
	_ =	sdelay $0x4  }
0x187: {  	[tilespmem:v4+s15+$0x0] =	vst.idx.add.f32.msk $0xffff, v2  }
0x188: {  	v4 =	vld [tilespmem:s24+$0xD80];
	_ =	sdelay $0x4  }
0x189: {  	v22 =	vand.u32 $0xFFFFFF80, v4  }
0x18a: {  	v4 =	vand.u32 $0x7F, v4;
	v5 =	vadd.s32 v3, v22  }
0x18b: {  	v4 =	vor.u32 v4, v5;
	_ =	sdelay $0x4  }
0x18c: {  	[tilespmem:v4+s15+$0x0] =	vst.idx.add.f32.msk $0xffff, v2  }
0x18d: {  	v4 =	vld [tilespmem:s24+$0xE00];
	_ =	sdelay $0x4  }
0x18e: {  	v23 =	vand.u32 $0xFFFFFF80, v4  }
0x18f: {  	v4 =	vand.u32 $0x7F, v4;
	v5 =	vadd.s32 v3, v23  }
0x190: {  	v4 =	vor.u32 v4, v5;
	_ =	sdelay $0x4  }
0x191: {  	[tilespmem:v4+s15+$0x0] =	vst.idx.add.f32.msk $0xffff, v2  }
0x192: {  	v4 =	vld [tilespmem:s24+$0xE80];
	_ =	sdelay $0x4  }
0x193: {  	v24 =	vand.u32 $0xFFFFFF80, v4  }
0x194: {  	v4 =	vand.u32 $0x7F, v4;
	v5 =	vadd.s32 v3, v24  }
0x195: {  	v4 =	vor.u32 v4, v5;
	_ =	sdelay $0x4  }
0x196: {  	[tilespmem:v4+s15+$0x0] =	vst.idx.add.f32.msk $0xffff, v2  }
0x197: {  	v4 =	vld [tilespmem:s24+$0xF00];
	_ =	sdelay $0x4  }
0x198: {  	v25 =	vand.u32 $0xFFFFFF80, v4  }
0x199: {  	v4 =	vand.u32 $0x7F, v4;
	v5 =	vadd.s32 v3, v25  }
0x19a: {  	v4 =	vor.u32 v4, v5;
	_ =	sdelay $0x4  }
0x19b: {  	[tilespmem:v4+s15+$0x0] =	vst.idx.add.f32.msk $0xffff, v2  }
0x19c: {  	v4 =	vld [tilespmem:s24+$0xF80];
	_ =	sdelay $0x4  }
0x19d: {  	v26 =	vand.u32 $0xFFFFFF80, v4  }
0x19e: {  	v4 =	vand.u32 $0x7F, v4;
	v5 =	vadd.s32 v3, v26  }
0x19f: {  	v4 =	vor.u32 v4, v5;
	_ =	sdelay $0x4  }
0x1a0: {  	[tilespmem:v4+s15+$0x0] =	vst.idx.add.f32.msk $0xffff, v2  }
0x1a1: {  	v4 =	vld [tilespmem:s24+$0x1000];
	_ =	sdelay $0x4  }
0x1a2: {  	v27 =	vand.u32 $0xFFFFFF80, v4  }
0x1a3: {  	v4 =	vand.u32 $0x7F, v4;
	v5 =	vadd.s32 v3, v27  }
0x1a4: {  	v4 =	vor.u32 v4, v5;
	_ =	sdelay $0x4  }
0x1a5: {  	[tilespmem:v4+s15+$0x0] =	vst.idx.add.f32.msk $0xffff, v2  }
0x1a6: {  	v4 =	vld [tilespmem:s24+$0x1080];
	_ =	sdelay $0x4  }
0x1a7: {  	v28 =	vand.u32 $0xFFFFFF80, v4  }
0x1a8: {  	v4 =	vand.u32 $0x7F, v4;
	v5 =	vadd.s32 v3, v28  }
0x1a9: {  	v4 =	vor.u32 v4, v5;
	_ =	sdelay $0x4  }
0x1aa: {  	[tilespmem:v4+s15+$0x0] =	vst.idx.add.f32.msk $0xffff, v2  }
0x1ab: {  	v4 =	vld [tilespmem:s24+$0x1100];
	_ =	sdelay $0x4  }
0x1ac: {  	v29 =	vand.u32 $0xFFFFFF80, v4  }
0x1ad: {  	v4 =	vand.u32 $0x7F, v4;
	v5 =	vadd.s32 v3, v29  }
0x1ae: {  	v4 =	vor.u32 v4, v5;
	_ =	sdelay $0x4  }
0x1af: {  	[tilespmem:v4+s15+$0x0] =	vst.idx.add.f32.msk $0xffff, v2  }
0x1b0: {  	v4 =	vld [tilespmem:s24+$0x1980];
	_ =	sdelay $0x4  }
0x1b1: {  	v30 =	vand.u32 $0xFFFFFF80, v4  }
0x1b2: {  	v4 =	vand.u32 $0x7F, v4;
	v5 =	vadd.s32 v3, v30  }
0x1b3: {  	v4 =	vor.u32 v4, v5;
	_ =	sdelay $0x4  }
0x1b4: {  	[tilespmem:v4+s15+$0x0] =	vst.idx.add.f32.msk $0xffff, v2  }
0x1b5: {  	v4 =	vld [tilespmem:s24+$0x1A00];
	_ =	sdelay $0x4  }
0x1b6: {  	v31 =	vand.u32 $0xFFFFFF80, v4  }
0x1b7: {  	v4 =	vand.u32 $0x7F, v4;
	v5 =	vadd.s32 v3, v31  }
0x1b8: {  	v4 =	vor.u32 v4, v5;
	_ =	sdelay $0x4  }
0x1b9: {  	[tilespmem:v4+s15+$0x0] =	vst.idx.add.f32.msk $0xffff, v2  }
0x1ba: {  	v4 =	vld [tilespmem:s24+$0x1A80];
	_ =	sdelay $0x4  }
0x1bb: {  	v32 =	vand.u32 $0xFFFFFF80, v4  }
0x1bc: {  	v4 =	vand.u32 $0x7F, v4;
	v5 =	vadd.s32 v3, v32  }
0x1bd: {  	v4 =	vor.u32 v4, v5;
	_ =	sdelay $0x4  }
0x1be: {  	[tilespmem:v4+s15+$0x0] =	vst.idx.add.f32.msk $0xffff, v2  }
0x1bf: {  	v4 =	vld [tilespmem:s24+$0x1B00];
	_ =	sdelay $0x4  }
0x1c0: {  	v33 =	vand.u32 $0xFFFFFF80, v4  }
0x1c1: {  	v4 =	vand.u32 $0x7F, v4;
	v5 =	vadd.s32 v3, v33  }
0x1c2: {  	v4 =	vor.u32 v4, v5;
	_ =	sdelay $0x4  }
0x1c3: {  	[tilespmem:v4+s15+$0x0] =	vst.idx.add.f32.msk $0xffff, v2  }
0x1c4: {  	v4 =	vld [tilespmem:s24+$0x1B80];
	_ =	sdelay $0x4  }
0x1c5: {  	v34 =	vand.u32 $0xFFFFFF80, v4  }
0x1c6: {  	v4 =	vand.u32 $0x7F, v4;
	v5 =	vadd.s32 v3, v34  }
0x1c7: {  	v4 =	vor.u32 v4, v5;
	_ =	sdelay $0x4  }
0x1c8: {  	[tilespmem:v4+s15+$0x0] =	vst.idx.add.f32.msk $0xffff, v2  }
0x1c9: {  	v4 =	vld [tilespmem:s24+$0x1C00];
	_ =	sdelay $0x4  }
0x1ca: {  	v35 =	vand.u32 $0xFFFFFF80, v4  }
0x1cb: {  	v4 =	vand.u32 $0x7F, v4;
	v5 =	vadd.s32 v3, v35  }
0x1cc: {  	v4 =	vor.u32 v4, v5;
	_ =	sdelay $0x4  }
0x1cd: {  	[tilespmem:v4+s15+$0x0] =	vst.idx.add.f32.msk $0xffff, v2  }
0x1ce: {  	v4 =	vld [tilespmem:s24+$0x1C80];
	_ =	sdelay $0x4  }
0x1cf: {  	v36 =	vand.u32 $0xFFFFFF80, v4  }
0x1d0: {  	v4 =	vand.u32 $0x7F, v4;
	v5 =	vadd.s32 v3, v36  }
0x1d1: {  	v4 =	vor.u32 v4, v5;
	_ =	sdelay $0x4  }
0x1d2: {  	[tilespmem:v4+s15+$0x0] =	vst.idx.add.f32.msk $0xffff, v2  }
0x1d3: {  	v4 =	vld [tilespmem:s24+$0x1D00];
	_ =	sdelay $0x4  }
0x1d4: {  	v37 =	vand.u32 $0xFFFFFF80, v4  }
0x1d5: {  	v4 =	vand.u32 $0x7F, v4;
	v5 =	vadd.s32 v3, v37  }
0x1d6: {  	v4 =	vor.u32 v4, v5;
	_ =	sdelay $0x4  }
0x1d7: {  	[tilespmem:v4+s15+$0x0] =	vst.idx.add.f32.msk $0xffff, v2  }
0x1d8: {  	v4 =	vld [tilespmem:s24+$0x2580];
	_ =	sdelay $0x4  }
0x1d9: {  	v38 =	vand.u32 $0xFFFFFF80, v4  }
0x1da: {  	v4 =	vand.u32 $0x7F, v4;
	v5 =	vadd.s32 v3, v38  }
0x1db: {  	v4 =	vor.u32 v4, v5;
	_ =	sdelay $0x4  }
0x1dc: {  	[tilespmem:v4+s15+$0x0] =	vst.idx.add.f32.msk $0xffff, v2  }
0x1dd: {  	v4 =	vld [tilespmem:s24+$0x2600];
	_ =	sdelay $0x4  }
0x1de: {  	v39 =	vand.u32 $0xFFFFFF80, v4  }
0x1df: {  	v4 =	vand.u32 $0x7F, v4;
	v5 =	vadd.s32 v3, v39  }
0x1e0: {  	v4 =	vor.u32 v4, v5;
	_ =	sdelay $0x4  }
0x1e1: {  	[tilespmem:v4+s15+$0x0] =	vst.idx.add.f32.msk $0xffff, v2  }
0x1e2: {  	v4 =	vld [tilespmem:s24+$0x2680];
	_ =	sdelay $0x4  }
0x1e3: {  	v40 =	vand.u32 $0xFFFFFF80, v4  }
0x1e4: {  	v4 =	vand.u32 $0x7F, v4;
	v5 =	vadd.s32 v3, v40  }
0x1e5: {  	v4 =	vor.u32 v4, v5;
	_ =	sdelay $0x4  }
0x1e6: {  	[tilespmem:v4+s15+$0x0] =	vst.idx.add.f32.msk $0xffff, v2  }
0x1e7: {  	v4 =	vld [tilespmem:s24+$0x2700];
	_ =	sdelay $0x4  }
0x1e8: {  	v41 =	vand.u32 $0xFFFFFF80, v4  }
0x1e9: {  	v4 =	vand.u32 $0x7F, v4;
	v5 =	vadd.s32 v3, v41  }
0x1ea: {  	v4 =	vor.u32 v4, v5;
	_ =	sdelay $0x4  }
0x1eb: {  	[tilespmem:v4+s15+$0x0] =	vst.idx.add.f32.msk $0xffff, v2  }
0x1ec: {  	v4 =	vld [tilespmem:s24+$0x2780];
	_ =	sdelay $0x4  }
0x1ed: {  	v42 =	vand.u32 $0xFFFFFF80, v4  }
0x1ee: {  	v4 =	vand.u32 $0x7F, v4;
	v5 =	vadd.s32 v3, v42  }
0x1ef: {  	v4 =	vor.u32 v4, v5;
	_ =	sdelay $0x4  }
0x1f0: {  	[tilespmem:v4+s15+$0x0] =	vst.idx.add.f32.msk $0xffff, v2  }
0x1f1: {  	v4 =	vld [tilespmem:s24+$0x2800];
	_ =	sdelay $0x4  }
0x1f2: {  	v43 =	vand.u32 $0xFFFFFF80, v4  }
0x1f3: {  	v4 =	vand.u32 $0x7F, v4;
	v5 =	vadd.s32 v3, v43  }
0x1f4: {  	v4 =	vor.u32 v4, v5;
	_ =	sdelay $0x4  }
0x1f5: {  	[tilespmem:v4+s15+$0x0] =	vst.idx.add.f32.msk $0xffff, v2  }
0x1f6: {  	v4 =	vld [tilespmem:s24+$0x2880];
	_ =	sdelay $0x4  }
0x1f7: {  	v44 =	vand.u32 $0xFFFFFF80, v4  }
0x1f8: {  	v4 =	vand.u32 $0x7F, v4;
	v5 =	vadd.s32 v3, v44  }
0x1f9: {  	v4 =	vor.u32 v4, v5;
	_ =	sdelay $0x4  }
0x1fa: {  	[tilespmem:v4+s15+$0x0] =	vst.idx.add.f32.msk $0xffff, v2  }
0x1fb: {  	v4 =	vld [tilespmem:s24+$0x2900];
	_ =	sdelay $0x4  }
0x1fc: {  	v45 =	vand.u32 $0xFFFFFF80, v4  }
0x1fd: {  	v4 =	vand.u32 $0x7F, v4;
	v5 =	vadd.s32 v3, v45  }
0x1fe: {  	v4 =	vor.u32 v4, v5;
	_ =	sdelay $0x4  }
0x1ff: {  	[tilespmem:v4+s15+$0x0] =	vst.idx.add.f32.msk $0xffff, v2  }
0x200: {  	v4 =	vld [tilespmem:s24+$0x3180];
	_ =	sdelay $0x4  }
0x201: {  	v46 =	vand.u32 $0xFFFFFF80, v4  }
0x202: {  	v4 =	vand.u32 $0x7F, v4;
	v5 =	vadd.s32 v3, v46  }
0x203: {  	v4 =	vor.u32 v4, v5;
	_ =	sdelay $0x4  }
0x204: {  	[tilespmem:v4+s15+$0x0] =	vst.idx.add.f32.msk $0xffff, v2  }
0x205: {  	v4 =	vld [tilespmem:s24+$0x3200];
	_ =	sdelay $0x4  }
0x206: {  	v47 =	vand.u32 $0xFFFFFF80, v4  }
0x207: {  	v4 =	vand.u32 $0x7F, v4;
	v5 =	vadd.s32 v3, v47  }
0x208: {  	v4 =	vor.u32 v4, v5;
	_ =	sdelay $0x4  }
0x209: {  	[tilespmem:v4+s15+$0x0] =	vst.idx.add.f32.msk $0xffff, v2  }
0x20a: {  	v4 =	vld [tilespmem:s24+$0x3280];
	_ =	sdelay $0x4  }
0x20b: {  	v48 =	vand.u32 $0xFFFFFF80, v4  }
0x20c: {  	v4 =	vand.u32 $0x7F, v4;
	v5 =	vadd.s32 v3, v48  }
0x20d: {  	v4 =	vor.u32 v4, v5;
	_ =	sdelay $0x4  }
0x20e: {  	[tilespmem:v4+s15+$0x0] =	vst.idx.add.f32.msk $0xffff, v2  }
0x20f: {  	v4 =	vld [tilespmem:s24+$0x3300];
	_ =	sdelay $0x4  }
0x210: {  	v49 =	vand.u32 $0xFFFFFF80, v4  }
0x211: {  	v4 =	vand.u32 $0x7F, v4;
	v5 =	vadd.s32 v3, v49  }
0x212: {  	v4 =	vor.u32 v4, v5;
	_ =	sdelay $0x4  }
0x213: {  	[tilespmem:v4+s15+$0x0] =	vst.idx.add.f32.msk $0xffff, v2  }
0x214: {  	v4 =	vld [tilespmem:s24+$0x3380];
	_ =	sdelay $0x4  }
0x215: {  	v50 =	vand.u32 $0xFFFFFF80, v4  }
0x216: {  	v4 =	vand.u32 $0x7F, v4;
	v5 =	vadd.s32 v3, v50  }
0x217: {  	v4 =	vor.u32 v4, v5;
	_ =	sdelay $0x4  }
0x218: {  	[tilespmem:v4+s15+$0x0] =	vst.idx.add.f32.msk $0xffff, v2  }
0x219: {  	v4 =	vld [tilespmem:s24+$0x3400];
	_ =	sdelay $0x4  }
0x21a: {  	v51 =	vand.u32 $0xFFFFFF80, v4  }
0x21b: {  	v4 =	vand.u32 $0x7F, v4;
	v5 =	vadd.s32 v3, v51  }
0x21c: {  	v4 =	vor.u32 v4, v5;
	_ =	sdelay $0x4  }
0x21d: {  	[tilespmem:v4+s15+$0x0] =	vst.idx.add.f32.msk $0xffff, v2  }
0x21e: {  	v4 =	vld [tilespmem:s24+$0x3480];
	_ =	sdelay $0x4  }
0x21f: {  	v52 =	vand.u32 $0xFFFFFF80, v4  }
0x220: {  	v4 =	vand.u32 $0x7F, v4;
	v5 =	vadd.s32 v3, v52  }
0x221: {  	v4 =	vor.u32 v4, v5;
	_ =	sdelay $0x4  }
0x222: {  	[tilespmem:v4+s15+$0x0] =	vst.idx.add.f32.msk $0xffff, v2  }
0x223: {  	v4 =	vld [tilespmem:s24+$0x3500];
	_ =	sdelay $0x4  }
0x224: {  	v53 =	vand.u32 $0xFFFFFF80, v4  }
0x225: {  	v4 =	vand.u32 $0x7F, v4;
	v5 =	vadd.s32 v3, v53  }
0x226: {  	v4 =	vor.u32 v4, v5;
	_ =	sdelay $0x4  }
0x227: {  	[tilespmem:v4+s15+$0x0] =	vst.idx.add.f32.msk $0xffff, v2  }
0x228: {  	v4 =	vld [tilespmem:s24+$0x3D80];
	_ =	sdelay $0x4  }
0x229: {  	v54 =	vand.u32 $0xFFFFFF80, v4  }
0x22a: {  	v4 =	vand.u32 $0x7F, v4;
	v5 =	vadd.s32 v3, v54  }
0x22b: {  	v4 =	vor.u32 v4, v5;
	_ =	sdelay $0x4  }
0x22c: {  	[tilespmem:v4+s15+$0x0] =	vst.idx.add.f32.msk $0xffff, v2  }
0x22d: {  	v4 =	vld [tilespmem:s24+$0x3E00];
	_ =	sdelay $0x4  }
0x22e: {  	v55 =	vand.u32 $0xFFFFFF80, v4  }
0x22f: {  	v4 =	vand.u32 $0x7F, v4;
	v5 =	vadd.s32 v3, v55  }
0x230: {  	v4 =	vor.u32 v4, v5;
	_ =	sdelay $0x4  }
0x231: {  	[tilespmem:v4+s15+$0x0] =	vst.idx.add.f32.msk $0xffff, v2  }
0x232: {  	v4 =	vld [tilespmem:s24+$0x3E80];
	_ =	sdelay $0x4  }
0x233: {  	v56 =	vand.u32 $0xFFFFFF80, v4  }
0x234: {  	v4 =	vand.u32 $0x7F, v4;
	v5 =	vadd.s32 v3, v56  }
0x235: {  	v4 =	vor.u32 v4, v5;
	_ =	sdelay $0x4  }
0x236: {  	[tilespmem:v4+s15+$0x0] =	vst.idx.add.f32.msk $0xffff, v2  }
0x237: {  	v4 =	vld [tilespmem:s24+$0x3F00];
	_ =	sdelay $0x4  }
0x238: {  	v57 =	vand.u32 $0xFFFFFF80, v4  }
0x239: {  	v4 =	vand.u32 $0x7F, v4;
	v5 =	vadd.s32 v3, v57  }
0x23a: {  	v4 =	vor.u32 v4, v5;
	_ =	sdelay $0x4  }
0x23b: {  	[tilespmem:v4+s15+$0x0] =	vst.idx.add.f32.msk $0xffff, v2  }
0x23c: {  	v4 =	vld [tilespmem:s24+$0x3F80];
	_ =	sdelay $0x4  }
0x23d: {  	v58 =	vand.u32 $0xFFFFFF80, v4  }
0x23e: {  	v4 =	vand.u32 $0x7F, v4;
	v5 =	vadd.s32 v3, v58  }
0x23f: {  	v4 =	vor.u32 v4, v5;
	_ =	sdelay $0x4  }
0x240: {  	[tilespmem:v4+s15+$0x0] =	vst.idx.add.f32.msk $0xffff, v2  }
0x241: {  	v4 =	vld [tilespmem:s24+$0x4000];
	_ =	sdelay $0x4  }
0x242: {  	v59 =	vand.u32 $0xFFFFFF80, v4  }
0x243: {  	v4 =	vand.u32 $0x7F, v4;
	v5 =	vadd.s32 v3, v59  }
0x244: {  	v4 =	vor.u32 v4, v5;
	_ =	sdelay $0x4  }
0x245: {  	[tilespmem:v4+s15+$0x0] =	vst.idx.add.f32.msk $0xffff, v2  }
0x246: {  	v4 =	vld [tilespmem:s24+$0x4080];
	_ =	sdelay $0x4  }
0x247: {  	v60 =	vand.u32 $0xFFFFFF80, v4  }
0x248: {  	v4 =	vand.u32 $0x7F, v4;
	v5 =	vadd.s32 v3, v60  }
0x249: {  	v4 =	vor.u32 v4, v5;
	_ =	sdelay $0x4  }
0x24a: {  	[tilespmem:v4+s15+$0x0] =	vst.idx.add.f32.msk $0xffff, v2  }
0x24b: {  	v4 =	vld [tilespmem:s24+$0x4100];
	_ =	sdelay $0x4  }
0x24c: {  	v61 =	vand.u32 $0xFFFFFF80, v4  }
0x24d: {  	v4 =	vand.u32 $0x7F, v4;
	v5 =	vadd.s32 v3, v61  }
0x24e: {  	v4 =	vor.u32 v4, v5;
	_ =	sdelay $0x4  }
0x24f: {  	[tilespmem:v4+s15+$0x0] =	vst.idx.add.f32.msk $0xffff, v2  }
0x250: {  	v4 =	vld [tilespmem:s24+$0x4980];
	_ =	sdelay $0x4  }
0x251: {  	v62 =	vand.u32 $0xFFFFFF80, v4  }
0x252: {  	v4 =	vand.u32 $0x7F, v4;
	v5 =	vadd.s32 v3, v62  }
0x253: {  	v4 =	vor.u32 v4, v5;
	_ =	sdelay $0x4  }
0x254: {  	[tilespmem:v4+s15+$0x0] =	vst.idx.add.f32.msk $0xffff, v2  }
0x255: {  	v4 =	vld [tilespmem:s24+$0x4A00];
	_ =	sdelay $0x4  }
0x256: {  	v63 =	vand.u32 $0xFFFFFF80, v4  }
0x257: {  	v4 =	vand.u32 $0x7F, v4;
	v5 =	vadd.s32 v3, v63  }
0x258: {  	v4 =	vor.u32 v4, v5;
	_ =	sdelay $0x4  }
0x259: {  	[tilespmem:v4+s15+$0x0] =	vst.idx.add.f32.msk $0xffff, v2  }
0x25a: {  	v4 =	vld [tilespmem:s21+$0x0];
	_ =	sdelay $0x1  }
0x25b: {  	p0 =	sne.s32 s23, $0xB0;
	v3 =	vor.u32 $0x64, v3  }
.Ltmp2:
0x25c: {  	_ = 	snop;
	(pc) =	sbr.rel @p0 .LBB2_6-.Ltmp2, $3  }
0x25d: {  	_ = 	snop  }
0x25e: {  	v4 =	vcvt.s32.f32 v4;
	_ =	sdelay $0x1  }
0x25f: {  	s22 =	sadd.s32 $0x80, s22;
	s23 =	sadd.s32 $0x10, s23;
	s21 =	sadd.s32 $0x10, s21;
	[tilespmem:v3+s15+$0x0] =	vst.idx.msk $0xffff, v4  }
0x260: {  	[hbm4b:s6+s2] =	stream.linear.scatter [tilespmem:s16], [sflag:$0x2], $0x3000, $0x38;
	[tilespmem:$0x11580] =	vst v63  }
0x261: {  	s21 =	simm.s32 $0xC0;
	s22 =	simm.s32 $0x600;
	s23 =	simm.s32 $0xC0  }
.LBB2_8:
0x262: {  	s24 =	sand.u32 $0x70, s23;
	s25 =	sand.u32 $0xC00, s22  }
0x263: {  	s24 =	sor.u32 s24, s25  }
0x264: {  	v4 =	vld [tilespmem:s24+$0x180];
	_ =	sdelay $0x2  }
0x265: {  	v3 =	vmov s23  }
0x266: {  	v3 =	vshll.u32 v3, $0x7  }
0x267: {  	v3 =	vor.u32 v1, v3;
	v5 =	vand.u32 $0xFFFFFF80, v4  }
0x268: {  	v4 =	vand.u32 $0x7F, v4;
	v5 =	vadd.s32 v3, v5  }
0x269: {  	v4 =	vor.u32 v4, v5;
	_ =	sdelay $0x4  }
0x26a: {  	[tilespmem:v4+s15+$0x0] =	vst.idx.add.f32.msk $0xffff, v2  }
0x26b: {  	v4 =	vld [tilespmem:s24+$0x200];
	_ =	sdelay $0x4  }
0x26c: {  	v15 =	vand.u32 $0xFFFFFF80, v4  }
0x26d: {  	v4 =	vand.u32 $0x7F, v4;
	v5 =	vadd.s32 v3, v15  }
0x26e: {  	v4 =	vor.u32 v4, v5;
	_ =	sdelay $0x4  }
0x26f: {  	[tilespmem:v4+s15+$0x0] =	vst.idx.add.f32.msk $0xffff, v2  }
0x270: {  	v4 =	vld [tilespmem:s24+$0x280];
	_ =	sdelay $0x4  }
0x271: {  	v16 =	vand.u32 $0xFFFFFF80, v4  }
0x272: {  	v4 =	vand.u32 $0x7F, v4;
	v5 =	vadd.s32 v3, v16  }
0x273: {  	v4 =	vor.u32 v4, v5;
	_ =	sdelay $0x4  }
0x274: {  	[tilespmem:v4+s15+$0x0] =	vst.idx.add.f32.msk $0xffff, v2  }
0x275: {  	v4 =	vld [tilespmem:s24+$0x300];
	_ =	sdelay $0x4  }
0x276: {  	v17 =	vand.u32 $0xFFFFFF80, v4  }
0x277: {  	v4 =	vand.u32 $0x7F, v4;
	v5 =	vadd.s32 v3, v17  }
0x278: {  	v4 =	vor.u32 v4, v5;
	_ =	sdelay $0x4  }
0x279: {  	[tilespmem:v4+s15+$0x0] =	vst.idx.add.f32.msk $0xffff, v2  }
0x27a: {  	v4 =	vld [tilespmem:s24+$0x380];
	_ =	sdelay $0x4  }
0x27b: {  	v18 =	vand.u32 $0xFFFFFF80, v4  }
0x27c: {  	v4 =	vand.u32 $0x7F, v4;
	v5 =	vadd.s32 v3, v18  }
0x27d: {  	v4 =	vor.u32 v4, v5;
	_ =	sdelay $0x4  }
0x27e: {  	[tilespmem:v4+s15+$0x0] =	vst.idx.add.f32.msk $0xffff, v2  }
0x27f: {  	v4 =	vld [tilespmem:s24+$0x400];
	_ =	sdelay $0x4  }
0x280: {  	v19 =	vand.u32 $0xFFFFFF80, v4  }
0x281: {  	v4 =	vand.u32 $0x7F, v4;
	v5 =	vadd.s32 v3, v19  }
0x282: {  	v4 =	vor.u32 v4, v5;
	_ =	sdelay $0x4  }
0x283: {  	[tilespmem:v4+s15+$0x0] =	vst.idx.add.f32.msk $0xffff, v2  }
0x284: {  	v4 =	vld [tilespmem:s24+$0x480];
	_ =	sdelay $0x4  }
0x285: {  	v20 =	vand.u32 $0xFFFFFF80, v4  }
0x286: {  	v4 =	vand.u32 $0x7F, v4;
	v5 =	vadd.s32 v3, v20  }
0x287: {  	v4 =	vor.u32 v4, v5;
	_ =	sdelay $0x4  }
0x288: {  	[tilespmem:v4+s15+$0x0] =	vst.idx.add.f32.msk $0xffff, v2  }
0x289: {  	v4 =	vld [tilespmem:s24+$0x500];
	_ =	sdelay $0x4  }
0x28a: {  	v21 =	vand.u32 $0xFFFFFF80, v4  }
0x28b: {  	v4 =	vand.u32 $0x7F, v4;
	v5 =	vadd.s32 v3, v21  }
0x28c: {  	v4 =	vor.u32 v4, v5;
	_ =	sdelay $0x4  }
0x28d: {  	[tilespmem:v4+s15+$0x0] =	vst.idx.add.f32.msk $0xffff, v2  }
0x28e: {  	v4 =	vld [tilespmem:s24+$0xD80];
	_ =	sdelay $0x4  }
0x28f: {  	v22 =	vand.u32 $0xFFFFFF80, v4  }
0x290: {  	v4 =	vand.u32 $0x7F, v4;
	v5 =	vadd.s32 v3, v22  }
0x291: {  	v4 =	vor.u32 v4, v5;
	_ =	sdelay $0x4  }
0x292: {  	[tilespmem:v4+s15+$0x0] =	vst.idx.add.f32.msk $0xffff, v2  }
0x293: {  	v4 =	vld [tilespmem:s24+$0xE00];
	_ =	sdelay $0x4  }
0x294: {  	v23 =	vand.u32 $0xFFFFFF80, v4  }
0x295: {  	v4 =	vand.u32 $0x7F, v4;
	v5 =	vadd.s32 v3, v23  }
0x296: {  	v4 =	vor.u32 v4, v5;
	_ =	sdelay $0x4  }
0x297: {  	[tilespmem:v4+s15+$0x0] =	vst.idx.add.f32.msk $0xffff, v2  }
0x298: {  	v4 =	vld [tilespmem:s24+$0xE80];
	_ =	sdelay $0x4  }
0x299: {  	v24 =	vand.u32 $0xFFFFFF80, v4  }
0x29a: {  	v4 =	vand.u32 $0x7F, v4;
	v5 =	vadd.s32 v3, v24  }
0x29b: {  	v4 =	vor.u32 v4, v5;
	_ =	sdelay $0x4  }
0x29c: {  	[tilespmem:v4+s15+$0x0] =	vst.idx.add.f32.msk $0xffff, v2  }
0x29d: {  	v4 =	vld [tilespmem:s24+$0xF00];
	_ =	sdelay $0x4  }
0x29e: {  	v25 =	vand.u32 $0xFFFFFF80, v4  }
0x29f: {  	v4 =	vand.u32 $0x7F, v4;
	v5 =	vadd.s32 v3, v25  }
0x2a0: {  	v4 =	vor.u32 v4, v5;
	_ =	sdelay $0x4  }
0x2a1: {  	[tilespmem:v4+s15+$0x0] =	vst.idx.add.f32.msk $0xffff, v2  }
0x2a2: {  	v4 =	vld [tilespmem:s24+$0xF80];
	_ =	sdelay $0x4  }
0x2a3: {  	v26 =	vand.u32 $0xFFFFFF80, v4  }
0x2a4: {  	v4 =	vand.u32 $0x7F, v4;
	v5 =	vadd.s32 v3, v26  }
0x2a5: {  	v4 =	vor.u32 v4, v5;
	_ =	sdelay $0x4  }
0x2a6: {  	[tilespmem:v4+s15+$0x0] =	vst.idx.add.f32.msk $0xffff, v2  }
0x2a7: {  	v4 =	vld [tilespmem:s24+$0x1000];
	_ =	sdelay $0x4  }
0x2a8: {  	v27 =	vand.u32 $0xFFFFFF80, v4  }
0x2a9: {  	v4 =	vand.u32 $0x7F, v4;
	v5 =	vadd.s32 v3, v27  }
0x2aa: {  	v4 =	vor.u32 v4, v5;
	_ =	sdelay $0x4  }
0x2ab: {  	[tilespmem:v4+s15+$0x0] =	vst.idx.add.f32.msk $0xffff, v2  }
0x2ac: {  	v4 =	vld [tilespmem:s24+$0x1080];
	_ =	sdelay $0x4  }
0x2ad: {  	v28 =	vand.u32 $0xFFFFFF80, v4  }
0x2ae: {  	v4 =	vand.u32 $0x7F, v4;
	v5 =	vadd.s32 v3, v28  }
0x2af: {  	v4 =	vor.u32 v4, v5;
	_ =	sdelay $0x4  }
0x2b0: {  	[tilespmem:v4+s15+$0x0] =	vst.idx.add.f32.msk $0xffff, v2  }
0x2b1: {  	v4 =	vld [tilespmem:s24+$0x1100];
	_ =	sdelay $0x4  }
0x2b2: {  	v29 =	vand.u32 $0xFFFFFF80, v4  }
0x2b3: {  	v4 =	vand.u32 $0x7F, v4;
	v5 =	vadd.s32 v3, v29  }
0x2b4: {  	v4 =	vor.u32 v4, v5;
	_ =	sdelay $0x4  }
0x2b5: {  	[tilespmem:v4+s15+$0x0] =	vst.idx.add.f32.msk $0xffff, v2  }
0x2b6: {  	v4 =	vld [tilespmem:s24+$0x1980];
	_ =	sdelay $0x4  }
0x2b7: {  	v30 =	vand.u32 $0xFFFFFF80, v4  }
0x2b8: {  	v4 =	vand.u32 $0x7F, v4;
	v5 =	vadd.s32 v3, v30  }
0x2b9: {  	v4 =	vor.u32 v4, v5;
	_ =	sdelay $0x4  }
0x2ba: {  	[tilespmem:v4+s15+$0x0] =	vst.idx.add.f32.msk $0xffff, v2  }
0x2bb: {  	v4 =	vld [tilespmem:s24+$0x1A00];
	_ =	sdelay $0x4  }
0x2bc: {  	v31 =	vand.u32 $0xFFFFFF80, v4  }
0x2bd: {  	v4 =	vand.u32 $0x7F, v4;
	v5 =	vadd.s32 v3, v31  }
0x2be: {  	v4 =	vor.u32 v4, v5;
	_ =	sdelay $0x4  }
0x2bf: {  	[tilespmem:v4+s15+$0x0] =	vst.idx.add.f32.msk $0xffff, v2  }
0x2c0: {  	v4 =	vld [tilespmem:s24+$0x1A80];
	_ =	sdelay $0x4  }
0x2c1: {  	v32 =	vand.u32 $0xFFFFFF80, v4  }
0x2c2: {  	v4 =	vand.u32 $0x7F, v4;
	v5 =	vadd.s32 v3, v32  }
0x2c3: {  	v4 =	vor.u32 v4, v5;
	_ =	sdelay $0x4  }
0x2c4: {  	[tilespmem:v4+s15+$0x0] =	vst.idx.add.f32.msk $0xffff, v2  }
0x2c5: {  	v4 =	vld [tilespmem:s24+$0x1B00];
	_ =	sdelay $0x4  }
0x2c6: {  	v33 =	vand.u32 $0xFFFFFF80, v4  }
0x2c7: {  	v4 =	vand.u32 $0x7F, v4;
	v5 =	vadd.s32 v3, v33  }
0x2c8: {  	v4 =	vor.u32 v4, v5;
	_ =	sdelay $0x4  }
0x2c9: {  	[tilespmem:v4+s15+$0x0] =	vst.idx.add.f32.msk $0xffff, v2  }
0x2ca: {  	v4 =	vld [tilespmem:s24+$0x1B80];
	_ =	sdelay $0x4  }
0x2cb: {  	v34 =	vand.u32 $0xFFFFFF80, v4  }
0x2cc: {  	v4 =	vand.u32 $0x7F, v4;
	v5 =	vadd.s32 v3, v34  }
0x2cd: {  	v4 =	vor.u32 v4, v5;
	_ =	sdelay $0x4  }
0x2ce: {  	[tilespmem:v4+s15+$0x0] =	vst.idx.add.f32.msk $0xffff, v2  }
0x2cf: {  	v4 =	vld [tilespmem:s24+$0x1C00];
	_ =	sdelay $0x4  }
0x2d0: {  	v35 =	vand.u32 $0xFFFFFF80, v4  }
0x2d1: {  	v4 =	vand.u32 $0x7F, v4;
	v5 =	vadd.s32 v3, v35  }
0x2d2: {  	v4 =	vor.u32 v4, v5;
	_ =	sdelay $0x4  }
0x2d3: {  	[tilespmem:v4+s15+$0x0] =	vst.idx.add.f32.msk $0xffff, v2  }
0x2d4: {  	v4 =	vld [tilespmem:s24+$0x1C80];
	_ =	sdelay $0x4  }
0x2d5: {  	v36 =	vand.u32 $0xFFFFFF80, v4  }
0x2d6: {  	v4 =	vand.u32 $0x7F, v4;
	v5 =	vadd.s32 v3, v36  }
0x2d7: {  	v4 =	vor.u32 v4, v5;
	_ =	sdelay $0x4  }
0x2d8: {  	[tilespmem:v4+s15+$0x0] =	vst.idx.add.f32.msk $0xffff, v2  }
0x2d9: {  	v4 =	vld [tilespmem:s24+$0x1D00];
	_ =	sdelay $0x4  }
0x2da: {  	v37 =	vand.u32 $0xFFFFFF80, v4  }
0x2db: {  	v4 =	vand.u32 $0x7F, v4;
	v5 =	vadd.s32 v3, v37  }
0x2dc: {  	v4 =	vor.u32 v4, v5;
	_ =	sdelay $0x4  }
0x2dd: {  	[tilespmem:v4+s15+$0x0] =	vst.idx.add.f32.msk $0xffff, v2  }
0x2de: {  	v4 =	vld [tilespmem:s24+$0x2580];
	_ =	sdelay $0x4  }
0x2df: {  	v38 =	vand.u32 $0xFFFFFF80, v4  }
0x2e0: {  	v4 =	vand.u32 $0x7F, v4;
	v5 =	vadd.s32 v3, v38  }
0x2e1: {  	v4 =	vor.u32 v4, v5;
	_ =	sdelay $0x4  }
0x2e2: {  	[tilespmem:v4+s15+$0x0] =	vst.idx.add.f32.msk $0xffff, v2  }
0x2e3: {  	v4 =	vld [tilespmem:s24+$0x2600];
	_ =	sdelay $0x4  }
0x2e4: {  	v39 =	vand.u32 $0xFFFFFF80, v4  }
0x2e5: {  	v4 =	vand.u32 $0x7F, v4;
	v5 =	vadd.s32 v3, v39  }
0x2e6: {  	v4 =	vor.u32 v4, v5;
	_ =	sdelay $0x4  }
0x2e7: {  	[tilespmem:v4+s15+$0x0] =	vst.idx.add.f32.msk $0xffff, v2  }
0x2e8: {  	v4 =	vld [tilespmem:s24+$0x2680];
	_ =	sdelay $0x4  }
0x2e9: {  	v40 =	vand.u32 $0xFFFFFF80, v4  }
0x2ea: {  	v4 =	vand.u32 $0x7F, v4;
	v5 =	vadd.s32 v3, v40  }
0x2eb: {  	v4 =	vor.u32 v4, v5;
	_ =	sdelay $0x4  }
0x2ec: {  	[tilespmem:v4+s15+$0x0] =	vst.idx.add.f32.msk $0xffff, v2  }
0x2ed: {  	v4 =	vld [tilespmem:s24+$0x2700];
	_ =	sdelay $0x4  }
0x2ee: {  	v41 =	vand.u32 $0xFFFFFF80, v4  }
0x2ef: {  	v4 =	vand.u32 $0x7F, v4;
	v5 =	vadd.s32 v3, v41  }
0x2f0: {  	v4 =	vor.u32 v4, v5;
	_ =	sdelay $0x4  }
0x2f1: {  	[tilespmem:v4+s15+$0x0] =	vst.idx.add.f32.msk $0xffff, v2  }
0x2f2: {  	v4 =	vld [tilespmem:s24+$0x2780];
	_ =	sdelay $0x4  }
0x2f3: {  	v42 =	vand.u32 $0xFFFFFF80, v4  }
0x2f4: {  	v4 =	vand.u32 $0x7F, v4;
	v5 =	vadd.s32 v3, v42  }
0x2f5: {  	v4 =	vor.u32 v4, v5;
	_ =	sdelay $0x4  }
0x2f6: {  	[tilespmem:v4+s15+$0x0] =	vst.idx.add.f32.msk $0xffff, v2  }
0x2f7: {  	v4 =	vld [tilespmem:s24+$0x2800];
	_ =	sdelay $0x4  }
0x2f8: {  	v43 =	vand.u32 $0xFFFFFF80, v4  }
0x2f9: {  	v4 =	vand.u32 $0x7F, v4;
	v5 =	vadd.s32 v3, v43  }
0x2fa: {  	v4 =	vor.u32 v4, v5;
	_ =	sdelay $0x4  }
0x2fb: {  	[tilespmem:v4+s15+$0x0] =	vst.idx.add.f32.msk $0xffff, v2  }
0x2fc: {  	v4 =	vld [tilespmem:s24+$0x2880];
	_ =	sdelay $0x4  }
0x2fd: {  	v44 =	vand.u32 $0xFFFFFF80, v4  }
0x2fe: {  	v4 =	vand.u32 $0x7F, v4;
	v5 =	vadd.s32 v3, v44  }
0x2ff: {  	v4 =	vor.u32 v4, v5;
	_ =	sdelay $0x4  }
0x300: {  	[tilespmem:v4+s15+$0x0] =	vst.idx.add.f32.msk $0xffff, v2  }
0x301: {  	v4 =	vld [tilespmem:s24+$0x2900];
	_ =	sdelay $0x4  }
0x302: {  	v45 =	vand.u32 $0xFFFFFF80, v4  }
0x303: {  	v4 =	vand.u32 $0x7F, v4;
	v5 =	vadd.s32 v3, v45  }
0x304: {  	v4 =	vor.u32 v4, v5;
	_ =	sdelay $0x4  }
0x305: {  	[tilespmem:v4+s15+$0x0] =	vst.idx.add.f32.msk $0xffff, v2  }
0x306: {  	v4 =	vld [tilespmem:s24+$0x3180];
	_ =	sdelay $0x4  }
0x307: {  	v46 =	vand.u32 $0xFFFFFF80, v4  }
0x308: {  	v4 =	vand.u32 $0x7F, v4;
	v5 =	vadd.s32 v3, v46  }
0x309: {  	v4 =	vor.u32 v4, v5;
	_ =	sdelay $0x4  }
0x30a: {  	[tilespmem:v4+s15+$0x0] =	vst.idx.add.f32.msk $0xffff, v2  }
0x30b: {  	v4 =	vld [tilespmem:s24+$0x3200];
	_ =	sdelay $0x4  }
0x30c: {  	v47 =	vand.u32 $0xFFFFFF80, v4  }
0x30d: {  	v4 =	vand.u32 $0x7F, v4;
	v5 =	vadd.s32 v3, v47  }
0x30e: {  	v4 =	vor.u32 v4, v5;
	_ =	sdelay $0x4  }
0x30f: {  	[tilespmem:v4+s15+$0x0] =	vst.idx.add.f32.msk $0xffff, v2  }
0x310: {  	v4 =	vld [tilespmem:s24+$0x3280];
	_ =	sdelay $0x4  }
0x311: {  	v48 =	vand.u32 $0xFFFFFF80, v4  }
0x312: {  	v4 =	vand.u32 $0x7F, v4;
	v5 =	vadd.s32 v3, v48  }
0x313: {  	v4 =	vor.u32 v4, v5;
	_ =	sdelay $0x4  }
0x314: {  	[tilespmem:v4+s15+$0x0] =	vst.idx.add.f32.msk $0xffff, v2  }
0x315: {  	v4 =	vld [tilespmem:s24+$0x3300];
	_ =	sdelay $0x4  }
0x316: {  	v49 =	vand.u32 $0xFFFFFF80, v4  }
0x317: {  	v4 =	vand.u32 $0x7F, v4;
	v5 =	vadd.s32 v3, v49  }
0x318: {  	v4 =	vor.u32 v4, v5;
	_ =	sdelay $0x4  }
0x319: {  	[tilespmem:v4+s15+$0x0] =	vst.idx.add.f32.msk $0xffff, v2  }
0x31a: {  	v4 =	vld [tilespmem:s24+$0x3380];
	_ =	sdelay $0x4  }
0x31b: {  	v50 =	vand.u32 $0xFFFFFF80, v4  }
0x31c: {  	v4 =	vand.u32 $0x7F, v4;
	v5 =	vadd.s32 v3, v50  }
0x31d: {  	v4 =	vor.u32 v4, v5;
	_ =	sdelay $0x4  }
0x31e: {  	[tilespmem:v4+s15+$0x0] =	vst.idx.add.f32.msk $0xffff, v2  }
0x31f: {  	v4 =	vld [tilespmem:s24+$0x3400];
	_ =	sdelay $0x4  }
0x320: {  	v51 =	vand.u32 $0xFFFFFF80, v4  }
0x321: {  	v4 =	vand.u32 $0x7F, v4;
	v5 =	vadd.s32 v3, v51  }
0x322: {  	v4 =	vor.u32 v4, v5;
	_ =	sdelay $0x4  }
0x323: {  	[tilespmem:v4+s15+$0x0] =	vst.idx.add.f32.msk $0xffff, v2  }
0x324: {  	v4 =	vld [tilespmem:s24+$0x3480];
	_ =	sdelay $0x4  }
0x325: {  	v52 =	vand.u32 $0xFFFFFF80, v4  }
0x326: {  	v4 =	vand.u32 $0x7F, v4;
	v5 =	vadd.s32 v3, v52  }
0x327: {  	v4 =	vor.u32 v4, v5;
	_ =	sdelay $0x4  }
0x328: {  	[tilespmem:v4+s15+$0x0] =	vst.idx.add.f32.msk $0xffff, v2  }
0x329: {  	v4 =	vld [tilespmem:s24+$0x3500];
	_ =	sdelay $0x4  }
0x32a: {  	v53 =	vand.u32 $0xFFFFFF80, v4  }
0x32b: {  	v4 =	vand.u32 $0x7F, v4;
	v5 =	vadd.s32 v3, v53  }
0x32c: {  	v4 =	vor.u32 v4, v5;
	_ =	sdelay $0x4  }
0x32d: {  	[tilespmem:v4+s15+$0x0] =	vst.idx.add.f32.msk $0xffff, v2  }
0x32e: {  	v4 =	vld [tilespmem:s24+$0x3D80];
	_ =	sdelay $0x4  }
0x32f: {  	v54 =	vand.u32 $0xFFFFFF80, v4  }
0x330: {  	v4 =	vand.u32 $0x7F, v4;
	v5 =	vadd.s32 v3, v54  }
0x331: {  	v4 =	vor.u32 v4, v5;
	_ =	sdelay $0x4  }
0x332: {  	[tilespmem:v4+s15+$0x0] =	vst.idx.add.f32.msk $0xffff, v2  }
0x333: {  	v4 =	vld [tilespmem:s24+$0x3E00];
	_ =	sdelay $0x4  }
0x334: {  	v55 =	vand.u32 $0xFFFFFF80, v4  }
0x335: {  	v4 =	vand.u32 $0x7F, v4;
	v5 =	vadd.s32 v3, v55  }
0x336: {  	v4 =	vor.u32 v4, v5;
	_ =	sdelay $0x4  }
0x337: {  	[tilespmem:v4+s15+$0x0] =	vst.idx.add.f32.msk $0xffff, v2  }
0x338: {  	v4 =	vld [tilespmem:s24+$0x3E80];
	_ =	sdelay $0x4  }
0x339: {  	v56 =	vand.u32 $0xFFFFFF80, v4  }
0x33a: {  	v4 =	vand.u32 $0x7F, v4;
	v5 =	vadd.s32 v3, v56  }
0x33b: {  	v4 =	vor.u32 v4, v5;
	_ =	sdelay $0x4  }
0x33c: {  	[tilespmem:v4+s15+$0x0] =	vst.idx.add.f32.msk $0xffff, v2  }
0x33d: {  	v4 =	vld [tilespmem:s24+$0x3F00];
	_ =	sdelay $0x4  }
0x33e: {  	v57 =	vand.u32 $0xFFFFFF80, v4  }
0x33f: {  	v4 =	vand.u32 $0x7F, v4;
	v5 =	vadd.s32 v3, v57  }
0x340: {  	v4 =	vor.u32 v4, v5;
	_ =	sdelay $0x4  }
0x341: {  	[tilespmem:v4+s15+$0x0] =	vst.idx.add.f32.msk $0xffff, v2  }
0x342: {  	v4 =	vld [tilespmem:s24+$0x3F80];
	_ =	sdelay $0x4  }
0x343: {  	v58 =	vand.u32 $0xFFFFFF80, v4  }
0x344: {  	v4 =	vand.u32 $0x7F, v4;
	v5 =	vadd.s32 v3, v58  }
0x345: {  	v4 =	vor.u32 v4, v5;
	_ =	sdelay $0x4  }
0x346: {  	[tilespmem:v4+s15+$0x0] =	vst.idx.add.f32.msk $0xffff, v2  }
0x347: {  	v4 =	vld [tilespmem:s24+$0x4000];
	_ =	sdelay $0x4  }
0x348: {  	v59 =	vand.u32 $0xFFFFFF80, v4  }
0x349: {  	v4 =	vand.u32 $0x7F, v4;
	v5 =	vadd.s32 v3, v59  }
0x34a: {  	v4 =	vor.u32 v4, v5;
	_ =	sdelay $0x4  }
0x34b: {  	[tilespmem:v4+s15+$0x0] =	vst.idx.add.f32.msk $0xffff, v2  }
0x34c: {  	v4 =	vld [tilespmem:s24+$0x4080];
	_ =	sdelay $0x4  }
0x34d: {  	v60 =	vand.u32 $0xFFFFFF80, v4  }
0x34e: {  	v4 =	vand.u32 $0x7F, v4;
	v5 =	vadd.s32 v3, v60  }
0x34f: {  	v4 =	vor.u32 v4, v5;
	_ =	sdelay $0x4  }
0x350: {  	[tilespmem:v4+s15+$0x0] =	vst.idx.add.f32.msk $0xffff, v2  }
0x351: {  	v4 =	vld [tilespmem:s24+$0x4100];
	_ =	sdelay $0x4  }
0x352: {  	v61 =	vand.u32 $0xFFFFFF80, v4  }
0x353: {  	v4 =	vand.u32 $0x7F, v4;
	v5 =	vadd.s32 v3, v61  }
0x354: {  	v4 =	vor.u32 v4, v5;
	_ =	sdelay $0x4  }
0x355: {  	[tilespmem:v4+s15+$0x0] =	vst.idx.add.f32.msk $0xffff, v2  }
0x356: {  	v4 =	vld [tilespmem:s24+$0x4980];
	_ =	sdelay $0x4  }
0x357: {  	v62 =	vand.u32 $0xFFFFFF80, v4  }
0x358: {  	v4 =	vand.u32 $0x7F, v4;
	v5 =	vadd.s32 v3, v62  }
0x359: {  	v4 =	vor.u32 v4, v5;
	_ =	sdelay $0x4  }
0x35a: {  	[tilespmem:v4+s15+$0x0] =	vst.idx.add.f32.msk $0xffff, v2  }
0x35b: {  	v4 =	vld [tilespmem:s24+$0x4A00];
	_ =	sdelay $0x4  }
0x35c: {  	v63 =	vand.u32 $0xFFFFFF80, v4  }
0x35d: {  	v4 =	vand.u32 $0x7F, v4;
	v5 =	vadd.s32 v3, v63  }
0x35e: {  	v4 =	vor.u32 v4, v5;
	_ =	sdelay $0x4  }
0x35f: {  	[tilespmem:v4+s15+$0x0] =	vst.idx.add.f32.msk $0xffff, v2  }
0x360: {  	v4 =	vld [tilespmem:s21+$0x0];
	_ =	sdelay $0x1  }
0x361: {  	p0 =	sne.s32 s23, $0x110;
	v3 =	vor.u32 $0x64, v3  }
.Ltmp3:
0x362: {  	_ = 	snop;
	(pc) =	sbr.rel @p0 .LBB2_8-.Ltmp3, $3  }
0x363: {  	_ = 	snop  }
0x364: {  	v4 =	vcvt.s32.f32 v4;
	_ =	sdelay $0x1  }
0x365: {  	s22 =	sadd.s32 $0x80, s22;
	s23 =	sadd.s32 $0x10, s23;
	s21 =	sadd.s32 $0x10, s21;
	[tilespmem:v3+s15+$0x0] =	vst.idx.msk $0xffff, v4  }
0x366: {  	s21 =	simm.s32 $0x0;
	s22 =	simm.s32 $0x900;
	s23 =	simm.s32 $0x120  }
0x367: {  	[hbm4b:s7+s21] =	stream.linear.scatter [tilespmem:s17], [sflag:$0x2], $0x3000, $0x38;
	[tilespmem:$0x11580] =	vst v63  }
.LBB2_10:
0x368: {  	s25 =	sand.u32 $0x3FFFFC00, s22;
	s24 =	sshra.s32 s21, $0x2  }
0x369: {  	s25 =	sadd.s32 s24, s25  }
0x36a: {  	v4 =	vld [tilespmem:s25+$0x1A0];
	_ =	sdelay $0x2  }
0x36b: {  	v3 =	vmov s23  }
0x36c: {  	v3 =	vshll.u32 v3, $0x7  }
0x36d: {  	v3 =	vor.u32 v1, v3;
	v5 =	vand.u32 $0xFFFFFF80, v4  }
0x36e: {  	v4 =	vand.u32 $0x7F, v4;
	v5 =	vadd.s32 v3, v5  }
0x36f: {  	v4 =	vor.u32 v4, v5;
	_ =	sdelay $0x4  }
0x370: {  	[tilespmem:v4+s15+$0x0] =	vst.idx.add.f32.msk $0xffff, v2  }
0x371: {  	v4 =	vld [tilespmem:s25+$0x220];
	_ =	sdelay $0x4  }
0x372: {  	v15 =	vand.u32 $0xFFFFFF80, v4  }
0x373: {  	v4 =	vand.u32 $0x7F, v4;
	v5 =	vadd.s32 v3, v15  }
0x374: {  	v4 =	vor.u32 v4, v5;
	_ =	sdelay $0x4  }
0x375: {  	[tilespmem:v4+s15+$0x0] =	vst.idx.add.f32.msk $0xffff, v2  }
0x376: {  	v4 =	vld [tilespmem:s25+$0x2A0];
	_ =	sdelay $0x4  }
0x377: {  	v16 =	vand.u32 $0xFFFFFF80, v4  }
0x378: {  	v4 =	vand.u32 $0x7F, v4;
	v5 =	vadd.s32 v3, v16  }
0x379: {  	v4 =	vor.u32 v4, v5;
	_ =	sdelay $0x4  }
0x37a: {  	[tilespmem:v4+s15+$0x0] =	vst.idx.add.f32.msk $0xffff, v2  }
0x37b: {  	v4 =	vld [tilespmem:s25+$0x320];
	_ =	sdelay $0x4  }
0x37c: {  	v17 =	vand.u32 $0xFFFFFF80, v4  }
0x37d: {  	v4 =	vand.u32 $0x7F, v4;
	v5 =	vadd.s32 v3, v17  }
0x37e: {  	v4 =	vor.u32 v4, v5;
	_ =	sdelay $0x4  }
0x37f: {  	[tilespmem:v4+s15+$0x0] =	vst.idx.add.f32.msk $0xffff, v2  }
0x380: {  	v4 =	vld [tilespmem:s25+$0x3A0];
	_ =	sdelay $0x4  }
0x381: {  	v18 =	vand.u32 $0xFFFFFF80, v4  }
0x382: {  	v4 =	vand.u32 $0x7F, v4;
	v5 =	vadd.s32 v3, v18  }
0x383: {  	v4 =	vor.u32 v4, v5;
	_ =	sdelay $0x4  }
0x384: {  	[tilespmem:v4+s15+$0x0] =	vst.idx.add.f32.msk $0xffff, v2  }
0x385: {  	v4 =	vld [tilespmem:s25+$0x420];
	_ =	sdelay $0x4  }
0x386: {  	v19 =	vand.u32 $0xFFFFFF80, v4  }
0x387: {  	v4 =	vand.u32 $0x7F, v4;
	v5 =	vadd.s32 v3, v19  }
0x388: {  	v4 =	vor.u32 v4, v5;
	_ =	sdelay $0x4  }
0x389: {  	[tilespmem:v4+s15+$0x0] =	vst.idx.add.f32.msk $0xffff, v2  }
0x38a: {  	v4 =	vld [tilespmem:s25+$0x4A0];
	_ =	sdelay $0x4  }
0x38b: {  	v20 =	vand.u32 $0xFFFFFF80, v4  }
0x38c: {  	v4 =	vand.u32 $0x7F, v4;
	v5 =	vadd.s32 v3, v20  }
0x38d: {  	v4 =	vor.u32 v4, v5;
	_ =	sdelay $0x4  }
0x38e: {  	[tilespmem:v4+s15+$0x0] =	vst.idx.add.f32.msk $0xffff, v2  }
0x38f: {  	v4 =	vld [tilespmem:s25+$0x520];
	_ =	sdelay $0x4  }
0x390: {  	v21 =	vand.u32 $0xFFFFFF80, v4  }
0x391: {  	v4 =	vand.u32 $0x7F, v4;
	v5 =	vadd.s32 v3, v21  }
0x392: {  	v4 =	vor.u32 v4, v5;
	_ =	sdelay $0x4  }
0x393: {  	[tilespmem:v4+s15+$0x0] =	vst.idx.add.f32.msk $0xffff, v2  }
0x394: {  	v4 =	vld [tilespmem:s25+$0xDA0];
	_ =	sdelay $0x4  }
0x395: {  	v22 =	vand.u32 $0xFFFFFF80, v4  }
0x396: {  	v4 =	vand.u32 $0x7F, v4;
	v5 =	vadd.s32 v3, v22  }
0x397: {  	v4 =	vor.u32 v4, v5;
	_ =	sdelay $0x4  }
0x398: {  	[tilespmem:v4+s15+$0x0] =	vst.idx.add.f32.msk $0xffff, v2  }
0x399: {  	v4 =	vld [tilespmem:s25+$0xE20];
	_ =	sdelay $0x4  }
0x39a: {  	v23 =	vand.u32 $0xFFFFFF80, v4  }
0x39b: {  	v4 =	vand.u32 $0x7F, v4;
	v5 =	vadd.s32 v3, v23  }
0x39c: {  	v4 =	vor.u32 v4, v5;
	_ =	sdelay $0x4  }
0x39d: {  	[tilespmem:v4+s15+$0x0] =	vst.idx.add.f32.msk $0xffff, v2  }
0x39e: {  	v4 =	vld [tilespmem:s25+$0xEA0];
	_ =	sdelay $0x4  }
0x39f: {  	v24 =	vand.u32 $0xFFFFFF80, v4  }
0x3a0: {  	v4 =	vand.u32 $0x7F, v4;
	v5 =	vadd.s32 v3, v24  }
0x3a1: {  	v4 =	vor.u32 v4, v5;
	_ =	sdelay $0x4  }
0x3a2: {  	[tilespmem:v4+s15+$0x0] =	vst.idx.add.f32.msk $0xffff, v2  }
0x3a3: {  	v4 =	vld [tilespmem:s25+$0xF20];
	_ =	sdelay $0x4  }
0x3a4: {  	v25 =	vand.u32 $0xFFFFFF80, v4  }
0x3a5: {  	v4 =	vand.u32 $0x7F, v4;
	v5 =	vadd.s32 v3, v25  }
0x3a6: {  	v4 =	vor.u32 v4, v5;
	_ =	sdelay $0x4  }
0x3a7: {  	[tilespmem:v4+s15+$0x0] =	vst.idx.add.f32.msk $0xffff, v2  }
0x3a8: {  	v4 =	vld [tilespmem:s25+$0xFA0];
	_ =	sdelay $0x4  }
0x3a9: {  	v26 =	vand.u32 $0xFFFFFF80, v4  }
0x3aa: {  	v4 =	vand.u32 $0x7F, v4;
	v5 =	vadd.s32 v3, v26  }
0x3ab: {  	v4 =	vor.u32 v4, v5;
	_ =	sdelay $0x4  }
0x3ac: {  	[tilespmem:v4+s15+$0x0] =	vst.idx.add.f32.msk $0xffff, v2  }
0x3ad: {  	v4 =	vld [tilespmem:s25+$0x1020];
	_ =	sdelay $0x4  }
0x3ae: {  	v27 =	vand.u32 $0xFFFFFF80, v4  }
0x3af: {  	v4 =	vand.u32 $0x7F, v4;
	v5 =	vadd.s32 v3, v27  }
0x3b0: {  	v4 =	vor.u32 v4, v5;
	_ =	sdelay $0x4  }
0x3b1: {  	[tilespmem:v4+s15+$0x0] =	vst.idx.add.f32.msk $0xffff, v2  }
0x3b2: {  	v4 =	vld [tilespmem:s25+$0x10A0];
	_ =	sdelay $0x4  }
0x3b3: {  	v28 =	vand.u32 $0xFFFFFF80, v4  }
0x3b4: {  	v4 =	vand.u32 $0x7F, v4;
	v5 =	vadd.s32 v3, v28  }
0x3b5: {  	v4 =	vor.u32 v4, v5;
	_ =	sdelay $0x4  }
0x3b6: {  	[tilespmem:v4+s15+$0x0] =	vst.idx.add.f32.msk $0xffff, v2  }
0x3b7: {  	v4 =	vld [tilespmem:s25+$0x1120];
	_ =	sdelay $0x4  }
0x3b8: {  	v29 =	vand.u32 $0xFFFFFF80, v4  }
0x3b9: {  	v4 =	vand.u32 $0x7F, v4;
	v5 =	vadd.s32 v3, v29  }
0x3ba: {  	v4 =	vor.u32 v4, v5;
	_ =	sdelay $0x4  }
0x3bb: {  	[tilespmem:v4+s15+$0x0] =	vst.idx.add.f32.msk $0xffff, v2  }
0x3bc: {  	v4 =	vld [tilespmem:s25+$0x19A0];
	_ =	sdelay $0x4  }
0x3bd: {  	v30 =	vand.u32 $0xFFFFFF80, v4  }
0x3be: {  	v4 =	vand.u32 $0x7F, v4;
	v5 =	vadd.s32 v3, v30  }
0x3bf: {  	v4 =	vor.u32 v4, v5;
	_ =	sdelay $0x4  }
0x3c0: {  	[tilespmem:v4+s15+$0x0] =	vst.idx.add.f32.msk $0xffff, v2  }
0x3c1: {  	v4 =	vld [tilespmem:s25+$0x1A20];
	_ =	sdelay $0x4  }
0x3c2: {  	v31 =	vand.u32 $0xFFFFFF80, v4  }
0x3c3: {  	v4 =	vand.u32 $0x7F, v4;
	v5 =	vadd.s32 v3, v31  }
0x3c4: {  	v4 =	vor.u32 v4, v5;
	_ =	sdelay $0x4  }
0x3c5: {  	[tilespmem:v4+s15+$0x0] =	vst.idx.add.f32.msk $0xffff, v2  }
0x3c6: {  	v4 =	vld [tilespmem:s25+$0x1AA0];
	_ =	sdelay $0x4  }
0x3c7: {  	v32 =	vand.u32 $0xFFFFFF80, v4  }
0x3c8: {  	v4 =	vand.u32 $0x7F, v4;
	v5 =	vadd.s32 v3, v32  }
0x3c9: {  	v4 =	vor.u32 v4, v5;
	_ =	sdelay $0x4  }
0x3ca: {  	[tilespmem:v4+s15+$0x0] =	vst.idx.add.f32.msk $0xffff, v2  }
0x3cb: {  	v4 =	vld [tilespmem:s25+$0x1B20];
	_ =	sdelay $0x4  }
0x3cc: {  	v33 =	vand.u32 $0xFFFFFF80, v4  }
0x3cd: {  	v4 =	vand.u32 $0x7F, v4;
	v5 =	vadd.s32 v3, v33  }
0x3ce: {  	v4 =	vor.u32 v4, v5;
	_ =	sdelay $0x4  }
0x3cf: {  	[tilespmem:v4+s15+$0x0] =	vst.idx.add.f32.msk $0xffff, v2  }
0x3d0: {  	v4 =	vld [tilespmem:s25+$0x1BA0];
	_ =	sdelay $0x4  }
0x3d1: {  	v34 =	vand.u32 $0xFFFFFF80, v4  }
0x3d2: {  	v4 =	vand.u32 $0x7F, v4;
	v5 =	vadd.s32 v3, v34  }
0x3d3: {  	v4 =	vor.u32 v4, v5;
	_ =	sdelay $0x4  }
0x3d4: {  	[tilespmem:v4+s15+$0x0] =	vst.idx.add.f32.msk $0xffff, v2  }
0x3d5: {  	v4 =	vld [tilespmem:s25+$0x1C20];
	_ =	sdelay $0x4  }
0x3d6: {  	v35 =	vand.u32 $0xFFFFFF80, v4  }
0x3d7: {  	v4 =	vand.u32 $0x7F, v4;
	v5 =	vadd.s32 v3, v35  }
0x3d8: {  	v4 =	vor.u32 v4, v5;
	_ =	sdelay $0x4  }
0x3d9: {  	[tilespmem:v4+s15+$0x0] =	vst.idx.add.f32.msk $0xffff, v2  }
0x3da: {  	v4 =	vld [tilespmem:s25+$0x1CA0];
	_ =	sdelay $0x4  }
0x3db: {  	v36 =	vand.u32 $0xFFFFFF80, v4  }
0x3dc: {  	v4 =	vand.u32 $0x7F, v4;
	v5 =	vadd.s32 v3, v36  }
0x3dd: {  	v4 =	vor.u32 v4, v5;
	_ =	sdelay $0x4  }
0x3de: {  	[tilespmem:v4+s15+$0x0] =	vst.idx.add.f32.msk $0xffff, v2  }
0x3df: {  	v4 =	vld [tilespmem:s25+$0x1D20];
	_ =	sdelay $0x4  }
0x3e0: {  	v37 =	vand.u32 $0xFFFFFF80, v4  }
0x3e1: {  	v4 =	vand.u32 $0x7F, v4;
	v5 =	vadd.s32 v3, v37  }
0x3e2: {  	v4 =	vor.u32 v4, v5;
	_ =	sdelay $0x4  }
0x3e3: {  	[tilespmem:v4+s15+$0x0] =	vst.idx.add.f32.msk $0xffff, v2  }
0x3e4: {  	v4 =	vld [tilespmem:s25+$0x25A0];
	_ =	sdelay $0x4  }
0x3e5: {  	v38 =	vand.u32 $0xFFFFFF80, v4  }
0x3e6: {  	v4 =	vand.u32 $0x7F, v4;
	v5 =	vadd.s32 v3, v38  }
0x3e7: {  	v4 =	vor.u32 v4, v5;
	_ =	sdelay $0x4  }
0x3e8: {  	[tilespmem:v4+s15+$0x0] =	vst.idx.add.f32.msk $0xffff, v2  }
0x3e9: {  	v4 =	vld [tilespmem:s25+$0x2620];
	_ =	sdelay $0x4  }
0x3ea: {  	v39 =	vand.u32 $0xFFFFFF80, v4  }
0x3eb: {  	v4 =	vand.u32 $0x7F, v4;
	v5 =	vadd.s32 v3, v39  }
0x3ec: {  	v4 =	vor.u32 v4, v5;
	_ =	sdelay $0x4  }
0x3ed: {  	[tilespmem:v4+s15+$0x0] =	vst.idx.add.f32.msk $0xffff, v2  }
0x3ee: {  	v4 =	vld [tilespmem:s25+$0x26A0];
	_ =	sdelay $0x4  }
0x3ef: {  	v40 =	vand.u32 $0xFFFFFF80, v4  }
0x3f0: {  	v4 =	vand.u32 $0x7F, v4;
	v5 =	vadd.s32 v3, v40  }
0x3f1: {  	v4 =	vor.u32 v4, v5;
	_ =	sdelay $0x4  }
0x3f2: {  	[tilespmem:v4+s15+$0x0] =	vst.idx.add.f32.msk $0xffff, v2  }
0x3f3: {  	v4 =	vld [tilespmem:s25+$0x2720];
	_ =	sdelay $0x4  }
0x3f4: {  	v41 =	vand.u32 $0xFFFFFF80, v4  }
0x3f5: {  	v4 =	vand.u32 $0x7F, v4;
	v5 =	vadd.s32 v3, v41  }
0x3f6: {  	v4 =	vor.u32 v4, v5;
	_ =	sdelay $0x4  }
0x3f7: {  	[tilespmem:v4+s15+$0x0] =	vst.idx.add.f32.msk $0xffff, v2  }
0x3f8: {  	v4 =	vld [tilespmem:s25+$0x27A0];
	_ =	sdelay $0x4  }
0x3f9: {  	v42 =	vand.u32 $0xFFFFFF80, v4  }
0x3fa: {  	v4 =	vand.u32 $0x7F, v4;
	v5 =	vadd.s32 v3, v42  }
0x3fb: {  	v4 =	vor.u32 v4, v5;
	_ =	sdelay $0x4  }
0x3fc: {  	[tilespmem:v4+s15+$0x0] =	vst.idx.add.f32.msk $0xffff, v2  }
0x3fd: {  	v4 =	vld [tilespmem:s25+$0x2820];
	_ =	sdelay $0x4  }
0x3fe: {  	v43 =	vand.u32 $0xFFFFFF80, v4  }
0x3ff: {  	v4 =	vand.u32 $0x7F, v4;
	v5 =	vadd.s32 v3, v43  }
0x400: {  	v4 =	vor.u32 v4, v5;
	_ =	sdelay $0x4  }
0x401: {  	[tilespmem:v4+s15+$0x0] =	vst.idx.add.f32.msk $0xffff, v2  }
0x402: {  	v4 =	vld [tilespmem:s25+$0x28A0];
	_ =	sdelay $0x4  }
0x403: {  	v44 =	vand.u32 $0xFFFFFF80, v4  }
0x404: {  	v4 =	vand.u32 $0x7F, v4;
	v5 =	vadd.s32 v3, v44  }
0x405: {  	v4 =	vor.u32 v4, v5;
	_ =	sdelay $0x4  }
0x406: {  	[tilespmem:v4+s15+$0x0] =	vst.idx.add.f32.msk $0xffff, v2  }
0x407: {  	v4 =	vld [tilespmem:s25+$0x2920];
	_ =	sdelay $0x4  }
0x408: {  	v45 =	vand.u32 $0xFFFFFF80, v4  }
0x409: {  	v4 =	vand.u32 $0x7F, v4;
	v5 =	vadd.s32 v3, v45  }
0x40a: {  	v4 =	vor.u32 v4, v5;
	_ =	sdelay $0x4  }
0x40b: {  	[tilespmem:v4+s15+$0x0] =	vst.idx.add.f32.msk $0xffff, v2  }
0x40c: {  	v4 =	vld [tilespmem:s25+$0x31A0];
	_ =	sdelay $0x4  }
0x40d: {  	v46 =	vand.u32 $0xFFFFFF80, v4  }
0x40e: {  	v4 =	vand.u32 $0x7F, v4;
	v5 =	vadd.s32 v3, v46  }
0x40f: {  	v4 =	vor.u32 v4, v5;
	_ =	sdelay $0x4  }
0x410: {  	[tilespmem:v4+s15+$0x0] =	vst.idx.add.f32.msk $0xffff, v2  }
0x411: {  	v4 =	vld [tilespmem:s25+$0x3220];
	_ =	sdelay $0x4  }
0x412: {  	v47 =	vand.u32 $0xFFFFFF80, v4  }
0x413: {  	v4 =	vand.u32 $0x7F, v4;
	v5 =	vadd.s32 v3, v47  }
0x414: {  	v4 =	vor.u32 v4, v5;
	_ =	sdelay $0x4  }
0x415: {  	[tilespmem:v4+s15+$0x0] =	vst.idx.add.f32.msk $0xffff, v2  }
0x416: {  	v4 =	vld [tilespmem:s25+$0x32A0];
	_ =	sdelay $0x4  }
0x417: {  	v48 =	vand.u32 $0xFFFFFF80, v4  }
0x418: {  	v4 =	vand.u32 $0x7F, v4;
	v5 =	vadd.s32 v3, v48  }
0x419: {  	v4 =	vor.u32 v4, v5;
	_ =	sdelay $0x4  }
0x41a: {  	[tilespmem:v4+s15+$0x0] =	vst.idx.add.f32.msk $0xffff, v2  }
0x41b: {  	v4 =	vld [tilespmem:s25+$0x3320];
	_ =	sdelay $0x4  }
0x41c: {  	v49 =	vand.u32 $0xFFFFFF80, v4  }
0x41d: {  	v4 =	vand.u32 $0x7F, v4;
	v5 =	vadd.s32 v3, v49  }
0x41e: {  	v4 =	vor.u32 v4, v5;
	_ =	sdelay $0x4  }
0x41f: {  	[tilespmem:v4+s15+$0x0] =	vst.idx.add.f32.msk $0xffff, v2  }
0x420: {  	v4 =	vld [tilespmem:s25+$0x33A0];
	_ =	sdelay $0x4  }
0x421: {  	v50 =	vand.u32 $0xFFFFFF80, v4  }
0x422: {  	v4 =	vand.u32 $0x7F, v4;
	v5 =	vadd.s32 v3, v50  }
0x423: {  	v4 =	vor.u32 v4, v5;
	_ =	sdelay $0x4  }
0x424: {  	[tilespmem:v4+s15+$0x0] =	vst.idx.add.f32.msk $0xffff, v2  }
0x425: {  	v4 =	vld [tilespmem:s25+$0x3420];
	_ =	sdelay $0x4  }
0x426: {  	v51 =	vand.u32 $0xFFFFFF80, v4  }
0x427: {  	v4 =	vand.u32 $0x7F, v4;
	v5 =	vadd.s32 v3, v51  }
0x428: {  	v4 =	vor.u32 v4, v5;
	_ =	sdelay $0x4  }
0x429: {  	[tilespmem:v4+s15+$0x0] =	vst.idx.add.f32.msk $0xffff, v2  }
0x42a: {  	v4 =	vld [tilespmem:s25+$0x34A0];
	_ =	sdelay $0x4  }
0x42b: {  	v52 =	vand.u32 $0xFFFFFF80, v4  }
0x42c: {  	v4 =	vand.u32 $0x7F, v4;
	v5 =	vadd.s32 v3, v52  }
0x42d: {  	v4 =	vor.u32 v4, v5;
	_ =	sdelay $0x4  }
0x42e: {  	[tilespmem:v4+s15+$0x0] =	vst.idx.add.f32.msk $0xffff, v2  }
0x42f: {  	v4 =	vld [tilespmem:s25+$0x3520];
	_ =	sdelay $0x4  }
0x430: {  	v53 =	vand.u32 $0xFFFFFF80, v4  }
0x431: {  	v4 =	vand.u32 $0x7F, v4;
	v5 =	vadd.s32 v3, v53  }
0x432: {  	v4 =	vor.u32 v4, v5;
	_ =	sdelay $0x4  }
0x433: {  	[tilespmem:v4+s15+$0x0] =	vst.idx.add.f32.msk $0xffff, v2  }
0x434: {  	v4 =	vld [tilespmem:s25+$0x3DA0];
	_ =	sdelay $0x4  }
0x435: {  	v54 =	vand.u32 $0xFFFFFF80, v4  }
0x436: {  	v4 =	vand.u32 $0x7F, v4;
	v5 =	vadd.s32 v3, v54  }
0x437: {  	v4 =	vor.u32 v4, v5;
	_ =	sdelay $0x4  }
0x438: {  	[tilespmem:v4+s15+$0x0] =	vst.idx.add.f32.msk $0xffff, v2  }
0x439: {  	v4 =	vld [tilespmem:s25+$0x3E20];
	_ =	sdelay $0x4  }
0x43a: {  	v55 =	vand.u32 $0xFFFFFF80, v4  }
0x43b: {  	v4 =	vand.u32 $0x7F, v4;
	v5 =	vadd.s32 v3, v55  }
0x43c: {  	v4 =	vor.u32 v4, v5;
	_ =	sdelay $0x4  }
0x43d: {  	[tilespmem:v4+s15+$0x0] =	vst.idx.add.f32.msk $0xffff, v2  }
0x43e: {  	v4 =	vld [tilespmem:s25+$0x3EA0];
	_ =	sdelay $0x4  }
0x43f: {  	v56 =	vand.u32 $0xFFFFFF80, v4  }
0x440: {  	v4 =	vand.u32 $0x7F, v4;
	v5 =	vadd.s32 v3, v56  }
0x441: {  	v4 =	vor.u32 v4, v5;
	_ =	sdelay $0x4  }
0x442: {  	[tilespmem:v4+s15+$0x0] =	vst.idx.add.f32.msk $0xffff, v2  }
0x443: {  	v4 =	vld [tilespmem:s25+$0x3F20];
	_ =	sdelay $0x4  }
0x444: {  	v57 =	vand.u32 $0xFFFFFF80, v4  }
0x445: {  	v4 =	vand.u32 $0x7F, v4;
	v5 =	vadd.s32 v3, v57  }
0x446: {  	v4 =	vor.u32 v4, v5;
	_ =	sdelay $0x4  }
0x447: {  	[tilespmem:v4+s15+$0x0] =	vst.idx.add.f32.msk $0xffff, v2  }
0x448: {  	v4 =	vld [tilespmem:s25+$0x3FA0];
	_ =	sdelay $0x4  }
0x449: {  	v58 =	vand.u32 $0xFFFFFF80, v4  }
0x44a: {  	v4 =	vand.u32 $0x7F, v4;
	v5 =	vadd.s32 v3, v58  }
0x44b: {  	v4 =	vor.u32 v4, v5;
	_ =	sdelay $0x4  }
0x44c: {  	[tilespmem:v4+s15+$0x0] =	vst.idx.add.f32.msk $0xffff, v2  }
0x44d: {  	v4 =	vld [tilespmem:s25+$0x4020];
	_ =	sdelay $0x4  }
0x44e: {  	v59 =	vand.u32 $0xFFFFFF80, v4  }
0x44f: {  	v4 =	vand.u32 $0x7F, v4;
	v5 =	vadd.s32 v3, v59  }
0x450: {  	v4 =	vor.u32 v4, v5;
	_ =	sdelay $0x4  }
0x451: {  	[tilespmem:v4+s15+$0x0] =	vst.idx.add.f32.msk $0xffff, v2  }
0x452: {  	v4 =	vld [tilespmem:s25+$0x40A0];
	_ =	sdelay $0x4  }
0x453: {  	v60 =	vand.u32 $0xFFFFFF80, v4  }
0x454: {  	v4 =	vand.u32 $0x7F, v4;
	v5 =	vadd.s32 v3, v60  }
0x455: {  	v4 =	vor.u32 v4, v5;
	_ =	sdelay $0x4  }
0x456: {  	[tilespmem:v4+s15+$0x0] =	vst.idx.add.f32.msk $0xffff, v2  }
0x457: {  	v4 =	vld [tilespmem:s25+$0x4120];
	_ =	sdelay $0x4  }
0x458: {  	v61 =	vand.u32 $0xFFFFFF80, v4  }
0x459: {  	v4 =	vand.u32 $0x7F, v4;
	v5 =	vadd.s32 v3, v61  }
0x45a: {  	v4 =	vor.u32 v4, v5;
	_ =	sdelay $0x4  }
0x45b: {  	[tilespmem:v4+s15+$0x0] =	vst.idx.add.f32.msk $0xffff, v2  }
0x45c: {  	v4 =	vld [tilespmem:s25+$0x49A0];
	_ =	sdelay $0x4  }
0x45d: {  	v62 =	vand.u32 $0xFFFFFF80, v4  }
0x45e: {  	v4 =	vand.u32 $0x7F, v4;
	v5 =	vadd.s32 v3, v62  }
0x45f: {  	v4 =	vor.u32 v4, v5;
	_ =	sdelay $0x4  }
0x460: {  	[tilespmem:v4+s15+$0x0] =	vst.idx.add.f32.msk $0xffff, v2  }
0x461: {  	v4 =	vld [tilespmem:s25+$0x4A20];
	_ =	sdelay $0x4  }
0x462: {  	v63 =	vand.u32 $0xFFFFFF80, v4  }
0x463: {  	v4 =	vand.u32 $0x7F, v4;
	v5 =	vadd.s32 v3, v63  }
0x464: {  	v4 =	vor.u32 v4, v5;
	_ =	sdelay $0x4  }
0x465: {  	[tilespmem:v4+s15+$0x0] =	vst.idx.add.f32.msk $0xffff, v2  }
0x466: {  	v4 =	vld [tilespmem:s24+$0x120];
	_ =	sdelay $0x1  }
0x467: {  	p0 =	sne.s32 s21, $0x140;
	v3 =	vor.u32 $0x64, v3  }
.Ltmp4:
0x468: {  	_ = 	snop;
	(pc) =	sbr.rel @p0 .LBB2_10-.Ltmp4, $3  }
0x469: {  	_ = 	snop  }
0x46a: {  	v4 =	vcvt.s32.f32 v4;
	_ =	sdelay $0x1  }
0x46b: {  	s22 =	sadd.s32 $0x80, s22;
	s23 =	sadd.s32 $0x10, s23;
	s21 =	sadd.s32 $0x40, s21;
	[tilespmem:v3+s15+$0x0] =	vst.idx.msk $0xffff, v4  }
0x46c: {  	[hbm4b:s8+s2] =	stream.linear.scatter [tilespmem:s18], [sflag:$0x2], $0x3000, $0x38;
	[tilespmem:$0x11580] =	vst v63  }
0x46d: {  	_ =	swait.ge [sflag:s19], $0x3000  }
0x46e: {  	[sflag:s19] =	ssyncset.done $0x0  }
0x46f: {  	[sflag:s19] =	ssyncadd.s32 $0xFFFFD000  }
0x470: {  	_ =	swait.ge [sflag:s19], $0x3000  }
0x471: {  	[sflag:s19] =	ssyncset.done $0x0  }
0x472: {  	s20 =	sadd.s32 $0x1, s20;
	[sflag:s19] =	ssyncadd.s32 $0xFFFFD000  }
0x473: {  	p0 =	sne.s32 s20, s9;
	_ =	swait.ge [sflag:s19], $0x3000  }
.Ltmp5:
0x474: {  	[sflag:s19] =	ssyncset.done $0x0;
	(pc) =	sbr.rel @p0 .LBB2_1-.Ltmp5, $4  }
0x475: {  	[sflag:s19] =	ssyncadd.s32 $0xFFFFD000  }
0x476: {  	_ =	swait.ge [sflag:s19], $0x3000  }
0x477: {  	[sflag:s19] =	ssyncset.done $0x0  }
0x478: {  	[sflag:s19] =	ssyncadd.s32 $0xFFFFD000  }
0x479: {  	_ =	sfence.sel $0x180000  }
0x47a: {  	[bflag:$0x0] =	sbarrier.arrive $0xFFFF  }
0x47b: {  	p0 =	sne.s32 s0, $0x0;
	_ =	strace $0x90000047  }
0x47c: {  	s0 =	sadd.s32 @!p0 $0x100000, s1;
	[bflag:$0x2] =	sbarrier.arrive $0xFFFF  }
0x47d: {  	[sflag:s0] =	ssyncadd.tile.s32 @!p0 $0x1;
	_ =	shalt  }
.Lfunc_end2:
_tile_overlayer_lowered:
.L_overlay_start_2:
0x47e: {  	(tag) =	ssettag $0x2  }
0x47f: {  	s0 =	rddreg [dreg:$0x0];
	s2 =	stileid.u32  }
0x480: {  	s1 =	rddreg [dreg:$0x1];
	p0 =	sne.s32 s2, $0x0  }
0x481: {  	s3 =	rddreg [dreg:$0x2];
	[bflag:$0x3] =	sbarrier.arrive $0xFFFF;
	s2 =	simm.s32 @!p0 $0x1C03  }
0x482: {  	[timem:s3], [sflag:s2] =	dma.local @!p0 [hbm:s0], s1  }
0x483: {  	s0 =	simm.s32 @!p0 $0x3  }
0x484: {  	_ =	swait.ge @!p0 [sflag:s0], s1  }
0x485: {  	s1 =	ssub.s32 @!p0 $0x0, s1;
	[sflag:s0] =	ssyncset.done @!p0 $0x0  }
0x486: {  	[sflag:s0] =	ssyncadd.s32 @!p0 s1  }
0x487: {  	[bflag:$0x3] =	sbarrier.arrive $0xFFFF  }
0x488: {  	_ =	shalt  }

// kernel: kernel.9.cloned.1.call-start
scs
__scs_entry_jumppad:
0x0: {  	(pc) =	sbr.rel $0x88, $3  }
0x1: {  	(tag) =	ssettag $0x0;
	lr =	simm.s32 $0x1  }
0x2: {  	[smem:$0x3F9D] =	sst lr;
	_ =	strace $0xD0000000  }
0x3: {  	_ = 	snop  }
0x4: {  	_ = 	snop  }
0x5: {  	_ = 	snop  }
0x6: {  	_ = 	snop  }
0x7: {  	_ = 	snop  }
__scs_overlays_trampoline_lowered:
0x8: {  	[smem:$0x3FAC] =	sst s0  }
0x9: {  	[smem:$0x3FAD] =	sst s1  }
0xa: {  	[smem:$0x3FAE] =	sst s2  }
0xb: {  	[smem:$0x3FAF] =	sst s3  }
0xc: {  	[smem:$0x3FB0] =	sst s4  }
0xd: {  	[smem:$0x3FB1] =	sst s5  }
0xe: {  	[smem:$0x3FB2] =	sst s6  }
0xf: {  	[smem:$0x3FB3] =	sst s7  }
0x10: {  	[smem:$0x3FB4] =	sst s8  }
0x11: {  	[smem:$0x3FB5] =	sst s9;
	s0 =	simm.s32 @!p0 $0x0  }
0x12: {  	s1 =	sld [smem:$0x3F9B];
	s0 =	simm.s32 @p0 $0x1  }
0x13: {  	[smem:$0x3FB6] =	sst s0;
	s0 =	simm.s32 @!p1 $0x0  }
0x14: {  	s2 =	sld [smem:$0x3F9A];
	s0 =	simm.s32 @p1 $0x1  }
0x15: {  	[smem:$0x3FB7] =	sst s0;
	s0 =	simm.s32 @!p2 $0x0  }
0x16: {  	s3 =	sld [smem:$0x3FDB];
	s0 =	simm.s32 @p2 $0x1  }
0x17: {  	s4 =	simm.s32 $0x1BF5;
	[smem:$0x3FB9] =	sst s0  }
0x18: {  	s0 =	sld [smem:$0x3F9C];
	_ =	swait.ge [sflag:s4], $0x0  }
0x19: {  	s7 =	sld [smem:$0x3F9D]  }
0x1a: {  	s8 =	sadd.s32 $0xFFFFE003, lr  }
0x1b: {  	s9 =	sadd.s32 $0xFFFFFEF7, lr;
	s5 =	simm.s32 $0xFFFFFFFF;
	p2 =	slt.u32 s8, $0xFFFFF086  }
0x1c: {  	p1 =	slt.u32 s9, $0xF7A;
	s5 =	simm.s32 @!p2 $0x0  }
0x1d: {  	s5 =	simm.s32 @p1 $0x1;
	p0 =	seq.s32 s7, s2  }
0x1e: {  	s7 =	smul.u32 @!p0 $0xF7A, s2;
	p2 =	seq.s32 @!p0 s5, $0x0  }
0x1f: {  	s9 =	smul.u32 $0xF7A, s1;
	s8 =	simm.s32 @!p0 $0x1BF5;
	p2 =	por !p2, p0  }
0x20: {  	[sflag:s8] =	ssyncset.s32 @!p0 $0xFFFFF086;
	s6 =	sadd.s32 @!p0 s3, s7;
	s7 =	simm.s32 @!p0 $0x108  }
0x21: {  	s3 =	sadd.s32 s3, s9;
	s6 =	sadd.s32 @!p0 $0x88, s6;
	s7 =	simm.s32 @p2 $0x1082  }
0x22: {  	[simem:s7], [sflag:s8] =	dma.local @!p0 [hbm:s6], $0xF7A  }
0x23: {  	s9 =	sor.u32 $0xD0000000, s2;
	s6 =	simm.s32 $0x108;
	_ =	swait.ge @!p0 [sflag:s8], $0x0  }
0x24: {  	s3 =	sadd.s32 $0x88, s3;
	s6 =	simm.s32 @!p1 $0x1082;
	[sflag:s4] =	ssyncset.s32 $0xFFFFF086  }
0x25: {  	[simem:s6], [sflag:s4] =	dma.local [hbm:s3], $0xF7A  }
0x26: {  	[smem:$0x3F9D] =	sst s1;
	(tag) =	ssettag s2;
	_ =	strace s9  }
0x27: {  	s1 =	sld [smem:$0x3FAD]  }
0x28: {  	s2 =	sld [smem:$0x3FAE]  }
0x29: {  	s4 =	sld [smem:$0x3FB0]  }
0x2a: {  	p0 =	seq.s32 s5, $0x0;
	s5 =	sld [smem:$0x3FB1]  }
0x2b: {  	s6 =	sld [smem:$0x3FB2]  }
0x2c: {  	s7 =	sld [smem:$0x3FB3]  }
0x2d: {  	s3 =	simm.s32 $0x108;
	s8 =	sld [smem:$0x3FB4]  }
0x2e: {  	s3 =	simm.s32 @!p0 $0x1082;
	s9 =	sld [smem:$0x3FB5]  }
0x2f: {  	lr =	sadd.s32 s0, s3;
	s0 =	sld [smem:$0x3FAC]  }
0x30: {  	s3 =	sld [smem:$0x3FAF]  }
0x31: {  	[smem:$0x3FB8] =	sst s10  }
0x32: {  	s10 =	sld [smem:$0x3FB6];
	_ =	sdelay $0x3  }
0x33: {  	p0 =	seq.s32 s10, $0x1;
	s10 =	sld [smem:$0x3FB8];
	_ =	sdelay $0x3  }
0x34: {  	[smem:$0x3FB8] =	sst s10  }
0x35: {  	s10 =	sld [smem:$0x3FB7];
	_ =	sdelay $0x3  }
0x36: {  	p1 =	seq.s32 s10, $0x1;
	s10 =	sld [smem:$0x3FB8];
	_ =	sdelay $0x3  }
0x37: {  	[smem:$0x3FB8] =	sst s10  }
0x38: {  	s10 =	sld [smem:$0x3FB9]  }
0x39: {  	_ = 	snop;
	(pc) =	sbr.ind lr, $3  }
0x3a: {  	_ = 	snop  }
0x3b: {  	_ = 	snop  }
0x3c: {  	p2 =	seq.s32 s10, $0x1;
	s10 =	sld [smem:$0x3FB8]  }
0x3d: {  	_ =	shalt  }
0x3e: {  	_ =	shalt  }
0x3f: {  	_ =	shalt  }
0x40: {  	_ =	shalt  }
0x41: {  	_ =	shalt  }
0x42: {  	_ =	shalt  }
0x43: {  	_ =	shalt  }
0x44: {  	_ =	shalt  }
0x45: {  	_ =	shalt  }
0x46: {  	_ =	shalt  }
0x47: {  	_ =	shalt  }
0x48: {  	_ =	shalt  }
0x49: {  	_ =	shalt  }
0x4a: {  	_ =	shalt  }
0x4b: {  	_ =	shalt  }
0x4c: {  	_ =	shalt  }
0x4d: {  	_ =	shalt  }
0x4e: {  	_ =	shalt  }
0x4f: {  	_ =	shalt  }
0x50: {  	_ =	shalt  }
0x51: {  	_ =	shalt  }
0x52: {  	_ =	shalt  }
0x53: {  	_ =	shalt  }
0x54: {  	_ =	shalt  }
0x55: {  	_ =	shalt  }
0x56: {  	_ =	shalt  }
0x57: {  	_ =	shalt  }
0x58: {  	_ =	shalt  }
0x59: {  	_ =	shalt  }
0x5a: {  	_ =	shalt  }
0x5b: {  	_ =	shalt  }
0x5c: {  	_ =	shalt  }
0x5d: {  	_ =	shalt  }
0x5e: {  	_ =	shalt  }
0x5f: {  	_ =	shalt  }
0x60: {  	_ =	shalt  }
0x61: {  	_ =	shalt  }
0x62: {  	_ =	shalt  }
0x63: {  	_ =	shalt  }
0x64: {  	_ =	shalt  }
0x65: {  	_ =	shalt  }
0x66: {  	_ =	shalt  }
0x67: {  	_ =	shalt  }
0x68: {  	_ =	shalt  }
0x69: {  	_ =	shalt  }
0x6a: {  	_ =	shalt  }
0x6b: {  	_ =	shalt  }
0x6c: {  	_ =	shalt  }
0x6d: {  	_ =	shalt  }
0x6e: {  	_ =	shalt  }
0x6f: {  	_ =	shalt  }
0x70: {  	_ =	shalt  }
0x71: {  	_ =	shalt  }
0x72: {  	_ =	shalt  }
0x73: {  	_ =	shalt  }
0x74: {  	_ =	shalt  }
0x75: {  	_ =	shalt  }
0x76: {  	_ =	shalt  }
0x77: {  	_ =	shalt  }
0x78: {  	_ =	shalt  }
0x79: {  	_ =	shalt  }
0x7a: {  	_ =	shalt  }
0x7b: {  	_ =	shalt  }
0x7c: {  	_ =	shalt  }
0x7d: {  	_ =	shalt  }
0x7e: {  	_ =	shalt  }
0x7f: {  	_ =	shalt  }
0x80: {  	_ =	shalt  }
0x81: {  	_ =	shalt  }
0x82: {  	_ =	shalt  }
0x83: {  	_ =	shalt  }
0x84: {  	_ =	shalt  }
0x85: {  	_ =	shalt  }
0x86: {  	_ =	shalt  }
0x87: {  	_ =	shalt  }
.Lfunc_end0:
.L_simem_size_0:
called_computation.1_lowered:
.L_overlay_start_0:
0x88: {  	s2 =	sld [smem:$0x3FD9]  }
0x89: {  	s3 =	sld [smem:$0x3FFE];
	_ =	sdelay $0x1  }
0x8a: {  	s1 =	srdreg.scid  }
0x8b: {  	s0 =	sand.u32 $0x1, s1  }
0x8c: {  	s17 =	sshll.u32 s0, $0xA;
	s2 =	sadd.s32 s3, s2  }
0x8d: {  	s2 =	sadd.s32 s2, s17  }
0x8e: {  	[smem:$0x3FC4] =	sst s2  }
0x8f: {  	_ = 	snop  }
0x90: {  	s18 =	sld [smem:$0x3FC9]  }
0x91: {  	s4 =	sld [smem:$0x3FC8];
	(tm) =	ssettm $0x1  }
0x92: {  	s19 =	sld [smem:$0x3FFB];
	_ =	sdelay $0x3  }
0x93: {  	_ =	strace s19  }
0x94: {  	s2 =	sld [smem:$0x3FFC];
	_ =	sdelay $0x3  }
0x95: {  	_ =	strace s2  }
0x96: {  	s2 =	sld [smem:$0x3FFD];
	_ =	sdelay $0x3  }
0x97: {  	_ =	strace s2  }
0x98: {  	_ =	strace $0x8FFFFFFF  }
0x99: {  	s20 =	sld [smem:$0x3FDB];
	_ =	sdelay $0x1  }
0x9a: {  	s5 =	simm.s32 $_scs_section_size  }
0x9b: {  	s6 =	simm.s32 $_size__tile_overlayer_lowered;
	s7 =	simm.s32 $_tile_overlayer_lowered  }
0x9c: {  	s8 =	simm.s32 $0x1BFF;
	s21 =	sshll.u32 s7, $0x1;
	s5 =	sadd.s32 s5, s20  }
0x9d: {  	s22 =	simm.s32 $0x0;
	s6 =	sshll.u32 s6, $0x1;
	s7 =	sadd.s32 s21, s5  }
0x9e: {  	[timem:s22], [sflag:s8] =	dma.local [hbm:s7], s6  }
0x9f: {  	_ =	swait.ge [sflag:s8], s6  }
0xa0: {  	s6 =	ssub.s32 $0x0, s6;
	[sflag:s8] =	ssyncset.done $0x0  }
0xa1: {  	[sflag:s8] =	ssyncadd.s32 s6;
	_ =	sdelay $0x1  }
0xa2: {  	s23 =	simm.s32 $0x1B8B  }
0xa3: {  	_ =	swait.ge [sflag:s23], $0x1  }
0xa4: {  	[sflag:s23] =	ssyncset.done $0x0  }
0xa5: {  	[sflag:s23] =	ssyncadd.s32 $0xFFFFFFFF  }
0xa6: {  	s6 =	sld [smem:$0x0]  }
0xa7: {  	s7 =	sand.u32 $0xFFFFFFFE, s1  }
0xa8: {  	p0 =	sne.s32 s1, s7  }
0xa9: {  	s7 =	sshll.u32 @p0 s7, $0xE  }
0xaa: {  	s7 =	sadd.s32 @p0 $0x11B8D, s7;
	s8 =	sshll.u32 @p0 s6, $0x11  }
0xab: {  	s7 =	sor.u32 @p0 s8, s7  }
0xac: {  	[sflag:s7] =	ssyncadd.remote.s32 @p0 $0x1;
	_ =	sdelay $0x1  }
0xad: {  	s7 =	simm.s32 @p0 $0x1B8D  }
0xae: {  	_ =	swait.eq @p0 [sflag:s7], $0x1  }
0xaf: {  	[sflag:s7] =	ssyncadd.s32 @p0 $0xFFFFFFFF  }
0xb0: {  	s8 =	sshll.u32 @!p0 s1, $0xE  }
0xb1: {  	s8 =	sor.u32 @!p0 $0x4000, s8;
	s7 =	simm.s32 @!p0 $0x1B8D  }
0xb2: {  	s6 =	sshll.u32 @!p0 s6, $0x11;
	s8 =	sadd.s32 @!p0 $0x11B8D, s8;
	_ =	swait.eq @!p0 [sflag:s7], $0x1  }
0xb3: {  	s6 =	sor.u32 @!p0 s6, s8;
	[sflag:s7] =	ssyncadd.s32 @!p0 $0xFFFFFFFF  }
0xb4: {  	s25 =	simm.s32 $0x1B8E;
	s24 =	sld [smem:$0x3FFE];
	[sflag:s6] =	ssyncadd.remote.s32 @!p0 $0x1  }
0xb5: {  	s26 =	simm.s32 $execute0_lowered;
	[smem:$0x3FD2] =	sst s25  }
0xb6: {  	s7 =	sshll.u32 s26, $0x1;
	_ =	strace $0x80000049;
	[dreg:$0x1] =	wrdreg $0xFFFFFFFF  }
0xb7: {  	s28 =	simm.s32 $_size_execute0_lowered;
	s5 =	sadd.s32 s5, s7;
	[dreg:$0x0] =	wrdreg $0x0  }
0xb8: {  	s7 =	sshll.u32 s28, $0x1;
	[dreg:$0x2] =	wrdreg s5  }
0xb9: {  	[dreg:$0x3] =	wrdreg s7  }
0xba: {  	[dreg:$0x4] =	wrdreg $0xC0  }
0xbb: {  	_ =	task [dreg:s22], $0x5FFFF  }
0xbc: {  	[dreg:$0x1] =	wrdreg $0xFFFFFFFF  }
0xbd: {  	[dreg:$0x0] =	wrdreg $0x60  }
0xbe: {  	[dreg:$0x2] =	wrdreg s18  }
0xbf: {  	[dreg:$0x3] =	wrdreg s4  }
0xc0: {  	[dreg:$0x4] =	wrdreg s24  }
0xc1: {  	[dreg:$0x5] =	wrdreg $0xA  }
0xc2: {  	_ =	task.clear_ibuf [dreg:s22], $0x6FFFF;
	_ =	strace $0x90000049  }
0xc3: {  	s29 =	simm.s32 $0xA;
	_ =	strace $0x8000004B  }
0xc4: {  	_ =	swait.ge [sflag:s29], $0x1  }
0xc5: {  	[sflag:s29] =	ssyncadd.s32 $0xFFFFFFFF  }
0xc6: {  	_ =	strace $0x9000004B  }
0xc7: {  	_ =	sfence  }
0xc8: {  	s30 =	sld [smem:$0x0];
	_ =	sdelay $0x2  }
0xc9: {  	s31 =	sshll.u32 s1, $0xD;
	s1 =	sshrl.u32 s1, $0x2  }
0xca: {  	s4 =	sand.u32 $0x4000, s31;
	s1 =	sadd.s32 s1, s30  }
0xcb: {  	s0 =	sor.u32 s4, s0;
	s1 =	sshll.u32 s1, $0x11  }
0xcc: {  	s0 =	sor.u32 s1, s0  }
0xcd: {  	s0 =	sadd.s32 $0x8F2B, s0  }
0xce: {  	[sflag:s0] =	ssyncadd.remote.s32 $0x1  }
0xcf: {  	_ =	sfence.sel $0xFFFF  }
0xd0: {  	[dreg:$0x0] =	wrdreg $0xFFFFFFFF;
	(pc) =	sbr.abs _section_cstart, $3  }
0xd1: {  	[dreg:$0x1] =	wrdreg $0xFFFFFFFF  }
0xd2: {  	_ =	task.clear_ibuf [dreg:s22], $0x2FFFF;
	_ =	strace $0x9FFFFFFF  }
0xd3: {  	(tm) =	ssettm $0x7FFFFFFF  }
tec
execute0_lowered:
.L_overlay_start_1:
0x0: {  	(tag) =	ssettag $0x1  }
0x1: {  	s5 =	rddreg [dreg:$0x0]  }
0x2: {  	s3 =	rddreg [dreg:$0x1]  }
0x3: {  	s4 =	rddreg [dreg:$0x2]  }
0x4: {  	s0 =	rddreg [dreg:$0x3]  }
0x5: {  	s6 =	srdreg.scid;
	s2 =	simm.s32 $0x0;
	s1 =	stileid.u32  }
0x6: {  	s11 =	simm.s32 $0x400;
	s12 =	simm.s32 $0x20000;
	s13 =	simm.s32 $0x80  }
0x7: {  	s14 =	simm.s32 $0x1880;
	s15 =	simm.s32 $0x3;
	s16 =	simm.s32 $0x1  }
0x8: {  	s17 =	simm.s32 $0x1C80;
	s18 =	simm.s32 $0x2C80;
	s19 =	simm.s32 $0x3C80  }
0x9: {  	s20 =	simm.s32 $0x4C80;
	s21 =	simm.s32 $0x2;
	s6 =	sand.u32 $0x1, s6  }
0xa: {  	s22 =	simm.s32 $0x0;
	s7 =	sshll.u32 s1, $0x8;
	s8 =	sshll.u32 s6, $0x7  }
0xb: {  	[smem:$0x7FF] =	sst s2;
	s6 =	ssub.s32 $0x2, s6;
	s7 =	sor.u32 s8, s7  }
0xc: {  	_ =	strace $0x8000004A;
	s30 =	sshrl.u32 s6, $0x1;
	s8 =	sshll.u32 s7, $0x4  }
0xd: {  	s7 =	sor.u32 $0x3000, s7;
	s10 =	ssub.s32 s6, s30;
	s9 =	sadd.s32 s8, s4  }
0xe: {  	s3 =	sadd.s32 s3, s7;
	s31 =	sshrl.u32 s7, $0x3;
	s10 =	smax.u32 s10, $0x1  }
0xf: {  	v1 =	vlaneseq.u32;
	s4 =	sadd.s32 $0x18000, s3;
	s5 =	sadd.s32 s5, s31;
	s6 =	sadd.s32 $0x1000, s9  }
0x10: {  	v0 =	vimm.f32 $0.0e+00;
	v2 =	vimm.f32 $1.000000000e+00;
	v1 =	vmul.u32 $0x80, v1;
	s7 =	sadd.s32 $0x1200, s9;
	s8 =	sadd.s32 $0x1400, s9;
	s9 =	sadd.s32 $0x1600, s9  }
.LBB2_1:
0x11: {  	[tilespmem:s13], [sflag:$0x1] =	stream.strided.gather [hbm4b:s3+s11], $0x1800, s12, s11, $0x38;
	[tilespmem:$0x5C80] =	vst v63  }
0x12: {  	_ = 	snop  }
0x13: {  	[tilespmem:s14], [sflag:$0x1] =	stream.linear.gather [hbm4b:s4+s2], $0x100, $0x38;
	[tilespmem:$0x5C80] =	vst v63  }
0x14: {  	_ = 	snop  }
0x15: {  	[tilespmem:s2], [sflag:$0x3] =	stream.linear.gather [hbm4b:s5+s2], $0x80, $0x38;
	[tilespmem:$0x5C80] =	vst v63  }
0x16: {  	_ =	swait.ge [sflag:s15], $0x80  }
0x17: {  	[sflag:s15] =	ssyncset.done $0x0  }
0x18: {  	s23 =	simm.s32 $0x0;
	s24 =	simm.s32 $0x800;
	[sflag:s15] =	ssyncadd.s32 $0xFFFFFF80  }
.LBB2_2:
0x19: {  	p0 =	sne.s32 s24, $0xF800;
	[tilespmem:s23+$0x1E70] =	vst v0  }
0x1a: {  	[tilespmem:s23+$0x1C80] =	vst v0  }
0x1b: {  	[tilespmem:s23+$0x1C90] =	vst v0  }
0x1c: {  	[tilespmem:s23+$0x1CA0] =	vst v0  }
0x1d: {  	[tilespmem:s23+$0x1CB0] =	vst v0  }
0x1e: {  	[tilespmem:s23+$0x1CC0] =	vst v0  }
0x1f: {  	[tilespmem:s23+$0x1CD0] =	vst v0  }
0x20: {  	[tilespmem:s23+$0x1CE0] =	vst v0  }
0x21: {  	[tilespmem:s23+$0x1CF0] =	vst v0  }
0x22: {  	[tilespmem:s23+$0x1D00] =	vst v0  }
0x23: {  	[tilespmem:s23+$0x1D10] =	vst v0  }
0x24: {  	[tilespmem:s23+$0x1D20] =	vst v0  }
0x25: {  	[tilespmem:s23+$0x1D30] =	vst v0  }
0x26: {  	[tilespmem:s23+$0x1D40] =	vst v0  }
0x27: {  	[tilespmem:s23+$0x1D50] =	vst v0  }
0x28: {  	[tilespmem:s23+$0x1D60] =	vst v0  }
0x29: {  	[tilespmem:s23+$0x1D70] =	vst v0  }
0x2a: {  	[tilespmem:s23+$0x1D80] =	vst v0  }
0x2b: {  	[tilespmem:s23+$0x1D90] =	vst v0  }
0x2c: {  	[tilespmem:s23+$0x1DA0] =	vst v0  }
0x2d: {  	[tilespmem:s23+$0x1DB0] =	vst v0  }
0x2e: {  	[tilespmem:s23+$0x1DC0] =	vst v0  }
0x2f: {  	[tilespmem:s23+$0x1DD0] =	vst v0  }
0x30: {  	[tilespmem:s23+$0x1DE0] =	vst v0  }
0x31: {  	[tilespmem:s23+$0x1DF0] =	vst v0  }
0x32: {  	[tilespmem:s23+$0x1E00] =	vst v0  }
0x33: {  	[tilespmem:s23+$0x1E10] =	vst v0  }
.Ltmp0:
0x34: {  	[tilespmem:s23+$0x1E20] =	vst v0;
	(pc) =	sbr.rel @p0 .LBB2_2-.Ltmp0, $4  }
0x35: {  	[tilespmem:s23+$0x1E30] =	vst v0  }
0x36: {  	[tilespmem:s23+$0x1E40] =	vst v0  }
0x37: {  	[tilespmem:s23+$0x1E50] =	vst v0  }
0x38: {  	[tilespmem:s23+$0x1E60] =	vst v0;
	s23 =	sshra.s32 s24, $0x2;
	s24 =	sadd.s32 $0x800, s24  }
0x39: {  	[tilespmem:s23+$0x1E70] =	vst v0  }
0x3a: {  	[tilespmem:s23+$0x1C80] =	vst v0  }
0x3b: {  	[tilespmem:s23+$0x1C90] =	vst v0  }
0x3c: {  	[tilespmem:s23+$0x1CA0] =	vst v0  }
0x3d: {  	[tilespmem:s23+$0x1CB0] =	vst v0  }
0x3e: {  	[tilespmem:s23+$0x1CC0] =	vst v0  }
0x3f: {  	[tilespmem:s23+$0x1CD0] =	vst v0  }
0x40: {  	[tilespmem:s23+$0x1CE0] =	vst v0  }
0x41: {  	[tilespmem:s23+$0x1CF0] =	vst v0  }
0x42: {  	[tilespmem:s23+$0x1D00] =	vst v0  }
0x43: {  	[tilespmem:s23+$0x1D10] =	vst v0  }
0x44: {  	[tilespmem:s23+$0x1D20] =	vst v0  }
0x45: {  	[tilespmem:s23+$0x1D30] =	vst v0  }
0x46: {  	[tilespmem:s23+$0x1D40] =	vst v0  }
0x47: {  	[tilespmem:s23+$0x1D50] =	vst v0  }
0x48: {  	[tilespmem:s23+$0x1D60] =	vst v0  }
0x49: {  	[tilespmem:s23+$0x1D70] =	vst v0  }
0x4a: {  	[tilespmem:s23+$0x1D80] =	vst v0  }
0x4b: {  	[tilespmem:s23+$0x1D90] =	vst v0  }
0x4c: {  	[tilespmem:s23+$0x1DA0] =	vst v0  }
0x4d: {  	[tilespmem:s23+$0x1DB0] =	vst v0  }
0x4e: {  	[tilespmem:s23+$0x1DC0] =	vst v0  }
0x4f: {  	[tilespmem:s23+$0x1DD0] =	vst v0  }
0x50: {  	[tilespmem:s23+$0x1DE0] =	vst v0  }
0x51: {  	[tilespmem:s23+$0x1DF0] =	vst v0  }
0x52: {  	[tilespmem:s23+$0x1E00] =	vst v0  }
0x53: {  	[tilespmem:s23+$0x1E10] =	vst v0  }
0x54: {  	[tilespmem:s23+$0x1E20] =	vst v0  }
0x55: {  	[tilespmem:s23+$0x1E30] =	vst v0  }
0x56: {  	[tilespmem:s23+$0x1E40] =	vst v0  }
0x57: {  	[tilespmem:s23+$0x1E50] =	vst v0  }
0x58: {  	[tilespmem:s23+$0x1E60] =	vst v0  }
0x59: {  	_ =	swait.ge [sflag:s16], $0x1900  }
0x5a: {  	[sflag:s16] =	ssyncset.done $0x0  }
0x5b: {  	s23 =	simm.s32 $0x0;
	p0 =	por $0x1, $0x1;
	[sflag:s16] =	ssyncadd.s32 $0xFFFFE700  }
.LBB2_4:
0x5c: {  	v4 =	vld [tilespmem:s23+$0x80];
	_ =	sdelay $0x2  }
0x5d: {  	v3 =	vmov s23  }
0x5e: {  	v3 =	vshll.u32 v3, $0x7  }
0x5f: {  	v3 =	vor.u32 v1, v3;
	v5 =	vand.u32 $0xFFFFFF80, v4  }
0x60: {  	v4 =	vand.u32 $0x7F, v4;
	v5 =	vadd.s32 v3, v5  }
0x61: {  	v4 =	vor.u32 v4, v5;
	_ =	sdelay $0x4  }
0x62: {  	[tilespmem:v4+s17+$0x0] =	vst.idx.add.f32.msk $0xffff, v2  }
0x63: {  	v4 =	vld [tilespmem:s23+$0x100];
	_ =	sdelay $0x4  }
0x64: {  	v15 =	vand.u32 $0xFFFFFF80, v4  }
0x65: {  	v4 =	vand.u32 $0x7F, v4;
	v5 =	vadd.s32 v3, v15  }
0x66: {  	v4 =	vor.u32 v4, v5;
	_ =	sdelay $0x4  }
0x67: {  	[tilespmem:v4+s17+$0x0] =	vst.idx.add.f32.msk $0xffff, v2  }
0x68: {  	v4 =	vld [tilespmem:s23+$0x180];
	_ =	sdelay $0x4  }
0x69: {  	v16 =	vand.u32 $0xFFFFFF80, v4  }
0x6a: {  	v4 =	vand.u32 $0x7F, v4;
	v5 =	vadd.s32 v3, v16  }
0x6b: {  	v4 =	vor.u32 v4, v5;
	_ =	sdelay $0x4  }
0x6c: {  	[tilespmem:v4+s17+$0x0] =	vst.idx.add.f32.msk $0xffff, v2  }
0x6d: {  	v4 =	vld [tilespmem:s23+$0x200];
	_ =	sdelay $0x4  }
0x6e: {  	v17 =	vand.u32 $0xFFFFFF80, v4  }
0x6f: {  	v4 =	vand.u32 $0x7F, v4;
	v5 =	vadd.s32 v3, v17  }
0x70: {  	v4 =	vor.u32 v4, v5;
	_ =	sdelay $0x4  }
0x71: {  	[tilespmem:v4+s17+$0x0] =	vst.idx.add.f32.msk $0xffff, v2  }
0x72: {  	v4 =	vld [tilespmem:s23+$0x280];
	_ =	sdelay $0x4  }
0x73: {  	v18 =	vand.u32 $0xFFFFFF80, v4  }
0x74: {  	v4 =	vand.u32 $0x7F, v4;
	v5 =	vadd.s32 v3, v18  }
0x75: {  	v4 =	vor.u32 v4, v5;
	_ =	sdelay $0x4  }
0x76: {  	[tilespmem:v4+s17+$0x0] =	vst.idx.add.f32.msk $0xffff, v2  }
0x77: {  	v4 =	vld [tilespmem:s23+$0x300];
	_ =	sdelay $0x4  }
0x78: {  	v19 =	vand.u32 $0xFFFFFF80, v4  }
0x79: {  	v4 =	vand.u32 $0x7F, v4;
	v5 =	vadd.s32 v3, v19  }
0x7a: {  	v4 =	vor.u32 v4, v5;
	_ =	sdelay $0x4  }
0x7b: {  	[tilespmem:v4+s17+$0x0] =	vst.idx.add.f32.msk $0xffff, v2  }
0x7c: {  	v4 =	vld [tilespmem:s23+$0x380];
	_ =	sdelay $0x4  }
0x7d: {  	v20 =	vand.u32 $0xFFFFFF80, v4  }
0x7e: {  	v4 =	vand.u32 $0x7F, v4;
	v5 =	vadd.s32 v3, v20  }
0x7f: {  	v4 =	vor.u32 v4, v5;
	_ =	sdelay $0x4  }
0x80: {  	[tilespmem:v4+s17+$0x0] =	vst.idx.add.f32.msk $0xffff, v2  }
0x81: {  	v4 =	vld [tilespmem:s23+$0x400];
	_ =	sdelay $0x4  }
0x82: {  	v21 =	vand.u32 $0xFFFFFF80, v4  }
0x83: {  	v4 =	vand.u32 $0x7F, v4;
	v5 =	vadd.s32 v3, v21  }
0x84: {  	v4 =	vor.u32 v4, v5;
	_ =	sdelay $0x4  }
0x85: {  	[tilespmem:v4+s17+$0x0] =	vst.idx.add.f32.msk $0xffff, v2  }
0x86: {  	v4 =	vld [tilespmem:s23+$0x480];
	_ =	sdelay $0x4  }
0x87: {  	v22 =	vand.u32 $0xFFFFFF80, v4  }
0x88: {  	v4 =	vand.u32 $0x7F, v4;
	v5 =	vadd.s32 v3, v22  }
0x89: {  	v4 =	vor.u32 v4, v5;
	_ =	sdelay $0x4  }
0x8a: {  	[tilespmem:v4+s17+$0x0] =	vst.idx.add.f32.msk $0xffff, v2  }
0x8b: {  	v4 =	vld [tilespmem:s23+$0x500];
	_ =	sdelay $0x4  }
0x8c: {  	v23 =	vand.u32 $0xFFFFFF80, v4  }
0x8d: {  	v4 =	vand.u32 $0x7F, v4;
	v5 =	vadd.s32 v3, v23  }
0x8e: {  	v4 =	vor.u32 v4, v5;
	_ =	sdelay $0x4  }
0x8f: {  	[tilespmem:v4+s17+$0x0] =	vst.idx.add.f32.msk $0xffff, v2  }
0x90: {  	v4 =	vld [tilespmem:s23+$0x580];
	_ =	sdelay $0x4  }
0x91: {  	v24 =	vand.u32 $0xFFFFFF80, v4  }
0x92: {  	v4 =	vand.u32 $0x7F, v4;
	v5 =	vadd.s32 v3, v24  }
0x93: {  	v4 =	vor.u32 v4, v5;
	_ =	sdelay $0x4  }
0x94: {  	[tilespmem:v4+s17+$0x0] =	vst.idx.add.f32.msk $0xffff, v2  }
0x95: {  	v4 =	vld [tilespmem:s23+$0x600];
	_ =	sdelay $0x4  }
0x96: {  	v25 =	vand.u32 $0xFFFFFF80, v4  }
0x97: {  	v4 =	vand.u32 $0x7F, v4;
	v5 =	vadd.s32 v3, v25  }
0x98: {  	v4 =	vor.u32 v4, v5;
	_ =	sdelay $0x4  }
0x99: {  	[tilespmem:v4+s17+$0x0] =	vst.idx.add.f32.msk $0xffff, v2  }
0x9a: {  	v4 =	vld [tilespmem:s23+$0x680];
	_ =	sdelay $0x4  }
0x9b: {  	v26 =	vand.u32 $0xFFFFFF80, v4  }
0x9c: {  	v4 =	vand.u32 $0x7F, v4;
	v5 =	vadd.s32 v3, v26  }
0x9d: {  	v4 =	vor.u32 v4, v5;
	_ =	sdelay $0x4  }
0x9e: {  	[tilespmem:v4+s17+$0x0] =	vst.idx.add.f32.msk $0xffff, v2  }
0x9f: {  	v4 =	vld [tilespmem:s23+$0x700];
	_ =	sdelay $0x4  }
0xa0: {  	v27 =	vand.u32 $0xFFFFFF80, v4  }
0xa1: {  	v4 =	vand.u32 $0x7F, v4;
	v5 =	vadd.s32 v3, v27  }
0xa2: {  	v4 =	vor.u32 v4, v5;
	_ =	sdelay $0x4  }
0xa3: {  	[tilespmem:v4+s17+$0x0] =	vst.idx.add.f32.msk $0xffff, v2  }
0xa4: {  	v4 =	vld [tilespmem:s23+$0x780];
	_ =	sdelay $0x4  }
0xa5: {  	v28 =	vand.u32 $0xFFFFFF80, v4  }
0xa6: {  	v4 =	vand.u32 $0x7F, v4;
	v5 =	vadd.s32 v3, v28  }
0xa7: {  	v4 =	vor.u32 v4, v5;
	_ =	sdelay $0x4  }
0xa8: {  	[tilespmem:v4+s17+$0x0] =	vst.idx.add.f32.msk $0xffff, v2  }
0xa9: {  	v4 =	vld [tilespmem:s23+$0x800];
	_ =	sdelay $0x4  }
0xaa: {  	v29 =	vand.u32 $0xFFFFFF80, v4  }
0xab: {  	v4 =	vand.u32 $0x7F, v4;
	v5 =	vadd.s32 v3, v29  }
0xac: {  	v4 =	vor.u32 v4, v5;
	_ =	sdelay $0x4  }
0xad: {  	[tilespmem:v4+s17+$0x0] =	vst.idx.add.f32.msk $0xffff, v2  }
0xae: {  	v4 =	vld [tilespmem:s23+$0x880];
	_ =	sdelay $0x4  }
0xaf: {  	v30 =	vand.u32 $0xFFFFFF80, v4  }
0xb0: {  	v4 =	vand.u32 $0x7F, v4;
	v5 =	vadd.s32 v3, v30  }
0xb1: {  	v4 =	vor.u32 v4, v5;
	_ =	sdelay $0x4  }
0xb2: {  	[tilespmem:v4+s17+$0x0] =	vst.idx.add.f32.msk $0xffff, v2  }
0xb3: {  	v4 =	vld [tilespmem:s23+$0x900];
	_ =	sdelay $0x4  }
0xb4: {  	v31 =	vand.u32 $0xFFFFFF80, v4  }
0xb5: {  	v4 =	vand.u32 $0x7F, v4;
	v5 =	vadd.s32 v3, v31  }
0xb6: {  	v4 =	vor.u32 v4, v5;
	_ =	sdelay $0x4  }
0xb7: {  	[tilespmem:v4+s17+$0x0] =	vst.idx.add.f32.msk $0xffff, v2  }
0xb8: {  	v4 =	vld [tilespmem:s23+$0x980];
	_ =	sdelay $0x4  }
0xb9: {  	v32 =	vand.u32 $0xFFFFFF80, v4  }
0xba: {  	v4 =	vand.u32 $0x7F, v4;
	v5 =	vadd.s32 v3, v32  }
0xbb: {  	v4 =	vor.u32 v4, v5;
	_ =	sdelay $0x4  }
0xbc: {  	[tilespmem:v4+s17+$0x0] =	vst.idx.add.f32.msk $0xffff, v2  }
0xbd: {  	v4 =	vld [tilespmem:s23+$0xA00];
	_ =	sdelay $0x4  }
0xbe: {  	v33 =	vand.u32 $0xFFFFFF80, v4  }
0xbf: {  	v4 =	vand.u32 $0x7F, v4;
	v5 =	vadd.s32 v3, v33  }
0xc0: {  	v4 =	vor.u32 v4, v5;
	_ =	sdelay $0x4  }
0xc1: {  	[tilespmem:v4+s17+$0x0] =	vst.idx.add.f32.msk $0xffff, v2  }
0xc2: {  	v4 =	vld [tilespmem:s23+$0xA80];
	_ =	sdelay $0x4  }
0xc3: {  	v34 =	vand.u32 $0xFFFFFF80, v4  }
0xc4: {  	v4 =	vand.u32 $0x7F, v4;
	v5 =	vadd.s32 v3, v34  }
0xc5: {  	v4 =	vor.u32 v4, v5;
	_ =	sdelay $0x4  }
0xc6: {  	[tilespmem:v4+s17+$0x0] =	vst.idx.add.f32.msk $0xffff, v2  }
0xc7: {  	v4 =	vld [tilespmem:s23+$0xB00];
	_ =	sdelay $0x4  }
0xc8: {  	v35 =	vand.u32 $0xFFFFFF80, v4  }
0xc9: {  	v4 =	vand.u32 $0x7F, v4;
	v5 =	vadd.s32 v3, v35  }
0xca: {  	v4 =	vor.u32 v4, v5;
	_ =	sdelay $0x4  }
0xcb: {  	[tilespmem:v4+s17+$0x0] =	vst.idx.add.f32.msk $0xffff, v2  }
0xcc: {  	v4 =	vld [tilespmem:s23+$0xB80];
	_ =	sdelay $0x4  }
0xcd: {  	v36 =	vand.u32 $0xFFFFFF80, v4  }
0xce: {  	v4 =	vand.u32 $0x7F, v4;
	v5 =	vadd.s32 v3, v36  }
0xcf: {  	v4 =	vor.u32 v4, v5;
	_ =	sdelay $0x4  }
0xd0: {  	[tilespmem:v4+s17+$0x0] =	vst.idx.add.f32.msk $0xffff, v2  }
0xd1: {  	v4 =	vld [tilespmem:s23+$0xC00];
	_ =	sdelay $0x4  }
0xd2: {  	v37 =	vand.u32 $0xFFFFFF80, v4  }
0xd3: {  	v4 =	vand.u32 $0x7F, v4;
	v5 =	vadd.s32 v3, v37  }
0xd4: {  	v4 =	vor.u32 v4, v5;
	_ =	sdelay $0x4  }
0xd5: {  	[tilespmem:v4+s17+$0x0] =	vst.idx.add.f32.msk $0xffff, v2  }
0xd6: {  	v4 =	vld [tilespmem:s23+$0xC80];
	_ =	sdelay $0x4  }
0xd7: {  	v38 =	vand.u32 $0xFFFFFF80, v4  }
0xd8: {  	v4 =	vand.u32 $0x7F, v4;
	v5 =	vadd.s32 v3, v38  }
0xd9: {  	v4 =	vor.u32 v4, v5;
	_ =	sdelay $0x4  }
0xda: {  	[tilespmem:v4+s17+$0x0] =	vst.idx.add.f32.msk $0xffff, v2  }
0xdb: {  	v4 =	vld [tilespmem:s23+$0xD00];
	_ =	sdelay $0x4  }
0xdc: {  	v39 =	vand.u32 $0xFFFFFF80, v4  }
0xdd: {  	v4 =	vand.u32 $0x7F, v4;
	v5 =	vadd.s32 v3, v39  }
0xde: {  	v4 =	vor.u32 v4, v5;
	_ =	sdelay $0x4  }
0xdf: {  	[tilespmem:v4+s17+$0x0] =	vst.idx.add.f32.msk $0xffff, v2  }
0xe0: {  	v4 =	vld [tilespmem:s23+$0xD80];
	_ =	sdelay $0x4  }
0xe1: {  	v40 =	vand.u32 $0xFFFFFF80, v4  }
0xe2: {  	v4 =	vand.u32 $0x7F, v4;
	v5 =	vadd.s32 v3, v40  }
0xe3: {  	v4 =	vor.u32 v4, v5;
	_ =	sdelay $0x4  }
0xe4: {  	[tilespmem:v4+s17+$0x0] =	vst.idx.add.f32.msk $0xffff, v2  }
0xe5: {  	v4 =	vld [tilespmem:s23+$0xE00];
	_ =	sdelay $0x4  }
0xe6: {  	v41 =	vand.u32 $0xFFFFFF80, v4  }
0xe7: {  	v4 =	vand.u32 $0x7F, v4;
	v5 =	vadd.s32 v3, v41  }
0xe8: {  	v4 =	vor.u32 v4, v5;
	_ =	sdelay $0x4  }
0xe9: {  	[tilespmem:v4+s17+$0x0] =	vst.idx.add.f32.msk $0xffff, v2  }
0xea: {  	v4 =	vld [tilespmem:s23+$0xE80];
	_ =	sdelay $0x4  }
0xeb: {  	v42 =	vand.u32 $0xFFFFFF80, v4  }
0xec: {  	v4 =	vand.u32 $0x7F, v4;
	v5 =	vadd.s32 v3, v42  }
0xed: {  	v4 =	vor.u32 v4, v5;
	_ =	sdelay $0x4  }
0xee: {  	[tilespmem:v4+s17+$0x0] =	vst.idx.add.f32.msk $0xffff, v2  }
0xef: {  	v4 =	vld [tilespmem:s23+$0xF00];
	_ =	sdelay $0x4  }
0xf0: {  	v43 =	vand.u32 $0xFFFFFF80, v4  }
0xf1: {  	v4 =	vand.u32 $0x7F, v4;
	v5 =	vadd.s32 v3, v43  }
0xf2: {  	v4 =	vor.u32 v4, v5;
	_ =	sdelay $0x4  }
0xf3: {  	[tilespmem:v4+s17+$0x0] =	vst.idx.add.f32.msk $0xffff, v2  }
0xf4: {  	v4 =	vld [tilespmem:s23+$0xF80];
	_ =	sdelay $0x4  }
0xf5: {  	v44 =	vand.u32 $0xFFFFFF80, v4  }
0xf6: {  	v4 =	vand.u32 $0x7F, v4;
	v5 =	vadd.s32 v3, v44  }
0xf7: {  	v4 =	vor.u32 v4, v5;
	_ =	sdelay $0x4  }
0xf8: {  	[tilespmem:v4+s17+$0x0] =	vst.idx.add.f32.msk $0xffff, v2  }
0xf9: {  	v4 =	vld [tilespmem:s23+$0x1000];
	_ =	sdelay $0x4  }
0xfa: {  	v45 =	vand.u32 $0xFFFFFF80, v4  }
0xfb: {  	v4 =	vand.u32 $0x7F, v4;
	v5 =	vadd.s32 v3, v45  }
0xfc: {  	v4 =	vor.u32 v4, v5;
	_ =	sdelay $0x4  }
0xfd: {  	[tilespmem:v4+s17+$0x0] =	vst.idx.add.f32.msk $0xffff, v2  }
0xfe: {  	v4 =	vld [tilespmem:s23+$0x1080];
	_ =	sdelay $0x4  }
0xff: {  	v46 =	vand.u32 $0xFFFFFF80, v4  }
0x100: {  	v4 =	vand.u32 $0x7F, v4;
	v5 =	vadd.s32 v3, v46  }
0x101: {  	v4 =	vor.u32 v4, v5;
	_ =	sdelay $0x4  }
0x102: {  	[tilespmem:v4+s17+$0x0] =	vst.idx.add.f32.msk $0xffff, v2  }
0x103: {  	v4 =	vld [tilespmem:s23+$0x1100];
	_ =	sdelay $0x4  }
0x104: {  	v47 =	vand.u32 $0xFFFFFF80, v4  }
0x105: {  	v4 =	vand.u32 $0x7F, v4;
	v5 =	vadd.s32 v3, v47  }
0x106: {  	v4 =	vor.u32 v4, v5;
	_ =	sdelay $0x4  }
0x107: {  	[tilespmem:v4+s17+$0x0] =	vst.idx.add.f32.msk $0xffff, v2  }
0x108: {  	v4 =	vld [tilespmem:s23+$0x1180];
	_ =	sdelay $0x4  }
0x109: {  	v48 =	vand.u32 $0xFFFFFF80, v4  }
0x10a: {  	v4 =	vand.u32 $0x7F, v4;
	v5 =	vadd.s32 v3, v48  }
0x10b: {  	v4 =	vor.u32 v4, v5;
	_ =	sdelay $0x4  }
0x10c: {  	[tilespmem:v4+s17+$0x0] =	vst.idx.add.f32.msk $0xffff, v2  }
0x10d: {  	v4 =	vld [tilespmem:s23+$0x1200];
	_ =	sdelay $0x4  }
0x10e: {  	v49 =	vand.u32 $0xFFFFFF80, v4  }
0x10f: {  	v4 =	vand.u32 $0x7F, v4;
	v5 =	vadd.s32 v3, v49  }
0x110: {  	v4 =	vor.u32 v4, v5;
	_ =	sdelay $0x4  }
0x111: {  	[tilespmem:v4+s17+$0x0] =	vst.idx.add.f32.msk $0xffff, v2  }
0x112: {  	v4 =	vld [tilespmem:s23+$0x1280];
	_ =	sdelay $0x4  }
0x113: {  	v50 =	vand.u32 $0xFFFFFF80, v4  }
0x114: {  	v4 =	vand.u32 $0x7F, v4;
	v5 =	vadd.s32 v3, v50  }
0x115: {  	v4 =	vor.u32 v4, v5;
	_ =	sdelay $0x4  }
0x116: {  	[tilespmem:v4+s17+$0x0] =	vst.idx.add.f32.msk $0xffff, v2  }
0x117: {  	v4 =	vld [tilespmem:s23+$0x1300];
	_ =	sdelay $0x4  }
0x118: {  	v51 =	vand.u32 $0xFFFFFF80, v4  }
0x119: {  	v4 =	vand.u32 $0x7F, v4;
	v5 =	vadd.s32 v3, v51  }
0x11a: {  	v4 =	vor.u32 v4, v5;
	_ =	sdelay $0x4  }
0x11b: {  	[tilespmem:v4+s17+$0x0] =	vst.idx.add.f32.msk $0xffff, v2  }
0x11c: {  	v4 =	vld [tilespmem:s23+$0x1380];
	_ =	sdelay $0x4  }
0x11d: {  	v52 =	vand.u32 $0xFFFFFF80, v4  }
0x11e: {  	v4 =	vand.u32 $0x7F, v4;
	v5 =	vadd.s32 v3, v52  }
0x11f: {  	v4 =	vor.u32 v4, v5;
	_ =	sdelay $0x4  }
0x120: {  	[tilespmem:v4+s17+$0x0] =	vst.idx.add.f32.msk $0xffff, v2  }
0x121: {  	v4 =	vld [tilespmem:s23+$0x1400];
	_ =	sdelay $0x4  }
0x122: {  	v53 =	vand.u32 $0xFFFFFF80, v4  }
0x123: {  	v4 =	vand.u32 $0x7F, v4;
	v5 =	vadd.s32 v3, v53  }
0x124: {  	v4 =	vor.u32 v4, v5;
	_ =	sdelay $0x4  }
0x125: {  	[tilespmem:v4+s17+$0x0] =	vst.idx.add.f32.msk $0xffff, v2  }
0x126: {  	v4 =	vld [tilespmem:s23+$0x1480];
	_ =	sdelay $0x4  }
0x127: {  	v54 =	vand.u32 $0xFFFFFF80, v4  }
0x128: {  	v4 =	vand.u32 $0x7F, v4;
	v5 =	vadd.s32 v3, v54  }
0x129: {  	v4 =	vor.u32 v4, v5;
	_ =	sdelay $0x4  }
0x12a: {  	[tilespmem:v4+s17+$0x0] =	vst.idx.add.f32.msk $0xffff, v2  }
0x12b: {  	v4 =	vld [tilespmem:s23+$0x1500];
	_ =	sdelay $0x4  }
0x12c: {  	v55 =	vand.u32 $0xFFFFFF80, v4  }
0x12d: {  	v4 =	vand.u32 $0x7F, v4;
	v5 =	vadd.s32 v3, v55  }
0x12e: {  	v4 =	vor.u32 v4, v5;
	_ =	sdelay $0x4  }
0x12f: {  	[tilespmem:v4+s17+$0x0] =	vst.idx.add.f32.msk $0xffff, v2  }
0x130: {  	v4 =	vld [tilespmem:s23+$0x1580];
	_ =	sdelay $0x4  }
0x131: {  	v56 =	vand.u32 $0xFFFFFF80, v4  }
0x132: {  	v4 =	vand.u32 $0x7F, v4;
	v5 =	vadd.s32 v3, v56  }
0x133: {  	v4 =	vor.u32 v4, v5;
	_ =	sdelay $0x4  }
0x134: {  	[tilespmem:v4+s17+$0x0] =	vst.idx.add.f32.msk $0xffff, v2  }
0x135: {  	v4 =	vld [tilespmem:s23+$0x1600];
	_ =	sdelay $0x4  }
0x136: {  	v57 =	vand.u32 $0xFFFFFF80, v4  }
0x137: {  	v4 =	vand.u32 $0x7F, v4;
	v5 =	vadd.s32 v3, v57  }
0x138: {  	v4 =	vor.u32 v4, v5;
	_ =	sdelay $0x4  }
0x139: {  	[tilespmem:v4+s17+$0x0] =	vst.idx.add.f32.msk $0xffff, v2  }
0x13a: {  	v4 =	vld [tilespmem:s23+$0x1680];
	_ =	sdelay $0x4  }
0x13b: {  	v58 =	vand.u32 $0xFFFFFF80, v4  }
0x13c: {  	v4 =	vand.u32 $0x7F, v4;
	v5 =	vadd.s32 v3, v58  }
0x13d: {  	v4 =	vor.u32 v4, v5;
	_ =	sdelay $0x4  }
0x13e: {  	[tilespmem:v4+s17+$0x0] =	vst.idx.add.f32.msk $0xffff, v2  }
0x13f: {  	v4 =	vld [tilespmem:s23+$0x1700];
	_ =	sdelay $0x4  }
0x140: {  	v59 =	vand.u32 $0xFFFFFF80, v4  }
0x141: {  	v4 =	vand.u32 $0x7F, v4;
	v5 =	vadd.s32 v3, v59  }
0x142: {  	v4 =	vor.u32 v4, v5;
	_ =	sdelay $0x4  }
0x143: {  	[tilespmem:v4+s17+$0x0] =	vst.idx.add.f32.msk $0xffff, v2  }
0x144: {  	v4 =	vld [tilespmem:s23+$0x1780];
	_ =	sdelay $0x4  }
0x145: {  	v60 =	vand.u32 $0xFFFFFF80, v4  }
0x146: {  	v4 =	vand.u32 $0x7F, v4;
	v5 =	vadd.s32 v3, v60  }
0x147: {  	v4 =	vor.u32 v4, v5;
	_ =	sdelay $0x4  }
0x148: {  	[tilespmem:v4+s17+$0x0] =	vst.idx.add.f32.msk $0xffff, v2  }
0x149: {  	v4 =	vld [tilespmem:s23+$0x1800];
	_ =	sdelay $0x4  }
0x14a: {  	v61 =	vand.u32 $0xFFFFFF80, v4  }
0x14b: {  	v4 =	vand.u32 $0x7F, v4;
	v5 =	vadd.s32 v3, v61  }
0x14c: {  	v4 =	vor.u32 v4, v5;
	_ =	sdelay $0x4  }
0x14d: {  	[tilespmem:v4+s17+$0x0] =	vst.idx.add.f32.msk $0xffff, v2  }
0x14e: {  	v4 =	vld [tilespmem:s23+$0x1880];
	_ =	sdelay $0x4  }
0x14f: {  	v62 =	vand.u32 $0xFFFFFF80, v4  }
0x150: {  	v4 =	vand.u32 $0x7F, v4;
	v5 =	vadd.s32 v3, v62  }
0x151: {  	v4 =	vor.u32 v4, v5;
	_ =	sdelay $0x4  }
0x152: {  	[tilespmem:v4+s17+$0x0] =	vst.idx.add.f32.msk $0xffff, v2  }
0x153: {  	v4 =	vld [tilespmem:s23+$0x1900];
	_ =	sdelay $0x4  }
0x154: {  	v63 =	vand.u32 $0xFFFFFF80, v4  }
0x155: {  	v4 =	vand.u32 $0x7F, v4;
	v5 =	vadd.s32 v3, v63  }
0x156: {  	v4 =	vor.u32 v4, v5;
	_ =	sdelay $0x4  }
0x157: {  	[tilespmem:v4+s17+$0x0] =	vst.idx.add.f32.msk $0xffff, v2  }
0x158: {  	v4 =	vld [tilespmem:s23+$0x0];
	_ =	sdelay $0x1  }
0x159: {  	p1 =	por p0, p0;
	v3 =	vor.u32 $0x64, v3  }
.Ltmp1:
0x15a: {  	_ = 	snop;
	(pc) =	sbr.rel @p1 .LBB2_4-.Ltmp1, $3  }
0x15b: {  	_ = 	snop  }
0x15c: {  	v4 =	vcvt.s32.f32 v4;
	_ =	sdelay $0x1  }
0x15d: {  	p0 =	por $0x0, $0x0;
	s23 =	simm.s32 $0x10;
	[tilespmem:v3+s17+$0x0] =	vst.idx.msk $0xffff, v4  }
0x15e: {  	[hbm4b:s6+s2] =	stream.linear.scatter [tilespmem:s17], [sflag:$0x2], $0x1000, $0x38;
	[tilespmem:$0x5C80] =	vst v63  }
0x15f: {  	s23 =	simm.s32 $0x20;
	s24 =	simm.s32 $0xD20;
	s25 =	simm.s32 $0x20  }
.LBB2_6:
0x160: {  	v4 =	vld [tilespmem:s24+$0xFFFFF380];
	_ =	sdelay $0x2  }
0x161: {  	v3 =	vmov s25  }
0x162: {  	v3 =	vshll.u32 v3, $0x7  }
0x163: {  	v3 =	vor.u32 v1, v3;
	v5 =	vand.u32 $0xFFFFFF80, v4  }
0x164: {  	v4 =	vand.u32 $0x7F, v4;
	v5 =	vadd.s32 v3, v5  }
0x165: {  	v4 =	vor.u32 v4, v5;
	_ =	sdelay $0x4  }
0x166: {  	[tilespmem:v4+s17+$0x0] =	vst.idx.add.f32.msk $0xffff, v2  }
0x167: {  	v4 =	vld [tilespmem:s24+$0xFFFFF400];
	_ =	sdelay $0x4  }
0x168: {  	v15 =	vand.u32 $0xFFFFFF80, v4  }
0x169: {  	v4 =	vand.u32 $0x7F, v4;
	v5 =	vadd.s32 v3, v15  }
0x16a: {  	v4 =	vor.u32 v4, v5;
	_ =	sdelay $0x4  }
0x16b: {  	[tilespmem:v4+s17+$0x0] =	vst.idx.add.f32.msk $0xffff, v2  }
0x16c: {  	v4 =	vld [tilespmem:s24+$0xFFFFF480];
	_ =	sdelay $0x4  }
0x16d: {  	v16 =	vand.u32 $0xFFFFFF80, v4  }
0x16e: {  	v4 =	vand.u32 $0x7F, v4;
	v5 =	vadd.s32 v3, v16  }
0x16f: {  	v4 =	vor.u32 v4, v5;
	_ =	sdelay $0x4  }
0x170: {  	[tilespmem:v4+s17+$0x0] =	vst.idx.add.f32.msk $0xffff, v2  }
0x171: {  	v4 =	vld [tilespmem:s24+$0xFFFFF500];
	_ =	sdelay $0x4  }
0x172: {  	v17 =	vand.u32 $0xFFFFFF80, v4  }
0x173: {  	v4 =	vand.u32 $0x7F, v4;
	v5 =	vadd.s32 v3, v17  }
0x174: {  	v4 =	vor.u32 v4, v5;
	_ =	sdelay $0x4  }
0x175: {  	[tilespmem:v4+s17+$0x0] =	vst.idx.add.f32.msk $0xffff, v2  }
0x176: {  	v4 =	vld [tilespmem:s24+$0xFFFFF580];
	_ =	sdelay $0x4  }
0x177: {  	v18 =	vand.u32 $0xFFFFFF80, v4  }
0x178: {  	v4 =	vand.u32 $0x7F, v4;
	v5 =	vadd.s32 v3, v18  }
0x179: {  	v4 =	vor.u32 v4, v5;
	_ =	sdelay $0x4  }
0x17a: {  	[tilespmem:v4+s17+$0x0] =	vst.idx.add.f32.msk $0xffff, v2  }
0x17b: {  	v4 =	vld [tilespmem:s24+$0xFFFFF600];
	_ =	sdelay $0x4  }
0x17c: {  	v19 =	vand.u32 $0xFFFFFF80, v4  }
0x17d: {  	v4 =	vand.u32 $0x7F, v4;
	v5 =	vadd.s32 v3, v19  }
0x17e: {  	v4 =	vor.u32 v4, v5;
	_ =	sdelay $0x4  }
0x17f: {  	[tilespmem:v4+s17+$0x0] =	vst.idx.add.f32.msk $0xffff, v2  }
0x180: {  	v4 =	vld [tilespmem:s24+$0xFFFFF680];
	_ =	sdelay $0x4  }
0x181: {  	v20 =	vand.u32 $0xFFFFFF80, v4  }
0x182: {  	v4 =	vand.u32 $0x7F, v4;
	v5 =	vadd.s32 v3, v20  }
0x183: {  	v4 =	vor.u32 v4, v5;
	_ =	sdelay $0x4  }
0x184: {  	[tilespmem:v4+s17+$0x0] =	vst.idx.add.f32.msk $0xffff, v2  }
0x185: {  	v4 =	vld [tilespmem:s24+$0xFFFFF700];
	_ =	sdelay $0x4  }
0x186: {  	v21 =	vand.u32 $0xFFFFFF80, v4  }
0x187: {  	v4 =	vand.u32 $0x7F, v4;
	v5 =	vadd.s32 v3, v21  }
0x188: {  	v4 =	vor.u32 v4, v5;
	_ =	sdelay $0x4  }
0x189: {  	[tilespmem:v4+s17+$0x0] =	vst.idx.add.f32.msk $0xffff, v2  }
0x18a: {  	v4 =	vld [tilespmem:s24+$0xFFFFF780];
	_ =	sdelay $0x4  }
0x18b: {  	v22 =	vand.u32 $0xFFFFFF80, v4  }
0x18c: {  	v4 =	vand.u32 $0x7F, v4;
	v5 =	vadd.s32 v3, v22  }
0x18d: {  	v4 =	vor.u32 v4, v5;
	_ =	sdelay $0x4  }
0x18e: {  	[tilespmem:v4+s17+$0x0] =	vst.idx.add.f32.msk $0xffff, v2  }
0x18f: {  	v4 =	vld [tilespmem:s24+$0xFFFFF800];
	_ =	sdelay $0x4  }
0x190: {  	v23 =	vand.u32 $0xFFFFFF80, v4  }
0x191: {  	v4 =	vand.u32 $0x7F, v4;
	v5 =	vadd.s32 v3, v23  }
0x192: {  	v4 =	vor.u32 v4, v5;
	_ =	sdelay $0x4  }
0x193: {  	[tilespmem:v4+s17+$0x0] =	vst.idx.add.f32.msk $0xffff, v2  }
0x194: {  	v4 =	vld [tilespmem:s24+$0xFFFFF880];
	_ =	sdelay $0x4  }
0x195: {  	v24 =	vand.u32 $0xFFFFFF80, v4  }
0x196: {  	v4 =	vand.u32 $0x7F, v4;
	v5 =	vadd.s32 v3, v24  }
0x197: {  	v4 =	vor.u32 v4, v5;
	_ =	sdelay $0x4  }
0x198: {  	[tilespmem:v4+s17+$0x0] =	vst.idx.add.f32.msk $0xffff, v2  }
0x199: {  	v4 =	vld [tilespmem:s24+$0xFFFFF900];
	_ =	sdelay $0x4  }
0x19a: {  	v25 =	vand.u32 $0xFFFFFF80, v4  }
0x19b: {  	v4 =	vand.u32 $0x7F, v4;
	v5 =	vadd.s32 v3, v25  }
0x19c: {  	v4 =	vor.u32 v4, v5;
	_ =	sdelay $0x4  }
0x19d: {  	[tilespmem:v4+s17+$0x0] =	vst.idx.add.f32.msk $0xffff, v2  }
0x19e: {  	v4 =	vld [tilespmem:s24+$0xFFFFF980];
	_ =	sdelay $0x4  }
0x19f: {  	v26 =	vand.u32 $0xFFFFFF80, v4  }
0x1a0: {  	v4 =	vand.u32 $0x7F, v4;
	v5 =	vadd.s32 v3, v26  }
0x1a1: {  	v4 =	vor.u32 v4, v5;
	_ =	sdelay $0x4  }
0x1a2: {  	[tilespmem:v4+s17+$0x0] =	vst.idx.add.f32.msk $0xffff, v2  }
0x1a3: {  	v4 =	vld [tilespmem:s24+$0xFFFFFA00];
	_ =	sdelay $0x4  }
0x1a4: {  	v27 =	vand.u32 $0xFFFFFF80, v4  }
0x1a5: {  	v4 =	vand.u32 $0x7F, v4;
	v5 =	vadd.s32 v3, v27  }
0x1a6: {  	v4 =	vor.u32 v4, v5;
	_ =	sdelay $0x4  }
0x1a7: {  	[tilespmem:v4+s17+$0x0] =	vst.idx.add.f32.msk $0xffff, v2  }
0x1a8: {  	v4 =	vld [tilespmem:s24+$0xFFFFFA80];
	_ =	sdelay $0x4  }
0x1a9: {  	v28 =	vand.u32 $0xFFFFFF80, v4  }
0x1aa: {  	v4 =	vand.u32 $0x7F, v4;
	v5 =	vadd.s32 v3, v28  }
0x1ab: {  	v4 =	vor.u32 v4, v5;
	_ =	sdelay $0x4  }
0x1ac: {  	[tilespmem:v4+s17+$0x0] =	vst.idx.add.f32.msk $0xffff, v2  }
0x1ad: {  	v4 =	vld [tilespmem:s24+$0xFFFFFB00];
	_ =	sdelay $0x4  }
0x1ae: {  	v29 =	vand.u32 $0xFFFFFF80, v4  }
0x1af: {  	v4 =	vand.u32 $0x7F, v4;
	v5 =	vadd.s32 v3, v29  }
0x1b0: {  	v4 =	vor.u32 v4, v5;
	_ =	sdelay $0x4  }
0x1b1: {  	[tilespmem:v4+s17+$0x0] =	vst.idx.add.f32.msk $0xffff, v2  }
0x1b2: {  	v4 =	vld [tilespmem:s24+$0xFFFFFB80];
	_ =	sdelay $0x4  }
0x1b3: {  	v30 =	vand.u32 $0xFFFFFF80, v4  }
0x1b4: {  	v4 =	vand.u32 $0x7F, v4;
	v5 =	vadd.s32 v3, v30  }
0x1b5: {  	v4 =	vor.u32 v4, v5;
	_ =	sdelay $0x4  }
0x1b6: {  	[tilespmem:v4+s17+$0x0] =	vst.idx.add.f32.msk $0xffff, v2  }
0x1b7: {  	v4 =	vld [tilespmem:s24+$0xFFFFFC00];
	_ =	sdelay $0x4  }
0x1b8: {  	v31 =	vand.u32 $0xFFFFFF80, v4  }
0x1b9: {  	v4 =	vand.u32 $0x7F, v4;
	v5 =	vadd.s32 v3, v31  }
0x1ba: {  	v4 =	vor.u32 v4, v5;
	_ =	sdelay $0x4  }
0x1bb: {  	[tilespmem:v4+s17+$0x0] =	vst.idx.add.f32.msk $0xffff, v2  }
0x1bc: {  	v4 =	vld [tilespmem:s24+$0xFFFFFC80];
	_ =	sdelay $0x4  }
0x1bd: {  	v32 =	vand.u32 $0xFFFFFF80, v4  }
0x1be: {  	v4 =	vand.u32 $0x7F, v4;
	v5 =	vadd.s32 v3, v32  }
0x1bf: {  	v4 =	vor.u32 v4, v5;
	_ =	sdelay $0x4  }
0x1c0: {  	[tilespmem:v4+s17+$0x0] =	vst.idx.add.f32.msk $0xffff, v2  }
0x1c1: {  	v4 =	vld [tilespmem:s24+$0xFFFFFD00];
	_ =	sdelay $0x4  }
0x1c2: {  	v33 =	vand.u32 $0xFFFFFF80, v4  }
0x1c3: {  	v4 =	vand.u32 $0x7F, v4;
	v5 =	vadd.s32 v3, v33  }
0x1c4: {  	v4 =	vor.u32 v4, v5;
	_ =	sdelay $0x4  }
0x1c5: {  	[tilespmem:v4+s17+$0x0] =	vst.idx.add.f32.msk $0xffff, v2  }
0x1c6: {  	v4 =	vld [tilespmem:s24+$0xFFFFFD80];
	_ =	sdelay $0x4  }
0x1c7: {  	v34 =	vand.u32 $0xFFFFFF80, v4  }
0x1c8: {  	v4 =	vand.u32 $0x7F, v4;
	v5 =	vadd.s32 v3, v34  }
0x1c9: {  	v4 =	vor.u32 v4, v5;
	_ =	sdelay $0x4  }
0x1ca: {  	[tilespmem:v4+s17+$0x0] =	vst.idx.add.f32.msk $0xffff, v2  }
0x1cb: {  	v4 =	vld [tilespmem:s24+$0xFFFFFE00];
	_ =	sdelay $0x4  }
0x1cc: {  	v35 =	vand.u32 $0xFFFFFF80, v4  }
0x1cd: {  	v4 =	vand.u32 $0x7F, v4;
	v5 =	vadd.s32 v3, v35  }
0x1ce: {  	v4 =	vor.u32 v4, v5;
	_ =	sdelay $0x4  }
0x1cf: {  	[tilespmem:v4+s17+$0x0] =	vst.idx.add.f32.msk $0xffff, v2  }
0x1d0: {  	v4 =	vld [tilespmem:s24+$0xFFFFFE80];
	_ =	sdelay $0x4  }
0x1d1: {  	v36 =	vand.u32 $0xFFFFFF80, v4  }
0x1d2: {  	v4 =	vand.u32 $0x7F, v4;
	v5 =	vadd.s32 v3, v36  }
0x1d3: {  	v4 =	vor.u32 v4, v5;
	_ =	sdelay $0x4  }
0x1d4: {  	[tilespmem:v4+s17+$0x0] =	vst.idx.add.f32.msk $0xffff, v2  }
0x1d5: {  	v4 =	vld [tilespmem:s24+$0xFFFFFF00];
	_ =	sdelay $0x4  }
0x1d6: {  	v37 =	vand.u32 $0xFFFFFF80, v4  }
0x1d7: {  	v4 =	vand.u32 $0x7F, v4;
	v5 =	vadd.s32 v3, v37  }
0x1d8: {  	v4 =	vor.u32 v4, v5;
	_ =	sdelay $0x4  }
0x1d9: {  	[tilespmem:v4+s17+$0x0] =	vst.idx.add.f32.msk $0xffff, v2  }
0x1da: {  	v4 =	vld [tilespmem:s24+$0xFFFFFF80];
	_ =	sdelay $0x4  }
0x1db: {  	v38 =	vand.u32 $0xFFFFFF80, v4  }
0x1dc: {  	v4 =	vand.u32 $0x7F, v4;
	v5 =	vadd.s32 v3, v38  }
0x1dd: {  	v4 =	vor.u32 v4, v5;
	_ =	sdelay $0x4  }
0x1de: {  	[tilespmem:v4+s17+$0x0] =	vst.idx.add.f32.msk $0xffff, v2  }
0x1df: {  	v4 =	vld [tilespmem:s24+$0x0];
	_ =	sdelay $0x4  }
0x1e0: {  	v39 =	vand.u32 $0xFFFFFF80, v4  }
0x1e1: {  	v4 =	vand.u32 $0x7F, v4;
	v5 =	vadd.s32 v3, v39  }
0x1e2: {  	v4 =	vor.u32 v4, v5;
	_ =	sdelay $0x4  }
0x1e3: {  	[tilespmem:v4+s17+$0x0] =	vst.idx.add.f32.msk $0xffff, v2  }
0x1e4: {  	v4 =	vld [tilespmem:s24+$0x80];
	_ =	sdelay $0x4  }
0x1e5: {  	v40 =	vand.u32 $0xFFFFFF80, v4  }
0x1e6: {  	v4 =	vand.u32 $0x7F, v4;
	v5 =	vadd.s32 v3, v40  }
0x1e7: {  	v4 =	vor.u32 v4, v5;
	_ =	sdelay $0x4  }
0x1e8: {  	[tilespmem:v4+s17+$0x0] =	vst.idx.add.f32.msk $0xffff, v2  }
0x1e9: {  	v4 =	vld [tilespmem:s24+$0x100];
	_ =	sdelay $0x4  }
0x1ea: {  	v41 =	vand.u32 $0xFFFFFF80, v4  }
0x1eb: {  	v4 =	vand.u32 $0x7F, v4;
	v5 =	vadd.s32 v3, v41  }
0x1ec: {  	v4 =	vor.u32 v4, v5;
	_ =	sdelay $0x4  }
0x1ed: {  	[tilespmem:v4+s17+$0x0] =	vst.idx.add.f32.msk $0xffff, v2  }
0x1ee: {  	v4 =	vld [tilespmem:s24+$0x180];
	_ =	sdelay $0x4  }
0x1ef: {  	v42 =	vand.u32 $0xFFFFFF80, v4  }
0x1f0: {  	v4 =	vand.u32 $0x7F, v4;
	v5 =	vadd.s32 v3, v42  }
0x1f1: {  	v4 =	vor.u32 v4, v5;
	_ =	sdelay $0x4  }
0x1f2: {  	[tilespmem:v4+s17+$0x0] =	vst.idx.add.f32.msk $0xffff, v2  }
0x1f3: {  	v4 =	vld [tilespmem:s24+$0x200];
	_ =	sdelay $0x4  }
0x1f4: {  	v43 =	vand.u32 $0xFFFFFF80, v4  }
0x1f5: {  	v4 =	vand.u32 $0x7F, v4;
	v5 =	vadd.s32 v3, v43  }
0x1f6: {  	v4 =	vor.u32 v4, v5;
	_ =	sdelay $0x4  }
0x1f7: {  	[tilespmem:v4+s17+$0x0] =	vst.idx.add.f32.msk $0xffff, v2  }
0x1f8: {  	v4 =	vld [tilespmem:s24+$0x280];
	_ =	sdelay $0x4  }
0x1f9: {  	v44 =	vand.u32 $0xFFFFFF80, v4  }
0x1fa: {  	v4 =	vand.u32 $0x7F, v4;
	v5 =	vadd.s32 v3, v44  }
0x1fb: {  	v4 =	vor.u32 v4, v5;
	_ =	sdelay $0x4  }
0x1fc: {  	[tilespmem:v4+s17+$0x0] =	vst.idx.add.f32.msk $0xffff, v2  }
0x1fd: {  	v4 =	vld [tilespmem:s24+$0x300];
	_ =	sdelay $0x4  }
0x1fe: {  	v45 =	vand.u32 $0xFFFFFF80, v4  }
0x1ff: {  	v4 =	vand.u32 $0x7F, v4;
	v5 =	vadd.s32 v3, v45  }
0x200: {  	v4 =	vor.u32 v4, v5;
	_ =	sdelay $0x4  }
0x201: {  	[tilespmem:v4+s17+$0x0] =	vst.idx.add.f32.msk $0xffff, v2  }
0x202: {  	v4 =	vld [tilespmem:s24+$0x380];
	_ =	sdelay $0x4  }
0x203: {  	v46 =	vand.u32 $0xFFFFFF80, v4  }
0x204: {  	v4 =	vand.u32 $0x7F, v4;
	v5 =	vadd.s32 v3, v46  }
0x205: {  	v4 =	vor.u32 v4, v5;
	_ =	sdelay $0x4  }
0x206: {  	[tilespmem:v4+s17+$0x0] =	vst.idx.add.f32.msk $0xffff, v2  }
0x207: {  	v4 =	vld [tilespmem:s24+$0x400];
	_ =	sdelay $0x4  }
0x208: {  	v47 =	vand.u32 $0xFFFFFF80, v4  }
0x209: {  	v4 =	vand.u32 $0x7F, v4;
	v5 =	vadd.s32 v3, v47  }
0x20a: {  	v4 =	vor.u32 v4, v5;
	_ =	sdelay $0x4  }
0x20b: {  	[tilespmem:v4+s17+$0x0] =	vst.idx.add.f32.msk $0xffff, v2  }
0x20c: {  	v4 =	vld [tilespmem:s24+$0x480];
	_ =	sdelay $0x4  }
0x20d: {  	v48 =	vand.u32 $0xFFFFFF80, v4  }
0x20e: {  	v4 =	vand.u32 $0x7F, v4;
	v5 =	vadd.s32 v3, v48  }
0x20f: {  	v4 =	vor.u32 v4, v5;
	_ =	sdelay $0x4  }
0x210: {  	[tilespmem:v4+s17+$0x0] =	vst.idx.add.f32.msk $0xffff, v2  }
0x211: {  	v4 =	vld [tilespmem:s24+$0x500];
	_ =	sdelay $0x4  }
0x212: {  	v49 =	vand.u32 $0xFFFFFF80, v4  }
0x213: {  	v4 =	vand.u32 $0x7F, v4;
	v5 =	vadd.s32 v3, v49  }
0x214: {  	v4 =	vor.u32 v4, v5;
	_ =	sdelay $0x4  }
0x215: {  	[tilespmem:v4+s17+$0x0] =	vst.idx.add.f32.msk $0xffff, v2  }
0x216: {  	v4 =	vld [tilespmem:s24+$0x580];
	_ =	sdelay $0x4  }
0x217: {  	v50 =	vand.u32 $0xFFFFFF80, v4  }
0x218: {  	v4 =	vand.u32 $0x7F, v4;
	v5 =	vadd.s32 v3, v50  }
0x219: {  	v4 =	vor.u32 v4, v5;
	_ =	sdelay $0x4  }
0x21a: {  	[tilespmem:v4+s17+$0x0] =	vst.idx.add.f32.msk $0xffff, v2  }
0x21b: {  	v4 =	vld [tilespmem:s24+$0x600];
	_ =	sdelay $0x4  }
0x21c: {  	v51 =	vand.u32 $0xFFFFFF80, v4  }
0x21d: {  	v4 =	vand.u32 $0x7F, v4;
	v5 =	vadd.s32 v3, v51  }
0x21e: {  	v4 =	vor.u32 v4, v5;
	_ =	sdelay $0x4  }
0x21f: {  	[tilespmem:v4+s17+$0x0] =	vst.idx.add.f32.msk $0xffff, v2  }
0x220: {  	v4 =	vld [tilespmem:s24+$0x680];
	_ =	sdelay $0x4  }
0x221: {  	v52 =	vand.u32 $0xFFFFFF80, v4  }
0x222: {  	v4 =	vand.u32 $0x7F, v4;
	v5 =	vadd.s32 v3, v52  }
0x223: {  	v4 =	vor.u32 v4, v5;
	_ =	sdelay $0x4  }
0x224: {  	[tilespmem:v4+s17+$0x0] =	vst.idx.add.f32.msk $0xffff, v2  }
0x225: {  	v4 =	vld [tilespmem:s24+$0x700];
	_ =	sdelay $0x4  }
0x226: {  	v53 =	vand.u32 $0xFFFFFF80, v4  }
0x227: {  	v4 =	vand.u32 $0x7F, v4;
	v5 =	vadd.s32 v3, v53  }
0x228: {  	v4 =	vor.u32 v4, v5;
	_ =	sdelay $0x4  }
0x229: {  	[tilespmem:v4+s17+$0x0] =	vst.idx.add.f32.msk $0xffff, v2  }
0x22a: {  	v4 =	vld [tilespmem:s24+$0x780];
	_ =	sdelay $0x4  }
0x22b: {  	v54 =	vand.u32 $0xFFFFFF80, v4  }
0x22c: {  	v4 =	vand.u32 $0x7F, v4;
	v5 =	vadd.s32 v3, v54  }
0x22d: {  	v4 =	vor.u32 v4, v5;
	_ =	sdelay $0x4  }
0x22e: {  	[tilespmem:v4+s17+$0x0] =	vst.idx.add.f32.msk $0xffff, v2  }
0x22f: {  	v4 =	vld [tilespmem:s24+$0x800];
	_ =	sdelay $0x4  }
0x230: {  	v55 =	vand.u32 $0xFFFFFF80, v4  }
0x231: {  	v4 =	vand.u32 $0x7F, v4;
	v5 =	vadd.s32 v3, v55  }
0x232: {  	v4 =	vor.u32 v4, v5;
	_ =	sdelay $0x4  }
0x233: {  	[tilespmem:v4+s17+$0x0] =	vst.idx.add.f32.msk $0xffff, v2  }
0x234: {  	v4 =	vld [tilespmem:s24+$0x880];
	_ =	sdelay $0x4  }
0x235: {  	v56 =	vand.u32 $0xFFFFFF80, v4  }
0x236: {  	v4 =	vand.u32 $0x7F, v4;
	v5 =	vadd.s32 v3, v56  }
0x237: {  	v4 =	vor.u32 v4, v5;
	_ =	sdelay $0x4  }
0x238: {  	[tilespmem:v4+s17+$0x0] =	vst.idx.add.f32.msk $0xffff, v2  }
0x239: {  	v4 =	vld [tilespmem:s24+$0x900];
	_ =	sdelay $0x4  }
0x23a: {  	v57 =	vand.u32 $0xFFFFFF80, v4  }
0x23b: {  	v4 =	vand.u32 $0x7F, v4;
	v5 =	vadd.s32 v3, v57  }
0x23c: {  	v4 =	vor.u32 v4, v5;
	_ =	sdelay $0x4  }
0x23d: {  	[tilespmem:v4+s17+$0x0] =	vst.idx.add.f32.msk $0xffff, v2  }
0x23e: {  	v4 =	vld [tilespmem:s24+$0x980];
	_ =	sdelay $0x4  }
0x23f: {  	v58 =	vand.u32 $0xFFFFFF80, v4  }
0x240: {  	v4 =	vand.u32 $0x7F, v4;
	v5 =	vadd.s32 v3, v58  }
0x241: {  	v4 =	vor.u32 v4, v5;
	_ =	sdelay $0x4  }
0x242: {  	[tilespmem:v4+s17+$0x0] =	vst.idx.add.f32.msk $0xffff, v2  }
0x243: {  	v4 =	vld [tilespmem:s24+$0xA00];
	_ =	sdelay $0x4  }
0x244: {  	v59 =	vand.u32 $0xFFFFFF80, v4  }
0x245: {  	v4 =	vand.u32 $0x7F, v4;
	v5 =	vadd.s32 v3, v59  }
0x246: {  	v4 =	vor.u32 v4, v5;
	_ =	sdelay $0x4  }
0x247: {  	[tilespmem:v4+s17+$0x0] =	vst.idx.add.f32.msk $0xffff, v2  }
0x248: {  	v4 =	vld [tilespmem:s24+$0xA80];
	_ =	sdelay $0x4  }
0x249: {  	v60 =	vand.u32 $0xFFFFFF80, v4  }
0x24a: {  	v4 =	vand.u32 $0x7F, v4;
	v5 =	vadd.s32 v3, v60  }
0x24b: {  	v4 =	vor.u32 v4, v5;
	_ =	sdelay $0x4  }
0x24c: {  	[tilespmem:v4+s17+$0x0] =	vst.idx.add.f32.msk $0xffff, v2  }
0x24d: {  	v4 =	vld [tilespmem:s24+$0xB00];
	_ =	sdelay $0x4  }
0x24e: {  	v61 =	vand.u32 $0xFFFFFF80, v4  }
0x24f: {  	v4 =	vand.u32 $0x7F, v4;
	v5 =	vadd.s32 v3, v61  }
0x250: {  	v4 =	vor.u32 v4, v5;
	_ =	sdelay $0x4  }
0x251: {  	[tilespmem:v4+s17+$0x0] =	vst.idx.add.f32.msk $0xffff, v2  }
0x252: {  	v4 =	vld [tilespmem:s24+$0xB80];
	_ =	sdelay $0x4  }
0x253: {  	v62 =	vand.u32 $0xFFFFFF80, v4  }
0x254: {  	v4 =	vand.u32 $0x7F, v4;
	v5 =	vadd.s32 v3, v62  }
0x255: {  	v4 =	vor.u32 v4, v5;
	_ =	sdelay $0x4  }
0x256: {  	[tilespmem:v4+s17+$0x0] =	vst.idx.add.f32.msk $0xffff, v2  }
0x257: {  	v4 =	vld [tilespmem:s24+$0xC00];
	_ =	sdelay $0x4  }
0x258: {  	v63 =	vand.u32 $0xFFFFFF80, v4  }
0x259: {  	v4 =	vand.u32 $0x7F, v4;
	v5 =	vadd.s32 v3, v63  }
0x25a: {  	v4 =	vor.u32 v4, v5;
	_ =	sdelay $0x4  }
0x25b: {  	[tilespmem:v4+s17+$0x0] =	vst.idx.add.f32.msk $0xffff, v2  }
0x25c: {  	v4 =	vld [tilespmem:s23+$0x0];
	_ =	sdelay $0x1  }
0x25d: {  	p0 =	sne.s32 s25, $0x30;
	v3 =	vor.u32 $0x64, v3  }
.Ltmp2:
0x25e: {  	_ = 	snop;
	(pc) =	sbr.rel @p0 .LBB2_6-.Ltmp2, $3  }
0x25f: {  	_ = 	snop  }
0x260: {  	v4 =	vcvt.s32.f32 v4;
	_ =	sdelay $0x1  }
0x261: {  	s25 =	sadd.s32 $0x10, s25;
	s24 =	sadd.s32 $0x10, s24;
	s23 =	sadd.s32 $0x10, s23;
	[tilespmem:v3+s17+$0x0] =	vst.idx.msk $0xffff, v4  }
0x262: {  	[hbm4b:s7+s2] =	stream.linear.scatter [tilespmem:s18], [sflag:$0x2], $0x1000, $0x38;
	[tilespmem:$0x5C80] =	vst v63  }
0x263: {  	s23 =	simm.s32 $0x40;
	s24 =	simm.s32 $0xD40;
	s25 =	simm.s32 $0x40  }
.LBB2_8:
0x264: {  	v4 =	vld [tilespmem:s24+$0xFFFFF380];
	_ =	sdelay $0x2  }
0x265: {  	v3 =	vmov s25  }
0x266: {  	v3 =	vshll.u32 v3, $0x7  }
0x267: {  	v3 =	vor.u32 v1, v3;
	v5 =	vand.u32 $0xFFFFFF80, v4  }
0x268: {  	v4 =	vand.u32 $0x7F, v4;
	v5 =	vadd.s32 v3, v5  }
0x269: {  	v4 =	vor.u32 v4, v5;
	_ =	sdelay $0x4  }
0x26a: {  	[tilespmem:v4+s17+$0x0] =	vst.idx.add.f32.msk $0xffff, v2  }
0x26b: {  	v4 =	vld [tilespmem:s24+$0xFFFFF400];
	_ =	sdelay $0x4  }
0x26c: {  	v15 =	vand.u32 $0xFFFFFF80, v4  }
0x26d: {  	v4 =	vand.u32 $0x7F, v4;
	v5 =	vadd.s32 v3, v15  }
0x26e: {  	v4 =	vor.u32 v4, v5;
	_ =	sdelay $0x4  }
0x26f: {  	[tilespmem:v4+s17+$0x0] =	vst.idx.add.f32.msk $0xffff, v2  }
0x270: {  	v4 =	vld [tilespmem:s24+$0xFFFFF480];
	_ =	sdelay $0x4  }
0x271: {  	v16 =	vand.u32 $0xFFFFFF80, v4  }
0x272: {  	v4 =	vand.u32 $0x7F, v4;
	v5 =	vadd.s32 v3, v16  }
0x273: {  	v4 =	vor.u32 v4, v5;
	_ =	sdelay $0x4  }
0x274: {  	[tilespmem:v4+s17+$0x0] =	vst.idx.add.f32.msk $0xffff, v2  }
0x275: {  	v4 =	vld [tilespmem:s24+$0xFFFFF500];
	_ =	sdelay $0x4  }
0x276: {  	v17 =	vand.u32 $0xFFFFFF80, v4  }
0x277: {  	v4 =	vand.u32 $0x7F, v4;
	v5 =	vadd.s32 v3, v17  }
0x278: {  	v4 =	vor.u32 v4, v5;
	_ =	sdelay $0x4  }
0x279: {  	[tilespmem:v4+s17+$0x0] =	vst.idx.add.f32.msk $0xffff, v2  }
0x27a: {  	v4 =	vld [tilespmem:s24+$0xFFFFF580];
	_ =	sdelay $0x4  }
0x27b: {  	v18 =	vand.u32 $0xFFFFFF80, v4  }
0x27c: {  	v4 =	vand.u32 $0x7F, v4;
	v5 =	vadd.s32 v3, v18  }
0x27d: {  	v4 =	vor.u32 v4, v5;
	_ =	sdelay $0x4  }
0x27e: {  	[tilespmem:v4+s17+$0x0] =	vst.idx.add.f32.msk $0xffff, v2  }
0x27f: {  	v4 =	vld [tilespmem:s24+$0xFFFFF600];
	_ =	sdelay $0x4  }
0x280: {  	v19 =	vand.u32 $0xFFFFFF80, v4  }
0x281: {  	v4 =	vand.u32 $0x7F, v4;
	v5 =	vadd.s32 v3, v19  }
0x282: {  	v4 =	vor.u32 v4, v5;
	_ =	sdelay $0x4  }
0x283: {  	[tilespmem:v4+s17+$0x0] =	vst.idx.add.f32.msk $0xffff, v2  }
0x284: {  	v4 =	vld [tilespmem:s24+$0xFFFFF680];
	_ =	sdelay $0x4  }
0x285: {  	v20 =	vand.u32 $0xFFFFFF80, v4  }
0x286: {  	v4 =	vand.u32 $0x7F, v4;
	v5 =	vadd.s32 v3, v20  }
0x287: {  	v4 =	vor.u32 v4, v5;
	_ =	sdelay $0x4  }
0x288: {  	[tilespmem:v4+s17+$0x0] =	vst.idx.add.f32.msk $0xffff, v2  }
0x289: {  	v4 =	vld [tilespmem:s24+$0xFFFFF700];
	_ =	sdelay $0x4  }
0x28a: {  	v21 =	vand.u32 $0xFFFFFF80, v4  }
0x28b: {  	v4 =	vand.u32 $0x7F, v4;
	v5 =	vadd.s32 v3, v21  }
0x28c: {  	v4 =	vor.u32 v4, v5;
	_ =	sdelay $0x4  }
0x28d: {  	[tilespmem:v4+s17+$0x0] =	vst.idx.add.f32.msk $0xffff, v2  }
0x28e: {  	v4 =	vld [tilespmem:s24+$0xFFFFF780];
	_ =	sdelay $0x4  }
0x28f: {  	v22 =	vand.u32 $0xFFFFFF80, v4  }
0x290: {  	v4 =	vand.u32 $0x7F, v4;
	v5 =	vadd.s32 v3, v22  }
0x291: {  	v4 =	vor.u32 v4, v5;
	_ =	sdelay $0x4  }
0x292: {  	[tilespmem:v4+s17+$0x0] =	vst.idx.add.f32.msk $0xffff, v2  }
0x293: {  	v4 =	vld [tilespmem:s24+$0xFFFFF800];
	_ =	sdelay $0x4  }
0x294: {  	v23 =	vand.u32 $0xFFFFFF80, v4  }
0x295: {  	v4 =	vand.u32 $0x7F, v4;
	v5 =	vadd.s32 v3, v23  }
0x296: {  	v4 =	vor.u32 v4, v5;
	_ =	sdelay $0x4  }
0x297: {  	[tilespmem:v4+s17+$0x0] =	vst.idx.add.f32.msk $0xffff, v2  }
0x298: {  	v4 =	vld [tilespmem:s24+$0xFFFFF880];
	_ =	sdelay $0x4  }
0x299: {  	v24 =	vand.u32 $0xFFFFFF80, v4  }
0x29a: {  	v4 =	vand.u32 $0x7F, v4;
	v5 =	vadd.s32 v3, v24  }
0x29b: {  	v4 =	vor.u32 v4, v5;
	_ =	sdelay $0x4  }
0x29c: {  	[tilespmem:v4+s17+$0x0] =	vst.idx.add.f32.msk $0xffff, v2  }
0x29d: {  	v4 =	vld [tilespmem:s24+$0xFFFFF900];
	_ =	sdelay $0x4  }
0x29e: {  	v25 =	vand.u32 $0xFFFFFF80, v4  }
0x29f: {  	v4 =	vand.u32 $0x7F, v4;
	v5 =	vadd.s32 v3, v25  }
0x2a0: {  	v4 =	vor.u32 v4, v5;
	_ =	sdelay $0x4  }
0x2a1: {  	[tilespmem:v4+s17+$0x0] =	vst.idx.add.f32.msk $0xffff, v2  }
0x2a2: {  	v4 =	vld [tilespmem:s24+$0xFFFFF980];
	_ =	sdelay $0x4  }
0x2a3: {  	v26 =	vand.u32 $0xFFFFFF80, v4  }
0x2a4: {  	v4 =	vand.u32 $0x7F, v4;
	v5 =	vadd.s32 v3, v26  }
0x2a5: {  	v4 =	vor.u32 v4, v5;
	_ =	sdelay $0x4  }
0x2a6: {  	[tilespmem:v4+s17+$0x0] =	vst.idx.add.f32.msk $0xffff, v2  }
0x2a7: {  	v4 =	vld [tilespmem:s24+$0xFFFFFA00];
	_ =	sdelay $0x4  }
0x2a8: {  	v27 =	vand.u32 $0xFFFFFF80, v4  }
0x2a9: {  	v4 =	vand.u32 $0x7F, v4;
	v5 =	vadd.s32 v3, v27  }
0x2aa: {  	v4 =	vor.u32 v4, v5;
	_ =	sdelay $0x4  }
0x2ab: {  	[tilespmem:v4+s17+$0x0] =	vst.idx.add.f32.msk $0xffff, v2  }
0x2ac: {  	v4 =	vld [tilespmem:s24+$0xFFFFFA80];
	_ =	sdelay $0x4  }
0x2ad: {  	v28 =	vand.u32 $0xFFFFFF80, v4  }
0x2ae: {  	v4 =	vand.u32 $0x7F, v4;
	v5 =	vadd.s32 v3, v28  }
0x2af: {  	v4 =	vor.u32 v4, v5;
	_ =	sdelay $0x4  }
0x2b0: {  	[tilespmem:v4+s17+$0x0] =	vst.idx.add.f32.msk $0xffff, v2  }
0x2b1: {  	v4 =	vld [tilespmem:s24+$0xFFFFFB00];
	_ =	sdelay $0x4  }
0x2b2: {  	v29 =	vand.u32 $0xFFFFFF80, v4  }
0x2b3: {  	v4 =	vand.u32 $0x7F, v4;
	v5 =	vadd.s32 v3, v29  }
0x2b4: {  	v4 =	vor.u32 v4, v5;
	_ =	sdelay $0x4  }
0x2b5: {  	[tilespmem:v4+s17+$0x0] =	vst.idx.add.f32.msk $0xffff, v2  }
0x2b6: {  	v4 =	vld [tilespmem:s24+$0xFFFFFB80];
	_ =	sdelay $0x4  }
0x2b7: {  	v30 =	vand.u32 $0xFFFFFF80, v4  }
0x2b8: {  	v4 =	vand.u32 $0x7F, v4;
	v5 =	vadd.s32 v3, v30  }
0x2b9: {  	v4 =	vor.u32 v4, v5;
	_ =	sdelay $0x4  }
0x2ba: {  	[tilespmem:v4+s17+$0x0] =	vst.idx.add.f32.msk $0xffff, v2  }
0x2bb: {  	v4 =	vld [tilespmem:s24+$0xFFFFFC00];
	_ =	sdelay $0x4  }
0x2bc: {  	v31 =	vand.u32 $0xFFFFFF80, v4  }
0x2bd: {  	v4 =	vand.u32 $0x7F, v4;
	v5 =	vadd.s32 v3, v31  }
0x2be: {  	v4 =	vor.u32 v4, v5;
	_ =	sdelay $0x4  }
0x2bf: {  	[tilespmem:v4+s17+$0x0] =	vst.idx.add.f32.msk $0xffff, v2  }
0x2c0: {  	v4 =	vld [tilespmem:s24+$0xFFFFFC80];
	_ =	sdelay $0x4  }
0x2c1: {  	v32 =	vand.u32 $0xFFFFFF80, v4  }
0x2c2: {  	v4 =	vand.u32 $0x7F, v4;
	v5 =	vadd.s32 v3, v32  }
0x2c3: {  	v4 =	vor.u32 v4, v5;
	_ =	sdelay $0x4  }
0x2c4: {  	[tilespmem:v4+s17+$0x0] =	vst.idx.add.f32.msk $0xffff, v2  }
0x2c5: {  	v4 =	vld [tilespmem:s24+$0xFFFFFD00];
	_ =	sdelay $0x4  }
0x2c6: {  	v33 =	vand.u32 $0xFFFFFF80, v4  }
0x2c7: {  	v4 =	vand.u32 $0x7F, v4;
	v5 =	vadd.s32 v3, v33  }
0x2c8: {  	v4 =	vor.u32 v4, v5;
	_ =	sdelay $0x4  }
0x2c9: {  	[tilespmem:v4+s17+$0x0] =	vst.idx.add.f32.msk $0xffff, v2  }
0x2ca: {  	v4 =	vld [tilespmem:s24+$0xFFFFFD80];
	_ =	sdelay $0x4  }
0x2cb: {  	v34 =	vand.u32 $0xFFFFFF80, v4  }
0x2cc: {  	v4 =	vand.u32 $0x7F, v4;
	v5 =	vadd.s32 v3, v34  }
0x2cd: {  	v4 =	vor.u32 v4, v5;
	_ =	sdelay $0x4  }
0x2ce: {  	[tilespmem:v4+s17+$0x0] =	vst.idx.add.f32.msk $0xffff, v2  }
0x2cf: {  	v4 =	vld [tilespmem:s24+$0xFFFFFE00];
	_ =	sdelay $0x4  }
0x2d0: {  	v35 =	vand.u32 $0xFFFFFF80, v4  }
0x2d1: {  	v4 =	vand.u32 $0x7F, v4;
	v5 =	vadd.s32 v3, v35  }
0x2d2: {  	v4 =	vor.u32 v4, v5;
	_ =	sdelay $0x4  }
0x2d3: {  	[tilespmem:v4+s17+$0x0] =	vst.idx.add.f32.msk $0xffff, v2  }
0x2d4: {  	v4 =	vld [tilespmem:s24+$0xFFFFFE80];
	_ =	sdelay $0x4  }
0x2d5: {  	v36 =	vand.u32 $0xFFFFFF80, v4  }
0x2d6: {  	v4 =	vand.u32 $0x7F, v4;
	v5 =	vadd.s32 v3, v36  }
0x2d7: {  	v4 =	vor.u32 v4, v5;
	_ =	sdelay $0x4  }
0x2d8: {  	[tilespmem:v4+s17+$0x0] =	vst.idx.add.f32.msk $0xffff, v2  }
0x2d9: {  	v4 =	vld [tilespmem:s24+$0xFFFFFF00];
	_ =	sdelay $0x4  }
0x2da: {  	v37 =	vand.u32 $0xFFFFFF80, v4  }
0x2db: {  	v4 =	vand.u32 $0x7F, v4;
	v5 =	vadd.s32 v3, v37  }
0x2dc: {  	v4 =	vor.u32 v4, v5;
	_ =	sdelay $0x4  }
0x2dd: {  	[tilespmem:v4+s17+$0x0] =	vst.idx.add.f32.msk $0xffff, v2  }
0x2de: {  	v4 =	vld [tilespmem:s24+$0xFFFFFF80];
	_ =	sdelay $0x4  }
0x2df: {  	v38 =	vand.u32 $0xFFFFFF80, v4  }
0x2e0: {  	v4 =	vand.u32 $0x7F, v4;
	v5 =	vadd.s32 v3, v38  }
0x2e1: {  	v4 =	vor.u32 v4, v5;
	_ =	sdelay $0x4  }
0x2e2: {  	[tilespmem:v4+s17+$0x0] =	vst.idx.add.f32.msk $0xffff, v2  }
0x2e3: {  	v4 =	vld [tilespmem:s24+$0x0];
	_ =	sdelay $0x4  }
0x2e4: {  	v39 =	vand.u32 $0xFFFFFF80, v4  }
0x2e5: {  	v4 =	vand.u32 $0x7F, v4;
	v5 =	vadd.s32 v3, v39  }
0x2e6: {  	v4 =	vor.u32 v4, v5;
	_ =	sdelay $0x4  }
0x2e7: {  	[tilespmem:v4+s17+$0x0] =	vst.idx.add.f32.msk $0xffff, v2  }
0x2e8: {  	v4 =	vld [tilespmem:s24+$0x80];
	_ =	sdelay $0x4  }
0x2e9: {  	v40 =	vand.u32 $0xFFFFFF80, v4  }
0x2ea: {  	v4 =	vand.u32 $0x7F, v4;
	v5 =	vadd.s32 v3, v40  }
0x2eb: {  	v4 =	vor.u32 v4, v5;
	_ =	sdelay $0x4  }
0x2ec: {  	[tilespmem:v4+s17+$0x0] =	vst.idx.add.f32.msk $0xffff, v2  }
0x2ed: {  	v4 =	vld [tilespmem:s24+$0x100];
	_ =	sdelay $0x4  }
0x2ee: {  	v41 =	vand.u32 $0xFFFFFF80, v4  }
0x2ef: {  	v4 =	vand.u32 $0x7F, v4;
	v5 =	vadd.s32 v3, v41  }
0x2f0: {  	v4 =	vor.u32 v4, v5;
	_ =	sdelay $0x4  }
0x2f1: {  	[tilespmem:v4+s17+$0x0] =	vst.idx.add.f32.msk $0xffff, v2  }
0x2f2: {  	v4 =	vld [tilespmem:s24+$0x180];
	_ =	sdelay $0x4  }
0x2f3: {  	v42 =	vand.u32 $0xFFFFFF80, v4  }
0x2f4: {  	v4 =	vand.u32 $0x7F, v4;
	v5 =	vadd.s32 v3, v42  }
0x2f5: {  	v4 =	vor.u32 v4, v5;
	_ =	sdelay $0x4  }
0x2f6: {  	[tilespmem:v4+s17+$0x0] =	vst.idx.add.f32.msk $0xffff, v2  }
0x2f7: {  	v4 =	vld [tilespmem:s24+$0x200];
	_ =	sdelay $0x4  }
0x2f8: {  	v43 =	vand.u32 $0xFFFFFF80, v4  }
0x2f9: {  	v4 =	vand.u32 $0x7F, v4;
	v5 =	vadd.s32 v3, v43  }
0x2fa: {  	v4 =	vor.u32 v4, v5;
	_ =	sdelay $0x4  }
0x2fb: {  	[tilespmem:v4+s17+$0x0] =	vst.idx.add.f32.msk $0xffff, v2  }
0x2fc: {  	v4 =	vld [tilespmem:s24+$0x280];
	_ =	sdelay $0x4  }
0x2fd: {  	v44 =	vand.u32 $0xFFFFFF80, v4  }
0x2fe: {  	v4 =	vand.u32 $0x7F, v4;
	v5 =	vadd.s32 v3, v44  }
0x2ff: {  	v4 =	vor.u32 v4, v5;
	_ =	sdelay $0x4  }
0x300: {  	[tilespmem:v4+s17+$0x0] =	vst.idx.add.f32.msk $0xffff, v2  }
0x301: {  	v4 =	vld [tilespmem:s24+$0x300];
	_ =	sdelay $0x4  }
0x302: {  	v45 =	vand.u32 $0xFFFFFF80, v4  }
0x303: {  	v4 =	vand.u32 $0x7F, v4;
	v5 =	vadd.s32 v3, v45  }
0x304: {  	v4 =	vor.u32 v4, v5;
	_ =	sdelay $0x4  }
0x305: {  	[tilespmem:v4+s17+$0x0] =	vst.idx.add.f32.msk $0xffff, v2  }
0x306: {  	v4 =	vld [tilespmem:s24+$0x380];
	_ =	sdelay $0x4  }
0x307: {  	v46 =	vand.u32 $0xFFFFFF80, v4  }
0x308: {  	v4 =	vand.u32 $0x7F, v4;
	v5 =	vadd.s32 v3, v46  }
0x309: {  	v4 =	vor.u32 v4, v5;
	_ =	sdelay $0x4  }
0x30a: {  	[tilespmem:v4+s17+$0x0] =	vst.idx.add.f32.msk $0xffff, v2  }
0x30b: {  	v4 =	vld [tilespmem:s24+$0x400];
	_ =	sdelay $0x4  }
0x30c: {  	v47 =	vand.u32 $0xFFFFFF80, v4  }
0x30d: {  	v4 =	vand.u32 $0x7F, v4;
	v5 =	vadd.s32 v3, v47  }
0x30e: {  	v4 =	vor.u32 v4, v5;
	_ =	sdelay $0x4  }
0x30f: {  	[tilespmem:v4+s17+$0x0] =	vst.idx.add.f32.msk $0xffff, v2  }
0x310: {  	v4 =	vld [tilespmem:s24+$0x480];
	_ =	sdelay $0x4  }
0x311: {  	v48 =	vand.u32 $0xFFFFFF80, v4  }
0x312: {  	v4 =	vand.u32 $0x7F, v4;
	v5 =	vadd.s32 v3, v48  }
0x313: {  	v4 =	vor.u32 v4, v5;
	_ =	sdelay $0x4  }
0x314: {  	[tilespmem:v4+s17+$0x0] =	vst.idx.add.f32.msk $0xffff, v2  }
0x315: {  	v4 =	vld [tilespmem:s24+$0x500];
	_ =	sdelay $0x4  }
0x316: {  	v49 =	vand.u32 $0xFFFFFF80, v4  }
0x317: {  	v4 =	vand.u32 $0x7F, v4;
	v5 =	vadd.s32 v3, v49  }
0x318: {  	v4 =	vor.u32 v4, v5;
	_ =	sdelay $0x4  }
0x319: {  	[tilespmem:v4+s17+$0x0] =	vst.idx.add.f32.msk $0xffff, v2  }
0x31a: {  	v4 =	vld [tilespmem:s24+$0x580];
	_ =	sdelay $0x4  }
0x31b: {  	v50 =	vand.u32 $0xFFFFFF80, v4  }
0x31c: {  	v4 =	vand.u32 $0x7F, v4;
	v5 =	vadd.s32 v3, v50  }
0x31d: {  	v4 =	vor.u32 v4, v5;
	_ =	sdelay $0x4  }
0x31e: {  	[tilespmem:v4+s17+$0x0] =	vst.idx.add.f32.msk $0xffff, v2  }
0x31f: {  	v4 =	vld [tilespmem:s24+$0x600];
	_ =	sdelay $0x4  }
0x320: {  	v51 =	vand.u32 $0xFFFFFF80, v4  }
0x321: {  	v4 =	vand.u32 $0x7F, v4;
	v5 =	vadd.s32 v3, v51  }
0x322: {  	v4 =	vor.u32 v4, v5;
	_ =	sdelay $0x4  }
0x323: {  	[tilespmem:v4+s17+$0x0] =	vst.idx.add.f32.msk $0xffff, v2  }
0x324: {  	v4 =	vld [tilespmem:s24+$0x680];
	_ =	sdelay $0x4  }
0x325: {  	v52 =	vand.u32 $0xFFFFFF80, v4  }
0x326: {  	v4 =	vand.u32 $0x7F, v4;
	v5 =	vadd.s32 v3, v52  }
0x327: {  	v4 =	vor.u32 v4, v5;
	_ =	sdelay $0x4  }
0x328: {  	[tilespmem:v4+s17+$0x0] =	vst.idx.add.f32.msk $0xffff, v2  }
0x329: {  	v4 =	vld [tilespmem:s24+$0x700];
	_ =	sdelay $0x4  }
0x32a: {  	v53 =	vand.u32 $0xFFFFFF80, v4  }
0x32b: {  	v4 =	vand.u32 $0x7F, v4;
	v5 =	vadd.s32 v3, v53  }
0x32c: {  	v4 =	vor.u32 v4, v5;
	_ =	sdelay $0x4  }
0x32d: {  	[tilespmem:v4+s17+$0x0] =	vst.idx.add.f32.msk $0xffff, v2  }
0x32e: {  	v4 =	vld [tilespmem:s24+$0x780];
	_ =	sdelay $0x4  }
0x32f: {  	v54 =	vand.u32 $0xFFFFFF80, v4  }
0x330: {  	v4 =	vand.u32 $0x7F, v4;
	v5 =	vadd.s32 v3, v54  }
0x331: {  	v4 =	vor.u32 v4, v5;
	_ =	sdelay $0x4  }
0x332: {  	[tilespmem:v4+s17+$0x0] =	vst.idx.add.f32.msk $0xffff, v2  }
0x333: {  	v4 =	vld [tilespmem:s24+$0x800];
	_ =	sdelay $0x4  }
0x334: {  	v55 =	vand.u32 $0xFFFFFF80, v4  }
0x335: {  	v4 =	vand.u32 $0x7F, v4;
	v5 =	vadd.s32 v3, v55  }
0x336: {  	v4 =	vor.u32 v4, v5;
	_ =	sdelay $0x4  }
0x337: {  	[tilespmem:v4+s17+$0x0] =	vst.idx.add.f32.msk $0xffff, v2  }
0x338: {  	v4 =	vld [tilespmem:s24+$0x880];
	_ =	sdelay $0x4  }
0x339: {  	v56 =	vand.u32 $0xFFFFFF80, v4  }
0x33a: {  	v4 =	vand.u32 $0x7F, v4;
	v5 =	vadd.s32 v3, v56  }
0x33b: {  	v4 =	vor.u32 v4, v5;
	_ =	sdelay $0x4  }
0x33c: {  	[tilespmem:v4+s17+$0x0] =	vst.idx.add.f32.msk $0xffff, v2  }
0x33d: {  	v4 =	vld [tilespmem:s24+$0x900];
	_ =	sdelay $0x4  }
0x33e: {  	v57 =	vand.u32 $0xFFFFFF80, v4  }
0x33f: {  	v4 =	vand.u32 $0x7F, v4;
	v5 =	vadd.s32 v3, v57  }
0x340: {  	v4 =	vor.u32 v4, v5;
	_ =	sdelay $0x4  }
0x341: {  	[tilespmem:v4+s17+$0x0] =	vst.idx.add.f32.msk $0xffff, v2  }
0x342: {  	v4 =	vld [tilespmem:s24+$0x980];
	_ =	sdelay $0x4  }
0x343: {  	v58 =	vand.u32 $0xFFFFFF80, v4  }
0x344: {  	v4 =	vand.u32 $0x7F, v4;
	v5 =	vadd.s32 v3, v58  }
0x345: {  	v4 =	vor.u32 v4, v5;
	_ =	sdelay $0x4  }
0x346: {  	[tilespmem:v4+s17+$0x0] =	vst.idx.add.f32.msk $0xffff, v2  }
0x347: {  	v4 =	vld [tilespmem:s24+$0xA00];
	_ =	sdelay $0x4  }
0x348: {  	v59 =	vand.u32 $0xFFFFFF80, v4  }
0x349: {  	v4 =	vand.u32 $0x7F, v4;
	v5 =	vadd.s32 v3, v59  }
0x34a: {  	v4 =	vor.u32 v4, v5;
	_ =	sdelay $0x4  }
0x34b: {  	[tilespmem:v4+s17+$0x0] =	vst.idx.add.f32.msk $0xffff, v2  }
0x34c: {  	v4 =	vld [tilespmem:s24+$0xA80];
	_ =	sdelay $0x4  }
0x34d: {  	v60 =	vand.u32 $0xFFFFFF80, v4  }
0x34e: {  	v4 =	vand.u32 $0x7F, v4;
	v5 =	vadd.s32 v3, v60  }
0x34f: {  	v4 =	vor.u32 v4, v5;
	_ =	sdelay $0x4  }
0x350: {  	[tilespmem:v4+s17+$0x0] =	vst.idx.add.f32.msk $0xffff, v2  }
0x351: {  	v4 =	vld [tilespmem:s24+$0xB00];
	_ =	sdelay $0x4  }
0x352: {  	v61 =	vand.u32 $0xFFFFFF80, v4  }
0x353: {  	v4 =	vand.u32 $0x7F, v4;
	v5 =	vadd.s32 v3, v61  }
0x354: {  	v4 =	vor.u32 v4, v5;
	_ =	sdelay $0x4  }
0x355: {  	[tilespmem:v4+s17+$0x0] =	vst.idx.add.f32.msk $0xffff, v2  }
0x356: {  	v4 =	vld [tilespmem:s24+$0xB80];
	_ =	sdelay $0x4  }
0x357: {  	v62 =	vand.u32 $0xFFFFFF80, v4  }
0x358: {  	v4 =	vand.u32 $0x7F, v4;
	v5 =	vadd.s32 v3, v62  }
0x359: {  	v4 =	vor.u32 v4, v5;
	_ =	sdelay $0x4  }
0x35a: {  	[tilespmem:v4+s17+$0x0] =	vst.idx.add.f32.msk $0xffff, v2  }
0x35b: {  	v4 =	vld [tilespmem:s24+$0xC00];
	_ =	sdelay $0x4  }
0x35c: {  	v63 =	vand.u32 $0xFFFFFF80, v4  }
0x35d: {  	v4 =	vand.u32 $0x7F, v4;
	v5 =	vadd.s32 v3, v63  }
0x35e: {  	v4 =	vor.u32 v4, v5;
	_ =	sdelay $0x4  }
0x35f: {  	[tilespmem:v4+s17+$0x0] =	vst.idx.add.f32.msk $0xffff, v2  }
0x360: {  	v4 =	vld [tilespmem:s23+$0x0];
	_ =	sdelay $0x1  }
0x361: {  	p0 =	sne.s32 s25, $0x50;
	v3 =	vor.u32 $0x64, v3  }
.Ltmp3:
0x362: {  	_ = 	snop;
	(pc) =	sbr.rel @p0 .LBB2_8-.Ltmp3, $3  }
0x363: {  	_ = 	snop  }
0x364: {  	v4 =	vcvt.s32.f32 v4;
	_ =	sdelay $0x1  }
0x365: {  	s25 =	sadd.s32 $0x10, s25;
	s24 =	sadd.s32 $0x10, s24;
	s23 =	sadd.s32 $0x10, s23;
	[tilespmem:v3+s17+$0x0] =	vst.idx.msk $0xffff, v4  }
0x366: {  	[hbm4b:s8+s2] =	stream.linear.scatter [tilespmem:s19], [sflag:$0x2], $0x1000, $0x38;
	[tilespmem:$0x5C80] =	vst v63  }
0x367: {  	s23 =	simm.s32 $0x60;
	s24 =	simm.s32 $0xD60;
	s25 =	simm.s32 $0x60  }
.LBB2_10:
0x368: {  	v4 =	vld [tilespmem:s24+$0xFFFFF380];
	_ =	sdelay $0x2  }
0x369: {  	v3 =	vmov s25  }
0x36a: {  	v3 =	vshll.u32 v3, $0x7  }
0x36b: {  	v3 =	vor.u32 v1, v3;
	v5 =	vand.u32 $0xFFFFFF80, v4  }
0x36c: {  	v4 =	vand.u32 $0x7F, v4;
	v5 =	vadd.s32 v3, v5  }
0x36d: {  	v4 =	vor.u32 v4, v5;
	_ =	sdelay $0x4  }
0x36e: {  	[tilespmem:v4+s17+$0x0] =	vst.idx.add.f32.msk $0xffff, v2  }
0x36f: {  	v4 =	vld [tilespmem:s24+$0xFFFFF400];
	_ =	sdelay $0x4  }
0x370: {  	v15 =	vand.u32 $0xFFFFFF80, v4  }
0x371: {  	v4 =	vand.u32 $0x7F, v4;
	v5 =	vadd.s32 v3, v15  }
0x372: {  	v4 =	vor.u32 v4, v5;
	_ =	sdelay $0x4  }
0x373: {  	[tilespmem:v4+s17+$0x0] =	vst.idx.add.f32.msk $0xffff, v2  }
0x374: {  	v4 =	vld [tilespmem:s24+$0xFFFFF480];
	_ =	sdelay $0x4  }
0x375: {  	v16 =	vand.u32 $0xFFFFFF80, v4  }
0x376: {  	v4 =	vand.u32 $0x7F, v4;
	v5 =	vadd.s32 v3, v16  }
0x377: {  	v4 =	vor.u32 v4, v5;
	_ =	sdelay $0x4  }
0x378: {  	[tilespmem:v4+s17+$0x0] =	vst.idx.add.f32.msk $0xffff, v2  }
0x379: {  	v4 =	vld [tilespmem:s24+$0xFFFFF500];
	_ =	sdelay $0x4  }
0x37a: {  	v17 =	vand.u32 $0xFFFFFF80, v4  }
0x37b: {  	v4 =	vand.u32 $0x7F, v4;
	v5 =	vadd.s32 v3, v17  }
0x37c: {  	v4 =	vor.u32 v4, v5;
	_ =	sdelay $0x4  }
0x37d: {  	[tilespmem:v4+s17+$0x0] =	vst.idx.add.f32.msk $0xffff, v2  }
0x37e: {  	v4 =	vld [tilespmem:s24+$0xFFFFF580];
	_ =	sdelay $0x4  }
0x37f: {  	v18 =	vand.u32 $0xFFFFFF80, v4  }
0x380: {  	v4 =	vand.u32 $0x7F, v4;
	v5 =	vadd.s32 v3, v18  }
0x381: {  	v4 =	vor.u32 v4, v5;
	_ =	sdelay $0x4  }
0x382: {  	[tilespmem:v4+s17+$0x0] =	vst.idx.add.f32.msk $0xffff, v2  }
0x383: {  	v4 =	vld [tilespmem:s24+$0xFFFFF600];
	_ =	sdelay $0x4  }
0x384: {  	v19 =	vand.u32 $0xFFFFFF80, v4  }
0x385: {  	v4 =	vand.u32 $0x7F, v4;
	v5 =	vadd.s32 v3, v19  }
0x386: {  	v4 =	vor.u32 v4, v5;
	_ =	sdelay $0x4  }
0x387: {  	[tilespmem:v4+s17+$0x0] =	vst.idx.add.f32.msk $0xffff, v2  }
0x388: {  	v4 =	vld [tilespmem:s24+$0xFFFFF680];
	_ =	sdelay $0x4  }
0x389: {  	v20 =	vand.u32 $0xFFFFFF80, v4  }
0x38a: {  	v4 =	vand.u32 $0x7F, v4;
	v5 =	vadd.s32 v3, v20  }
0x38b: {  	v4 =	vor.u32 v4, v5;
	_ =	sdelay $0x4  }
0x38c: {  	[tilespmem:v4+s17+$0x0] =	vst.idx.add.f32.msk $0xffff, v2  }
0x38d: {  	v4 =	vld [tilespmem:s24+$0xFFFFF700];
	_ =	sdelay $0x4  }
0x38e: {  	v21 =	vand.u32 $0xFFFFFF80, v4  }
0x38f: {  	v4 =	vand.u32 $0x7F, v4;
	v5 =	vadd.s32 v3, v21  }
0x390: {  	v4 =	vor.u32 v4, v5;
	_ =	sdelay $0x4  }
0x391: {  	[tilespmem:v4+s17+$0x0] =	vst.idx.add.f32.msk $0xffff, v2  }
0x392: {  	v4 =	vld [tilespmem:s24+$0xFFFFF780];
	_ =	sdelay $0x4  }
0x393: {  	v22 =	vand.u32 $0xFFFFFF80, v4  }
0x394: {  	v4 =	vand.u32 $0x7F, v4;
	v5 =	vadd.s32 v3, v22  }
0x395: {  	v4 =	vor.u32 v4, v5;
	_ =	sdelay $0x4  }
0x396: {  	[tilespmem:v4+s17+$0x0] =	vst.idx.add.f32.msk $0xffff, v2  }
0x397: {  	v4 =	vld [tilespmem:s24+$0xFFFFF800];
	_ =	sdelay $0x4  }
0x398: {  	v23 =	vand.u32 $0xFFFFFF80, v4  }
0x399: {  	v4 =	vand.u32 $0x7F, v4;
	v5 =	vadd.s32 v3, v23  }
0x39a: {  	v4 =	vor.u32 v4, v5;
	_ =	sdelay $0x4  }
0x39b: {  	[tilespmem:v4+s17+$0x0] =	vst.idx.add.f32.msk $0xffff, v2  }
0x39c: {  	v4 =	vld [tilespmem:s24+$0xFFFFF880];
	_ =	sdelay $0x4  }
0x39d: {  	v24 =	vand.u32 $0xFFFFFF80, v4  }
0x39e: {  	v4 =	vand.u32 $0x7F, v4;
	v5 =	vadd.s32 v3, v24  }
0x39f: {  	v4 =	vor.u32 v4, v5;
	_ =	sdelay $0x4  }
0x3a0: {  	[tilespmem:v4+s17+$0x0] =	vst.idx.add.f32.msk $0xffff, v2  }
0x3a1: {  	v4 =	vld [tilespmem:s24+$0xFFFFF900];
	_ =	sdelay $0x4  }
0x3a2: {  	v25 =	vand.u32 $0xFFFFFF80, v4  }
0x3a3: {  	v4 =	vand.u32 $0x7F, v4;
	v5 =	vadd.s32 v3, v25  }
0x3a4: {  	v4 =	vor.u32 v4, v5;
	_ =	sdelay $0x4  }
0x3a5: {  	[tilespmem:v4+s17+$0x0] =	vst.idx.add.f32.msk $0xffff, v2  }
0x3a6: {  	v4 =	vld [tilespmem:s24+$0xFFFFF980];
	_ =	sdelay $0x4  }
0x3a7: {  	v26 =	vand.u32 $0xFFFFFF80, v4  }
0x3a8: {  	v4 =	vand.u32 $0x7F, v4;
	v5 =	vadd.s32 v3, v26  }
0x3a9: {  	v4 =	vor.u32 v4, v5;
	_ =	sdelay $0x4  }
0x3aa: {  	[tilespmem:v4+s17+$0x0] =	vst.idx.add.f32.msk $0xffff, v2  }
0x3ab: {  	v4 =	vld [tilespmem:s24+$0xFFFFFA00];
	_ =	sdelay $0x4  }
0x3ac: {  	v27 =	vand.u32 $0xFFFFFF80, v4  }
0x3ad: {  	v4 =	vand.u32 $0x7F, v4;
	v5 =	vadd.s32 v3, v27  }
0x3ae: {  	v4 =	vor.u32 v4, v5;
	_ =	sdelay $0x4  }
0x3af: {  	[tilespmem:v4+s17+$0x0] =	vst.idx.add.f32.msk $0xffff, v2  }
0x3b0: {  	v4 =	vld [tilespmem:s24+$0xFFFFFA80];
	_ =	sdelay $0x4  }
0x3b1: {  	v28 =	vand.u32 $0xFFFFFF80, v4  }
0x3b2: {  	v4 =	vand.u32 $0x7F, v4;
	v5 =	vadd.s32 v3, v28  }
0x3b3: {  	v4 =	vor.u32 v4, v5;
	_ =	sdelay $0x4  }
0x3b4: {  	[tilespmem:v4+s17+$0x0] =	vst.idx.add.f32.msk $0xffff, v2  }
0x3b5: {  	v4 =	vld [tilespmem:s24+$0xFFFFFB00];
	_ =	sdelay $0x4  }
0x3b6: {  	v29 =	vand.u32 $0xFFFFFF80, v4  }
0x3b7: {  	v4 =	vand.u32 $0x7F, v4;
	v5 =	vadd.s32 v3, v29  }
0x3b8: {  	v4 =	vor.u32 v4, v5;
	_ =	sdelay $0x4  }
0x3b9: {  	[tilespmem:v4+s17+$0x0] =	vst.idx.add.f32.msk $0xffff, v2  }
0x3ba: {  	v4 =	vld [tilespmem:s24+$0xFFFFFB80];
	_ =	sdelay $0x4  }
0x3bb: {  	v30 =	vand.u32 $0xFFFFFF80, v4  }
0x3bc: {  	v4 =	vand.u32 $0x7F, v4;
	v5 =	vadd.s32 v3, v30  }
0x3bd: {  	v4 =	vor.u32 v4, v5;
	_ =	sdelay $0x4  }
0x3be: {  	[tilespmem:v4+s17+$0x0] =	vst.idx.add.f32.msk $0xffff, v2  }
0x3bf: {  	v4 =	vld [tilespmem:s24+$0xFFFFFC00];
	_ =	sdelay $0x4  }
0x3c0: {  	v31 =	vand.u32 $0xFFFFFF80, v4  }
0x3c1: {  	v4 =	vand.u32 $0x7F, v4;
	v5 =	vadd.s32 v3, v31  }
0x3c2: {  	v4 =	vor.u32 v4, v5;
	_ =	sdelay $0x4  }
0x3c3: {  	[tilespmem:v4+s17+$0x0] =	vst.idx.add.f32.msk $0xffff, v2  }
0x3c4: {  	v4 =	vld [tilespmem:s24+$0xFFFFFC80];
	_ =	sdelay $0x4  }
0x3c5: {  	v32 =	vand.u32 $0xFFFFFF80, v4  }
0x3c6: {  	v4 =	vand.u32 $0x7F, v4;
	v5 =	vadd.s32 v3, v32  }
0x3c7: {  	v4 =	vor.u32 v4, v5;
	_ =	sdelay $0x4  }
0x3c8: {  	[tilespmem:v4+s17+$0x0] =	vst.idx.add.f32.msk $0xffff, v2  }
0x3c9: {  	v4 =	vld [tilespmem:s24+$0xFFFFFD00];
	_ =	sdelay $0x4  }
0x3ca: {  	v33 =	vand.u32 $0xFFFFFF80, v4  }
0x3cb: {  	v4 =	vand.u32 $0x7F, v4;
	v5 =	vadd.s32 v3, v33  }
0x3cc: {  	v4 =	vor.u32 v4, v5;
	_ =	sdelay $0x4  }
0x3cd: {  	[tilespmem:v4+s17+$0x0] =	vst.idx.add.f32.msk $0xffff, v2  }
0x3ce: {  	v4 =	vld [tilespmem:s24+$0xFFFFFD80];
	_ =	sdelay $0x4  }
0x3cf: {  	v34 =	vand.u32 $0xFFFFFF80, v4  }
0x3d0: {  	v4 =	vand.u32 $0x7F, v4;
	v5 =	vadd.s32 v3, v34  }
0x3d1: {  	v4 =	vor.u32 v4, v5;
	_ =	sdelay $0x4  }
0x3d2: {  	[tilespmem:v4+s17+$0x0] =	vst.idx.add.f32.msk $0xffff, v2  }
0x3d3: {  	v4 =	vld [tilespmem:s24+$0xFFFFFE00];
	_ =	sdelay $0x4  }
0x3d4: {  	v35 =	vand.u32 $0xFFFFFF80, v4  }
0x3d5: {  	v4 =	vand.u32 $0x7F, v4;
	v5 =	vadd.s32 v3, v35  }
0x3d6: {  	v4 =	vor.u32 v4, v5;
	_ =	sdelay $0x4  }
0x3d7: {  	[tilespmem:v4+s17+$0x0] =	vst.idx.add.f32.msk $0xffff, v2  }
0x3d8: {  	v4 =	vld [tilespmem:s24+$0xFFFFFE80];
	_ =	sdelay $0x4  }
0x3d9: {  	v36 =	vand.u32 $0xFFFFFF80, v4  }
0x3da: {  	v4 =	vand.u32 $0x7F, v4;
	v5 =	vadd.s32 v3, v36  }
0x3db: {  	v4 =	vor.u32 v4, v5;
	_ =	sdelay $0x4  }
0x3dc: {  	[tilespmem:v4+s17+$0x0] =	vst.idx.add.f32.msk $0xffff, v2  }
0x3dd: {  	v4 =	vld [tilespmem:s24+$0xFFFFFF00];
	_ =	sdelay $0x4  }
0x3de: {  	v37 =	vand.u32 $0xFFFFFF80, v4  }
0x3df: {  	v4 =	vand.u32 $0x7F, v4;
	v5 =	vadd.s32 v3, v37  }
0x3e0: {  	v4 =	vor.u32 v4, v5;
	_ =	sdelay $0x4  }
0x3e1: {  	[tilespmem:v4+s17+$0x0] =	vst.idx.add.f32.msk $0xffff, v2  }
0x3e2: {  	v4 =	vld [tilespmem:s24+$0xFFFFFF80];
	_ =	sdelay $0x4  }
0x3e3: {  	v38 =	vand.u32 $0xFFFFFF80, v4  }
0x3e4: {  	v4 =	vand.u32 $0x7F, v4;
	v5 =	vadd.s32 v3, v38  }
0x3e5: {  	v4 =	vor.u32 v4, v5;
	_ =	sdelay $0x4  }
0x3e6: {  	[tilespmem:v4+s17+$0x0] =	vst.idx.add.f32.msk $0xffff, v2  }
0x3e7: {  	v4 =	vld [tilespmem:s24+$0x0];
	_ =	sdelay $0x4  }
0x3e8: {  	v39 =	vand.u32 $0xFFFFFF80, v4  }
0x3e9: {  	v4 =	vand.u32 $0x7F, v4;
	v5 =	vadd.s32 v3, v39  }
0x3ea: {  	v4 =	vor.u32 v4, v5;
	_ =	sdelay $0x4  }
0x3eb: {  	[tilespmem:v4+s17+$0x0] =	vst.idx.add.f32.msk $0xffff, v2  }
0x3ec: {  	v4 =	vld [tilespmem:s24+$0x80];
	_ =	sdelay $0x4  }
0x3ed: {  	v40 =	vand.u32 $0xFFFFFF80, v4  }
0x3ee: {  	v4 =	vand.u32 $0x7F, v4;
	v5 =	vadd.s32 v3, v40  }
0x3ef: {  	v4 =	vor.u32 v4, v5;
	_ =	sdelay $0x4  }
0x3f0: {  	[tilespmem:v4+s17+$0x0] =	vst.idx.add.f32.msk $0xffff, v2  }
0x3f1: {  	v4 =	vld [tilespmem:s24+$0x100];
	_ =	sdelay $0x4  }
0x3f2: {  	v41 =	vand.u32 $0xFFFFFF80, v4  }
0x3f3: {  	v4 =	vand.u32 $0x7F, v4;
	v5 =	vadd.s32 v3, v41  }
0x3f4: {  	v4 =	vor.u32 v4, v5;
	_ =	sdelay $0x4  }
0x3f5: {  	[tilespmem:v4+s17+$0x0] =	vst.idx.add.f32.msk $0xffff, v2  }
0x3f6: {  	v4 =	vld [tilespmem:s24+$0x180];
	_ =	sdelay $0x4  }
0x3f7: {  	v42 =	vand.u32 $0xFFFFFF80, v4  }
0x3f8: {  	v4 =	vand.u32 $0x7F, v4;
	v5 =	vadd.s32 v3, v42  }
0x3f9: {  	v4 =	vor.u32 v4, v5;
	_ =	sdelay $0x4  }
0x3fa: {  	[tilespmem:v4+s17+$0x0] =	vst.idx.add.f32.msk $0xffff, v2  }
0x3fb: {  	v4 =	vld [tilespmem:s24+$0x200];
	_ =	sdelay $0x4  }
0x3fc: {  	v43 =	vand.u32 $0xFFFFFF80, v4  }
0x3fd: {  	v4 =	vand.u32 $0x7F, v4;
	v5 =	vadd.s32 v3, v43  }
0x3fe: {  	v4 =	vor.u32 v4, v5;
	_ =	sdelay $0x4  }
0x3ff: {  	[tilespmem:v4+s17+$0x0] =	vst.idx.add.f32.msk $0xffff, v2  }
0x400: {  	v4 =	vld [tilespmem:s24+$0x280];
	_ =	sdelay $0x4  }
0x401: {  	v44 =	vand.u32 $0xFFFFFF80, v4  }
0x402: {  	v4 =	vand.u32 $0x7F, v4;
	v5 =	vadd.s32 v3, v44  }
0x403: {  	v4 =	vor.u32 v4, v5;
	_ =	sdelay $0x4  }
0x404: {  	[tilespmem:v4+s17+$0x0] =	vst.idx.add.f32.msk $0xffff, v2  }
0x405: {  	v4 =	vld [tilespmem:s24+$0x300];
	_ =	sdelay $0x4  }
0x406: {  	v45 =	vand.u32 $0xFFFFFF80, v4  }
0x407: {  	v4 =	vand.u32 $0x7F, v4;
	v5 =	vadd.s32 v3, v45  }
0x408: {  	v4 =	vor.u32 v4, v5;
	_ =	sdelay $0x4  }
0x409: {  	[tilespmem:v4+s17+$0x0] =	vst.idx.add.f32.msk $0xffff, v2  }
0x40a: {  	v4 =	vld [tilespmem:s24+$0x380];
	_ =	sdelay $0x4  }
0x40b: {  	v46 =	vand.u32 $0xFFFFFF80, v4  }
0x40c: {  	v4 =	vand.u32 $0x7F, v4;
	v5 =	vadd.s32 v3, v46  }
0x40d: {  	v4 =	vor.u32 v4, v5;
	_ =	sdelay $0x4  }
0x40e: {  	[tilespmem:v4+s17+$0x0] =	vst.idx.add.f32.msk $0xffff, v2  }
0x40f: {  	v4 =	vld [tilespmem:s24+$0x400];
	_ =	sdelay $0x4  }
0x410: {  	v47 =	vand.u32 $0xFFFFFF80, v4  }
0x411: {  	v4 =	vand.u32 $0x7F, v4;
	v5 =	vadd.s32 v3, v47  }
0x412: {  	v4 =	vor.u32 v4, v5;
	_ =	sdelay $0x4  }
0x413: {  	[tilespmem:v4+s17+$0x0] =	vst.idx.add.f32.msk $0xffff, v2  }
0x414: {  	v4 =	vld [tilespmem:s24+$0x480];
	_ =	sdelay $0x4  }
0x415: {  	v48 =	vand.u32 $0xFFFFFF80, v4  }
0x416: {  	v4 =	vand.u32 $0x7F, v4;
	v5 =	vadd.s32 v3, v48  }
0x417: {  	v4 =	vor.u32 v4, v5;
	_ =	sdelay $0x4  }
0x418: {  	[tilespmem:v4+s17+$0x0] =	vst.idx.add.f32.msk $0xffff, v2  }
0x419: {  	v4 =	vld [tilespmem:s24+$0x500];
	_ =	sdelay $0x4  }
0x41a: {  	v49 =	vand.u32 $0xFFFFFF80, v4  }
0x41b: {  	v4 =	vand.u32 $0x7F, v4;
	v5 =	vadd.s32 v3, v49  }
0x41c: {  	v4 =	vor.u32 v4, v5;
	_ =	sdelay $0x4  }
0x41d: {  	[tilespmem:v4+s17+$0x0] =	vst.idx.add.f32.msk $0xffff, v2  }
0x41e: {  	v4 =	vld [tilespmem:s24+$0x580];
	_ =	sdelay $0x4  }
0x41f: {  	v50 =	vand.u32 $0xFFFFFF80, v4  }
0x420: {  	v4 =	vand.u32 $0x7F, v4;
	v5 =	vadd.s32 v3, v50  }
0x421: {  	v4 =	vor.u32 v4, v5;
	_ =	sdelay $0x4  }
0x422: {  	[tilespmem:v4+s17+$0x0] =	vst.idx.add.f32.msk $0xffff, v2  }
0x423: {  	v4 =	vld [tilespmem:s24+$0x600];
	_ =	sdelay $0x4  }
0x424: {  	v51 =	vand.u32 $0xFFFFFF80, v4  }
0x425: {  	v4 =	vand.u32 $0x7F, v4;
	v5 =	vadd.s32 v3, v51  }
0x426: {  	v4 =	vor.u32 v4, v5;
	_ =	sdelay $0x4  }
0x427: {  	[tilespmem:v4+s17+$0x0] =	vst.idx.add.f32.msk $0xffff, v2  }
0x428: {  	v4 =	vld [tilespmem:s24+$0x680];
	_ =	sdelay $0x4  }
0x429: {  	v52 =	vand.u32 $0xFFFFFF80, v4  }
0x42a: {  	v4 =	vand.u32 $0x7F, v4;
	v5 =	vadd.s32 v3, v52  }
0x42b: {  	v4 =	vor.u32 v4, v5;
	_ =	sdelay $0x4  }
0x42c: {  	[tilespmem:v4+s17+$0x0] =	vst.idx.add.f32.msk $0xffff, v2  }
0x42d: {  	v4 =	vld [tilespmem:s24+$0x700];
	_ =	sdelay $0x4  }
0x42e: {  	v53 =	vand.u32 $0xFFFFFF80, v4  }
0x42f: {  	v4 =	vand.u32 $0x7F, v4;
	v5 =	vadd.s32 v3, v53  }
0x430: {  	v4 =	vor.u32 v4, v5;
	_ =	sdelay $0x4  }
0x431: {  	[tilespmem:v4+s17+$0x0] =	vst.idx.add.f32.msk $0xffff, v2  }
0x432: {  	v4 =	vld [tilespmem:s24+$0x780];
	_ =	sdelay $0x4  }
0x433: {  	v54 =	vand.u32 $0xFFFFFF80, v4  }
0x434: {  	v4 =	vand.u32 $0x7F, v4;
	v5 =	vadd.s32 v3, v54  }
0x435: {  	v4 =	vor.u32 v4, v5;
	_ =	sdelay $0x4  }
0x436: {  	[tilespmem:v4+s17+$0x0] =	vst.idx.add.f32.msk $0xffff, v2  }
0x437: {  	v4 =	vld [tilespmem:s24+$0x800];
	_ =	sdelay $0x4  }
0x438: {  	v55 =	vand.u32 $0xFFFFFF80, v4  }
0x439: {  	v4 =	vand.u32 $0x7F, v4;
	v5 =	vadd.s32 v3, v55  }
0x43a: {  	v4 =	vor.u32 v4, v5;
	_ =	sdelay $0x4  }
0x43b: {  	[tilespmem:v4+s17+$0x0] =	vst.idx.add.f32.msk $0xffff, v2  }
0x43c: {  	v4 =	vld [tilespmem:s24+$0x880];
	_ =	sdelay $0x4  }
0x43d: {  	v56 =	vand.u32 $0xFFFFFF80, v4  }
0x43e: {  	v4 =	vand.u32 $0x7F, v4;
	v5 =	vadd.s32 v3, v56  }
0x43f: {  	v4 =	vor.u32 v4, v5;
	_ =	sdelay $0x4  }
0x440: {  	[tilespmem:v4+s17+$0x0] =	vst.idx.add.f32.msk $0xffff, v2  }
0x441: {  	v4 =	vld [tilespmem:s24+$0x900];
	_ =	sdelay $0x4  }
0x442: {  	v57 =	vand.u32 $0xFFFFFF80, v4  }
0x443: {  	v4 =	vand.u32 $0x7F, v4;
	v5 =	vadd.s32 v3, v57  }
0x444: {  	v4 =	vor.u32 v4, v5;
	_ =	sdelay $0x4  }
0x445: {  	[tilespmem:v4+s17+$0x0] =	vst.idx.add.f32.msk $0xffff, v2  }
0x446: {  	v4 =	vld [tilespmem:s24+$0x980];
	_ =	sdelay $0x4  }
0x447: {  	v58 =	vand.u32 $0xFFFFFF80, v4  }
0x448: {  	v4 =	vand.u32 $0x7F, v4;
	v5 =	vadd.s32 v3, v58  }
0x449: {  	v4 =	vor.u32 v4, v5;
	_ =	sdelay $0x4  }
0x44a: {  	[tilespmem:v4+s17+$0x0] =	vst.idx.add.f32.msk $0xffff, v2  }
0x44b: {  	v4 =	vld [tilespmem:s24+$0xA00];
	_ =	sdelay $0x4  }
0x44c: {  	v59 =	vand.u32 $0xFFFFFF80, v4  }
0x44d: {  	v4 =	vand.u32 $0x7F, v4;
	v5 =	vadd.s32 v3, v59  }
0x44e: {  	v4 =	vor.u32 v4, v5;
	_ =	sdelay $0x4  }
0x44f: {  	[tilespmem:v4+s17+$0x0] =	vst.idx.add.f32.msk $0xffff, v2  }
0x450: {  	v4 =	vld [tilespmem:s24+$0xA80];
	_ =	sdelay $0x4  }
0x451: {  	v60 =	vand.u32 $0xFFFFFF80, v4  }
0x452: {  	v4 =	vand.u32 $0x7F, v4;
	v5 =	vadd.s32 v3, v60  }
0x453: {  	v4 =	vor.u32 v4, v5;
	_ =	sdelay $0x4  }
0x454: {  	[tilespmem:v4+s17+$0x0] =	vst.idx.add.f32.msk $0xffff, v2  }
0x455: {  	v4 =	vld [tilespmem:s24+$0xB00];
	_ =	sdelay $0x4  }
0x456: {  	v61 =	vand.u32 $0xFFFFFF80, v4  }
0x457: {  	v4 =	vand.u32 $0x7F, v4;
	v5 =	vadd.s32 v3, v61  }
0x458: {  	v4 =	vor.u32 v4, v5;
	_ =	sdelay $0x4  }
0x459: {  	[tilespmem:v4+s17+$0x0] =	vst.idx.add.f32.msk $0xffff, v2  }
0x45a: {  	v4 =	vld [tilespmem:s24+$0xB80];
	_ =	sdelay $0x4  }
0x45b: {  	v62 =	vand.u32 $0xFFFFFF80, v4  }
0x45c: {  	v4 =	vand.u32 $0x7F, v4;
	v5 =	vadd.s32 v3, v62  }
0x45d: {  	v4 =	vor.u32 v4, v5;
	_ =	sdelay $0x4  }
0x45e: {  	[tilespmem:v4+s17+$0x0] =	vst.idx.add.f32.msk $0xffff, v2  }
0x45f: {  	v4 =	vld [tilespmem:s24+$0xC00];
	_ =	sdelay $0x4  }
0x460: {  	v63 =	vand.u32 $0xFFFFFF80, v4  }
0x461: {  	v4 =	vand.u32 $0x7F, v4;
	v5 =	vadd.s32 v3, v63  }
0x462: {  	v4 =	vor.u32 v4, v5;
	_ =	sdelay $0x4  }
0x463: {  	[tilespmem:v4+s17+$0x0] =	vst.idx.add.f32.msk $0xffff, v2  }
0x464: {  	v4 =	vld [tilespmem:s23+$0x0];
	_ =	sdelay $0x1  }
0x465: {  	p0 =	sne.s32 s25, $0x70;
	v3 =	vor.u32 $0x64, v3  }
.Ltmp4:
0x466: {  	_ = 	snop;
	(pc) =	sbr.rel @p0 .LBB2_10-.Ltmp4, $3  }
0x467: {  	_ = 	snop  }
0x468: {  	v4 =	vcvt.s32.f32 v4;
	_ =	sdelay $0x1  }
0x469: {  	s25 =	sadd.s32 $0x10, s25;
	s24 =	sadd.s32 $0x10, s24;
	s23 =	sadd.s32 $0x10, s23;
	[tilespmem:v3+s17+$0x0] =	vst.idx.msk $0xffff, v4  }
0x46a: {  	[hbm4b:s9+s2] =	stream.linear.scatter [tilespmem:s20], [sflag:$0x2], $0x1000, $0x38;
	[tilespmem:$0x5C80] =	vst v63  }
0x46b: {  	_ =	swait.ge [sflag:s21], $0x1000  }
0x46c: {  	[sflag:s21] =	ssyncset.done $0x0  }
0x46d: {  	[sflag:s21] =	ssyncadd.s32 $0xFFFFF000  }
0x46e: {  	_ =	swait.ge [sflag:s21], $0x1000  }
0x46f: {  	[sflag:s21] =	ssyncset.done $0x0  }
0x470: {  	s22 =	sadd.s32 $0x1, s22;
	[sflag:s21] =	ssyncadd.s32 $0xFFFFF000  }
0x471: {  	p0 =	sne.s32 s22, s10;
	_ =	swait.ge [sflag:s21], $0x1000  }
.Ltmp5:
0x472: {  	[sflag:s21] =	ssyncset.done $0x0;
	(pc) =	sbr.rel @p0 .LBB2_1-.Ltmp5, $4  }
0x473: {  	[sflag:s21] =	ssyncadd.s32 $0xFFFFF000  }
0x474: {  	_ =	swait.ge [sflag:s21], $0x1000  }
0x475: {  	[sflag:s21] =	ssyncset.done $0x0  }
0x476: {  	[sflag:s21] =	ssyncadd.s32 $0xFFFFF000  }
0x477: {  	_ =	sfence.sel $0x180000  }
0x478: {  	[bflag:$0x0] =	sbarrier.arrive $0xFFFF  }
0x479: {  	p0 =	sne.s32 s1, $0x0;
	_ =	strace $0x9000004A  }
0x47a: {  	s0 =	sadd.s32 @!p0 $0x100000, s0;
	[bflag:$0x2] =	sbarrier.arrive $0xFFFF  }
0x47b: {  	[sflag:s0] =	ssyncadd.tile.s32 @!p0 $0x1;
	_ =	shalt  }
.Lfunc_end2:
_tile_overlayer_lowered:
.L_overlay_start_2:
0x47c: {  	(tag) =	ssettag $0x2  }
0x47d: {  	s0 =	rddreg [dreg:$0x0];
	s2 =	stileid.u32  }
0x47e: {  	s1 =	rddreg [dreg:$0x1];
	p0 =	sne.s32 s2, $0x0  }
0x47f: {  	s3 =	rddreg [dreg:$0x2];
	[bflag:$0x3] =	sbarrier.arrive $0xFFFF;
	s2 =	simm.s32 @!p0 $0x1C03  }
0x480: {  	[timem:s3], [sflag:s2] =	dma.local @!p0 [hbm:s0], s1  }
0x481: {  	s0 =	simm.s32 @!p0 $0x3  }
0x482: {  	_ =	swait.ge @!p0 [sflag:s0], s1  }
0x483: {  	s1 =	ssub.s32 @!p0 $0x0, s1;
	[sflag:s0] =	ssyncset.done @!p0 $0x0  }
0x484: {  	[sflag:s0] =	ssyncadd.s32 @!p0 s1  }
0x485: {  	[bflag:$0x3] =	sbarrier.arrive $0xFFFF  }
0x486: {  	_ =	shalt  }

</sc_bundles>
